<compile_context>
chip_gen: v7x
topology: tpu7x:2x2x1
jax: 0.10.2.dev20260603
libtpu: 0.0.44.dev20260713+nightly
codegen_flags: <defaults>
</compile_context>

<pallas_src>
import functools

import jax
import jax.numpy as jnp
from jax import lax
from jax.experimental import pallas as pl
from jax.experimental.pallas import tpu as pltpu
from jax.experimental.pallas import tpu_sc as plsc

_NC = 2
_NS = 16
_NW = _NC * _NS
_B = 16384
_BPW = _B // _NW
_G = 16
_NG = _BPW // _G
_EMB = 32
_TBLK = 8


def _gather_body(uid_hbm, iid_hbm, ut_hbm, qt_hbm, u_out, q_out,
                 uidx, iidx, ubufl, ubufh, qbufl, qbufh, uot, qot, usem, qsem):
    wid = lax.axis_index("s") * _NC + lax.axis_index("c")
    pltpu.sync_copy(uid_hbm.at[wid], uidx)
    pltpu.sync_copy(iid_hbm.at[wid], iidx)
    rows_lo = lax.iota(jnp.int32, 16)
    rows_hi = rows_lo + 16

    def issue_q(uids, qids, q):
        copies = []
        for j in range(4):
            k = q * 4 + j
            slot = (q & 1) * 4 + j
            ub = pl.multiple_of((uids[k] >> 7) << 7, 128)
            qb = pl.multiple_of((qids[k] >> 7) << 7, 128)
            copies.append(pltpu.async_copy(
                ut_hbm.at[pl.ds(0, 16), pl.ds(ub, 128)], ubufl.at[slot], usem))
            copies.append(pltpu.async_copy(
                ut_hbm.at[pl.ds(16, 16), pl.ds(ub, 128)], ubufh.at[slot], usem))
            copies.append(pltpu.async_copy(
                qt_hbm.at[pl.ds(0, 16), pl.ds(qb, 128)], qbufl.at[slot], qsem))
            copies.append(pltpu.async_copy(
                qt_hbm.at[pl.ds(16, 16), pl.ds(qb, 128)], qbufh.at[slot], qsem))
        return copies

    def extract_q(uids, qids, g, q, copies):
        for c in copies:
            c.wait()
        for j in range(4):
            k = q * 4 + j
            slot = (q & 1) * 4 + j
            i = g * _G + k
            ul = jnp.full((16,), uids[k] & 127, jnp.int32)
            ql = jnp.full((16,), qids[k] & 127, jnp.int32)
            icol = jnp.full((16,), i, jnp.int32)
            vu_lo = plsc.load_gather(ubufl.at[slot], [rows_lo, ul])
            vu_hi = plsc.load_gather(ubufh.at[slot], [rows_lo, ul])
            vq_lo = plsc.load_gather(qbufl.at[slot], [rows_lo, ql])
            vq_hi = plsc.load_gather(qbufh.at[slot], [rows_lo, ql])
            plsc.store_scatter(uot, [rows_lo, icol], vu_lo)
            plsc.store_scatter(uot, [rows_hi, icol], vu_hi)
            plsc.store_scatter(qot, [rows_lo, icol], vq_lo)
            plsc.store_scatter(qot, [rows_hi, icol], vq_hi)

    def group(g, carry):
        uids = uidx[pl.ds(g * _G, _G)]
        qids = iidx[pl.ds(g * _G, _G)]
        c0 = issue_q(uids, qids, 0)
        c1 = issue_q(uids, qids, 1)
        extract_q(uids, qids, g, 0, c0)
        c2 = issue_q(uids, qids, 2)
        extract_q(uids, qids, g, 1, c1)
        c3 = issue_q(uids, qids, 3)
        extract_q(uids, qids, g, 2, c2)
        extract_q(uids, qids, g, 3, c3)
        return carry

    lax.fori_loop(0, _NG, group, 0)
    pltpu.sync_copy(uot, u_out.at[wid])
    pltpu.sync_copy(qot, q_out.at[wid])


@functools.lru_cache(maxsize=None)
def _make_gather():
    return pl.kernel(
        _gather_body,
        mesh=plsc.VectorSubcoreMesh(core_axis_name="c", subcore_axis_name="s"),
        compiler_params=pltpu.CompilerParams(
            use_tc_tiling_on_sc=True, needs_layout_passes=False),
        out_type=[
            jax.ShapeDtypeStruct((_NW, _EMB, _BPW), jnp.float32),
            jax.ShapeDtypeStruct((_NW, _EMB, _BPW), jnp.float32),
        ],
        scratch_types=[
            pltpu.VMEM((_BPW,), jnp.int32),
            pltpu.VMEM((_BPW,), jnp.int32),
            pltpu.VMEM((8, 16, 128), jnp.float32),
            pltpu.VMEM((8, 16, 128), jnp.float32),
            pltpu.VMEM((8, 16, 128), jnp.float32),
            pltpu.VMEM((8, 16, 128), jnp.float32),
            pltpu.VMEM((_EMB, _BPW), jnp.float32),
            pltpu.VMEM((_EMB, _BPW), jnp.float32),
            pltpu.SemaphoreType.DMA,
            pltpu.SemaphoreType.DMA,
        ],
    )


def _mlp_body(u_ref, q_ref, w1_ref, b1_ref, w2_ref, b2_ref,
              pred_ref, score_ref):
    w1 = w1_ref[...]
    w1a = w1[0:32, :]
    w1b = w1[32:64, :]
    w1c = w1[64:96, :]
    b1c = b1_ref[...]
    w2c = w2_ref[...]
    b2 = b2_ref[0, 0]
    for j in range(_TBLK):
        ut = u_ref[j]
        qt = q_ref[j]
        uqt = ut * qt
        pred_ref[j] = jnp.sum(uqt, axis=0)
        ht = lax.dot_general(w1a, ut, (((0,), (0,)), ((), ())),
                             preferred_element_type=jnp.float32)
        ht = ht + lax.dot_general(w1b, qt, (((0,), (0,)), ((), ())),
                                  preferred_element_type=jnp.float32)
        ht = ht + lax.dot_general(w1c, uqt, (((0,), (0,)), ((), ())),
                                  preferred_element_type=jnp.float32)
        ht = jnp.maximum(ht + b1c, 0.0)
        score_ref[j] = jnp.sum(ht * w2c, axis=0) + b2


def _mlp(u_t, q_t, w1, b1c, w2, b2r):
    grid = (_NW // _TBLK,)
    return pl.pallas_call(
        _mlp_body,
        grid=grid,
        in_specs=[
            pl.BlockSpec((_TBLK, _EMB, _BPW), lambda i: (i, 0, 0)),
            pl.BlockSpec((_TBLK, _EMB, _BPW), lambda i: (i, 0, 0)),
            pl.BlockSpec((96, 64), lambda i: (0, 0)),
            pl.BlockSpec((64, 1), lambda i: (0, 0)),
            pl.BlockSpec((64, 1), lambda i: (0, 0)),
            pl.BlockSpec((1, 1), lambda i: (0, 0)),
        ],
        out_specs=[
            pl.BlockSpec((_TBLK, _BPW), lambda i: (i, 0)),
            pl.BlockSpec((_TBLK, _BPW), lambda i: (i, 0)),
        ],
        out_shape=[
            jax.ShapeDtypeStruct((_NW, _BPW), jnp.float32),
            jax.ShapeDtypeStruct((_NW, _BPW), jnp.float32),
        ],
    )(u_t, q_t, w1, b1c, w2, b2r)


def kernel(user_ids, item_ids, U, Q, A, B, W1, b1, W2, b2):
    uid = user_ids.astype(jnp.int32).reshape(_NW, _BPW)
    iid = item_ids.astype(jnp.int32).reshape(_NW, _BPW)
    u_t, q_t = _make_gather()(uid, iid, U.T, Q.T)
    pred, score = _mlp(u_t, q_t, W1, b1.reshape(64, 1), W2, b2.reshape(1, 1))
    return pred.reshape(_B), score.reshape(_B)

# --- scband reference (transcript-rebuilt; emitter-appended) ---
"""Pipeline reference for scband-multi-task-net-47502338294270 (READ-ONLY COPY).

The authoritative reference and input builder live on the scoring server;
editing this copy changes nothing except your own understanding.
"""

import jax, jax.numpy as jnp
import numpy as np

NUM_USERS = 1000000
NUM_ITEMS = 1000000
EMB = 32
BATCH = 16384


def setup_inputs(seed=0) -> dict:
    key = jax.random.key(seed)
    ks = jax.random.split(key, 8)
    user_ids = jax.random.randint(ks[0], (BATCH,), 0, NUM_USERS)
    item_ids = jax.random.randint(ks[1], (BATCH,), 0, NUM_ITEMS)
    # ScaledEmbedding: normal(0, 1/embedding_dim)
    U = jax.random.normal(ks[2], (NUM_USERS, EMB), dtype=jnp.float32) * (1.0 / EMB)
    Q = jax.random.normal(ks[3], (NUM_ITEMS, EMB), dtype=jnp.float32) * (1.0 / EMB)
    # ZeroEmbedding biases
    A = jnp.zeros((NUM_USERS, 1), dtype=jnp.float32)
    B = jnp.zeros((NUM_ITEMS, 1), dtype=jnp.float32)
    # MLP: Linear(96,64) -> ReLU -> Linear(64,1)
    W1 = jax.random.normal(ks[4], (96, 64), dtype=jnp.float32) * (1.0 / np.sqrt(96))
    b1 = jnp.zeros((64,), dtype=jnp.float32)
    W2 = jax.random.normal(ks[5], (64, 1), dtype=jnp.float32) * (1.0 / np.sqrt(64))
    b2 = jnp.zeros((1,), dtype=jnp.float32)
    return {"user_ids": user_ids, "item_ids": item_ids, "U": U, "Q": Q,
            "A": A, "B": B, "W1": W1, "b1": b1, "W2": W2, "b2": b2}


def reference(user_ids, item_ids, U, Q, A, B, W1, b1, W2, b2):
    u = jnp.take(U, user_ids, axis=0)
    q = jnp.take(Q, item_ids, axis=0)
    a = jnp.take(A, user_ids, axis=0)
    b = jnp.take(B, item_ids, axis=0)
    predictions = jnp.sum(u * q, axis=1, keepdims=True) + a + b
    x = jnp.concatenate((u, q, u * q), axis=1)
    x = jax.nn.relu(x @ W1 + b1)
    score = x @ W2 + b2
    return (jnp.squeeze(predictions), jnp.squeeze(score))

if __name__ == "__main__":
    import jax
    _d = setup_inputs()
    print(jax.jit(kernel)(*tuple(_d.values())))

</pallas_src>

<mosaic_0001>
#map = affine_map<(d0, d1) -> (0, 0)>
#map1 = affine_map<(d0, d1) -> (0, 0, 0)>
module attributes {stable_mosaic.version = 14 : i64} {
  func.func @_gather_body(%arg0: i32, %arg1: i32, %arg2: memref<32x512xi32, #tpu.memory_space<hbm>>, %arg3: memref<32x512xi32, #tpu.memory_space<hbm>>, %arg4: memref<32x1000000xf32, #tpu.memory_space<hbm>>, %arg5: memref<32x1000000xf32, #tpu.memory_space<hbm>>, %arg6: memref<32x32x512xf32, #tpu.memory_space<hbm>>, %arg7: memref<32x32x512xf32, #tpu.memory_space<hbm>>, %arg8: memref<512xi32, #tpu.memory_space<vmem>>, %arg9: memref<512xi32, #tpu.memory_space<vmem>>, %arg10: memref<8x16x128xf32, #tpu.memory_space<vmem>>, %arg11: memref<8x16x128xf32, #tpu.memory_space<vmem>>, %arg12: memref<8x16x128xf32, #tpu.memory_space<vmem>>, %arg13: memref<8x16x128xf32, #tpu.memory_space<vmem>>, %arg14: memref<32x512xf32, #tpu.memory_space<vmem>>, %arg15: memref<32x512xf32, #tpu.memory_space<vmem>>, %arg16: memref<!tpu.dma_semaphore, #tpu.memory_space<semaphore_mem>>, %arg17: memref<!tpu.dma_semaphore, #tpu.memory_space<semaphore_mem>>) attributes {dimension_semantics = [#tpu.dimension_semantics<core_parallel>, #tpu.dimension_semantics<subcore_parallel>], iteration_bounds = array<i64: 2, 16>, scalar_prefetch = 0 : i64, scratch_operands = 10 : i64, tpu.core_type = #tpu.core_type<sc_vector_subcore>, window_params = [{transform_indices = #map}, {transform_indices = #map}, {transform_indices = #map}, {transform_indices = #map}, {transform_indices = #map1}, {transform_indices = #map1}]} {
    %mul3A = arith.constant 2 : i32
    %mul3A_0 = arith.muli %arg1, %mul3A : i32
    %add3A = arith.addi %mul3A_0, %arg0 : i32
    "tpu.region"() ({
      %run_scoped3A = tpu.sem_alloc : memref<!tpu.dma_semaphore, #tpu.memory_space<semaphore_mem>>
      %dma_start3A = arith.constant 0 : i32
      %dma_start3A_9 = tpu.memref_slice %arg2[%add3A, %dma_start3A] : memref<32x512xi32, #tpu.memory_space<hbm>> -> memref<1x512xi32, #tpu.memory_space<hbm>>
      %dma_start3A_10 = tpu.memref_squeeze %dma_start3A_9 : memref<1x512xi32, #tpu.memory_space<hbm>> -> memref<512xi32, #tpu.memory_space<hbm>>
      %dma_start3A_11 = arith.constant 0 : i32
      %dma_start3A_12 = tpu.memref_slice %arg2[%add3A, %dma_start3A_11] : memref<32x512xi32, #tpu.memory_space<hbm>> -> memref<1x512xi32, #tpu.memory_space<hbm>>
      %dma_start3A_13 = tpu.memref_squeeze %dma_start3A_12 : memref<1x512xi32, #tpu.memory_space<hbm>> -> memref<512xi32, #tpu.memory_space<hbm>>
      tpu.enqueue_dma source(%dma_start3A_13 : memref<512xi32, #tpu.memory_space<hbm>>) target(%arg8 : memref<512xi32, #tpu.memory_space<vmem>>) target_semaphore(%run_scoped3A : memref<!tpu.dma_semaphore, #tpu.memory_space<semaphore_mem>>)
      %dma_wait3A = arith.constant 0 : i32
      %dma_wait3A_14 = tpu.memref_slice %arg2[%add3A, %dma_wait3A] : memref<32x512xi32, #tpu.memory_space<hbm>> -> memref<1x512xi32, #tpu.memory_space<hbm>>
      %dma_wait3A_15 = tpu.memref_squeeze %dma_wait3A_14 : memref<1x512xi32, #tpu.memory_space<hbm>> -> memref<512xi32, #tpu.memory_space<hbm>>
      %dma_wait3A_16 = arith.constant 0 : i32
      %dma_wait3A_17 = tpu.memref_slice %arg2[%add3A, %dma_wait3A_16] : memref<32x512xi32, #tpu.memory_space<hbm>> -> memref<1x512xi32, #tpu.memory_space<hbm>>
      %dma_wait3A_18 = tpu.memref_squeeze %dma_wait3A_17 : memref<1x512xi32, #tpu.memory_space<hbm>> -> memref<512xi32, #tpu.memory_space<hbm>>
      tpu.wait_dma2 semaphore(%run_scoped3A : memref<!tpu.dma_semaphore, #tpu.memory_space<semaphore_mem>>) src(%dma_wait3A_18 : memref<512xi32, #tpu.memory_space<hbm>>) dst(%arg8 : memref<512xi32, #tpu.memory_space<vmem>>)
      tpu.yield
    }) : () -> ()
    "tpu.region"() ({
      %run_scoped3A = tpu.sem_alloc : memref<!tpu.dma_semaphore, #tpu.memory_space<semaphore_mem>>
      %dma_start3A = arith.constant 0 : i32
      %dma_start3A_9 = tpu.memref_slice %arg3[%add3A, %dma_start3A] : memref<32x512xi32, #tpu.memory_space<hbm>> -> memref<1x512xi32, #tpu.memory_space<hbm>>
      %dma_start3A_10 = tpu.memref_squeeze %dma_start3A_9 : memref<1x512xi32, #tpu.memory_space<hbm>> -> memref<512xi32, #tpu.memory_space<hbm>>
      %dma_start3A_11 = arith.constant 0 : i32
      %dma_start3A_12 = tpu.memref_slice %arg3[%add3A, %dma_start3A_11] : memref<32x512xi32, #tpu.memory_space<hbm>> -> memref<1x512xi32, #tpu.memory_space<hbm>>
      %dma_start3A_13 = tpu.memref_squeeze %dma_start3A_12 : memref<1x512xi32, #tpu.memory_space<hbm>> -> memref<512xi32, #tpu.memory_space<hbm>>
      tpu.enqueue_dma source(%dma_start3A_13 : memref<512xi32, #tpu.memory_space<hbm>>) target(%arg9 : memref<512xi32, #tpu.memory_space<vmem>>) target_semaphore(%run_scoped3A : memref<!tpu.dma_semaphore, #tpu.memory_space<semaphore_mem>>)
      %dma_wait3A = arith.constant 0 : i32
      %dma_wait3A_14 = tpu.memref_slice %arg3[%add3A, %dma_wait3A] : memref<32x512xi32, #tpu.memory_space<hbm>> -> memref<1x512xi32, #tpu.memory_space<hbm>>
      %dma_wait3A_15 = tpu.memref_squeeze %dma_wait3A_14 : memref<1x512xi32, #tpu.memory_space<hbm>> -> memref<512xi32, #tpu.memory_space<hbm>>
      %dma_wait3A_16 = arith.constant 0 : i32
      %dma_wait3A_17 = tpu.memref_slice %arg3[%add3A, %dma_wait3A_16] : memref<32x512xi32, #tpu.memory_space<hbm>> -> memref<1x512xi32, #tpu.memory_space<hbm>>
      %dma_wait3A_18 = tpu.memref_squeeze %dma_wait3A_17 : memref<1x512xi32, #tpu.memory_space<hbm>> -> memref<512xi32, #tpu.memory_space<hbm>>
      tpu.wait_dma2 semaphore(%run_scoped3A : memref<!tpu.dma_semaphore, #tpu.memory_space<semaphore_mem>>) src(%dma_wait3A_18 : memref<512xi32, #tpu.memory_space<hbm>>) dst(%arg9 : memref<512xi32, #tpu.memory_space<vmem>>)
      tpu.yield
    }) : () -> ()
    %iota3A = tpu.iota {dimensions = array<i32: 0>} : vector<16xi32>
    %add3A_1 = arith.constant 16 : i32
    %add3A_2 = vector.broadcast %add3A_1 : i32 to vector<16xi32>
    %add3A_3 = arith.addi %iota3A, %add3A_2 : vector<16xi32>
    %scan3A = arith.constant 0 : i32
    %scan3A_4 = arith.constant 0 : i32
    %scan3A_5 = arith.constant 32 : i32
    %scan3A_6 = arith.addi %scan3A_4, %scan3A_5 : i32
    %scan3A_7 = arith.constant 1 : i32
    scf.for %scan3A_9 = %scan3A_4 to %scan3A_6 step %scan3A_7  : i32 {
      %mul3A_10 = arith.constant 16 : i32
      %mul3A_11 = arith.muli %scan3A_9, %mul3A_10 : i32
      %get3A = arith.index_cast %mul3A_11 : i32 to index
      %get3A_12 = tpu.vector_load %arg8[%get3A] {strides = array<i32>} : memref<512xi32, #tpu.memory_space<vmem>>, vector<16xi32>,
      %mul3A_13 = arith.constant 16 : i32
      %mul3A_14 = arith.muli %scan3A_9, %mul3A_13 : i32
      %get3A_15 = arith.index_cast %mul3A_14 : i32 to index
      %get3A_16 = tpu.vector_load %arg9[%get3A_15] {strides = array<i32>} : memref<512xi32, #tpu.memory_space<vmem>>, vector<16xi32>,
      %slice3A = vector.extract_strided_slice %get3A_12 {offsets = [0], sizes = [1], strides = [1]} : vector<16xi32> to vector<1xi32>
      %squeeze3A = vector.extract %slice3A[0] : i32 from vector<1xi32>
      %shift_right_arithmetic3A = arith.constant 7 : i32
      %shift_right_arithmetic3A_17 = arith.shrsi %squeeze3A, %shift_right_arithmetic3A : i32
      %shift_left3A = arith.constant 7 : i32
      %shift_left3A_18 = arith.shli %shift_right_arithmetic3A_17, %shift_left3A : i32
      %multiple_of3A = tpu.assume_multiple %shift_left3A_18, 128 : i32
      %slice3A_19 = vector.extract_strided_slice %get3A_16 {offsets = [0], sizes = [1], strides = [1]} : vector<16xi32> to vector<1xi32>
      %squeeze3A_20 = vector.extract %slice3A_19[0] : i32 from vector<1xi32>
      %shift_right_arithmetic3A_21 = arith.constant 7 : i32
      %shift_right_arithmetic3A_22 = arith.shrsi %squeeze3A_20, %shift_right_arithmetic3A_21 : i32
      %shift_left3A_23 = arith.constant 7 : i32
      %shift_left3A_24 = arith.shli %shift_right_arithmetic3A_22, %shift_left3A_23 : i32
      %multiple_of3A_25 = tpu.assume_multiple %shift_left3A_24, 128 : i32
      %dma_start3A = arith.constant 0 : i32
      %dma_start3A_26 = arith.constant 0 : i32
      %dma_start3A_27 = arith.constant 0 : i32
      %dma_start3A_28 = tpu.memref_slice %arg10[%dma_start3A, %dma_start3A_26, %dma_start3A_27] : memref<8x16x128xf32, #tpu.memory_space<vmem>> -> memref<1x16x128xf32, #tpu.memory_space<vmem>>
      %dma_start3A_29 = tpu.memref_squeeze %dma_start3A_28 : memref<1x16x128xf32, #tpu.memory_space<vmem>> -> memref<16x128xf32, #tpu.memory_space<vmem>>
      %dma_start3A_30 = arith.constant 0 : i32
      %dma_start3A_31 = tpu.memref_slice %arg4[%dma_start3A_30, %multiple_of3A] : memref<32x1000000xf32, #tpu.memory_space<hbm>> -> memref<16x128xf32, #tpu.memory_space<hbm>>
      %dma_start3A_32 = arith.constant 0 : i32
      %dma_start3A_33 = arith.constant 0 : i32
      %dma_start3A_34 = tpu.memref_slice %arg10[%dma_start3A, %dma_start3A_32, %dma_start3A_33] : memref<8x16x128xf32, #tpu.memory_space<vmem>> -> memref<1x16x128xf32, #tpu.memory_space<vmem>>
      %dma_start3A_35 = tpu.memref_squeeze %dma_start3A_34 : memref<1x16x128xf32, #tpu.memory_space<vmem>> -> memref<16x128xf32, #tpu.memory_space<vmem>>
      %dma_start3A_36 = arith.constant 0 : i32
      %dma_start3A_37 = tpu.memref_slice %arg4[%dma_start3A_36, %multiple_of3A] : memref<32x1000000xf32, #tpu.memory_space<hbm>> -> memref<16x128xf32, #tpu.memory_space<hbm>>
      tpu.enqueue_dma source(%dma_start3A_37 : memref<16x128xf32, #tpu.memory_space<hbm>>) target(%dma_start3A_35 : memref<16x128xf32, #tpu.memory_space<vmem>>) target_semaphore(%arg16 : memref<!tpu.dma_semaphore, #tpu.memory_space<semaphore_mem>>)
      %dma_start3A_38 = arith.constant 0 : i32
      %dma_start3A_39 = arith.constant 0 : i32
      %dma_start3A_40 = arith.constant 0 : i32
      %dma_start3A_41 = tpu.memref_slice %arg11[%dma_start3A_38, %dma_start3A_39, %dma_start3A_40] : memref<8x16x128xf32, #tpu.memory_space<vmem>> -> memref<1x16x128xf32, #tpu.memory_space<vmem>>
      %dma_start3A_42 = tpu.memref_squeeze %dma_start3A_41 : memref<1x16x128xf32, #tpu.memory_space<vmem>> -> memref<16x128xf32, #tpu.memory_space<vmem>>
      %dma_start3A_43 = arith.constant 16 : i32
      %dma_start3A_44 = tpu.memref_slice %arg4[%dma_start3A_43, %multiple_of3A] : memref<32x1000000xf32, #tpu.memory_space<hbm>> -> memref<16x128xf32, #tpu.memory_space<hbm>>
      %dma_start3A_45 = arith.constant 0 : i32
      %dma_start3A_46 = arith.constant 0 : i32
      %dma_start3A_47 = tpu.memref_slice %arg11[%dma_start3A_38, %dma_start3A_45, %dma_start3A_46] : memref<8x16x128xf32, #tpu.memory_space<vmem>> -> memref<1x16x128xf32, #tpu.memory_space<vmem>>
      %dma_start3A_48 = tpu.memref_squeeze %dma_start3A_47 : memref<1x16x128xf32, #tpu.memory_space<vmem>> -> memref<16x128xf32, #tpu.memory_space<vmem>>
      %dma_start3A_49 = arith.constant 16 : i32
      %dma_start3A_50 = tpu.memref_slice %arg4[%dma_start3A_49, %multiple_of3A] : memref<32x1000000xf32, #tpu.memory_space<hbm>> -> memref<16x128xf32, #tpu.memory_space<hbm>>
      tpu.enqueue_dma source(%dma_start3A_50 : memref<16x128xf32, #tpu.memory_space<hbm>>) target(%dma_start3A_48 : memref<16x128xf32, #tpu.memory_space<vmem>>) target_semaphore(%arg16 : memref<!tpu.dma_semaphore, #tpu.memory_space<semaphore_mem>>)
      %dma_start3A_51 = arith.constant 0 : i32
      %dma_start3A_52 = arith.constant 0 : i32
      %dma_start3A_53 = arith.constant 0 : i32
      %dma_start3A_54 = tpu.memref_slice %arg12[%dma_start3A_51, %dma_start3A_52, %dma_start3A_53] : memref<8x16x128xf32, #tpu.memory_space<vmem>> -> memref<1x16x128xf32, #tpu.memory_space<vmem>>
      %dma_start3A_55 = tpu.memref_squeeze %dma_start3A_54 : memref<1x16x128xf32, #tpu.memory_space<vmem>> -> memref<16x128xf32, #tpu.memory_space<vmem>>
      %dma_start3A_56 = arith.constant 0 : i32
      %dma_start3A_57 = tpu.memref_slice %arg5[%dma_start3A_56, %multiple_of3A_25] : memref<32x1000000xf32, #tpu.memory_space<hbm>> -> memref<16x128xf32, #tpu.memory_space<hbm>>
      %dma_start3A_58 = arith.constant 0 : i32
      %dma_start3A_59 = arith.constant 0 : i32
      %dma_start3A_60 = tpu.memref_slice %arg12[%dma_start3A_51, %dma_start3A_58, %dma_start3A_59] : memref<8x16x128xf32, #tpu.memory_space<vmem>> -> memref<1x16x128xf32, #tpu.memory_space<vmem>>
      %dma_start3A_61 = tpu.memref_squeeze %dma_start3A_60 : memref<1x16x128xf32, #tpu.memory_space<vmem>> -> memref<16x128xf32, #tpu.memory_space<vmem>>
      %dma_start3A_62 = arith.constant 0 : i32
      %dma_start3A_63 = tpu.memref_slice %arg5[%dma_start3A_62, %multiple_of3A_25] : memref<32x1000000xf32, #tpu.memory_space<hbm>> -> memref<16x128xf32, #tpu.memory_space<hbm>>
      tpu.enqueue_dma source(%dma_start3A_63 : memref<16x128xf32, #tpu.memory_space<hbm>>) target(%dma_start3A_61 : memref<16x128xf32, #tpu.memory_space<vmem>>) target_semaphore(%arg17 : memref<!tpu.dma_semaphore, #tpu.memory_space<semaphore_mem>>)
      %dma_start3A_64 = arith.constant 0 : i32
      %dma_start3A_65 = arith.constant 0 : i32
      %dma_start3A_66 = arith.constant 0 : i32
      %dma_start3A_67 = tpu.memref_slice %arg13[%dma_start3A_64, %dma_start3A_65, %dma_start3A_66] : memref<8x16x128xf32, #tpu.memory_space<vmem>> -> memref<1x16x128xf32, #tpu.memory_space<vmem>>
      %dma_start3A_68 = tpu.memref_squeeze %dma_start3A_67 : memref<1x16x128xf32, #tpu.memory_space<vmem>> -> memref<16x128xf32, #tpu.memory_space<vmem>>
      %dma_start3A_69 = arith.constant 16 : i32
      %dma_start3A_70 = tpu.memref_slice %arg5[%dma_start3A_69, %multiple_of3A_25] : memref<32x1000000xf32, #tpu.memory_space<hbm>> -> memref<16x128xf32, #tpu.memory_space<hbm>>
      %dma_start3A_71 = arith.constant 0 : i32
      %dma_start3A_72 = arith.constant 0 : i32
      %dma_start3A_73 = tpu.memref_slice %arg13[%dma_start3A_64, %dma_start3A_71, %dma_start3A_72] : memref<8x16x128xf32, #tpu.memory_space<vmem>> -> memref<1x16x128xf32, #tpu.memory_space<vmem>>
      %dma_start3A_74 = tpu.memref_squeeze %dma_start3A_73 : memref<1x16x128xf32, #tpu.memory_space<vmem>> -> memref<16x128xf32, #tpu.memory_space<vmem>>
      %dma_start3A_75 = arith.constant 16 : i32
      %dma_start3A_76 = tpu.memref_slice %arg5[%dma_start3A_75, %multiple_of3A_25] : memref<32x1000000xf32, #tpu.memory_space<hbm>> -> memref<16x128xf32, #tpu.memory_space<hbm>>
      tpu.enqueue_dma source(%dma_start3A_76 : memref<16x128xf32, #tpu.memory_space<hbm>>) target(%dma_start3A_74 : memref<16x128xf32, #tpu.memory_space<vmem>>) target_semaphore(%arg17 : memref<!tpu.dma_semaphore, #tpu.memory_space<semaphore_mem>>)
      %slice3A_77 = vector.extract_strided_slice %get3A_12 {offsets = [1], sizes = [1], strides = [1]} : vector<16xi32> to vector<1xi32>
      %squeeze3A_78 = vector.extract %slice3A_77[0] : i32 from vector<1xi32>
      %shift_right_arithmetic3A_79 = arith.constant 7 : i32
      %shift_right_arithmetic3A_80 = arith.shrsi %squeeze3A_78, %shift_right_arithmetic3A_79 : i32
      %shift_left3A_81 = arith.constant 7 : i32
      %shift_left3A_82 = arith.shli %shift_right_arithmetic3A_80, %shift_left3A_81 : i32
      %multiple_of3A_83 = tpu.assume_multiple %shift_left3A_82, 128 : i32
      %slice3A_84 = vector.extract_strided_slice %get3A_16 {offsets = [1], sizes = [1], strides = [1]} : vector<16xi32> to vector<1xi32>
      %squeeze3A_85 = vector.extract %slice3A_84[0] : i32 from vector<1xi32>
      %shift_right_arithmetic3A_86 = arith.constant 7 : i32
      %shift_right_arithmetic3A_87 = arith.shrsi %squeeze3A_85, %shift_right_arithmetic3A_86 : i32
      %shift_left3A_88 = arith.constant 7 : i32
      %shift_left3A_89 = arith.shli %shift_right_arithmetic3A_87, %shift_left3A_88 : i32
      %multiple_of3A_90 = tpu.assume_multiple %shift_left3A_89, 128 : i32
      %dma_start3A_91 = arith.constant 1 : i32
      %dma_start3A_92 = arith.constant 0 : i32
      %dma_start3A_93 = arith.constant 0 : i32
      %dma_start3A_94 = tpu.memref_slice %arg10[%dma_start3A_91, %dma_start3A_92, %dma_start3A_93] : memref<8x16x128xf32, #tpu.memory_space<vmem>> -> memref<1x16x128xf32, #tpu.memory_space<vmem>>
      %dma_start3A_95 = tpu.memref_squeeze %dma_start3A_94 : memref<1x16x128xf32, #tpu.memory_space<vmem>> -> memref<16x128xf32, #tpu.memory_space<vmem>>
      %dma_start3A_96 = arith.constant 0 : i32
      %dma_start3A_97 = tpu.memref_slice %arg4[%dma_start3A_96, %multiple_of3A_83] : memref<32x1000000xf32, #tpu.memory_space<hbm>> -> memref<16x128xf32, #tpu.memory_space<hbm>>
      %dma_start3A_98 = arith.constant 0 : i32
      %dma_start3A_99 = arith.constant 0 : i32
      %dma_start3A_100 = tpu.memref_slice %arg10[%dma_start3A_91, %dma_start3A_98, %dma_start3A_99] : memref<8x16x128xf32, #tpu.memory_space<vmem>> -> memref<1x16x128xf32, #tpu.memory_space<vmem>>
      %dma_start3A_101 = tpu.memref_squeeze %dma_start3A_100 : memref<1x16x128xf32, #tpu.memory_space<vmem>> -> memref<16x128xf32, #tpu.memory_space<vmem>>
      %dma_start3A_102 = arith.constant 0 : i32
      %dma_start3A_103 = tpu.memref_slice %arg4[%dma_start3A_102, %multiple_of3A_83] : memref<32x1000000xf32, #tpu.memory_space<hbm>> -> memref<16x128xf32, #tpu.memory_space<hbm>>
      tpu.enqueue_dma source(%dma_start3A_103 : memref<16x128xf32, #tpu.memory_space<hbm>>) target(%dma_start3A_101 : memref<16x128xf32, #tpu.memory_space<vmem>>) target_semaphore(%arg16 : memref<!tpu.dma_semaphore, #tpu.memory_space<semaphore_mem>>)
      %dma_start3A_104 = arith.constant 1 : i32
      %dma_start3A_105 = arith.constant 0 : i32
      %dma_start3A_106 = arith.constant 0 : i32
      %dma_start3A_107 = tpu.memref_slice %arg11[%dma_start3A_104, %dma_start3A_105, %dma_start3A_106] : memref<8x16x128xf32, #tpu.memory_space<vmem>> -> memref<1x16x128xf32, #tpu.memory_space<vmem>>
      %dma_start3A_108 = tpu.memref_squeeze %dma_start3A_107 : memref<1x16x128xf32, #tpu.memory_space<vmem>> -> memref<16x128xf32, #tpu.memory_space<vmem>>
      %dma_start3A_109 = arith.constant 16 : i32
      %dma_start3A_110 = tpu.memref_slice %arg4[%dma_start3A_109, %multiple_of3A_83] : memref<32x1000000xf32, #tpu.memory_space<hbm>> -> memref<16x128xf32, #tpu.memory_space<hbm>>
      %dma_start3A_111 = arith.constant 0 : i32
      %dma_start3A_112 = arith.constant 0 : i32
      %dma_start3A_113 = tpu.memref_slice %arg11[%dma_start3A_104, %dma_start3A_111, %dma_start3A_112] : memref<8x16x128xf32, #tpu.memory_space<vmem>> -> memref<1x16x128xf32, #tpu.memory_space<vmem>>
      %dma_start3A_114 = tpu.memref_squeeze %dma_start3A_113 : memref<1x16x128xf32, #tpu.memory_space<vmem>> -> memref<16x128xf32, #tpu.memory_space<vmem>>
      %dma_start3A_115 = arith.constant 16 : i32
      %dma_start3A_116 = tpu.memref_slice %arg4[%dma_start3A_115, %multiple_of3A_83] : memref<32x1000000xf32, #tpu.memory_space<hbm>> -> memref<16x128xf32, #tpu.memory_space<hbm>>
      tpu.enqueue_dma source(%dma_start3A_116 : memref<16x128xf32, #tpu.memory_space<hbm>>) target(%dma_start3A_114 : memref<16x128xf32, #tpu.memory_space<vmem>>) target_semaphore(%arg16 : memref<!tpu.dma_semaphore, #tpu.memory_space<semaphore_mem>>)
      %dma_start3A_117 = arith.constant 1 : i32
      %dma_start3A_118 = arith.constant 0 : i32
      %dma_start3A_119 = arith.constant 0 : i32
      %dma_start3A_120 = tpu.memref_slice %arg12[%dma_start3A_117, %dma_start3A_118, %dma_start3A_119] : memref<8x16x128xf32, #tpu.memory_space<vmem>> -> memref<1x16x128xf32, #tpu.memory_space<vmem>>
      %dma_start3A_121 = tpu.memref_squeeze %dma_start3A_120 : memref<1x16x128xf32, #tpu.memory_space<vmem>> -> memref<16x128xf32, #tpu.memory_space<vmem>>
      %dma_start3A_122 = arith.constant 0 : i32
      %dma_start3A_123 = tpu.memref_slice %arg5[%dma_start3A_122, %multiple_of3A_90] : memref<32x1000000xf32, #tpu.memory_space<hbm>> -> memref<16x128xf32, #tpu.memory_space<hbm>>
      %dma_start3A_124 = arith.constant 0 : i32
      %dma_start3A_125 = arith.constant 0 : i32
      %dma_start3A_126 = tpu.memref_slice %arg12[%dma_start3A_117, %dma_start3A_124, %dma_start3A_125] : memref<8x16x128xf32, #tpu.memory_space<vmem>> -> memref<1x16x128xf32, #tpu.memory_space<vmem>>
      %dma_start3A_127 = tpu.memref_squeeze %dma_start3A_126 : memref<1x16x128xf32, #tpu.memory_space<vmem>> -> memref<16x128xf32, #tpu.memory_space<vmem>>
      %dma_start3A_128 = arith.constant 0 : i32
      %dma_start3A_129 = tpu.memref_slice %arg5[%dma_start3A_128, %multiple_of3A_90] : memref<32x1000000xf32, #tpu.memory_space<hbm>> -> memref<16x128xf32, #tpu.memory_space<hbm>>
      tpu.enqueue_dma source(%dma_start3A_129 : memref<16x128xf32, #tpu.memory_space<hbm>>) target(%dma_start3A_127 : memref<16x128xf32, #tpu.memory_space<vmem>>) target_semaphore(%arg17 : memref<!tpu.dma_semaphore, #tpu.memory_space<semaphore_mem>>)
      %dma_start3A_130 = arith.constant 1 : i32
      %dma_start3A_131 = arith.constant 0 : i32
      %dma_start3A_132 = arith.constant 0 : i32
      %dma_start3A_133 = tpu.memref_slice %arg13[%dma_start3A_130, %dma_start3A_131, %dma_start3A_132] : memref<8x16x128xf32, #tpu.memory_space<vmem>> -> memref<1x16x128xf32, #tpu.memory_space<vmem>>
      %dma_start3A_134 = tpu.memref_squeeze %dma_start3A_133 : memref<1x16x128xf32, #tpu.memory_space<vmem>> -> memref<16x128xf32, #tpu.memory_space<vmem>>
      %dma_start3A_135 = arith.constant 16 : i32
      %dma_start3A_136 = tpu.memref_slice %arg5[%dma_start3A_135, %multiple_of3A_90] : memref<32x1000000xf32, #tpu.memory_space<hbm>> -> memref<16x128xf32, #tpu.memory_space<hbm>>
      %dma_start3A_137 = arith.constant 0 : i32
      %dma_start3A_138 = arith.constant 0 : i32
      %dma_start3A_139 = tpu.memref_slice %arg13[%dma_start3A_130, %dma_start3A_137, %dma_start3A_138] : memref<8x16x128xf32, #tpu.memory_space<vmem>> -> memref<1x16x128xf32, #tpu.memory_space<vmem>>
      %dma_start3A_140 = tpu.memref_squeeze %dma_start3A_139 : memref<1x16x128xf32, #tpu.memory_space<vmem>> -> memref<16x128xf32, #tpu.memory_space<vmem>>
      %dma_start3A_141 = arith.constant 16 : i32
      %dma_start3A_142 = tpu.memref_slice %arg5[%dma_start3A_141, %multiple_of3A_90] : memref<32x1000000xf32, #tpu.memory_space<hbm>> -> memref<16x128xf32, #tpu.memory_space<hbm>>
      tpu.enqueue_dma source(%dma_start3A_142 : memref<16x128xf32, #tpu.memory_space<hbm>>) target(%dma_start3A_140 : memref<16x128xf32, #tpu.memory_space<vmem>>) target_semaphore(%arg17 : memref<!tpu.dma_semaphore, #tpu.memory_space<semaphore_mem>>)
      %slice3A_143 = vector.extract_strided_slice %get3A_12 {offsets = [2], sizes = [1], strides = [1]} : vector<16xi32> to vector<1xi32>
      %squeeze3A_144 = vector.extract %slice3A_143[0] : i32 from vector<1xi32>
      %shift_right_arithmetic3A_145 = arith.constant 7 : i32
      %shift_right_arithmetic3A_146 = arith.shrsi %squeeze3A_144, %shift_right_arithmetic3A_145 : i32
      %shift_left3A_147 = arith.constant 7 : i32
      %shift_left3A_148 = arith.shli %shift_right_arithmetic3A_146, %shift_left3A_147 : i32
      %multiple_of3A_149 = tpu.assume_multiple %shift_left3A_148, 128 : i32
      %slice3A_150 = vector.extract_strided_slice %get3A_16 {offsets = [2], sizes = [1], strides = [1]} : vector<16xi32> to vector<1xi32>
      %squeeze3A_151 = vector.extract %slice3A_150[0] : i32 from vector<1xi32>
      %shift_right_arithmetic3A_152 = arith.constant 7 : i32
      %shift_right_arithmetic3A_153 = arith.shrsi %squeeze3A_151, %shift_right_arithmetic3A_152 : i32
      %shift_left3A_154 = arith.constant 7 : i32
      %shift_left3A_155 = arith.shli %shift_right_arithmetic3A_153, %shift_left3A_154 : i32
      %multiple_of3A_156 = tpu.assume_multiple %shift_left3A_155, 128 : i32
      %dma_start3A_157 = arith.constant 2 : i32
      %dma_start3A_158 = arith.constant 0 : i32
      %dma_start3A_159 = arith.constant 0 : i32
      %dma_start3A_160 = tpu.memref_slice %arg10[%dma_start3A_157, %dma_start3A_158, %dma_start3A_159] : memref<8x16x128xf32, #tpu.memory_space<vmem>> -> memref<1x16x128xf32, #tpu.memory_space<vmem>>
      %dma_start3A_161 = tpu.memref_squeeze %dma_start3A_160 : memref<1x16x128xf32, #tpu.memory_space<vmem>> -> memref<16x128xf32, #tpu.memory_space<vmem>>
      %dma_start3A_162 = arith.constant 0 : i32
      %dma_start3A_163 = tpu.memref_slice %arg4[%dma_start3A_162, %multiple_of3A_149] : memref<32x1000000xf32, #tpu.memory_space<hbm>> -> memref<16x128xf32, #tpu.memory_space<hbm>>
      %dma_start3A_164 = arith.constant 0 : i32
      %dma_start3A_165 = arith.constant 0 : i32
      %dma_start3A_166 = tpu.memref_slice %arg10[%dma_start3A_157, %dma_start3A_164, %dma_start3A_165] : memref<8x16x128xf32, #tpu.memory_space<vmem>> -> memref<1x16x128xf32, #tpu.memory_space<vmem>>
      %dma_start3A_167 = tpu.memref_squeeze %dma_start3A_166 : memref<1x16x128xf32, #tpu.memory_space<vmem>> -> memref<16x128xf32, #tpu.memory_space<vmem>>
      %dma_start3A_168 = arith.constant 0 : i32
      %dma_start3A_169 = tpu.memref_slice %arg4[%dma_start3A_168, %multiple_of3A_149] : memref<32x1000000xf32, #tpu.memory_space<hbm>> -> memref<16x128xf32, #tpu.memory_space<hbm>>
      tpu.enqueue_dma source(%dma_start3A_169 : memref<16x128xf32, #tpu.memory_space<hbm>>) target(%dma_start3A_167 : memref<16x128xf32, #tpu.memory_space<vmem>>) target_semaphore(%arg16 : memref<!tpu.dma_semaphore, #tpu.memory_space<semaphore_mem>>)
      %dma_start3A_170 = arith.constant 2 : i32
      %dma_start3A_171 = arith.constant 0 : i32
      %dma_start3A_172 = arith.constant 0 : i32
      %dma_start3A_173 = tpu.memref_slice %arg11[%dma_start3A_170, %dma_start3A_171, %dma_start3A_172] : memref<8x16x128xf32, #tpu.memory_space<vmem>> -> memref<1x16x128xf32, #tpu.memory_space<vmem>>
      %dma_start3A_174 = tpu.memref_squeeze %dma_start3A_173 : memref<1x16x128xf32, #tpu.memory_space<vmem>> -> memref<16x128xf32, #tpu.memory_space<vmem>>
      %dma_start3A_175 = arith.constant 16 : i32
      %dma_start3A_176 = tpu.memref_slice %arg4[%dma_start3A_175, %multiple_of3A_149] : memref<32x1000000xf32, #tpu.memory_space<hbm>> -> memref<16x128xf32, #tpu.memory_space<hbm>>
      %dma_start3A_177 = arith.constant 0 : i32
      %dma_start3A_178 = arith.constant 0 : i32
      %dma_start3A_179 = tpu.memref_slice %arg11[%dma_start3A_170, %dma_start3A_177, %dma_start3A_178] : memref<8x16x128xf32, #tpu.memory_space<vmem>> -> memref<1x16x128xf32, #tpu.memory_space<vmem>>
      %dma_start3A_180 = tpu.memref_squeeze %dma_start3A_179 : memref<1x16x128xf32, #tpu.memory_space<vmem>> -> memref<16x128xf32, #tpu.memory_space<vmem>>
      %dma_start3A_181 = arith.constant 16 : i32
      %dma_start3A_182 = tpu.memref_slice %arg4[%dma_start3A_181, %multiple_of3A_149] : memref<32x1000000xf32, #tpu.memory_space<hbm>> -> memref<16x128xf32, #tpu.memory_space<hbm>>
      tpu.enqueue_dma source(%dma_start3A_182 : memref<16x128xf32, #tpu.memory_space<hbm>>) target(%dma_start3A_180 : memref<16x128xf32, #tpu.memory_space<vmem>>) target_semaphore(%arg16 : memref<!tpu.dma_semaphore, #tpu.memory_space<semaphore_mem>>)
      %dma_start3A_183 = arith.constant 2 : i32
      %dma_start3A_184 = arith.constant 0 : i32
      %dma_start3A_185 = arith.constant 0 : i32
      %dma_start3A_186 = tpu.memref_slice %arg12[%dma_start3A_183, %dma_start3A_184, %dma_start3A_185] : memref<8x16x128xf32, #tpu.memory_space<vmem>> -> memref<1x16x128xf32, #tpu.memory_space<vmem>>
      %dma_start3A_187 = tpu.memref_squeeze %dma_start3A_186 : memref<1x16x128xf32, #tpu.memory_space<vmem>> -> memref<16x128xf32, #tpu.memory_space<vmem>>
      %dma_start3A_188 = arith.constant 0 : i32
      %dma_start3A_189 = tpu.memref_slice %arg5[%dma_start3A_188, %multiple_of3A_156] : memref<32x1000000xf32, #tpu.memory_space<hbm>> -> memref<16x128xf32, #tpu.memory_space<hbm>>
      %dma_start3A_190 = arith.constant 0 : i32
      %dma_start3A_191 = arith.constant 0 : i32
      %dma_start3A_192 = tpu.memref_slice %arg12[%dma_start3A_183, %dma_start3A_190, %dma_start3A_191] : memref<8x16x128xf32, #tpu.memory_space<vmem>> -> memref<1x16x128xf32, #tpu.memory_space<vmem>>
      %dma_start3A_193 = tpu.memref_squeeze %dma_start3A_192 : memref<1x16x128xf32, #tpu.memory_space<vmem>> -> memref<16x128xf32, #tpu.memory_space<vmem>>
      %dma_start3A_194 = arith.constant 0 : i32
      %dma_start3A_195 = tpu.memref_slice %arg5[%dma_start3A_194, %multiple_of3A_156] : memref<32x1000000xf32, #tpu.memory_space<hbm>> -> memref<16x128xf32, #tpu.memory_space<hbm>>
      tpu.enqueue_dma source(%dma_start3A_195 : memref<16x128xf32, #tpu.memory_space<hbm>>) target(%dma_start3A_193 : memref<16x128xf32, #tpu.memory_space<vmem>>) target_semaphore(%arg17 : memref<!tpu.dma_semaphore, #tpu.memory_space<semaphore_mem>>)
      %dma_start3A_196 = arith.constant 2 : i32
      %dma_start3A_197 = arith.constant 0 : i32
      %dma_start3A_198 = arith.constant 0 : i32
      %dma_start3A_199 = tpu.memref_slice %arg13[%dma_start3A_196, %dma_start3A_197, %dma_start3A_198] : memref<8x16x128xf32, #tpu.memory_space<vmem>> -> memref<1x16x128xf32, #tpu.memory_space<vmem>>
      %dma_start3A_200 = tpu.memref_squeeze %dma_start3A_199 : memref<1x16x128xf32, #tpu.memory_space<vmem>> -> memref<16x128xf32, #tpu.memory_space<vmem>>
      %dma_start3A_201 = arith.constant 16 : i32
      %dma_start3A_202 = tpu.memref_slice %arg5[%dma_start3A_201, %multiple_of3A_156] : memref<32x1000000xf32, #tpu.memory_space<hbm>> -> memref<16x128xf32, #tpu.memory_space<hbm>>
      %dma_start3A_203 = arith.constant 0 : i32
      %dma_start3A_204 = arith.constant 0 : i32
      %dma_start3A_205 = tpu.memref_slice %arg13[%dma_start3A_196, %dma_start3A_203, %dma_start3A_204] : memref<8x16x128xf32, #tpu.memory_space<vmem>> -> memref<1x16x128xf32, #tpu.memory_space<vmem>>
      %dma_start3A_206 = tpu.memref_squeeze %dma_start3A_205 : memref<1x16x128xf32, #tpu.memory_space<vmem>> -> memref<16x128xf32, #tpu.memory_space<vmem>>
      %dma_start3A_207 = arith.constant 16 : i32
      %dma_start3A_208 = tpu.memref_slice %arg5[%dma_start3A_207, %multiple_of3A_156] : memref<32x1000000xf32, #tpu.memory_space<hbm>> -> memref<16x128xf32, #tpu.memory_space<hbm>>
      tpu.enqueue_dma source(%dma_start3A_208 : memref<16x128xf32, #tpu.memory_space<hbm>>) target(%dma_start3A_206 : memref<16x128xf32, #tpu.memory_space<vmem>>) target_semaphore(%arg17 : memref<!tpu.dma_semaphore, #tpu.memory_space<semaphore_mem>>)
      %slice3A_209 = vector.extract_strided_slice %get3A_12 {offsets = [3], sizes = [1], strides = [1]} : vector<16xi32> to vector<1xi32>
      %squeeze3A_210 = vector.extract %slice3A_209[0] : i32 from vector<1xi32>
      %shift_right_arithmetic3A_211 = arith.constant 7 : i32
      %shift_right_arithmetic3A_212 = arith.shrsi %squeeze3A_210, %shift_right_arithmetic3A_211 : i32
      %shift_left3A_213 = arith.constant 7 : i32
      %shift_left3A_214 = arith.shli %shift_right_arithmetic3A_212, %shift_left3A_213 : i32
      %multiple_of3A_215 = tpu.assume_multiple %shift_left3A_214, 128 : i32
      %slice3A_216 = vector.extract_strided_slice %get3A_16 {offsets = [3], sizes = [1], strides = [1]} : vector<16xi32> to vector<1xi32>
      %squeeze3A_217 = vector.extract %slice3A_216[0] : i32 from vector<1xi32>
      %shift_right_arithmetic3A_218 = arith.constant 7 : i32
      %shift_right_arithmetic3A_219 = arith.shrsi %squeeze3A_217, %shift_right_arithmetic3A_218 : i32
      %shift_left3A_220 = arith.constant 7 : i32
      %shift_left3A_221 = arith.shli %shift_right_arithmetic3A_219, %shift_left3A_220 : i32
      %multiple_of3A_222 = tpu.assume_multiple %shift_left3A_221, 128 : i32
      %dma_start3A_223 = arith.constant 3 : i32
      %dma_start3A_224 = arith.constant 0 : i32
      %dma_start3A_225 = arith.constant 0 : i32
      %dma_start3A_226 = tpu.memref_slice %arg10[%dma_start3A_223, %dma_start3A_224, %dma_start3A_225] : memref<8x16x128xf32, #tpu.memory_space<vmem>> -> memref<1x16x128xf32, #tpu.memory_space<vmem>>
      %dma_start3A_227 = tpu.memref_squeeze %dma_start3A_226 : memref<1x16x128xf32, #tpu.memory_space<vmem>> -> memref<16x128xf32, #tpu.memory_space<vmem>>
      %dma_start3A_228 = arith.constant 0 : i32
      %dma_start3A_229 = tpu.memref_slice %arg4[%dma_start3A_228, %multiple_of3A_215] : memref<32x1000000xf32, #tpu.memory_space<hbm>> -> memref<16x128xf32, #tpu.memory_space<hbm>>
      %dma_start3A_230 = arith.constant 0 : i32
      %dma_start3A_231 = arith.constant 0 : i32
      %dma_start3A_232 = tpu.memref_slice %arg10[%dma_start3A_223, %dma_start3A_230, %dma_start3A_231] : memref<8x16x128xf32, #tpu.memory_space<vmem>> -> memref<1x16x128xf32, #tpu.memory_space<vmem>>
      %dma_start3A_233 = tpu.memref_squeeze %dma_start3A_232 : memref<1x16x128xf32, #tpu.memory_space<vmem>> -> memref<16x128xf32, #tpu.memory_space<vmem>>
      %dma_start3A_234 = arith.constant 0 : i32
      %dma_start3A_235 = tpu.memref_slice %arg4[%dma_start3A_234, %multiple_of3A_215] : memref<32x1000000xf32, #tpu.memory_space<hbm>> -> memref<16x128xf32, #tpu.memory_space<hbm>>
      tpu.enqueue_dma source(%dma_start3A_235 : memref<16x128xf32, #tpu.memory_space<hbm>>) target(%dma_start3A_233 : memref<16x128xf32, #tpu.memory_space<vmem>>) target_semaphore(%arg16 : memref<!tpu.dma_semaphore, #tpu.memory_space<semaphore_mem>>)
      %dma_start3A_236 = arith.constant 3 : i32
      %dma_start3A_237 = arith.constant 0 : i32
      %dma_start3A_238 = arith.constant 0 : i32
      %dma_start3A_239 = tpu.memref_slice %arg11[%dma_start3A_236, %dma_start3A_237, %dma_start3A_238] : memref<8x16x128xf32, #tpu.memory_space<vmem>> -> memref<1x16x128xf32, #tpu.memory_space<vmem>>
      %dma_start3A_240 = tpu.memref_squeeze %dma_start3A_239 : memref<1x16x128xf32, #tpu.memory_space<vmem>> -> memref<16x128xf32, #tpu.memory_space<vmem>>
      %dma_start3A_241 = arith.constant 16 : i32
      %dma_start3A_242 = tpu.memref_slice %arg4[%dma_start3A_241, %multiple_of3A_215] : memref<32x1000000xf32, #tpu.memory_space<hbm>> -> memref<16x128xf32, #tpu.memory_space<hbm>>
      %dma_start3A_243 = arith.constant 0 : i32
      %dma_start3A_244 = arith.constant 0 : i32
      %dma_start3A_245 = tpu.memref_slice %arg11[%dma_start3A_236, %dma_start3A_243, %dma_start3A_244] : memref<8x16x128xf32, #tpu.memory_space<vmem>> -> memref<1x16x128xf32, #tpu.memory_space<vmem>>
      %dma_start3A_246 = tpu.memref_squeeze %dma_start3A_245 : memref<1x16x128xf32, #tpu.memory_space<vmem>> -> memref<16x128xf32, #tpu.memory_space<vmem>>
      %dma_start3A_247 = arith.constant 16 : i32
      %dma_start3A_248 = tpu.memref_slice %arg4[%dma_start3A_247, %multiple_of3A_215] : memref<32x1000000xf32, #tpu.memory_space<hbm>> -> memref<16x128xf32, #tpu.memory_space<hbm>>
      tpu.enqueue_dma source(%dma_start3A_248 : memref<16x128xf32, #tpu.memory_space<hbm>>) target(%dma_start3A_246 : memref<16x128xf32, #tpu.memory_space<vmem>>) target_semaphore(%arg16 : memref<!tpu.dma_semaphore, #tpu.memory_space<semaphore_mem>>)
      %dma_start3A_249 = arith.constant 3 : i32
      %dma_start3A_250 = arith.constant 0 : i32
      %dma_start3A_251 = arith.constant 0 : i32
      %dma_start3A_252 = tpu.memref_slice %arg12[%dma_start3A_249, %dma_start3A_250, %dma_start3A_251] : memref<8x16x128xf32, #tpu.memory_space<vmem>> -> memref<1x16x128xf32, #tpu.memory_space<vmem>>
      %dma_start3A_253 = tpu.memref_squeeze %dma_start3A_252 : memref<1x16x128xf32, #tpu.memory_space<vmem>> -> memref<16x128xf32, #tpu.memory_space<vmem>>
      %dma_start3A_254 = arith.constant 0 : i32
      %dma_start3A_255 = tpu.memref_slice %arg5[%dma_start3A_254, %multiple_of3A_222] : memref<32x1000000xf32, #tpu.memory_space<hbm>> -> memref<16x128xf32, #tpu.memory_space<hbm>>
      %dma_start3A_256 = arith.constant 0 : i32
      %dma_start3A_257 = arith.constant 0 : i32
      %dma_start3A_258 = tpu.memref_slice %arg12[%dma_start3A_249, %dma_start3A_256, %dma_start3A_257] : memref<8x16x128xf32, #tpu.memory_space<vmem>> -> memref<1x16x128xf32, #tpu.memory_space<vmem>>
      %dma_start3A_259 = tpu.memref_squeeze %dma_start3A_258 : memref<1x16x128xf32, #tpu.memory_space<vmem>> -> memref<16x128xf32, #tpu.memory_space<vmem>>
      %dma_start3A_260 = arith.constant 0 : i32
      %dma_start3A_261 = tpu.memref_slice %arg5[%dma_start3A_260, %multiple_of3A_222] : memref<32x1000000xf32, #tpu.memory_space<hbm>> -> memref<16x128xf32, #tpu.memory_space<hbm>>
      tpu.enqueue_dma source(%dma_start3A_261 : memref<16x128xf32, #tpu.memory_space<hbm>>) target(%dma_start3A_259 : memref<16x128xf32, #tpu.memory_space<vmem>>) target_semaphore(%arg17 : memref<!tpu.dma_semaphore, #tpu.memory_space<semaphore_mem>>)
      %dma_start3A_262 = arith.constant 3 : i32
      %dma_start3A_263 = arith.constant 0 : i32
      %dma_start3A_264 = arith.constant 0 : i32
      %dma_start3A_265 = tpu.memref_slice %arg13[%dma_start3A_262, %dma_start3A_263, %dma_start3A_264] : memref<8x16x128xf32, #tpu.memory_space<vmem>> -> memref<1x16x128xf32, #tpu.memory_space<vmem>>
      %dma_start3A_266 = tpu.memref_squeeze %dma_start3A_265 : memref<1x16x128xf32, #tpu.memory_space<vmem>> -> memref<16x128xf32, #tpu.memory_space<vmem>>
      %dma_start3A_267 = arith.constant 16 : i32
      %dma_start3A_268 = tpu.memref_slice %arg5[%dma_start3A_267, %multiple_of3A_222] : memref<32x1000000xf32, #tpu.memory_space<hbm>> -> memref<16x128xf32, #tpu.memory_space<hbm>>
      %dma_start3A_269 = arith.constant 0 : i32
      %dma_start3A_270 = arith.constant 0 : i32
      %dma_start3A_271 = tpu.memref_slice %arg13[%dma_start3A_262, %dma_start3A_269, %dma_start3A_270] : memref<8x16x128xf32, #tpu.memory_space<vmem>> -> memref<1x16x128xf32, #tpu.memory_space<vmem>>
      %dma_start3A_272 = tpu.memref_squeeze %dma_start3A_271 : memref<1x16x128xf32, #tpu.memory_space<vmem>> -> memref<16x128xf32, #tpu.memory_space<vmem>>
      %dma_start3A_273 = arith.constant 16 : i32
      %dma_start3A_274 = tpu.memref_slice %arg5[%dma_start3A_273, %multiple_of3A_222] : memref<32x1000000xf32, #tpu.memory_space<hbm>> -> memref<16x128xf32, #tpu.memory_space<hbm>>
      tpu.enqueue_dma source(%dma_start3A_274 : memref<16x128xf32, #tpu.memory_space<hbm>>) target(%dma_start3A_272 : memref<16x128xf32, #tpu.memory_space<vmem>>) target_semaphore(%arg17 : memref<!tpu.dma_semaphore, #tpu.memory_space<semaphore_mem>>)
      %slice3A_275 = vector.extract_strided_slice %get3A_12 {offsets = [4], sizes = [1], strides = [1]} : vector<16xi32> to vector<1xi32>
      %squeeze3A_276 = vector.extract %slice3A_275[0] : i32 from vector<1xi32>
      %shift_right_arithmetic3A_277 = arith.constant 7 : i32
      %shift_right_arithmetic3A_278 = arith.shrsi %squeeze3A_276, %shift_right_arithmetic3A_277 : i32
      %shift_left3A_279 = arith.constant 7 : i32
      %shift_left3A_280 = arith.shli %shift_right_arithmetic3A_278, %shift_left3A_279 : i32
      %multiple_of3A_281 = tpu.assume_multiple %shift_left3A_280, 128 : i32
      %slice3A_282 = vector.extract_strided_slice %get3A_16 {offsets = [4], sizes = [1], strides = [1]} : vector<16xi32> to vector<1xi32>
      %squeeze3A_283 = vector.extract %slice3A_282[0] : i32 from vector<1xi32>
      %shift_right_arithmetic3A_284 = arith.constant 7 : i32
      %shift_right_arithmetic3A_285 = arith.shrsi %squeeze3A_283, %shift_right_arithmetic3A_284 : i32
      %shift_left3A_286 = arith.constant 7 : i32
      %shift_left3A_287 = arith.shli %shift_right_arithmetic3A_285, %shift_left3A_286 : i32
      %multiple_of3A_288 = tpu.assume_multiple %shift_left3A_287, 128 : i32
      %dma_start3A_289 = arith.constant 4 : i32
      %dma_start3A_290 = arith.constant 0 : i32
      %dma_start3A_291 = arith.constant 0 : i32
      %dma_start3A_292 = tpu.memref_slice %arg10[%dma_start3A_289, %dma_start3A_290, %dma_start3A_291] : memref<8x16x128xf32, #tpu.memory_space<vmem>> -> memref<1x16x128xf32, #tpu.memory_space<vmem>>
      %dma_start3A_293 = tpu.memref_squeeze %dma_start3A_292 : memref<1x16x128xf32, #tpu.memory_space<vmem>> -> memref<16x128xf32, #tpu.memory_space<vmem>>
      %dma_start3A_294 = arith.constant 0 : i32
      %dma_start3A_295 = tpu.memref_slice %arg4[%dma_start3A_294, %multiple_of3A_281] : memref<32x1000000xf32, #tpu.memory_space<hbm>> -> memref<16x128xf32, #tpu.memory_space<hbm>>
      %dma_start3A_296 = arith.constant 0 : i32
      %dma_start3A_297 = arith.constant 0 : i32
      %dma_start3A_298 = tpu.memref_slice %arg10[%dma_start3A_289, %dma_start3A_296, %dma_start3A_297] : memref<8x16x128xf32, #tpu.memory_space<vmem>> -> memref<1x16x128xf32, #tpu.memory_space<vmem>>
      %dma_start3A_299 = tpu.memref_squeeze %dma_start3A_298 : memref<1x16x128xf32, #tpu.memory_space<vmem>> -> memref<16x128xf32, #tpu.memory_space<vmem>>
      %dma_start3A_300 = arith.constant 0 : i32
      %dma_start3A_301 = tpu.memref_slice %arg4[%dma_start3A_300, %multiple_of3A_281] : memref<32x1000000xf32, #tpu.memory_space<hbm>> -> memref<16x128xf32, #tpu.memory_space<hbm>>
      tpu.enqueue_dma source(%dma_start3A_301 : memref<16x128xf32, #tpu.memory_space<hbm>>) target(%dma_start3A_299 : memref<16x128xf32, #tpu.memory_space<vmem>>) target_semaphore(%arg16 : memref<!tpu.dma_semaphore, #tpu.memory_space<semaphore_mem>>)
      %dma_start3A_302 = arith.constant 4 : i32
      %dma_start3A_303 = arith.constant 0 : i32
      %dma_start3A_304 = arith.constant 0 : i32
      %dma_start3A_305 = tpu.memref_slice %arg11[%dma_start3A_302, %dma_start3A_303, %dma_start3A_304] : memref<8x16x128xf32, #tpu.memory_space<vmem>> -> memref<1x16x128xf32, #tpu.memory_space<vmem>>
      %dma_start3A_306 = tpu.memref_squeeze %dma_start3A_305 : memref<1x16x128xf32, #tpu.memory_space<vmem>> -> memref<16x128xf32, #tpu.memory_space<vmem>>
      %dma_start3A_307 = arith.constant 16 : i32
      %dma_start3A_308 = tpu.memref_slice %arg4[%dma_start3A_307, %multiple_of3A_281] : memref<32x1000000xf32, #tpu.memory_space<hbm>> -> memref<16x128xf32, #tpu.memory_space<hbm>>
      %dma_start3A_309 = arith.constant 0 : i32
      %dma_start3A_310 = arith.constant 0 : i32
      %dma_start3A_311 = tpu.memref_slice %arg11[%dma_start3A_302, %dma_start3A_309, %dma_start3A_310] : memref<8x16x128xf32, #tpu.memory_space<vmem>> -> memref<1x16x128xf32, #tpu.memory_space<vmem>>
      %dma_start3A_312 = tpu.memref_squeeze %dma_start3A_311 : memref<1x16x128xf32, #tpu.memory_space<vmem>> -> memref<16x128xf32, #tpu.memory_space<vmem>>
      %dma_start3A_313 = arith.constant 16 : i32
      %dma_start3A_314 = tpu.memref_slice %arg4[%dma_start3A_313, %multiple_of3A_281] : memref<32x1000000xf32, #tpu.memory_space<hbm>> -> memref<16x128xf32, #tpu.memory_space<hbm>>
      tpu.enqueue_dma source(%dma_start3A_314 : memref<16x128xf32, #tpu.memory_space<hbm>>) target(%dma_start3A_312 : memref<16x128xf32, #tpu.memory_space<vmem>>) target_semaphore(%arg16 : memref<!tpu.dma_semaphore, #tpu.memory_space<semaphore_mem>>)
      %dma_start3A_315 = arith.constant 4 : i32
      %dma_start3A_316 = arith.constant 0 : i32
      %dma_start3A_317 = arith.constant 0 : i32
      %dma_start3A_318 = tpu.memref_slice %arg12[%dma_start3A_315, %dma_start3A_316, %dma_start3A_317] : memref<8x16x128xf32, #tpu.memory_space<vmem>> -> memref<1x16x128xf32, #tpu.memory_space<vmem>>
      %dma_start3A_319 = tpu.memref_squeeze %dma_start3A_318 : memref<1x16x128xf32, #tpu.memory_space<vmem>> -> memref<16x128xf32, #tpu.memory_space<vmem>>
      %dma_start3A_320 = arith.constant 0 : i32
      %dma_start3A_321 = tpu.memref_slice %arg5[%dma_start3A_320, %multiple_of3A_288] : memref<32x1000000xf32, #tpu.memory_space<hbm>> -> memref<16x128xf32, #tpu.memory_space<hbm>>
      %dma_start3A_322 = arith.constant 0 : i32
      %dma_start3A_323 = arith.constant 0 : i32
      %dma_start3A_324 = tpu.memref_slice %arg12[%dma_start3A_315, %dma_start3A_322, %dma_start3A_323] : memref<8x16x128xf32, #tpu.memory_space<vmem>> -> memref<1x16x128xf32, #tpu.memory_space<vmem>>
      %dma_start3A_325 = tpu.memref_squeeze %dma_start3A_324 : memref<1x16x128xf32, #tpu.memory_space<vmem>> -> memref<16x128xf32, #tpu.memory_space<vmem>>
      %dma_start3A_326 = arith.constant 0 : i32
      %dma_start3A_327 = tpu.memref_slice %arg5[%dma_start3A_326, %multiple_of3A_288] : memref<32x1000000xf32, #tpu.memory_space<hbm>> -> memref<16x128xf32, #tpu.memory_space<hbm>>
      tpu.enqueue_dma source(%dma_start3A_327 : memref<16x128xf32, #tpu.memory_space<hbm>>) target(%dma_start3A_325 : memref<16x128xf32, #tpu.memory_space<vmem>>) target_semaphore(%arg17 : memref<!tpu.dma_semaphore, #tpu.memory_space<semaphore_mem>>)
      %dma_start3A_328 = arith.constant 4 : i32
      %dma_start3A_329 = arith.constant 0 : i32
      %dma_start3A_330 = arith.constant 0 : i32
      %dma_start3A_331 = tpu.memref_slice %arg13[%dma_start3A_328, %dma_start3A_329, %dma_start3A_330] : memref<8x16x128xf32, #tpu.memory_space<vmem>> -> memref<1x16x128xf32, #tpu.memory_space<vmem>>
      %dma_start3A_332 = tpu.memref_squeeze %dma_start3A_331 : memref<1x16x128xf32, #tpu.memory_space<vmem>> -> memref<16x128xf32, #tpu.memory_space<vmem>>
      %dma_start3A_333 = arith.constant 16 : i32
      %dma_start3A_334 = tpu.memref_slice %arg5[%dma_start3A_333, %multiple_of3A_288] : memref<32x1000000xf32, #tpu.memory_space<hbm>> -> memref<16x128xf32, #tpu.memory_space<hbm>>
      %dma_start3A_335 = arith.constant 0 : i32
      %dma_start3A_336 = arith.constant 0 : i32
      %dma_start3A_337 = tpu.memref_slice %arg13[%dma_start3A_328, %dma_start3A_335, %dma_start3A_336] : memref<8x16x128xf32, #tpu.memory_space<vmem>> -> memref<1x16x128xf32, #tpu.memory_space<vmem>>
      %dma_start3A_338 = tpu.memref_squeeze %dma_start3A_337 : memref<1x16x128xf32, #tpu.memory_space<vmem>> -> memref<16x128xf32, #tpu.memory_space<vmem>>
      %dma_start3A_339 = arith.constant 16 : i32
      %dma_start3A_340 = tpu.memref_slice %arg5[%dma_start3A_339, %multiple_of3A_288] : memref<32x1000000xf32, #tpu.memory_space<hbm>> -> memref<16x128xf32, #tpu.memory_space<hbm>>
      tpu.enqueue_dma source(%dma_start3A_340 : memref<16x128xf32, #tpu.memory_space<hbm>>) target(%dma_start3A_338 : memref<16x128xf32, #tpu.memory_space<vmem>>) target_semaphore(%arg17 : memref<!tpu.dma_semaphore, #tpu.memory_space<semaphore_mem>>)
      %slice3A_341 = vector.extract_strided_slice %get3A_12 {offsets = [5], sizes = [1], strides = [1]} : vector<16xi32> to vector<1xi32>
      %squeeze3A_342 = vector.extract %slice3A_341[0] : i32 from vector<1xi32>
      %shift_right_arithmetic3A_343 = arith.constant 7 : i32
      %shift_right_arithmetic3A_344 = arith.shrsi %squeeze3A_342, %shift_right_arithmetic3A_343 : i32
      %shift_left3A_345 = arith.constant 7 : i32
      %shift_left3A_346 = arith.shli %shift_right_arithmetic3A_344, %shift_left3A_345 : i32
      %multiple_of3A_347 = tpu.assume_multiple %shift_left3A_346, 128 : i32
      %slice3A_348 = vector.extract_strided_slice %get3A_16 {offsets = [5], sizes = [1], strides = [1]} : vector<16xi32> to vector<1xi32>
      %squeeze3A_349 = vector.extract %slice3A_348[0] : i32 from vector<1xi32>
      %shift_right_arithmetic3A_350 = arith.constant 7 : i32
      %shift_right_arithmetic3A_351 = arith.shrsi %squeeze3A_349, %shift_right_arithmetic3A_350 : i32
      %shift_left3A_352 = arith.constant 7 : i32
      %shift_left3A_353 = arith.shli %shift_right_arithmetic3A_351, %shift_left3A_352 : i32
      %multiple_of3A_354 = tpu.assume_multiple %shift_left3A_353, 128 : i32
      %dma_start3A_355 = arith.constant 5 : i32
      %dma_start3A_356 = arith.constant 0 : i32
      %dma_start3A_357 = arith.constant 0 : i32
      %dma_start3A_358 = tpu.memref_slice %arg10[%dma_start3A_355, %dma_start3A_356, %dma_start3A_357] : memref<8x16x128xf32, #tpu.memory_space<vmem>> -> memref<1x16x128xf32, #tpu.memory_space<vmem>>
      %dma_start3A_359 = tpu.memref_squeeze %dma_start3A_358 : memref<1x16x128xf32, #tpu.memory_space<vmem>> -> memref<16x128xf32, #tpu.memory_space<vmem>>
      %dma_start3A_360 = arith.constant 0 : i32
      %dma_start3A_361 = tpu.memref_slice %arg4[%dma_start3A_360, %multiple_of3A_347] : memref<32x1000000xf32, #tpu.memory_space<hbm>> -> memref<16x128xf32, #tpu.memory_space<hbm>>
      %dma_start3A_362 = arith.constant 0 : i32
      %dma_start3A_363 = arith.constant 0 : i32
      %dma_start3A_364 = tpu.memref_slice %arg10[%dma_start3A_355, %dma_start3A_362, %dma_start3A_363] : memref<8x16x128xf32, #tpu.memory_space<vmem>> -> memref<1x16x128xf32, #tpu.memory_space<vmem>>
      %dma_start3A_365 = tpu.memref_squeeze %dma_start3A_364 : memref<1x16x128xf32, #tpu.memory_space<vmem>> -> memref<16x128xf32, #tpu.memory_space<vmem>>
      %dma_start3A_366 = arith.constant 0 : i32
      %dma_start3A_367 = tpu.memref_slice %arg4[%dma_start3A_366, %multiple_of3A_347] : memref<32x1000000xf32, #tpu.memory_space<hbm>> -> memref<16x128xf32, #tpu.memory_space<hbm>>
      tpu.enqueue_dma source(%dma_start3A_367 : memref<16x128xf32, #tpu.memory_space<hbm>>) target(%dma_start3A_365 : memref<16x128xf32, #tpu.memory_space<vmem>>) target_semaphore(%arg16 : memref<!tpu.dma_semaphore, #tpu.memory_space<semaphore_mem>>)
      %dma_start3A_368 = arith.constant 5 : i32
      %dma_start3A_369 = arith.constant 0 : i32
      %dma_start3A_370 = arith.constant 0 : i32
      %dma_start3A_371 = tpu.memref_slice %arg11[%dma_start3A_368, %dma_start3A_369, %dma_start3A_370] : memref<8x16x128xf32, #tpu.memory_space<vmem>> -> memref<1x16x128xf32, #tpu.memory_space<vmem>>
      %dma_start3A_372 = tpu.memref_squeeze %dma_start3A_371 : memref<1x16x128xf32, #tpu.memory_space<vmem>> -> memref<16x128xf32, #tpu.memory_space<vmem>>
      %dma_start3A_373 = arith.constant 16 : i32
      %dma_start3A_374 = tpu.memref_slice %arg4[%dma_start3A_373, %multiple_of3A_347] : memref<32x1000000xf32, #tpu.memory_space<hbm>> -> memref<16x128xf32, #tpu.memory_space<hbm>>
      %dma_start3A_375 = arith.constant 0 : i32
      %dma_start3A_376 = arith.constant 0 : i32
      %dma_start3A_377 = tpu.memref_slice %arg11[%dma_start3A_368, %dma_start3A_375, %dma_start3A_376] : memref<8x16x128xf32, #tpu.memory_space<vmem>> -> memref<1x16x128xf32, #tpu.memory_space<vmem>>
      %dma_start3A_378 = tpu.memref_squeeze %dma_start3A_377 : memref<1x16x128xf32, #tpu.memory_space<vmem>> -> memref<16x128xf32, #tpu.memory_space<vmem>>
      %dma_start3A_379 = arith.constant 16 : i32
      %dma_start3A_380 = tpu.memref_slice %arg4[%dma_start3A_379, %multiple_of3A_347] : memref<32x1000000xf32, #tpu.memory_space<hbm>> -> memref<16x128xf32, #tpu.memory_space<hbm>>
      tpu.enqueue_dma source(%dma_start3A_380 : memref<16x128xf32, #tpu.memory_space<hbm>>) target(%dma_start3A_378 : memref<16x128xf32, #tpu.memory_space<vmem>>) target_semaphore(%arg16 : memref<!tpu.dma_semaphore, #tpu.memory_space<semaphore_mem>>)
      %dma_start3A_381 = arith.constant 5 : i32
      %dma_start3A_382 = arith.constant 0 : i32
      %dma_start3A_383 = arith.constant 0 : i32
      %dma_start3A_384 = tpu.memref_slice %arg12[%dma_start3A_381, %dma_start3A_382, %dma_start3A_383] : memref<8x16x128xf32, #tpu.memory_space<vmem>> -> memref<1x16x128xf32, #tpu.memory_space<vmem>>
      %dma_start3A_385 = tpu.memref_squeeze %dma_start3A_384 : memref<1x16x128xf32, #tpu.memory_space<vmem>> -> memref<16x128xf32, #tpu.memory_space<vmem>>
      %dma_start3A_386 = arith.constant 0 : i32
      %dma_start3A_387 = tpu.memref_slice %arg5[%dma_start3A_386, %multiple_of3A_354] : memref<32x1000000xf32, #tpu.memory_space<hbm>> -> memref<16x128xf32, #tpu.memory_space<hbm>>
      %dma_start3A_388 = arith.constant 0 : i32
      %dma_start3A_389 = arith.constant 0 : i32
      %dma_start3A_390 = tpu.memref_slice %arg12[%dma_start3A_381, %dma_start3A_388, %dma_start3A_389] : memref<8x16x128xf32, #tpu.memory_space<vmem>> -> memref<1x16x128xf32, #tpu.memory_space<vmem>>
      %dma_start3A_391 = tpu.memref_squeeze %dma_start3A_390 : memref<1x16x128xf32, #tpu.memory_space<vmem>> -> memref<16x128xf32, #tpu.memory_space<vmem>>
      %dma_start3A_392 = arith.constant 0 : i32
      %dma_start3A_393 = tpu.memref_slice %arg5[%dma_start3A_392, %multiple_of3A_354] : memref<32x1000000xf32, #tpu.memory_space<hbm>> -> memref<16x128xf32, #tpu.memory_space<hbm>>
      tpu.enqueue_dma source(%dma_start3A_393 : memref<16x128xf32, #tpu.memory_space<hbm>>) target(%dma_start3A_391 : memref<16x128xf32, #tpu.memory_space<vmem>>) target_semaphore(%arg17 : memref<!tpu.dma_semaphore, #tpu.memory_space<semaphore_mem>>)
      %dma_start3A_394 = arith.constant 5 : i32
      %dma_start3A_395 = arith.constant 0 : i32
      %dma_start3A_396 = arith.constant 0 : i32
      %dma_start3A_397 = tpu.memref_slice %arg13[%dma_start3A_394, %dma_start3A_395, %dma_start3A_396] : memref<8x16x128xf32, #tpu.memory_space<vmem>> -> memref<1x16x128xf32, #tpu.memory_space<vmem>>
      %dma_start3A_398 = tpu.memref_squeeze %dma_start3A_397 : memref<1x16x128xf32, #tpu.memory_space<vmem>> -> memref<16x128xf32, #tpu.memory_space<vmem>>
      %dma_start3A_399 = arith.constant 16 : i32
      %dma_start3A_400 = tpu.memref_slice %arg5[%dma_start3A_399, %multiple_of3A_354] : memref<32x1000000xf32, #tpu.memory_space<hbm>> -> memref<16x128xf32, #tpu.memory_space<hbm>>
      %dma_start3A_401 = arith.constant 0 : i32
      %dma_start3A_402 = arith.constant 0 : i32
      %dma_start3A_403 = tpu.memref_slice %arg13[%dma_start3A_394, %dma_start3A_401, %dma_start3A_402] : memref<8x16x128xf32, #tpu.memory_space<vmem>> -> memref<1x16x128xf32, #tpu.memory_space<vmem>>
      %dma_start3A_404 = tpu.memref_squeeze %dma_start3A_403 : memref<1x16x128xf32, #tpu.memory_space<vmem>> -> memref<16x128xf32, #tpu.memory_space<vmem>>
      %dma_start3A_405 = arith.constant 16 : i32
      %dma_start3A_406 = tpu.memref_slice %arg5[%dma_start3A_405, %multiple_of3A_354] : memref<32x1000000xf32, #tpu.memory_space<hbm>> -> memref<16x128xf32, #tpu.memory_space<hbm>>
      tpu.enqueue_dma source(%dma_start3A_406 : memref<16x128xf32, #tpu.memory_space<hbm>>) target(%dma_start3A_404 : memref<16x128xf32, #tpu.memory_space<vmem>>) target_semaphore(%arg17 : memref<!tpu.dma_semaphore, #tpu.memory_space<semaphore_mem>>)
      %slice3A_407 = vector.extract_strided_slice %get3A_12 {offsets = [6], sizes = [1], strides = [1]} : vector<16xi32> to vector<1xi32>
      %squeeze3A_408 = vector.extract %slice3A_407[0] : i32 from vector<1xi32>
      %shift_right_arithmetic3A_409 = arith.constant 7 : i32
      %shift_right_arithmetic3A_410 = arith.shrsi %squeeze3A_408, %shift_right_arithmetic3A_409 : i32
      %shift_left3A_411 = arith.constant 7 : i32
      %shift_left3A_412 = arith.shli %shift_right_arithmetic3A_410, %shift_left3A_411 : i32
      %multiple_of3A_413 = tpu.assume_multiple %shift_left3A_412, 128 : i32
      %slice3A_414 = vector.extract_strided_slice %get3A_16 {offsets = [6], sizes = [1], strides = [1]} : vector<16xi32> to vector<1xi32>
      %squeeze3A_415 = vector.extract %slice3A_414[0] : i32 from vector<1xi32>
      %shift_right_arithmetic3A_416 = arith.constant 7 : i32
      %shift_right_arithmetic3A_417 = arith.shrsi %squeeze3A_415, %shift_right_arithmetic3A_416 : i32
      %shift_left3A_418 = arith.constant 7 : i32
      %shift_left3A_419 = arith.shli %shift_right_arithmetic3A_417, %shift_left3A_418 : i32
      %multiple_of3A_420 = tpu.assume_multiple %shift_left3A_419, 128 : i32
      %dma_start3A_421 = arith.constant 6 : i32
      %dma_start3A_422 = arith.constant 0 : i32
      %dma_start3A_423 = arith.constant 0 : i32
      %dma_start3A_424 = tpu.memref_slice %arg10[%dma_start3A_421, %dma_start3A_422, %dma_start3A_423] : memref<8x16x128xf32, #tpu.memory_space<vmem>> -> memref<1x16x128xf32, #tpu.memory_space<vmem>>
      %dma_start3A_425 = tpu.memref_squeeze %dma_start3A_424 : memref<1x16x128xf32, #tpu.memory_space<vmem>> -> memref<16x128xf32, #tpu.memory_space<vmem>>
      %dma_start3A_426 = arith.constant 0 : i32
      %dma_start3A_427 = tpu.memref_slice %arg4[%dma_start3A_426, %multiple_of3A_413] : memref<32x1000000xf32, #tpu.memory_space<hbm>> -> memref<16x128xf32, #tpu.memory_space<hbm>>
      %dma_start3A_428 = arith.constant 0 : i32
      %dma_start3A_429 = arith.constant 0 : i32
      %dma_start3A_430 = tpu.memref_slice %arg10[%dma_start3A_421, %dma_start3A_428, %dma_start3A_429] : memref<8x16x128xf32, #tpu.memory_space<vmem>> -> memref<1x16x128xf32, #tpu.memory_space<vmem>>
      %dma_start3A_431 = tpu.memref_squeeze %dma_start3A_430 : memref<1x16x128xf32, #tpu.memory_space<vmem>> -> memref<16x128xf32, #tpu.memory_space<vmem>>
      %dma_start3A_432 = arith.constant 0 : i32
      %dma_start3A_433 = tpu.memref_slice %arg4[%dma_start3A_432, %multiple_of3A_413] : memref<32x1000000xf32, #tpu.memory_space<hbm>> -> memref<16x128xf32, #tpu.memory_space<hbm>>
      tpu.enqueue_dma source(%dma_start3A_433 : memref<16x128xf32, #tpu.memory_space<hbm>>) target(%dma_start3A_431 : memref<16x128xf32, #tpu.memory_space<vmem>>) target_semaphore(%arg16 : memref<!tpu.dma_semaphore, #tpu.memory_space<semaphore_mem>>)
      %dma_start3A_434 = arith.constant 6 : i32
      %dma_start3A_435 = arith.constant 0 : i32
      %dma_start3A_436 = arith.constant 0 : i32
      %dma_start3A_437 = tpu.memref_slice %arg11[%dma_start3A_434, %dma_start3A_435, %dma_start3A_436] : memref<8x16x128xf32, #tpu.memory_space<vmem>> -> memref<1x16x128xf32, #tpu.memory_space<vmem>>
      %dma_start3A_438 = tpu.memref_squeeze %dma_start3A_437 : memref<1x16x128xf32, #tpu.memory_space<vmem>> -> memref<16x128xf32, #tpu.memory_space<vmem>>
      %dma_start3A_439 = arith.constant 16 : i32
      %dma_start3A_440 = tpu.memref_slice %arg4[%dma_start3A_439, %multiple_of3A_413] : memref<32x1000000xf32, #tpu.memory_space<hbm>> -> memref<16x128xf32, #tpu.memory_space<hbm>>
      %dma_start3A_441 = arith.constant 0 : i32
      %dma_start3A_442 = arith.constant 0 : i32
      %dma_start3A_443 = tpu.memref_slice %arg11[%dma_start3A_434, %dma_start3A_441, %dma_start3A_442] : memref<8x16x128xf32, #tpu.memory_space<vmem>> -> memref<1x16x128xf32, #tpu.memory_space<vmem>>
      %dma_start3A_444 = tpu.memref_squeeze %dma_start3A_443 : memref<1x16x128xf32, #tpu.memory_space<vmem>> -> memref<16x128xf32, #tpu.memory_space<vmem>>
      %dma_start3A_445 = arith.constant 16 : i32
      %dma_start3A_446 = tpu.memref_slice %arg4[%dma_start3A_445, %multiple_of3A_413] : memref<32x1000000xf32, #tpu.memory_space<hbm>> -> memref<16x128xf32, #tpu.memory_space<hbm>>
      tpu.enqueue_dma source(%dma_start3A_446 : memref<16x128xf32, #tpu.memory_space<hbm>>) target(%dma_start3A_444 : memref<16x128xf32, #tpu.memory_space<vmem>>) target_semaphore(%arg16 : memref<!tpu.dma_semaphore, #tpu.memory_space<semaphore_mem>>)
      %dma_start3A_447 = arith.constant 6 : i32
      %dma_start3A_448 = arith.constant 0 : i32
      %dma_start3A_449 = arith.constant 0 : i32
      %dma_start3A_450 = tpu.memref_slice %arg12[%dma_start3A_447, %dma_start3A_448, %dma_start3A_449] : memref<8x16x128xf32, #tpu.memory_space<vmem>> -> memref<1x16x128xf32, #tpu.memory_space<vmem>>
      %dma_start3A_451 = tpu.memref_squeeze %dma_start3A_450 : memref<1x16x128xf32, #tpu.memory_space<vmem>> -> memref<16x128xf32, #tpu.memory_space<vmem>>
      %dma_start3A_452 = arith.constant 0 : i32
      %dma_start3A_453 = tpu.memref_slice %arg5[%dma_start3A_452, %multiple_of3A_420] : memref<32x1000000xf32, #tpu.memory_space<hbm>> -> memref<16x128xf32, #tpu.memory_space<hbm>>
      %dma_start3A_454 = arith.constant 0 : i32
      %dma_start3A_455 = arith.constant 0 : i32
      %dma_start3A_456 = tpu.memref_slice %arg12[%dma_start3A_447, %dma_start3A_454, %dma_start3A_455] : memref<8x16x128xf32, #tpu.memory_space<vmem>> -> memref<1x16x128xf32, #tpu.memory_space<vmem>>
      %dma_start3A_457 = tpu.memref_squeeze %dma_start3A_456 : memref<1x16x128xf32, #tpu.memory_space<vmem>> -> memref<16x128xf32, #tpu.memory_space<vmem>>
      %dma_start3A_458 = arith.constant 0 : i32
      %dma_start3A_459 = tpu.memref_slice %arg5[%dma_start3A_458, %multiple_of3A_420] : memref<32x1000000xf32, #tpu.memory_space<hbm>> -> memref<16x128xf32, #tpu.memory_space<hbm>>
      tpu.enqueue_dma source(%dma_start3A_459 : memref<16x128xf32, #tpu.memory_space<hbm>>) target(%dma_start3A_457 : memref<16x128xf32, #tpu.memory_space<vmem>>) target_semaphore(%arg17 : memref<!tpu.dma_semaphore, #tpu.memory_space<semaphore_mem>>)
      %dma_start3A_460 = arith.constant 6 : i32
      %dma_start3A_461 = arith.constant 0 : i32
      %dma_start3A_462 = arith.constant 0 : i32
      %dma_start3A_463 = tpu.memref_slice %arg13[%dma_start3A_460, %dma_start3A_461, %dma_start3A_462] : memref<8x16x128xf32, #tpu.memory_space<vmem>> -> memref<1x16x128xf32, #tpu.memory_space<vmem>>
      %dma_start3A_464 = tpu.memref_squeeze %dma_start3A_463 : memref<1x16x128xf32, #tpu.memory_space<vmem>> -> memref<16x128xf32, #tpu.memory_space<vmem>>
      %dma_start3A_465 = arith.constant 16 : i32
      %dma_start3A_466 = tpu.memref_slice %arg5[%dma_start3A_465, %multiple_of3A_420] : memref<32x1000000xf32, #tpu.memory_space<hbm>> -> memref<16x128xf32, #tpu.memory_space<hbm>>
      %dma_start3A_467 = arith.constant 0 : i32
      %dma_start3A_468 = arith.constant 0 : i32
      %dma_start3A_469 = tpu.memref_slice %arg13[%dma_start3A_460, %dma_start3A_467, %dma_start3A_468] : memref<8x16x128xf32, #tpu.memory_space<vmem>> -> memref<1x16x128xf32, #tpu.memory_space<vmem>>
      %dma_start3A_470 = tpu.memref_squeeze %dma_start3A_469 : memref<1x16x128xf32, #tpu.memory_space<vmem>> -> memref<16x128xf32, #tpu.memory_space<vmem>>
      %dma_start3A_471 = arith.constant 16 : i32
      %dma_start3A_472 = tpu.memref_slice %arg5[%dma_start3A_471, %multiple_of3A_420] : memref<32x1000000xf32, #tpu.memory_space<hbm>> -> memref<16x128xf32, #tpu.memory_space<hbm>>
      tpu.enqueue_dma source(%dma_start3A_472 : memref<16x128xf32, #tpu.memory_space<hbm>>) target(%dma_start3A_470 : memref<16x128xf32, #tpu.memory_space<vmem>>) target_semaphore(%arg17 : memref<!tpu.dma_semaphore, #tpu.memory_space<semaphore_mem>>)
      %slice3A_473 = vector.extract_strided_slice %get3A_12 {offsets = [7], sizes = [1], strides = [1]} : vector<16xi32> to vector<1xi32>
      %squeeze3A_474 = vector.extract %slice3A_473[0] : i32 from vector<1xi32>
      %shift_right_arithmetic3A_475 = arith.constant 7 : i32
      %shift_right_arithmetic3A_476 = arith.shrsi %squeeze3A_474, %shift_right_arithmetic3A_475 : i32
      %shift_left3A_477 = arith.constant 7 : i32
      %shift_left3A_478 = arith.shli %shift_right_arithmetic3A_476, %shift_left3A_477 : i32
      %multiple_of3A_479 = tpu.assume_multiple %shift_left3A_478, 128 : i32
      %slice3A_480 = vector.extract_strided_slice %get3A_16 {offsets = [7], sizes = [1], strides = [1]} : vector<16xi32> to vector<1xi32>
      %squeeze3A_481 = vector.extract %slice3A_480[0] : i32 from vector<1xi32>
      %shift_right_arithmetic3A_482 = arith.constant 7 : i32
      %shift_right_arithmetic3A_483 = arith.shrsi %squeeze3A_481, %shift_right_arithmetic3A_482 : i32
      %shift_left3A_484 = arith.constant 7 : i32
      %shift_left3A_485 = arith.shli %shift_right_arithmetic3A_483, %shift_left3A_484 : i32
      %multiple_of3A_486 = tpu.assume_multiple %shift_left3A_485, 128 : i32
      %dma_start3A_487 = arith.constant 7 : i32
      %dma_start3A_488 = arith.constant 0 : i32
      %dma_start3A_489 = arith.constant 0 : i32
      %dma_start3A_490 = tpu.memref_slice %arg10[%dma_start3A_487, %dma_start3A_488, %dma_start3A_489] : memref<8x16x128xf32, #tpu.memory_space<vmem>> -> memref<1x16x128xf32, #tpu.memory_space<vmem>>
      %dma_start3A_491 = tpu.memref_squeeze %dma_start3A_490 : memref<1x16x128xf32, #tpu.memory_space<vmem>> -> memref<16x128xf32, #tpu.memory_space<vmem>>
      %dma_start3A_492 = arith.constant 0 : i32
      %dma_start3A_493 = tpu.memref_slice %arg4[%dma_start3A_492, %multiple_of3A_479] : memref<32x1000000xf32, #tpu.memory_space<hbm>> -> memref<16x128xf32, #tpu.memory_space<hbm>>
      %dma_start3A_494 = arith.constant 0 : i32
      %dma_start3A_495 = arith.constant 0 : i32
      %dma_start3A_496 = tpu.memref_slice %arg10[%dma_start3A_487, %dma_start3A_494, %dma_start3A_495] : memref<8x16x128xf32, #tpu.memory_space<vmem>> -> memref<1x16x128xf32, #tpu.memory_space<vmem>>
      %dma_start3A_497 = tpu.memref_squeeze %dma_start3A_496 : memref<1x16x128xf32, #tpu.memory_space<vmem>> -> memref<16x128xf32, #tpu.memory_space<vmem>>
      %dma_start3A_498 = arith.constant 0 : i32
      %dma_start3A_499 = tpu.memref_slice %arg4[%dma_start3A_498, %multiple_of3A_479] : memref<32x1000000xf32, #tpu.memory_space<hbm>> -> memref<16x128xf32, #tpu.memory_space<hbm>>
      tpu.enqueue_dma source(%dma_start3A_499 : memref<16x128xf32, #tpu.memory_space<hbm>>) target(%dma_start3A_497 : memref<16x128xf32, #tpu.memory_space<vmem>>) target_semaphore(%arg16 : memref<!tpu.dma_semaphore, #tpu.memory_space<semaphore_mem>>)
      %dma_start3A_500 = arith.constant 7 : i32
      %dma_start3A_501 = arith.constant 0 : i32
      %dma_start3A_502 = arith.constant 0 : i32
      %dma_start3A_503 = tpu.memref_slice %arg11[%dma_start3A_500, %dma_start3A_501, %dma_start3A_502] : memref<8x16x128xf32, #tpu.memory_space<vmem>> -> memref<1x16x128xf32, #tpu.memory_space<vmem>>
      %dma_start3A_504 = tpu.memref_squeeze %dma_start3A_503 : memref<1x16x128xf32, #tpu.memory_space<vmem>> -> memref<16x128xf32, #tpu.memory_space<vmem>>
      %dma_start3A_505 = arith.constant 16 : i32
      %dma_start3A_506 = tpu.memref_slice %arg4[%dma_start3A_505, %multiple_of3A_479] : memref<32x1000000xf32, #tpu.memory_space<hbm>> -> memref<16x128xf32, #tpu.memory_space<hbm>>
      %dma_start3A_507 = arith.constant 0 : i32
      %dma_start3A_508 = arith.constant 0 : i32
      %dma_start3A_509 = tpu.memref_slice %arg11[%dma_start3A_500, %dma_start3A_507, %dma_start3A_508] : memref<8x16x128xf32, #tpu.memory_space<vmem>> -> memref<1x16x128xf32, #tpu.memory_space<vmem>>
      %dma_start3A_510 = tpu.memref_squeeze %dma_start3A_509 : memref<1x16x128xf32, #tpu.memory_space<vmem>> -> memref<16x128xf32, #tpu.memory_space<vmem>>
      %dma_start3A_511 = arith.constant 16 : i32
      %dma_start3A_512 = tpu.memref_slice %arg4[%dma_start3A_511, %multiple_of3A_479] : memref<32x1000000xf32, #tpu.memory_space<hbm>> -> memref<16x128xf32, #tpu.memory_space<hbm>>
      tpu.enqueue_dma source(%dma_start3A_512 : memref<16x128xf32, #tpu.memory_space<hbm>>) target(%dma_start3A_510 : memref<16x128xf32, #tpu.memory_space<vmem>>) target_semaphore(%arg16 : memref<!tpu.dma_semaphore, #tpu.memory_space<semaphore_mem>>)
      %dma_start3A_513 = arith.constant 7 : i32
      %dma_start3A_514 = arith.constant 0 : i32
      %dma_start3A_515 = arith.constant 0 : i32
      %dma_start3A_516 = tpu.memref_slice %arg12[%dma_start3A_513, %dma_start3A_514, %dma_start3A_515] : memref<8x16x128xf32, #tpu.memory_space<vmem>> -> memref<1x16x128xf32, #tpu.memory_space<vmem>>
      %dma_start3A_517 = tpu.memref_squeeze %dma_start3A_516 : memref<1x16x128xf32, #tpu.memory_space<vmem>> -> memref<16x128xf32, #tpu.memory_space<vmem>>
      %dma_start3A_518 = arith.constant 0 : i32
      %dma_start3A_519 = tpu.memref_slice %arg5[%dma_start3A_518, %multiple_of3A_486] : memref<32x1000000xf32, #tpu.memory_space<hbm>> -> memref<16x128xf32, #tpu.memory_space<hbm>>
      %dma_start3A_520 = arith.constant 0 : i32
      %dma_start3A_521 = arith.constant 0 : i32
      %dma_start3A_522 = tpu.memref_slice %arg12[%dma_start3A_513, %dma_start3A_520, %dma_start3A_521] : memref<8x16x128xf32, #tpu.memory_space<vmem>> -> memref<1x16x128xf32, #tpu.memory_space<vmem>>
      %dma_start3A_523 = tpu.memref_squeeze %dma_start3A_522 : memref<1x16x128xf32, #tpu.memory_space<vmem>> -> memref<16x128xf32, #tpu.memory_space<vmem>>
      %dma_start3A_524 = arith.constant 0 : i32
      %dma_start3A_525 = tpu.memref_slice %arg5[%dma_start3A_524, %multiple_of3A_486] : memref<32x1000000xf32, #tpu.memory_space<hbm>> -> memref<16x128xf32, #tpu.memory_space<hbm>>
      tpu.enqueue_dma source(%dma_start3A_525 : memref<16x128xf32, #tpu.memory_space<hbm>>) target(%dma_start3A_523 : memref<16x128xf32, #tpu.memory_space<vmem>>) target_semaphore(%arg17 : memref<!tpu.dma_semaphore, #tpu.memory_space<semaphore_mem>>)
      %dma_start3A_526 = arith.constant 7 : i32
      %dma_start3A_527 = arith.constant 0 : i32
      %dma_start3A_528 = arith.constant 0 : i32
      %dma_start3A_529 = tpu.memref_slice %arg13[%dma_start3A_526, %dma_start3A_527, %dma_start3A_528] : memref<8x16x128xf32, #tpu.memory_space<vmem>> -> memref<1x16x128xf32, #tpu.memory_space<vmem>>
      %dma_start3A_530 = tpu.memref_squeeze %dma_start3A_529 : memref<1x16x128xf32, #tpu.memory_space<vmem>> -> memref<16x128xf32, #tpu.memory_space<vmem>>
      %dma_start3A_531 = arith.constant 16 : i32
      %dma_start3A_532 = tpu.memref_slice %arg5[%dma_start3A_531, %multiple_of3A_486] : memref<32x1000000xf32, #tpu.memory_space<hbm>> -> memref<16x128xf32, #tpu.memory_space<hbm>>
      %dma_start3A_533 = arith.constant 0 : i32
      %dma_start3A_534 = arith.constant 0 : i32
      %dma_start3A_535 = tpu.memref_slice %arg13[%dma_start3A_526, %dma_start3A_533, %dma_start3A_534] : memref<8x16x128xf32, #tpu.memory_space<vmem>> -> memref<1x16x128xf32, #tpu.memory_space<vmem>>
      %dma_start3A_536 = tpu.memref_squeeze %dma_start3A_535 : memref<1x16x128xf32, #tpu.memory_space<vmem>> -> memref<16x128xf32, #tpu.memory_space<vmem>>
      %dma_start3A_537 = arith.constant 16 : i32
      %dma_start3A_538 = tpu.memref_slice %arg5[%dma_start3A_537, %multiple_of3A_486] : memref<32x1000000xf32, #tpu.memory_space<hbm>> -> memref<16x128xf32, #tpu.memory_space<hbm>>
      tpu.enqueue_dma source(%dma_start3A_538 : memref<16x128xf32, #tpu.memory_space<hbm>>) target(%dma_start3A_536 : memref<16x128xf32, #tpu.memory_space<vmem>>) target_semaphore(%arg17 : memref<!tpu.dma_semaphore, #tpu.memory_space<semaphore_mem>>)
      %dma_wait3A = arith.constant 0 : i32
      %dma_wait3A_539 = arith.constant 0 : i32
      %dma_wait3A_540 = arith.constant 0 : i32
      %dma_wait3A_541 = tpu.memref_slice %arg10[%dma_wait3A, %dma_wait3A_539, %dma_wait3A_540] : memref<8x16x128xf32, #tpu.memory_space<vmem>> -> memref<1x16x128xf32, #tpu.memory_space<vmem>>
      %dma_wait3A_542 = tpu.memref_squeeze %dma_wait3A_541 : memref<1x16x128xf32, #tpu.memory_space<vmem>> -> memref<16x128xf32, #tpu.memory_space<vmem>>
      %dma_wait3A_543 = arith.constant 0 : i32
      %dma_wait3A_544 = tpu.memref_slice %arg4[%dma_wait3A_543, %multiple_of3A] : memref<32x1000000xf32, #tpu.memory_space<hbm>> -> memref<16x128xf32, #tpu.memory_space<hbm>>
      %dma_wait3A_545 = arith.constant 0 : i32
      %dma_wait3A_546 = arith.constant 0 : i32
      %dma_wait3A_547 = tpu.memref_slice %arg10[%dma_wait3A, %dma_wait3A_545, %dma_wait3A_546] : memref<8x16x128xf32, #tpu.memory_space<vmem>> -> memref<1x16x128xf32, #tpu.memory_space<vmem>>
      %dma_wait3A_548 = tpu.memref_squeeze %dma_wait3A_547 : memref<1x16x128xf32, #tpu.memory_space<vmem>> -> memref<16x128xf32, #tpu.memory_space<vmem>>
      %dma_wait3A_549 = arith.constant 0 : i32
      %dma_wait3A_550 = tpu.memref_slice %arg4[%dma_wait3A_549, %multiple_of3A] : memref<32x1000000xf32, #tpu.memory_space<hbm>> -> memref<16x128xf32, #tpu.memory_space<hbm>>
      tpu.wait_dma2 semaphore(%arg16 : memref<!tpu.dma_semaphore, #tpu.memory_space<semaphore_mem>>) src(%dma_wait3A_550 : memref<16x128xf32, #tpu.memory_space<hbm>>) dst(%dma_wait3A_548 : memref<16x128xf32, #tpu.memory_space<vmem>>)
      %dma_wait3A_551 = arith.constant 0 : i32
      %dma_wait3A_552 = arith.constant 0 : i32
      %dma_wait3A_553 = arith.constant 0 : i32
      %dma_wait3A_554 = tpu.memref_slice %arg11[%dma_wait3A_551, %dma_wait3A_552, %dma_wait3A_553] : memref<8x16x128xf32, #tpu.memory_space<vmem>> -> memref<1x16x128xf32, #tpu.memory_space<vmem>>
      %dma_wait3A_555 = tpu.memref_squeeze %dma_wait3A_554 : memref<1x16x128xf32, #tpu.memory_space<vmem>> -> memref<16x128xf32, #tpu.memory_space<vmem>>
      %dma_wait3A_556 = arith.constant 16 : i32
      %dma_wait3A_557 = tpu.memref_slice %arg4[%dma_wait3A_556, %multiple_of3A] : memref<32x1000000xf32, #tpu.memory_space<hbm>> -> memref<16x128xf32, #tpu.memory_space<hbm>>
      %dma_wait3A_558 = arith.constant 0 : i32
      %dma_wait3A_559 = arith.constant 0 : i32
      %dma_wait3A_560 = tpu.memref_slice %arg11[%dma_wait3A_551, %dma_wait3A_558, %dma_wait3A_559] : memref<8x16x128xf32, #tpu.memory_space<vmem>> -> memref<1x16x128xf32, #tpu.memory_space<vmem>>
      %dma_wait3A_561 = tpu.memref_squeeze %dma_wait3A_560 : memref<1x16x128xf32, #tpu.memory_space<vmem>> -> memref<16x128xf32, #tpu.memory_space<vmem>>
      %dma_wait3A_562 = arith.constant 16 : i32
      %dma_wait3A_563 = tpu.memref_slice %arg4[%dma_wait3A_562, %multiple_of3A] : memref<32x1000000xf32, #tpu.memory_space<hbm>> -> memref<16x128xf32, #tpu.memory_space<hbm>>
      tpu.wait_dma2 semaphore(%arg16 : memref<!tpu.dma_semaphore, #tpu.memory_space<semaphore_mem>>) src(%dma_wait3A_563 : memref<16x128xf32, #tpu.memory_space<hbm>>) dst(%dma_wait3A_561 : memref<16x128xf32, #tpu.memory_space<vmem>>)
      %dma_wait3A_564 = arith.constant 0 : i32
      %dma_wait3A_565 = arith.constant 0 : i32
      %dma_wait3A_566 = arith.constant 0 : i32
      %dma_wait3A_567 = tpu.memref_slice %arg12[%dma_wait3A_564, %dma_wait3A_565, %dma_wait3A_566] : memref<8x16x128xf32, #tpu.memory_space<vmem>> -> memref<1x16x128xf32, #tpu.memory_space<vmem>>
      %dma_wait3A_568 = tpu.memref_squeeze %dma_wait3A_567 : memref<1x16x128xf32, #tpu.memory_space<vmem>> -> memref<16x128xf32, #tpu.memory_space<vmem>>
      %dma_wait3A_569 = arith.constant 0 : i32
      %dma_wait3A_570 = tpu.memref_slice %arg5[%dma_wait3A_569, %multiple_of3A_25] : memref<32x1000000xf32, #tpu.memory_space<hbm>> -> memref<16x128xf32, #tpu.memory_space<hbm>>
      %dma_wait3A_571 = arith.constant 0 : i32
      %dma_wait3A_572 = arith.constant 0 : i32
      %dma_wait3A_573 = tpu.memref_slice %arg12[%dma_wait3A_564, %dma_wait3A_571, %dma_wait3A_572] : memref<8x16x128xf32, #tpu.memory_space<vmem>> -> memref<1x16x128xf32, #tpu.memory_space<vmem>>
      %dma_wait3A_574 = tpu.memref_squeeze %dma_wait3A_573 : memref<1x16x128xf32, #tpu.memory_space<vmem>> -> memref<16x128xf32, #tpu.memory_space<vmem>>
      %dma_wait3A_575 = arith.constant 0 : i32
      %dma_wait3A_576 = tpu.memref_slice %arg5[%dma_wait3A_575, %multiple_of3A_25] : memref<32x1000000xf32, #tpu.memory_space<hbm>> -> memref<16x128xf32, #tpu.memory_space<hbm>>
      tpu.wait_dma2 semaphore(%arg17 : memref<!tpu.dma_semaphore, #tpu.memory_space<semaphore_mem>>) src(%dma_wait3A_576 : memref<16x128xf32, #tpu.memory_space<hbm>>) dst(%dma_wait3A_574 : memref<16x128xf32, #tpu.memory_space<vmem>>)
      %dma_wait3A_577 = arith.constant 0 : i32
      %dma_wait3A_578 = arith.constant 0 : i32
      %dma_wait3A_579 = arith.constant 0 : i32
      %dma_wait3A_580 = tpu.memref_slice %arg13[%dma_wait3A_577, %dma_wait3A_578, %dma_wait3A_579] : memref<8x16x128xf32, #tpu.memory_space<vmem>> -> memref<1x16x128xf32, #tpu.memory_space<vmem>>
      %dma_wait3A_581 = tpu.memref_squeeze %dma_wait3A_580 : memref<1x16x128xf32, #tpu.memory_space<vmem>> -> memref<16x128xf32, #tpu.memory_space<vmem>>
      %dma_wait3A_582 = arith.constant 16 : i32
      %dma_wait3A_583 = tpu.memref_slice %arg5[%dma_wait3A_582, %multiple_of3A_25] : memref<32x1000000xf32, #tpu.memory_space<hbm>> -> memref<16x128xf32, #tpu.memory_space<hbm>>
      %dma_wait3A_584 = arith.constant 0 : i32
      %dma_wait3A_585 = arith.constant 0 : i32
      %dma_wait3A_586 = tpu.memref_slice %arg13[%dma_wait3A_577, %dma_wait3A_584, %dma_wait3A_585] : memref<8x16x128xf32, #tpu.memory_space<vmem>> -> memref<1x16x128xf32, #tpu.memory_space<vmem>>
      %dma_wait3A_587 = tpu.memref_squeeze %dma_wait3A_586 : memref<1x16x128xf32, #tpu.memory_space<vmem>> -> memref<16x128xf32, #tpu.memory_space<vmem>>
      %dma_wait3A_588 = arith.constant 16 : i32
      %dma_wait3A_589 = tpu.memref_slice %arg5[%dma_wait3A_588, %multiple_of3A_25] : memref<32x1000000xf32, #tpu.memory_space<hbm>> -> memref<16x128xf32, #tpu.memory_space<hbm>>
      tpu.wait_dma2 semaphore(%arg17 : memref<!tpu.dma_semaphore, #tpu.memory_space<semaphore_mem>>) src(%dma_wait3A_589 : memref<16x128xf32, #tpu.memory_space<hbm>>) dst(%dma_wait3A_587 : memref<16x128xf32, #tpu.memory_space<vmem>>)
      %dma_wait3A_590 = arith.constant 1 : i32
      %dma_wait3A_591 = arith.constant 0 : i32
      %dma_wait3A_592 = arith.constant 0 : i32
      %dma_wait3A_593 = tpu.memref_slice %arg10[%dma_wait3A_590, %dma_wait3A_591, %dma_wait3A_592] : memref<8x16x128xf32, #tpu.memory_space<vmem>> -> memref<1x16x128xf32, #tpu.memory_space<vmem>>
      %dma_wait3A_594 = tpu.memref_squeeze %dma_wait3A_593 : memref<1x16x128xf32, #tpu.memory_space<vmem>> -> memref<16x128xf32, #tpu.memory_space<vmem>>
      %dma_wait3A_595 = arith.constant 0 : i32
      %dma_wait3A_596 = tpu.memref_slice %arg4[%dma_wait3A_595, %multiple_of3A_83] : memref<32x1000000xf32, #tpu.memory_space<hbm>> -> memref<16x128xf32, #tpu.memory_space<hbm>>
      %dma_wait3A_597 = arith.constant 0 : i32
      %dma_wait3A_598 = arith.constant 0 : i32
      %dma_wait3A_599 = tpu.memref_slice %arg10[%dma_wait3A_590, %dma_wait3A_597, %dma_wait3A_598] : memref<8x16x128xf32, #tpu.memory_space<vmem>> -> memref<1x16x128xf32, #tpu.memory_space<vmem>>
      %dma_wait3A_600 = tpu.memref_squeeze %dma_wait3A_599 : memref<1x16x128xf32, #tpu.memory_space<vmem>> -> memref<16x128xf32, #tpu.memory_space<vmem>>
      %dma_wait3A_601 = arith.constant 0 : i32
      %dma_wait3A_602 = tpu.memref_slice %arg4[%dma_wait3A_601, %multiple_of3A_83] : memref<32x1000000xf32, #tpu.memory_space<hbm>> -> memref<16x128xf32, #tpu.memory_space<hbm>>
      tpu.wait_dma2 semaphore(%arg16 : memref<!tpu.dma_semaphore, #tpu.memory_space<semaphore_mem>>) src(%dma_wait3A_602 : memref<16x128xf32, #tpu.memory_space<hbm>>) dst(%dma_wait3A_600 : memref<16x128xf32, #tpu.memory_space<vmem>>)
      %dma_wait3A_603 = arith.constant 1 : i32
      %dma_wait3A_604 = arith.constant 0 : i32
      %dma_wait3A_605 = arith.constant 0 : i32
      %dma_wait3A_606 = tpu.memref_slice %arg11[%dma_wait3A_603, %dma_wait3A_604, %dma_wait3A_605] : memref<8x16x128xf32, #tpu.memory_space<vmem>> -> memref<1x16x128xf32, #tpu.memory_space<vmem>>
      %dma_wait3A_607 = tpu.memref_squeeze %dma_wait3A_606 : memref<1x16x128xf32, #tpu.memory_space<vmem>> -> memref<16x128xf32, #tpu.memory_space<vmem>>
      %dma_wait3A_608 = arith.constant 16 : i32
      %dma_wait3A_609 = tpu.memref_slice %arg4[%dma_wait3A_608, %multiple_of3A_83] : memref<32x1000000xf32, #tpu.memory_space<hbm>> -> memref<16x128xf32, #tpu.memory_space<hbm>>
      %dma_wait3A_610 = arith.constant 0 : i32
      %dma_wait3A_611 = arith.constant 0 : i32
      %dma_wait3A_612 = tpu.memref_slice %arg11[%dma_wait3A_603, %dma_wait3A_610, %dma_wait3A_611] : memref<8x16x128xf32, #tpu.memory_space<vmem>> -> memref<1x16x128xf32, #tpu.memory_space<vmem>>
      %dma_wait3A_613 = tpu.memref_squeeze %dma_wait3A_612 : memref<1x16x128xf32, #tpu.memory_space<vmem>> -> memref<16x128xf32, #tpu.memory_space<vmem>>
      %dma_wait3A_614 = arith.constant 16 : i32
      %dma_wait3A_615 = tpu.memref_slice %arg4[%dma_wait3A_614, %multiple_of3A_83] : memref<32x1000000xf32, #tpu.memory_space<hbm>> -> memref<16x128xf32, #tpu.memory_space<hbm>>
      tpu.wait_dma2 semaphore(%arg16 : memref<!tpu.dma_semaphore, #tpu.memory_space<semaphore_mem>>) src(%dma_wait3A_615 : memref<16x128xf32, #tpu.memory_space<hbm>>) dst(%dma_wait3A_613 : memref<16x128xf32, #tpu.memory_space<vmem>>)
      %dma_wait3A_616 = arith.constant 1 : i32
      %dma_wait3A_617 = arith.constant 0 : i32
      %dma_wait3A_618 = arith.constant 0 : i32
      %dma_wait3A_619 = tpu.memref_slice %arg12[%dma_wait3A_616, %dma_wait3A_617, %dma_wait3A_618] : memref<8x16x128xf32, #tpu.memory_space<vmem>> -> memref<1x16x128xf32, #tpu.memory_space<vmem>>
      %dma_wait3A_620 = tpu.memref_squeeze %dma_wait3A_619 : memref<1x16x128xf32, #tpu.memory_space<vmem>> -> memref<16x128xf32, #tpu.memory_space<vmem>>
      %dma_wait3A_621 = arith.constant 0 : i32
      %dma_wait3A_622 = tpu.memref_slice %arg5[%dma_wait3A_621, %multiple_of3A_90] : memref<32x1000000xf32, #tpu.memory_space<hbm>> -> memref<16x128xf32, #tpu.memory_space<hbm>>
      %dma_wait3A_623 = arith.constant 0 : i32
      %dma_wait3A_624 = arith.constant 0 : i32
      %dma_wait3A_625 = tpu.memref_slice %arg12[%dma_wait3A_616, %dma_wait3A_623, %dma_wait3A_624] : memref<8x16x128xf32, #tpu.memory_space<vmem>> -> memref<1x16x128xf32, #tpu.memory_space<vmem>>
      %dma_wait3A_626 = tpu.memref_squeeze %dma_wait3A_625 : memref<1x16x128xf32, #tpu.memory_space<vmem>> -> memref<16x128xf32, #tpu.memory_space<vmem>>
      %dma_wait3A_627 = arith.constant 0 : i32
      %dma_wait3A_628 = tpu.memref_slice %arg5[%dma_wait3A_627, %multiple_of3A_90] : memref<32x1000000xf32, #tpu.memory_space<hbm>> -> memref<16x128xf32, #tpu.memory_space<hbm>>
      tpu.wait_dma2 semaphore(%arg17 : memref<!tpu.dma_semaphore, #tpu.memory_space<semaphore_mem>>) src(%dma_wait3A_628 : memref<16x128xf32, #tpu.memory_space<hbm>>) dst(%dma_wait3A_626 : memref<16x128xf32, #tpu.memory_space<vmem>>)
      %dma_wait3A_629 = arith.constant 1 : i32
      %dma_wait3A_630 = arith.constant 0 : i32
      %dma_wait3A_631 = arith.constant 0 : i32
      %dma_wait3A_632 = tpu.memref_slice %arg13[%dma_wait3A_629, %dma_wait3A_630, %dma_wait3A_631] : memref<8x16x128xf32, #tpu.memory_space<vmem>> -> memref<1x16x128xf32, #tpu.memory_space<vmem>>
      %dma_wait3A_633 = tpu.memref_squeeze %dma_wait3A_632 : memref<1x16x128xf32, #tpu.memory_space<vmem>> -> memref<16x128xf32, #tpu.memory_space<vmem>>
      %dma_wait3A_634 = arith.constant 16 : i32
      %dma_wait3A_635 = tpu.memref_slice %arg5[%dma_wait3A_634, %multiple_of3A_90] : memref<32x1000000xf32, #tpu.memory_space<hbm>> -> memref<16x128xf32, #tpu.memory_space<hbm>>
      %dma_wait3A_636 = arith.constant 0 : i32
      %dma_wait3A_637 = arith.constant 0 : i32
      %dma_wait3A_638 = tpu.memref_slice %arg13[%dma_wait3A_629, %dma_wait3A_636, %dma_wait3A_637] : memref<8x16x128xf32, #tpu.memory_space<vmem>> -> memref<1x16x128xf32, #tpu.memory_space<vmem>>
      %dma_wait3A_639 = tpu.memref_squeeze %dma_wait3A_638 : memref<1x16x128xf32, #tpu.memory_space<vmem>> -> memref<16x128xf32, #tpu.memory_space<vmem>>
      %dma_wait3A_640 = arith.constant 16 : i32
      %dma_wait3A_641 = tpu.memref_slice %arg5[%dma_wait3A_640, %multiple_of3A_90] : memref<32x1000000xf32, #tpu.memory_space<hbm>> -> memref<16x128xf32, #tpu.memory_space<hbm>>
      tpu.wait_dma2 semaphore(%arg17 : memref<!tpu.dma_semaphore, #tpu.memory_space<semaphore_mem>>) src(%dma_wait3A_641 : memref<16x128xf32, #tpu.memory_space<hbm>>) dst(%dma_wait3A_639 : memref<16x128xf32, #tpu.memory_space<vmem>>)
      %dma_wait3A_642 = arith.constant 2 : i32
      %dma_wait3A_643 = arith.constant 0 : i32
      %dma_wait3A_644 = arith.constant 0 : i32
      %dma_wait3A_645 = tpu.memref_slice %arg10[%dma_wait3A_642, %dma_wait3A_643, %dma_wait3A_644] : memref<8x16x128xf32, #tpu.memory_space<vmem>> -> memref<1x16x128xf32, #tpu.memory_space<vmem>>
      %dma_wait3A_646 = tpu.memref_squeeze %dma_wait3A_645 : memref<1x16x128xf32, #tpu.memory_space<vmem>> -> memref<16x128xf32, #tpu.memory_space<vmem>>
      %dma_wait3A_647 = arith.constant 0 : i32
      %dma_wait3A_648 = tpu.memref_slice %arg4[%dma_wait3A_647, %multiple_of3A_149] : memref<32x1000000xf32, #tpu.memory_space<hbm>> -> memref<16x128xf32, #tpu.memory_space<hbm>>
      %dma_wait3A_649 = arith.constant 0 : i32
      %dma_wait3A_650 = arith.constant 0 : i32
      %dma_wait3A_651 = tpu.memref_slice %arg10[%dma_wait3A_642, %dma_wait3A_649, %dma_wait3A_650] : memref<8x16x128xf32, #tpu.memory_space<vmem>> -> memref<1x16x128xf32, #tpu.memory_space<vmem>>
      %dma_wait3A_652 = tpu.memref_squeeze %dma_wait3A_651 : memref<1x16x128xf32, #tpu.memory_space<vmem>> -> memref<16x128xf32, #tpu.memory_space<vmem>>
      %dma_wait3A_653 = arith.constant 0 : i32
      %dma_wait3A_654 = tpu.memref_slice %arg4[%dma_wait3A_653, %multiple_of3A_149] : memref<32x1000000xf32, #tpu.memory_space<hbm>> -> memref<16x128xf32, #tpu.memory_space<hbm>>
      tpu.wait_dma2 semaphore(%arg16 : memref<!tpu.dma_semaphore, #tpu.memory_space<semaphore_mem>>) src(%dma_wait3A_654 : memref<16x128xf32, #tpu.memory_space<hbm>>) dst(%dma_wait3A_652 : memref<16x128xf32, #tpu.memory_space<vmem>>)
      %dma_wait3A_655 = arith.constant 2 : i32
      %dma_wait3A_656 = arith.constant 0 : i32
      %dma_wait3A_657 = arith.constant 0 : i32
      %dma_wait3A_658 = tpu.memref_slice %arg11[%dma_wait3A_655, %dma_wait3A_656, %dma_wait3A_657] : memref<8x16x128xf32, #tpu.memory_space<vmem>> -> memref<1x16x128xf32, #tpu.memory_space<vmem>>
      %dma_wait3A_659 = tpu.memref_squeeze %dma_wait3A_658 : memref<1x16x128xf32, #tpu.memory_space<vmem>> -> memref<16x128xf32, #tpu.memory_space<vmem>>
      %dma_wait3A_660 = arith.constant 16 : i32
      %dma_wait3A_661 = tpu.memref_slice %arg4[%dma_wait3A_660, %multiple_of3A_149] : memref<32x1000000xf32, #tpu.memory_space<hbm>> -> memref<16x128xf32, #tpu.memory_space<hbm>>
      %dma_wait3A_662 = arith.constant 0 : i32
      %dma_wait3A_663 = arith.constant 0 : i32
      %dma_wait3A_664 = tpu.memref_slice %arg11[%dma_wait3A_655, %dma_wait3A_662, %dma_wait3A_663] : memref<8x16x128xf32, #tpu.memory_space<vmem>> -> memref<1x16x128xf32, #tpu.memory_space<vmem>>
      %dma_wait3A_665 = tpu.memref_squeeze %dma_wait3A_664 : memref<1x16x128xf32, #tpu.memory_space<vmem>> -> memref<16x128xf32, #tpu.memory_space<vmem>>
      %dma_wait3A_666 = arith.constant 16 : i32
      %dma_wait3A_667 = tpu.memref_slice %arg4[%dma_wait3A_666, %multiple_of3A_149] : memref<32x1000000xf32, #tpu.memory_space<hbm>> -> memref<16x128xf32, #tpu.memory_space<hbm>>
      tpu.wait_dma2 semaphore(%arg16 : memref<!tpu.dma_semaphore, #tpu.memory_space<semaphore_mem>>) src(%dma_wait3A_667 : memref<16x128xf32, #tpu.memory_space<hbm>>) dst(%dma_wait3A_665 : memref<16x128xf32, #tpu.memory_space<vmem>>)
      %dma_wait3A_668 = arith.constant 2 : i32
      %dma_wait3A_669 = arith.constant 0 : i32
      %dma_wait3A_670 = arith.constant 0 : i32
      %dma_wait3A_671 = tpu.memref_slice %arg12[%dma_wait3A_668, %dma_wait3A_669, %dma_wait3A_670] : memref<8x16x128xf32, #tpu.memory_space<vmem>> -> memref<1x16x128xf32, #tpu.memory_space<vmem>>
      %dma_wait3A_672 = tpu.memref_squeeze %dma_wait3A_671 : memref<1x16x128xf32, #tpu.memory_space<vmem>> -> memref<16x128xf32, #tpu.memory_space<vmem>>
      %dma_wait3A_673 = arith.constant 0 : i32
      %dma_wait3A_674 = tpu.memref_slice %arg5[%dma_wait3A_673, %multiple_of3A_156] : memref<32x1000000xf32, #tpu.memory_space<hbm>> -> memref<16x128xf32, #tpu.memory_space<hbm>>
      %dma_wait3A_675 = arith.constant 0 : i32
      %dma_wait3A_676 = arith.constant 0 : i32
      %dma_wait3A_677 = tpu.memref_slice %arg12[%dma_wait3A_668, %dma_wait3A_675, %dma_wait3A_676] : memref<8x16x128xf32, #tpu.memory_space<vmem>> -> memref<1x16x128xf32, #tpu.memory_space<vmem>>
      %dma_wait3A_678 = tpu.memref_squeeze %dma_wait3A_677 : memref<1x16x128xf32, #tpu.memory_space<vmem>> -> memref<16x128xf32, #tpu.memory_space<vmem>>
      %dma_wait3A_679 = arith.constant 0 : i32
      %dma_wait3A_680 = tpu.memref_slice %arg5[%dma_wait3A_679, %multiple_of3A_156] : memref<32x1000000xf32, #tpu.memory_space<hbm>> -> memref<16x128xf32, #tpu.memory_space<hbm>>
      tpu.wait_dma2 semaphore(%arg17 : memref<!tpu.dma_semaphore, #tpu.memory_space<semaphore_mem>>) src(%dma_wait3A_680 : memref<16x128xf32, #tpu.memory_space<hbm>>) dst(%dma_wait3A_678 : memref<16x128xf32, #tpu.memory_space<vmem>>)
      %dma_wait3A_681 = arith.constant 2 : i32
      %dma_wait3A_682 = arith.constant 0 : i32
      %dma_wait3A_683 = arith.constant 0 : i32
      %dma_wait3A_684 = tpu.memref_slice %arg13[%dma_wait3A_681, %dma_wait3A_682, %dma_wait3A_683] : memref<8x16x128xf32, #tpu.memory_space<vmem>> -> memref<1x16x128xf32, #tpu.memory_space<vmem>>
      %dma_wait3A_685 = tpu.memref_squeeze %dma_wait3A_684 : memref<1x16x128xf32, #tpu.memory_space<vmem>> -> memref<16x128xf32, #tpu.memory_space<vmem>>
      %dma_wait3A_686 = arith.constant 16 : i32
      %dma_wait3A_687 = tpu.memref_slice %arg5[%dma_wait3A_686, %multiple_of3A_156] : memref<32x1000000xf32, #tpu.memory_space<hbm>> -> memref<16x128xf32, #tpu.memory_space<hbm>>
      %dma_wait3A_688 = arith.constant 0 : i32
      %dma_wait3A_689 = arith.constant 0 : i32
      %dma_wait3A_690 = tpu.memref_slice %arg13[%dma_wait3A_681, %dma_wait3A_688, %dma_wait3A_689] : memref<8x16x128xf32, #tpu.memory_space<vmem>> -> memref<1x16x128xf32, #tpu.memory_space<vmem>>
      %dma_wait3A_691 = tpu.memref_squeeze %dma_wait3A_690 : memref<1x16x128xf32, #tpu.memory_space<vmem>> -> memref<16x128xf32, #tpu.memory_space<vmem>>
      %dma_wait3A_692 = arith.constant 16 : i32
      %dma_wait3A_693 = tpu.memref_slice %arg5[%dma_wait3A_692, %multiple_of3A_156] : memref<32x1000000xf32, #tpu.memory_space<hbm>> -> memref<16x128xf32, #tpu.memory_space<hbm>>
      tpu.wait_dma2 semaphore(%arg17 : memref<!tpu.dma_semaphore, #tpu.memory_space<semaphore_mem>>) src(%dma_wait3A_693 : memref<16x128xf32, #tpu.memory_space<hbm>>) dst(%dma_wait3A_691 : memref<16x128xf32, #tpu.memory_space<vmem>>)
      %dma_wait3A_694 = arith.constant 3 : i32
      %dma_wait3A_695 = arith.constant 0 : i32
      %dma_wait3A_696 = arith.constant 0 : i32
      %dma_wait3A_697 = tpu.memref_slice %arg10[%dma_wait3A_694, %dma_wait3A_695, %dma_wait3A_696] : memref<8x16x128xf32, #tpu.memory_space<vmem>> -> memref<1x16x128xf32, #tpu.memory_space<vmem>>
      %dma_wait3A_698 = tpu.memref_squeeze %dma_wait3A_697 : memref<1x16x128xf32, #tpu.memory_space<vmem>> -> memref<16x128xf32, #tpu.memory_space<vmem>>
      %dma_wait3A_699 = arith.constant 0 : i32
      %dma_wait3A_700 = tpu.memref_slice %arg4[%dma_wait3A_699, %multiple_of3A_215] : memref<32x1000000xf32, #tpu.memory_space<hbm>> -> memref<16x128xf32, #tpu.memory_space<hbm>>
      %dma_wait3A_701 = arith.constant 0 : i32
      %dma_wait3A_702 = arith.constant 0 : i32
      %dma_wait3A_703 = tpu.memref_slice %arg10[%dma_wait3A_694, %dma_wait3A_701, %dma_wait3A_702] : memref<8x16x128xf32, #tpu.memory_space<vmem>> -> memref<1x16x128xf32, #tpu.memory_space<vmem>>
      %dma_wait3A_704 = tpu.memref_squeeze %dma_wait3A_703 : memref<1x16x128xf32, #tpu.memory_space<vmem>> -> memref<16x128xf32, #tpu.memory_space<vmem>>
      %dma_wait3A_705 = arith.constant 0 : i32
      %dma_wait3A_706 = tpu.memref_slice %arg4[%dma_wait3A_705, %multiple_of3A_215] : memref<32x1000000xf32, #tpu.memory_space<hbm>> -> memref<16x128xf32, #tpu.memory_space<hbm>>
      tpu.wait_dma2 semaphore(%arg16 : memref<!tpu.dma_semaphore, #tpu.memory_space<semaphore_mem>>) src(%dma_wait3A_706 : memref<16x128xf32, #tpu.memory_space<hbm>>) dst(%dma_wait3A_704 : memref<16x128xf32, #tpu.memory_space<vmem>>)
      %dma_wait3A_707 = arith.constant 3 : i32
      %dma_wait3A_708 = arith.constant 0 : i32
      %dma_wait3A_709 = arith.constant 0 : i32
      %dma_wait3A_710 = tpu.memref_slice %arg11[%dma_wait3A_707, %dma_wait3A_708, %dma_wait3A_709] : memref<8x16x128xf32, #tpu.memory_space<vmem>> -> memref<1x16x128xf32, #tpu.memory_space<vmem>>
      %dma_wait3A_711 = tpu.memref_squeeze %dma_wait3A_710 : memref<1x16x128xf32, #tpu.memory_space<vmem>> -> memref<16x128xf32, #tpu.memory_space<vmem>>
      %dma_wait3A_712 = arith.constant 16 : i32
      %dma_wait3A_713 = tpu.memref_slice %arg4[%dma_wait3A_712, %multiple_of3A_215] : memref<32x1000000xf32, #tpu.memory_space<hbm>> -> memref<16x128xf32, #tpu.memory_space<hbm>>
      %dma_wait3A_714 = arith.constant 0 : i32
      %dma_wait3A_715 = arith.constant 0 : i32
      %dma_wait3A_716 = tpu.memref_slice %arg11[%dma_wait3A_707, %dma_wait3A_714, %dma_wait3A_715] : memref<8x16x128xf32, #tpu.memory_space<vmem>> -> memref<1x16x128xf32, #tpu.memory_space<vmem>>
      %dma_wait3A_717 = tpu.memref_squeeze %dma_wait3A_716 : memref<1x16x128xf32, #tpu.memory_space<vmem>> -> memref<16x128xf32, #tpu.memory_space<vmem>>
      %dma_wait3A_718 = arith.constant 16 : i32
      %dma_wait3A_719 = tpu.memref_slice %arg4[%dma_wait3A_718, %multiple_of3A_215] : memref<32x1000000xf32, #tpu.memory_space<hbm>> -> memref<16x128xf32, #tpu.memory_space<hbm>>
      tpu.wait_dma2 semaphore(%arg16 : memref<!tpu.dma_semaphore, #tpu.memory_space<semaphore_mem>>) src(%dma_wait3A_719 : memref<16x128xf32, #tpu.memory_space<hbm>>) dst(%dma_wait3A_717 : memref<16x128xf32, #tpu.memory_space<vmem>>)
      %dma_wait3A_720 = arith.constant 3 : i32
      %dma_wait3A_721 = arith.constant 0 : i32
      %dma_wait3A_722 = arith.constant 0 : i32
      %dma_wait3A_723 = tpu.memref_slice %arg12[%dma_wait3A_720, %dma_wait3A_721, %dma_wait3A_722] : memref<8x16x128xf32, #tpu.memory_space<vmem>> -> memref<1x16x128xf32, #tpu.memory_space<vmem>>
      %dma_wait3A_724 = tpu.memref_squeeze %dma_wait3A_723 : memref<1x16x128xf32, #tpu.memory_space<vmem>> -> memref<16x128xf32, #tpu.memory_space<vmem>>
      %dma_wait3A_725 = arith.constant 0 : i32
      %dma_wait3A_726 = tpu.memref_slice %arg5[%dma_wait3A_725, %multiple_of3A_222] : memref<32x1000000xf32, #tpu.memory_space<hbm>> -> memref<16x128xf32, #tpu.memory_space<hbm>>
      %dma_wait3A_727 = arith.constant 0 : i32
      %dma_wait3A_728 = arith.constant 0 : i32
      %dma_wait3A_729 = tpu.memref_slice %arg12[%dma_wait3A_720, %dma_wait3A_727, %dma_wait3A_728] : memref<8x16x128xf32, #tpu.memory_space<vmem>> -> memref<1x16x128xf32, #tpu.memory_space<vmem>>
      %dma_wait3A_730 = tpu.memref_squeeze %dma_wait3A_729 : memref<1x16x128xf32, #tpu.memory_space<vmem>> -> memref<16x128xf32, #tpu.memory_space<vmem>>
      %dma_wait3A_731 = arith.constant 0 : i32
      %dma_wait3A_732 = tpu.memref_slice %arg5[%dma_wait3A_731, %multiple_of3A_222] : memref<32x1000000xf32, #tpu.memory_space<hbm>> -> memref<16x128xf32, #tpu.memory_space<hbm>>
      tpu.wait_dma2 semaphore(%arg17 : memref<!tpu.dma_semaphore, #tpu.memory_space<semaphore_mem>>) src(%dma_wait3A_732 : memref<16x128xf32, #tpu.memory_space<hbm>>) dst(%dma_wait3A_730 : memref<16x128xf32, #tpu.memory_space<vmem>>)
      %dma_wait3A_733 = arith.constant 3 : i32
      %dma_wait3A_734 = arith.constant 0 : i32
      %dma_wait3A_735 = arith.constant 0 : i32
      %dma_wait3A_736 = tpu.memref_slice %arg13[%dma_wait3A_733, %dma_wait3A_734, %dma_wait3A_735] : memref<8x16x128xf32, #tpu.memory_space<vmem>> -> memref<1x16x128xf32, #tpu.memory_space<vmem>>
      %dma_wait3A_737 = tpu.memref_squeeze %dma_wait3A_736 : memref<1x16x128xf32, #tpu.memory_space<vmem>> -> memref<16x128xf32, #tpu.memory_space<vmem>>
      %dma_wait3A_738 = arith.constant 16 : i32
      %dma_wait3A_739 = tpu.memref_slice %arg5[%dma_wait3A_738, %multiple_of3A_222] : memref<32x1000000xf32, #tpu.memory_space<hbm>> -> memref<16x128xf32, #tpu.memory_space<hbm>>
      %dma_wait3A_740 = arith.constant 0 : i32
      %dma_wait3A_741 = arith.constant 0 : i32
      %dma_wait3A_742 = tpu.memref_slice %arg13[%dma_wait3A_733, %dma_wait3A_740, %dma_wait3A_741] : memref<8x16x128xf32, #tpu.memory_space<vmem>> -> memref<1x16x128xf32, #tpu.memory_space<vmem>>
      %dma_wait3A_743 = tpu.memref_squeeze %dma_wait3A_742 : memref<1x16x128xf32, #tpu.memory_space<vmem>> -> memref<16x128xf32, #tpu.memory_space<vmem>>
      %dma_wait3A_744 = arith.constant 16 : i32
      %dma_wait3A_745 = tpu.memref_slice %arg5[%dma_wait3A_744, %multiple_of3A_222] : memref<32x1000000xf32, #tpu.memory_space<hbm>> -> memref<16x128xf32, #tpu.memory_space<hbm>>
      tpu.wait_dma2 semaphore(%arg17 : memref<!tpu.dma_semaphore, #tpu.memory_space<semaphore_mem>>) src(%dma_wait3A_745 : memref<16x128xf32, #tpu.memory_space<hbm>>) dst(%dma_wait3A_743 : memref<16x128xf32, #tpu.memory_space<vmem>>)
      %mul3A_746 = arith.constant 16 : i32
      %mul3A_747 = arith.muli %scan3A_9, %mul3A_746 : i32
      %add3A_748 = arith.constant 0 : i32
      %add3A_749 = arith.addi %mul3A_747, %add3A_748 : i32
      %slice3A_750 = vector.extract_strided_slice %get3A_12 {offsets = [0], sizes = [1], strides = [1]} : vector<16xi32> to vector<1xi32>
      %squeeze3A_751 = vector.extract %slice3A_750[0] : i32 from vector<1xi32>
      %and3A = arith.constant 127 : i32
      %and3A_752 = arith.andi %squeeze3A_751, %and3A : i32
      %broadcast_in_dim3A = vector.broadcast %and3A_752 : i32 to vector<16xi32>
      %slice3A_753 = vector.extract_strided_slice %get3A_16 {offsets = [0], sizes = [1], strides = [1]} : vector<16xi32> to vector<1xi32>
      %squeeze3A_754 = vector.extract %slice3A_753[0] : i32 from vector<1xi32>
      %and3A_755 = arith.constant 127 : i32
      %and3A_756 = arith.andi %squeeze3A_754, %and3A_755 : i32
      %broadcast_in_dim3A_757 = vector.broadcast %and3A_756 : i32 to vector<16xi32>
      %broadcast_in_dim3A_758 = vector.broadcast %add3A_749 : i32 to vector<16xi32>
      %gather3A = arith.constant 0 : i32
      %gather3A_759 = arith.constant 0 : i32
      %gather3A_760 = arith.constant 0 : i32
      %gather3A_761 = tpu.memref_slice %arg10[%gather3A, %gather3A_759, %gather3A_760] : memref<8x16x128xf32, #tpu.memory_space<vmem>> -> memref<1x16x128xf32, #tpu.memory_space<vmem>>
      %gather3A_762 = tpu.memref_squeeze %gather3A_761 : memref<1x16x128xf32, #tpu.memory_space<vmem>> -> memref<16x128xf32, #tpu.memory_space<vmem>>
      %gather3A_763 = tpu.vector_load_idx %gather3A_762[%iota3A, %broadcast_in_dim3A] : memref<16x128xf32, #tpu.memory_space<vmem>>[vector<16xi32>, vector<16xi32>], vector<16xf32>,
      %gather3A_764 = arith.constant 0 : i32
      %gather3A_765 = arith.constant 0 : i32
      %gather3A_766 = arith.constant 0 : i32
      %gather3A_767 = tpu.memref_slice %arg11[%gather3A_764, %gather3A_765, %gather3A_766] : memref<8x16x128xf32, #tpu.memory_space<vmem>> -> memref<1x16x128xf32, #tpu.memory_space<vmem>>
      %gather3A_768 = tpu.memref_squeeze %gather3A_767 : memref<1x16x128xf32, #tpu.memory_space<vmem>> -> memref<16x128xf32, #tpu.memory_space<vmem>>
      %gather3A_769 = tpu.vector_load_idx %gather3A_768[%iota3A, %broadcast_in_dim3A] : memref<16x128xf32, #tpu.memory_space<vmem>>[vector<16xi32>, vector<16xi32>], vector<16xf32>,
      %gather3A_770 = arith.constant 0 : i32
      %gather3A_771 = arith.constant 0 : i32
      %gather3A_772 = arith.constant 0 : i32
      %gather3A_773 = tpu.memref_slice %arg12[%gather3A_770, %gather3A_771, %gather3A_772] : memref<8x16x128xf32, #tpu.memory_space<vmem>> -> memref<1x16x128xf32, #tpu.memory_space<vmem>>
      %gather3A_774 = tpu.memref_squeeze %gather3A_773 : memref<1x16x128xf32, #tpu.memory_space<vmem>> -> memref<16x128xf32, #tpu.memory_space<vmem>>
      %gather3A_775 = tpu.vector_load_idx %gather3A_774[%iota3A, %broadcast_in_dim3A_757] : memref<16x128xf32, #tpu.memory_space<vmem>>[vector<16xi32>, vector<16xi32>], vector<16xf32>,
      %gather3A_776 = arith.constant 0 : i32
      %gather3A_777 = arith.constant 0 : i32
      %gather3A_778 = arith.constant 0 : i32
      %gather3A_779 = tpu.memref_slice %arg13[%gather3A_776, %gather3A_777, %gather3A_778] : memref<8x16x128xf32, #tpu.memory_space<vmem>> -> memref<1x16x128xf32, #tpu.memory_space<vmem>>
      %gather3A_780 = tpu.memref_squeeze %gather3A_779 : memref<1x16x128xf32, #tpu.memory_space<vmem>> -> memref<16x128xf32, #tpu.memory_space<vmem>>
      %gather3A_781 = tpu.vector_load_idx %gather3A_780[%iota3A, %broadcast_in_dim3A_757] : memref<16x128xf32, #tpu.memory_space<vmem>>[vector<16xi32>, vector<16xi32>], vector<16xf32>,
      tpu.vector_store_idx %arg14[%iota3A, %broadcast_in_dim3A_758], %gather3A_763 : memref<32x512xf32, #tpu.memory_space<vmem>>[vector<16xi32>, vector<16xi32>], vector<16xf32>,
      tpu.vector_store_idx %arg14[%add3A_3, %broadcast_in_dim3A_758], %gather3A_769 : memref<32x512xf32, #tpu.memory_space<vmem>>[vector<16xi32>, vector<16xi32>], vector<16xf32>,
      tpu.vector_store_idx %arg15[%iota3A, %broadcast_in_dim3A_758], %gather3A_775 : memref<32x512xf32, #tpu.memory_space<vmem>>[vector<16xi32>, vector<16xi32>], vector<16xf32>,
      tpu.vector_store_idx %arg15[%add3A_3, %broadcast_in_dim3A_758], %gather3A_781 : memref<32x512xf32, #tpu.memory_space<vmem>>[vector<16xi32>, vector<16xi32>], vector<16xf32>,
      %mul3A_782 = arith.constant 16 : i32
      %mul3A_783 = arith.muli %scan3A_9, %mul3A_782 : i32
      %add3A_784 = arith.constant 1 : i32
      %add3A_785 = arith.addi %mul3A_783, %add3A_784 : i32
      %slice3A_786 = vector.extract_strided_slice %get3A_12 {offsets = [1], sizes = [1], strides = [1]} : vector<16xi32> to vector<1xi32>
      %squeeze3A_787 = vector.extract %slice3A_786[0] : i32 from vector<1xi32>
      %and3A_788 = arith.constant 127 : i32
      %and3A_789 = arith.andi %squeeze3A_787, %and3A_788 : i32
      %broadcast_in_dim3A_790 = vector.broadcast %and3A_789 : i32 to vector<16xi32>
      %slice3A_791 = vector.extract_strided_slice %get3A_16 {offsets = [1], sizes = [1], strides = [1]} : vector<16xi32> to vector<1xi32>
      %squeeze3A_792 = vector.extract %slice3A_791[0] : i32 from vector<1xi32>
      %and3A_793 = arith.constant 127 : i32
      %and3A_794 = arith.andi %squeeze3A_792, %and3A_793 : i32
      %broadcast_in_dim3A_795 = vector.broadcast %and3A_794 : i32 to vector<16xi32>
      %broadcast_in_dim3A_796 = vector.broadcast %add3A_785 : i32 to vector<16xi32>
      %gather3A_797 = arith.constant 1 : i32
      %gather3A_798 = arith.constant 0 : i32
      %gather3A_799 = arith.constant 0 : i32
      %gather3A_800 = tpu.memref_slice %arg10[%gather3A_797, %gather3A_798, %gather3A_799] : memref<8x16x128xf32, #tpu.memory_space<vmem>> -> memref<1x16x128xf32, #tpu.memory_space<vmem>>
      %gather3A_801 = tpu.memref_squeeze %gather3A_800 : memref<1x16x128xf32, #tpu.memory_space<vmem>> -> memref<16x128xf32, #tpu.memory_space<vmem>>
      %gather3A_802 = tpu.vector_load_idx %gather3A_801[%iota3A, %broadcast_in_dim3A_790] : memref<16x128xf32, #tpu.memory_space<vmem>>[vector<16xi32>, vector<16xi32>], vector<16xf32>,
      %gather3A_803 = arith.constant 1 : i32
      %gather3A_804 = arith.constant 0 : i32
      %gather3A_805 = arith.constant 0 : i32
      %gather3A_806 = tpu.memref_slice %arg11[%gather3A_803, %gather3A_804, %gather3A_805] : memref<8x16x128xf32, #tpu.memory_space<vmem>> -> memref<1x16x128xf32, #tpu.memory_space<vmem>>
      %gather3A_807 = tpu.memref_squeeze %gather3A_806 : memref<1x16x128xf32, #tpu.memory_space<vmem>> -> memref<16x128xf32, #tpu.memory_space<vmem>>
      %gather3A_808 = tpu.vector_load_idx %gather3A_807[%iota3A, %broadcast_in_dim3A_790] : memref<16x128xf32, #tpu.memory_space<vmem>>[vector<16xi32>, vector<16xi32>], vector<16xf32>,
      %gather3A_809 = arith.constant 1 : i32
      %gather3A_810 = arith.constant 0 : i32
      %gather3A_811 = arith.constant 0 : i32
      %gather3A_812 = tpu.memref_slice %arg12[%gather3A_809, %gather3A_810, %gather3A_811] : memref<8x16x128xf32, #tpu.memory_space<vmem>> -> memref<1x16x128xf32, #tpu.memory_space<vmem>>
      %gather3A_813 = tpu.memref_squeeze %gather3A_812 : memref<1x16x128xf32, #tpu.memory_space<vmem>> -> memref<16x128xf32, #tpu.memory_space<vmem>>
      %gather3A_814 = tpu.vector_load_idx %gather3A_813[%iota3A, %broadcast_in_dim3A_795] : memref<16x128xf32, #tpu.memory_space<vmem>>[vector<16xi32>, vector<16xi32>], vector<16xf32>,
      %gather3A_815 = arith.constant 1 : i32
      %gather3A_816 = arith.constant 0 : i32
      %gather3A_817 = arith.constant 0 : i32
      %gather3A_818 = tpu.memref_slice %arg13[%gather3A_815, %gather3A_816, %gather3A_817] : memref<8x16x128xf32, #tpu.memory_space<vmem>> -> memref<1x16x128xf32, #tpu.memory_space<vmem>>
      %gather3A_819 = tpu.memref_squeeze %gather3A_818 : memref<1x16x128xf32, #tpu.memory_space<vmem>> -> memref<16x128xf32, #tpu.memory_space<vmem>>
      %gather3A_820 = tpu.vector_load_idx %gather3A_819[%iota3A, %broadcast_in_dim3A_795] : memref<16x128xf32, #tpu.memory_space<vmem>>[vector<16xi32>, vector<16xi32>], vector<16xf32>,
      tpu.vector_store_idx %arg14[%iota3A, %broadcast_in_dim3A_796], %gather3A_802 : memref<32x512xf32, #tpu.memory_space<vmem>>[vector<16xi32>, vector<16xi32>], vector<16xf32>,
      tpu.vector_store_idx %arg14[%add3A_3, %broadcast_in_dim3A_796], %gather3A_808 : memref<32x512xf32, #tpu.memory_space<vmem>>[vector<16xi32>, vector<16xi32>], vector<16xf32>,
      tpu.vector_store_idx %arg15[%iota3A, %broadcast_in_dim3A_796], %gather3A_814 : memref<32x512xf32, #tpu.memory_space<vmem>>[vector<16xi32>, vector<16xi32>], vector<16xf32>,
      tpu.vector_store_idx %arg15[%add3A_3, %broadcast_in_dim3A_796], %gather3A_820 : memref<32x512xf32, #tpu.memory_space<vmem>>[vector<16xi32>, vector<16xi32>], vector<16xf32>,
      %mul3A_821 = arith.constant 16 : i32
      %mul3A_822 = arith.muli %scan3A_9, %mul3A_821 : i32
      %add3A_823 = arith.constant 2 : i32
      %add3A_824 = arith.addi %mul3A_822, %add3A_823 : i32
      %slice3A_825 = vector.extract_strided_slice %get3A_12 {offsets = [2], sizes = [1], strides = [1]} : vector<16xi32> to vector<1xi32>
      %squeeze3A_826 = vector.extract %slice3A_825[0] : i32 from vector<1xi32>
      %and3A_827 = arith.constant 127 : i32
      %and3A_828 = arith.andi %squeeze3A_826, %and3A_827 : i32
      %broadcast_in_dim3A_829 = vector.broadcast %and3A_828 : i32 to vector<16xi32>
      %slice3A_830 = vector.extract_strided_slice %get3A_16 {offsets = [2], sizes = [1], strides = [1]} : vector<16xi32> to vector<1xi32>
      %squeeze3A_831 = vector.extract %slice3A_830[0] : i32 from vector<1xi32>
      %and3A_832 = arith.constant 127 : i32
      %and3A_833 = arith.andi %squeeze3A_831, %and3A_832 : i32
      %broadcast_in_dim3A_834 = vector.broadcast %and3A_833 : i32 to vector<16xi32>
      %broadcast_in_dim3A_835 = vector.broadcast %add3A_824 : i32 to vector<16xi32>
      %gather3A_836 = arith.constant 2 : i32
      %gather3A_837 = arith.constant 0 : i32
      %gather3A_838 = arith.constant 0 : i32
      %gather3A_839 = tpu.memref_slice %arg10[%gather3A_836, %gather3A_837, %gather3A_838] : memref<8x16x128xf32, #tpu.memory_space<vmem>> -> memref<1x16x128xf32, #tpu.memory_space<vmem>>
      %gather3A_840 = tpu.memref_squeeze %gather3A_839 : memref<1x16x128xf32, #tpu.memory_space<vmem>> -> memref<16x128xf32, #tpu.memory_space<vmem>>
      %gather3A_841 = tpu.vector_load_idx %gather3A_840[%iota3A, %broadcast_in_dim3A_829] : memref<16x128xf32, #tpu.memory_space<vmem>>[vector<16xi32>, vector<16xi32>], vector<16xf32>,
      %gather3A_842 = arith.constant 2 : i32
      %gather3A_843 = arith.constant 0 : i32
      %gather3A_844 = arith.constant 0 : i32
      %gather3A_845 = tpu.memref_slice %arg11[%gather3A_842, %gather3A_843, %gather3A_844] : memref<8x16x128xf32, #tpu.memory_space<vmem>> -> memref<1x16x128xf32, #tpu.memory_space<vmem>>
      %gather3A_846 = tpu.memref_squeeze %gather3A_845 : memref<1x16x128xf32, #tpu.memory_space<vmem>> -> memref<16x128xf32, #tpu.memory_space<vmem>>
      %gather3A_847 = tpu.vector_load_idx %gather3A_846[%iota3A, %broadcast_in_dim3A_829] : memref<16x128xf32, #tpu.memory_space<vmem>>[vector<16xi32>, vector<16xi32>], vector<16xf32>,
      %gather3A_848 = arith.constant 2 : i32
      %gather3A_849 = arith.constant 0 : i32
      %gather3A_850 = arith.constant 0 : i32
      %gather3A_851 = tpu.memref_slice %arg12[%gather3A_848, %gather3A_849, %gather3A_850] : memref<8x16x128xf32, #tpu.memory_space<vmem>> -> memref<1x16x128xf32, #tpu.memory_space<vmem>>
      %gather3A_852 = tpu.memref_squeeze %gather3A_851 : memref<1x16x128xf32, #tpu.memory_space<vmem>> -> memref<16x128xf32, #tpu.memory_space<vmem>>
      %gather3A_853 = tpu.vector_load_idx %gather3A_852[%iota3A, %broadcast_in_dim3A_834] : memref<16x128xf32, #tpu.memory_space<vmem>>[vector<16xi32>, vector<16xi32>], vector<16xf32>,
      %gather3A_854 = arith.constant 2 : i32
      %gather3A_855 = arith.constant 0 : i32
      %gather3A_856 = arith.constant 0 : i32
      %gather3A_857 = tpu.memref_slice %arg13[%gather3A_854, %gather3A_855, %gather3A_856] : memref<8x16x128xf32, #tpu.memory_space<vmem>> -> memref<1x16x128xf32, #tpu.memory_space<vmem>>
      %gather3A_858 = tpu.memref_squeeze %gather3A_857 : memref<1x16x128xf32, #tpu.memory_space<vmem>> -> memref<16x128xf32, #tpu.memory_space<vmem>>
      %gather3A_859 = tpu.vector_load_idx %gather3A_858[%iota3A, %broadcast_in_dim3A_834] : memref<16x128xf32, #tpu.memory_space<vmem>>[vector<16xi32>, vector<16xi32>], vector<16xf32>,
      tpu.vector_store_idx %arg14[%iota3A, %broadcast_in_dim3A_835], %gather3A_841 : memref<32x512xf32, #tpu.memory_space<vmem>>[vector<16xi32>, vector<16xi32>], vector<16xf32>,
      tpu.vector_store_idx %arg14[%add3A_3, %broadcast_in_dim3A_835], %gather3A_847 : memref<32x512xf32, #tpu.memory_space<vmem>>[vector<16xi32>, vector<16xi32>], vector<16xf32>,
      tpu.vector_store_idx %arg15[%iota3A, %broadcast_in_dim3A_835], %gather3A_853 : memref<32x512xf32, #tpu.memory_space<vmem>>[vector<16xi32>, vector<16xi32>], vector<16xf32>,
      tpu.vector_store_idx %arg15[%add3A_3, %broadcast_in_dim3A_835], %gather3A_859 : memref<32x512xf32, #tpu.memory_space<vmem>>[vector<16xi32>, vector<16xi32>], vector<16xf32>,
      %mul3A_860 = arith.constant 16 : i32
      %mul3A_861 = arith.muli %scan3A_9, %mul3A_860 : i32
      %add3A_862 = arith.constant 3 : i32
      %add3A_863 = arith.addi %mul3A_861, %add3A_862 : i32
      %slice3A_864 = vector.extract_strided_slice %get3A_12 {offsets = [3], sizes = [1], strides = [1]} : vector<16xi32> to vector<1xi32>
      %squeeze3A_865 = vector.extract %slice3A_864[0] : i32 from vector<1xi32>
      %and3A_866 = arith.constant 127 : i32
      %and3A_867 = arith.andi %squeeze3A_865, %and3A_866 : i32
      %broadcast_in_dim3A_868 = vector.broadcast %and3A_867 : i32 to vector<16xi32>
      %slice3A_869 = vector.extract_strided_slice %get3A_16 {offsets = [3], sizes = [1], strides = [1]} : vector<16xi32> to vector<1xi32>
      %squeeze3A_870 = vector.extract %slice3A_869[0] : i32 from vector<1xi32>
      %and3A_871 = arith.constant 127 : i32
      %and3A_872 = arith.andi %squeeze3A_870, %and3A_871 : i32
      %broadcast_in_dim3A_873 = vector.broadcast %and3A_872 : i32 to vector<16xi32>
      %broadcast_in_dim3A_874 = vector.broadcast %add3A_863 : i32 to vector<16xi32>
      %gather3A_875 = arith.constant 3 : i32
      %gather3A_876 = arith.constant 0 : i32
      %gather3A_877 = arith.constant 0 : i32
      %gather3A_878 = tpu.memref_slice %arg10[%gather3A_875, %gather3A_876, %gather3A_877] : memref<8x16x128xf32, #tpu.memory_space<vmem>> -> memref<1x16x128xf32, #tpu.memory_space<vmem>>
      %gather3A_879 = tpu.memref_squeeze %gather3A_878 : memref<1x16x128xf32, #tpu.memory_space<vmem>> -> memref<16x128xf32, #tpu.memory_space<vmem>>
      %gather3A_880 = tpu.vector_load_idx %gather3A_879[%iota3A, %broadcast_in_dim3A_868] : memref<16x128xf32, #tpu.memory_space<vmem>>[vector<16xi32>, vector<16xi32>], vector<16xf32>,
      %gather3A_881 = arith.constant 3 : i32
      %gather3A_882 = arith.constant 0 : i32
      %gather3A_883 = arith.constant 0 : i32
      %gather3A_884 = tpu.memref_slice %arg11[%gather3A_881, %gather3A_882, %gather3A_883] : memref<8x16x128xf32, #tpu.memory_space<vmem>> -> memref<1x16x128xf32, #tpu.memory_space<vmem>>
      %gather3A_885 = tpu.memref_squeeze %gather3A_884 : memref<1x16x128xf32, #tpu.memory_space<vmem>> -> memref<16x128xf32, #tpu.memory_space<vmem>>
      %gather3A_886 = tpu.vector_load_idx %gather3A_885[%iota3A, %broadcast_in_dim3A_868] : memref<16x128xf32, #tpu.memory_space<vmem>>[vector<16xi32>, vector<16xi32>], vector<16xf32>,
      %gather3A_887 = arith.constant 3 : i32
      %gather3A_888 = arith.constant 0 : i32
      %gather3A_889 = arith.constant 0 : i32
      %gather3A_890 = tpu.memref_slice %arg12[%gather3A_887, %gather3A_888, %gather3A_889] : memref<8x16x128xf32, #tpu.memory_space<vmem>> -> memref<1x16x128xf32, #tpu.memory_space<vmem>>
      %gather3A_891 = tpu.memref_squeeze %gather3A_890 : memref<1x16x128xf32, #tpu.memory_space<vmem>> -> memref<16x128xf32, #tpu.memory_space<vmem>>
      %gather3A_892 = tpu.vector_load_idx %gather3A_891[%iota3A, %broadcast_in_dim3A_873] : memref<16x128xf32, #tpu.memory_space<vmem>>[vector<16xi32>, vector<16xi32>], vector<16xf32>,
      %gather3A_893 = arith.constant 3 : i32
      %gather3A_894 = arith.constant 0 : i32
      %gather3A_895 = arith.constant 0 : i32
      %gather3A_896 = tpu.memref_slice %arg13[%gather3A_893, %gather3A_894, %gather3A_895] : memref<8x16x128xf32, #tpu.memory_space<vmem>> -> memref<1x16x128xf32, #tpu.memory_space<vmem>>
      %gather3A_897 = tpu.memref_squeeze %gather3A_896 : memref<1x16x128xf32, #tpu.memory_space<vmem>> -> memref<16x128xf32, #tpu.memory_space<vmem>>
      %gather3A_898 = tpu.vector_load_idx %gather3A_897[%iota3A, %broadcast_in_dim3A_873] : memref<16x128xf32, #tpu.memory_space<vmem>>[vector<16xi32>, vector<16xi32>], vector<16xf32>,
      tpu.vector_store_idx %arg14[%iota3A, %broadcast_in_dim3A_874], %gather3A_880 : memref<32x512xf32, #tpu.memory_space<vmem>>[vector<16xi32>, vector<16xi32>], vector<16xf32>,
      tpu.vector_store_idx %arg14[%add3A_3, %broadcast_in_dim3A_874], %gather3A_886 : memref<32x512xf32, #tpu.memory_space<vmem>>[vector<16xi32>, vector<16xi32>], vector<16xf32>,
      tpu.vector_store_idx %arg15[%iota3A, %broadcast_in_dim3A_874], %gather3A_892 : memref<32x512xf32, #tpu.memory_space<vmem>>[vector<16xi32>, vector<16xi32>], vector<16xf32>,
      tpu.vector_store_idx %arg15[%add3A_3, %broadcast_in_dim3A_874], %gather3A_898 : memref<32x512xf32, #tpu.memory_space<vmem>>[vector<16xi32>, vector<16xi32>], vector<16xf32>,
      %slice3A_899 = vector.extract_strided_slice %get3A_12 {offsets = [8], sizes = [1], strides = [1]} : vector<16xi32> to vector<1xi32>
      %squeeze3A_900 = vector.extract %slice3A_899[0] : i32 from vector<1xi32>
      %shift_right_arithmetic3A_901 = arith.constant 7 : i32
      %shift_right_arithmetic3A_902 = arith.shrsi %squeeze3A_900, %shift_right_arithmetic3A_901 : i32
      %shift_left3A_903 = arith.constant 7 : i32
      %shift_left3A_904 = arith.shli %shift_right_arithmetic3A_902, %shift_left3A_903 : i32
      %multiple_of3A_905 = tpu.assume_multiple %shift_left3A_904, 128 : i32
      %slice3A_906 = vector.extract_strided_slice %get3A_16 {offsets = [8], sizes = [1], strides = [1]} : vector<16xi32> to vector<1xi32>
      %squeeze3A_907 = vector.extract %slice3A_906[0] : i32 from vector<1xi32>
      %shift_right_arithmetic3A_908 = arith.constant 7 : i32
      %shift_right_arithmetic3A_909 = arith.shrsi %squeeze3A_907, %shift_right_arithmetic3A_908 : i32
      %shift_left3A_910 = arith.constant 7 : i32
      %shift_left3A_911 = arith.shli %shift_right_arithmetic3A_909, %shift_left3A_910 : i32
      %multiple_of3A_912 = tpu.assume_multiple %shift_left3A_911, 128 : i32
      %dma_start3A_913 = arith.constant 0 : i32
      %dma_start3A_914 = arith.constant 0 : i32
      %dma_start3A_915 = arith.constant 0 : i32
      %dma_start3A_916 = tpu.memref_slice %arg10[%dma_start3A_913, %dma_start3A_914, %dma_start3A_915] : memref<8x16x128xf32, #tpu.memory_space<vmem>> -> memref<1x16x128xf32, #tpu.memory_space<vmem>>
      %dma_start3A_917 = tpu.memref_squeeze %dma_start3A_916 : memref<1x16x128xf32, #tpu.memory_space<vmem>> -> memref<16x128xf32, #tpu.memory_space<vmem>>
      %dma_start3A_918 = arith.constant 0 : i32
      %dma_start3A_919 = tpu.memref_slice %arg4[%dma_start3A_918, %multiple_of3A_905] : memref<32x1000000xf32, #tpu.memory_space<hbm>> -> memref<16x128xf32, #tpu.memory_space<hbm>>
      %dma_start3A_920 = arith.constant 0 : i32
      %dma_start3A_921 = arith.constant 0 : i32
      %dma_start3A_922 = tpu.memref_slice %arg10[%dma_start3A_913, %dma_start3A_920, %dma_start3A_921] : memref<8x16x128xf32, #tpu.memory_space<vmem>> -> memref<1x16x128xf32, #tpu.memory_space<vmem>>
      %dma_start3A_923 = tpu.memref_squeeze %dma_start3A_922 : memref<1x16x128xf32, #tpu.memory_space<vmem>> -> memref<16x128xf32, #tpu.memory_space<vmem>>
      %dma_start3A_924 = arith.constant 0 : i32
      %dma_start3A_925 = tpu.memref_slice %arg4[%dma_start3A_924, %multiple_of3A_905] : memref<32x1000000xf32, #tpu.memory_space<hbm>> -> memref<16x128xf32, #tpu.memory_space<hbm>>
      tpu.enqueue_dma source(%dma_start3A_925 : memref<16x128xf32, #tpu.memory_space<hbm>>) target(%dma_start3A_923 : memref<16x128xf32, #tpu.memory_space<vmem>>) target_semaphore(%arg16 : memref<!tpu.dma_semaphore, #tpu.memory_space<semaphore_mem>>)
      %dma_start3A_926 = arith.constant 0 : i32
      %dma_start3A_927 = arith.constant 0 : i32
      %dma_start3A_928 = arith.constant 0 : i32
      %dma_start3A_929 = tpu.memref_slice %arg11[%dma_start3A_926, %dma_start3A_927, %dma_start3A_928] : memref<8x16x128xf32, #tpu.memory_space<vmem>> -> memref<1x16x128xf32, #tpu.memory_space<vmem>>
      %dma_start3A_930 = tpu.memref_squeeze %dma_start3A_929 : memref<1x16x128xf32, #tpu.memory_space<vmem>> -> memref<16x128xf32, #tpu.memory_space<vmem>>
      %dma_start3A_931 = arith.constant 16 : i32
      %dma_start3A_932 = tpu.memref_slice %arg4[%dma_start3A_931, %multiple_of3A_905] : memref<32x1000000xf32, #tpu.memory_space<hbm>> -> memref<16x128xf32, #tpu.memory_space<hbm>>
      %dma_start3A_933 = arith.constant 0 : i32
      %dma_start3A_934 = arith.constant 0 : i32
      %dma_start3A_935 = tpu.memref_slice %arg11[%dma_start3A_926, %dma_start3A_933, %dma_start3A_934] : memref<8x16x128xf32, #tpu.memory_space<vmem>> -> memref<1x16x128xf32, #tpu.memory_space<vmem>>
      %dma_start3A_936 = tpu.memref_squeeze %dma_start3A_935 : memref<1x16x128xf32, #tpu.memory_space<vmem>> -> memref<16x128xf32, #tpu.memory_space<vmem>>
      %dma_start3A_937 = arith.constant 16 : i32
      %dma_start3A_938 = tpu.memref_slice %arg4[%dma_start3A_937, %multiple_of3A_905] : memref<32x1000000xf32, #tpu.memory_space<hbm>> -> memref<16x128xf32, #tpu.memory_space<hbm>>
      tpu.enqueue_dma source(%dma_start3A_938 : memref<16x128xf32, #tpu.memory_space<hbm>>) target(%dma_start3A_936 : memref<16x128xf32, #tpu.memory_space<vmem>>) target_semaphore(%arg16 : memref<!tpu.dma_semaphore, #tpu.memory_space<semaphore_mem>>)
      %dma_start3A_939 = arith.constant 0 : i32
      %dma_start3A_940 = arith.constant 0 : i32
      %dma_start3A_941 = arith.constant 0 : i32
      %dma_start3A_942 = tpu.memref_slice %arg12[%dma_start3A_939, %dma_start3A_940, %dma_start3A_941] : memref<8x16x128xf32, #tpu.memory_space<vmem>> -> memref<1x16x128xf32, #tpu.memory_space<vmem>>
      %dma_start3A_943 = tpu.memref_squeeze %dma_start3A_942 : memref<1x16x128xf32, #tpu.memory_space<vmem>> -> memref<16x128xf32, #tpu.memory_space<vmem>>
      %dma_start3A_944 = arith.constant 0 : i32
      %dma_start3A_945 = tpu.memref_slice %arg5[%dma_start3A_944, %multiple_of3A_912] : memref<32x1000000xf32, #tpu.memory_space<hbm>> -> memref<16x128xf32, #tpu.memory_space<hbm>>
      %dma_start3A_946 = arith.constant 0 : i32
      %dma_start3A_947 = arith.constant 0 : i32
      %dma_start3A_948 = tpu.memref_slice %arg12[%dma_start3A_939, %dma_start3A_946, %dma_start3A_947] : memref<8x16x128xf32, #tpu.memory_space<vmem>> -> memref<1x16x128xf32, #tpu.memory_space<vmem>>
      %dma_start3A_949 = tpu.memref_squeeze %dma_start3A_948 : memref<1x16x128xf32, #tpu.memory_space<vmem>> -> memref<16x128xf32, #tpu.memory_space<vmem>>
      %dma_start3A_950 = arith.constant 0 : i32
      %dma_start3A_951 = tpu.memref_slice %arg5[%dma_start3A_950, %multiple_of3A_912] : memref<32x1000000xf32, #tpu.memory_space<hbm>> -> memref<16x128xf32, #tpu.memory_space<hbm>>
      tpu.enqueue_dma source(%dma_start3A_951 : memref<16x128xf32, #tpu.memory_space<hbm>>) target(%dma_start3A_949 : memref<16x128xf32, #tpu.memory_space<vmem>>) target_semaphore(%arg17 : memref<!tpu.dma_semaphore, #tpu.memory_space<semaphore_mem>>)
      %dma_start3A_952 = arith.constant 0 : i32
      %dma_start3A_953 = arith.constant 0 : i32
      %dma_start3A_954 = arith.constant 0 : i32
      %dma_start3A_955 = tpu.memref_slice %arg13[%dma_start3A_952, %dma_start3A_953, %dma_start3A_954] : memref<8x16x128xf32, #tpu.memory_space<vmem>> -> memref<1x16x128xf32, #tpu.memory_space<vmem>>
      %dma_start3A_956 = tpu.memref_squeeze %dma_start3A_955 : memref<1x16x128xf32, #tpu.memory_space<vmem>> -> memref<16x128xf32, #tpu.memory_space<vmem>>
      %dma_start3A_957 = arith.constant 16 : i32
      %dma_start3A_958 = tpu.memref_slice %arg5[%dma_start3A_957, %multiple_of3A_912] : memref<32x1000000xf32, #tpu.memory_space<hbm>> -> memref<16x128xf32, #tpu.memory_space<hbm>>
      %dma_start3A_959 = arith.constant 0 : i32
      %dma_start3A_960 = arith.constant 0 : i32
      %dma_start3A_961 = tpu.memref_slice %arg13[%dma_start3A_952, %dma_start3A_959, %dma_start3A_960] : memref<8x16x128xf32, #tpu.memory_space<vmem>> -> memref<1x16x128xf32, #tpu.memory_space<vmem>>
      %dma_start3A_962 = tpu.memref_squeeze %dma_start3A_961 : memref<1x16x128xf32, #tpu.memory_space<vmem>> -> memref<16x128xf32, #tpu.memory_space<vmem>>
      %dma_start3A_963 = arith.constant 16 : i32
      %dma_start3A_964 = tpu.memref_slice %arg5[%dma_start3A_963, %multiple_of3A_912] : memref<32x1000000xf32, #tpu.memory_space<hbm>> -> memref<16x128xf32, #tpu.memory_space<hbm>>
      tpu.enqueue_dma source(%dma_start3A_964 : memref<16x128xf32, #tpu.memory_space<hbm>>) target(%dma_start3A_962 : memref<16x128xf32, #tpu.memory_space<vmem>>) target_semaphore(%arg17 : memref<!tpu.dma_semaphore, #tpu.memory_space<semaphore_mem>>)
      %slice3A_965 = vector.extract_strided_slice %get3A_12 {offsets = [9], sizes = [1], strides = [1]} : vector<16xi32> to vector<1xi32>
      %squeeze3A_966 = vector.extract %slice3A_965[0] : i32 from vector<1xi32>
      %shift_right_arithmetic3A_967 = arith.constant 7 : i32
      %shift_right_arithmetic3A_968 = arith.shrsi %squeeze3A_966, %shift_right_arithmetic3A_967 : i32
      %shift_left3A_969 = arith.constant 7 : i32
      %shift_left3A_970 = arith.shli %shift_right_arithmetic3A_968, %shift_left3A_969 : i32
      %multiple_of3A_971 = tpu.assume_multiple %shift_left3A_970, 128 : i32
      %slice3A_972 = vector.extract_strided_slice %get3A_16 {offsets = [9], sizes = [1], strides = [1]} : vector<16xi32> to vector<1xi32>
      %squeeze3A_973 = vector.extract %slice3A_972[0] : i32 from vector<1xi32>
      %shift_right_arithmetic3A_974 = arith.constant 7 : i32
      %shift_right_arithmetic3A_975 = arith.shrsi %squeeze3A_973, %shift_right_arithmetic3A_974 : i32
      %shift_left3A_976 = arith.constant 7 : i32
      %shift_left3A_977 = arith.shli %shift_right_arithmetic3A_975, %shift_left3A_976 : i32
      %multiple_of3A_978 = tpu.assume_multiple %shift_left3A_977, 128 : i32
      %dma_start3A_979 = arith.constant 1 : i32
      %dma_start3A_980 = arith.constant 0 : i32
      %dma_start3A_981 = arith.constant 0 : i32
      %dma_start3A_982 = tpu.memref_slice %arg10[%dma_start3A_979, %dma_start3A_980, %dma_start3A_981] : memref<8x16x128xf32, #tpu.memory_space<vmem>> -> memref<1x16x128xf32, #tpu.memory_space<vmem>>
      %dma_start3A_983 = tpu.memref_squeeze %dma_start3A_982 : memref<1x16x128xf32, #tpu.memory_space<vmem>> -> memref<16x128xf32, #tpu.memory_space<vmem>>
      %dma_start3A_984 = arith.constant 0 : i32
      %dma_start3A_985 = tpu.memref_slice %arg4[%dma_start3A_984, %multiple_of3A_971] : memref<32x1000000xf32, #tpu.memory_space<hbm>> -> memref<16x128xf32, #tpu.memory_space<hbm>>
      %dma_start3A_986 = arith.constant 0 : i32
      %dma_start3A_987 = arith.constant 0 : i32
      %dma_start3A_988 = tpu.memref_slice %arg10[%dma_start3A_979, %dma_start3A_986, %dma_start3A_987] : memref<8x16x128xf32, #tpu.memory_space<vmem>> -> memref<1x16x128xf32, #tpu.memory_space<vmem>>
      %dma_start3A_989 = tpu.memref_squeeze %dma_start3A_988 : memref<1x16x128xf32, #tpu.memory_space<vmem>> -> memref<16x128xf32, #tpu.memory_space<vmem>>
      %dma_start3A_990 = arith.constant 0 : i32
      %dma_start3A_991 = tpu.memref_slice %arg4[%dma_start3A_990, %multiple_of3A_971] : memref<32x1000000xf32, #tpu.memory_space<hbm>> -> memref<16x128xf32, #tpu.memory_space<hbm>>
      tpu.enqueue_dma source(%dma_start3A_991 : memref<16x128xf32, #tpu.memory_space<hbm>>) target(%dma_start3A_989 : memref<16x128xf32, #tpu.memory_space<vmem>>) target_semaphore(%arg16 : memref<!tpu.dma_semaphore, #tpu.memory_space<semaphore_mem>>)
      %dma_start3A_992 = arith.constant 1 : i32
      %dma_start3A_993 = arith.constant 0 : i32
      %dma_start3A_994 = arith.constant 0 : i32
      %dma_start3A_995 = tpu.memref_slice %arg11[%dma_start3A_992, %dma_start3A_993, %dma_start3A_994] : memref<8x16x128xf32, #tpu.memory_space<vmem>> -> memref<1x16x128xf32, #tpu.memory_space<vmem>>
      %dma_start3A_996 = tpu.memref_squeeze %dma_start3A_995 : memref<1x16x128xf32, #tpu.memory_space<vmem>> -> memref<16x128xf32, #tpu.memory_space<vmem>>
      %dma_start3A_997 = arith.constant 16 : i32
      %dma_start3A_998 = tpu.memref_slice %arg4[%dma_start3A_997, %multiple_of3A_971] : memref<32x1000000xf32, #tpu.memory_space<hbm>> -> memref<16x128xf32, #tpu.memory_space<hbm>>
      %dma_start3A_999 = arith.constant 0 : i32
      %dma_start3A_1000 = arith.constant 0 : i32
      %dma_start3A_1001 = tpu.memref_slice %arg11[%dma_start3A_992, %dma_start3A_999, %dma_start3A_1000] : memref<8x16x128xf32, #tpu.memory_space<vmem>> -> memref<1x16x128xf32, #tpu.memory_space<vmem>>
      %dma_start3A_1002 = tpu.memref_squeeze %dma_start3A_1001 : memref<1x16x128xf32, #tpu.memory_space<vmem>> -> memref<16x128xf32, #tpu.memory_space<vmem>>
      %dma_start3A_1003 = arith.constant 16 : i32
      %dma_start3A_1004 = tpu.memref_slice %arg4[%dma_start3A_1003, %multiple_of3A_971] : memref<32x1000000xf32, #tpu.memory_space<hbm>> -> memref<16x128xf32, #tpu.memory_space<hbm>>
      tpu.enqueue_dma source(%dma_start3A_1004 : memref<16x128xf32, #tpu.memory_space<hbm>>) target(%dma_start3A_1002 : memref<16x128xf32, #tpu.memory_space<vmem>>) target_semaphore(%arg16 : memref<!tpu.dma_semaphore, #tpu.memory_space<semaphore_mem>>)
      %dma_start3A_1005 = arith.constant 1 : i32
      %dma_start3A_1006 = arith.constant 0 : i32
      %dma_start3A_1007 = arith.constant 0 : i32
      %dma_start3A_1008 = tpu.memref_slice %arg12[%dma_start3A_1005, %dma_start3A_1006, %dma_start3A_1007] : memref<8x16x128xf32, #tpu.memory_space<vmem>> -> memref<1x16x128xf32, #tpu.memory_space<vmem>>
      %dma_start3A_1009 = tpu.memref_squeeze %dma_start3A_1008 : memref<1x16x128xf32, #tpu.memory_space<vmem>> -> memref<16x128xf32, #tpu.memory_space<vmem>>
      %dma_start3A_1010 = arith.constant 0 : i32
      %dma_start3A_1011 = tpu.memref_slice %arg5[%dma_start3A_1010, %multiple_of3A_978] : memref<32x1000000xf32, #tpu.memory_space<hbm>> -> memref<16x128xf32, #tpu.memory_space<hbm>>
      %dma_start3A_1012 = arith.constant 0 : i32
      %dma_start3A_1013 = arith.constant 0 : i32
      %dma_start3A_1014 = tpu.memref_slice %arg12[%dma_start3A_1005, %dma_start3A_1012, %dma_start3A_1013] : memref<8x16x128xf32, #tpu.memory_space<vmem>> -> memref<1x16x128xf32, #tpu.memory_space<vmem>>
      %dma_start3A_1015 = tpu.memref_squeeze %dma_start3A_1014 : memref<1x16x128xf32, #tpu.memory_space<vmem>> -> memref<16x128xf32, #tpu.memory_space<vmem>>
      %dma_start3A_1016 = arith.constant 0 : i32
      %dma_start3A_1017 = tpu.memref_slice %arg5[%dma_start3A_1016, %multiple_of3A_978] : memref<32x1000000xf32, #tpu.memory_space<hbm>> -> memref<16x128xf32, #tpu.memory_space<hbm>>
      tpu.enqueue_dma source(%dma_start3A_1017 : memref<16x128xf32, #tpu.memory_space<hbm>>) target(%dma_start3A_1015 : memref<16x128xf32, #tpu.memory_space<vmem>>) target_semaphore(%arg17 : memref<!tpu.dma_semaphore, #tpu.memory_space<semaphore_mem>>)
      %dma_start3A_1018 = arith.constant 1 : i32
      %dma_start3A_1019 = arith.constant 0 : i32
      %dma_start3A_1020 = arith.constant 0 : i32
      %dma_start3A_1021 = tpu.memref_slice %arg13[%dma_start3A_1018, %dma_start3A_1019, %dma_start3A_1020] : memref<8x16x128xf32, #tpu.memory_space<vmem>> -> memref<1x16x128xf32, #tpu.memory_space<vmem>>
      %dma_start3A_1022 = tpu.memref_squeeze %dma_start3A_1021 : memref<1x16x128xf32, #tpu.memory_space<vmem>> -> memref<16x128xf32, #tpu.memory_space<vmem>>
      %dma_start3A_1023 = arith.constant 16 : i32
      %dma_start3A_1024 = tpu.memref_slice %arg5[%dma_start3A_1023, %multiple_of3A_978] : memref<32x1000000xf32, #tpu.memory_space<hbm>> -> memref<16x128xf32, #tpu.memory_space<hbm>>
      %dma_start3A_1025 = arith.constant 0 : i32
      %dma_start3A_1026 = arith.constant 0 : i32
      %dma_start3A_1027 = tpu.memref_slice %arg13[%dma_start3A_1018, %dma_start3A_1025, %dma_start3A_1026] : memref<8x16x128xf32, #tpu.memory_space<vmem>> -> memref<1x16x128xf32, #tpu.memory_space<vmem>>
      %dma_start3A_1028 = tpu.memref_squeeze %dma_start3A_1027 : memref<1x16x128xf32, #tpu.memory_space<vmem>> -> memref<16x128xf32, #tpu.memory_space<vmem>>
      %dma_start3A_1029 = arith.constant 16 : i32
      %dma_start3A_1030 = tpu.memref_slice %arg5[%dma_start3A_1029, %multiple_of3A_978] : memref<32x1000000xf32, #tpu.memory_space<hbm>> -> memref<16x128xf32, #tpu.memory_space<hbm>>
      tpu.enqueue_dma source(%dma_start3A_1030 : memref<16x128xf32, #tpu.memory_space<hbm>>) target(%dma_start3A_1028 : memref<16x128xf32, #tpu.memory_space<vmem>>) target_semaphore(%arg17 : memref<!tpu.dma_semaphore, #tpu.memory_space<semaphore_mem>>)
      %slice3A_1031 = vector.extract_strided_slice %get3A_12 {offsets = [10], sizes = [1], strides = [1]} : vector<16xi32> to vector<1xi32>
      %squeeze3A_1032 = vector.extract %slice3A_1031[0] : i32 from vector<1xi32>
      %shift_right_arithmetic3A_1033 = arith.constant 7 : i32
      %shift_right_arithmetic3A_1034 = arith.shrsi %squeeze3A_1032, %shift_right_arithmetic3A_1033 : i32
      %shift_left3A_1035 = arith.constant 7 : i32
      %shift_left3A_1036 = arith.shli %shift_right_arithmetic3A_1034, %shift_left3A_1035 : i32
      %multiple_of3A_1037 = tpu.assume_multiple %shift_left3A_1036, 128 : i32
      %slice3A_1038 = vector.extract_strided_slice %get3A_16 {offsets = [10], sizes = [1], strides = [1]} : vector<16xi32> to vector<1xi32>
      %squeeze3A_1039 = vector.extract %slice3A_1038[0] : i32 from vector<1xi32>
      %shift_right_arithmetic3A_1040 = arith.constant 7 : i32
      %shift_right_arithmetic3A_1041 = arith.shrsi %squeeze3A_1039, %shift_right_arithmetic3A_1040 : i32
      %shift_left3A_1042 = arith.constant 7 : i32
      %shift_left3A_1043 = arith.shli %shift_right_arithmetic3A_1041, %shift_left3A_1042 : i32
      %multiple_of3A_1044 = tpu.assume_multiple %shift_left3A_1043, 128 : i32
      %dma_start3A_1045 = arith.constant 2 : i32
      %dma_start3A_1046 = arith.constant 0 : i32
      %dma_start3A_1047 = arith.constant 0 : i32
      %dma_start3A_1048 = tpu.memref_slice %arg10[%dma_start3A_1045, %dma_start3A_1046, %dma_start3A_1047] : memref<8x16x128xf32, #tpu.memory_space<vmem>> -> memref<1x16x128xf32, #tpu.memory_space<vmem>>
      %dma_start3A_1049 = tpu.memref_squeeze %dma_start3A_1048 : memref<1x16x128xf32, #tpu.memory_space<vmem>> -> memref<16x128xf32, #tpu.memory_space<vmem>>
      %dma_start3A_1050 = arith.constant 0 : i32
      %dma_start3A_1051 = tpu.memref_slice %arg4[%dma_start3A_1050, %multiple_of3A_1037] : memref<32x1000000xf32, #tpu.memory_space<hbm>> -> memref<16x128xf32, #tpu.memory_space<hbm>>
      %dma_start3A_1052 = arith.constant 0 : i32
      %dma_start3A_1053 = arith.constant 0 : i32
      %dma_start3A_1054 = tpu.memref_slice %arg10[%dma_start3A_1045, %dma_start3A_1052, %dma_start3A_1053] : memref<8x16x128xf32, #tpu.memory_space<vmem>> -> memref<1x16x128xf32, #tpu.memory_space<vmem>>
      %dma_start3A_1055 = tpu.memref_squeeze %dma_start3A_1054 : memref<1x16x128xf32, #tpu.memory_space<vmem>> -> memref<16x128xf32, #tpu.memory_space<vmem>>
      %dma_start3A_1056 = arith.constant 0 : i32
      %dma_start3A_1057 = tpu.memref_slice %arg4[%dma_start3A_1056, %multiple_of3A_1037] : memref<32x1000000xf32, #tpu.memory_space<hbm>> -> memref<16x128xf32, #tpu.memory_space<hbm>>
      tpu.enqueue_dma source(%dma_start3A_1057 : memref<16x128xf32, #tpu.memory_space<hbm>>) target(%dma_start3A_1055 : memref<16x128xf32, #tpu.memory_space<vmem>>) target_semaphore(%arg16 : memref<!tpu.dma_semaphore, #tpu.memory_space<semaphore_mem>>)
      %dma_start3A_1058 = arith.constant 2 : i32
      %dma_start3A_1059 = arith.constant 0 : i32
      %dma_start3A_1060 = arith.constant 0 : i32
      %dma_start3A_1061 = tpu.memref_slice %arg11[%dma_start3A_1058, %dma_start3A_1059, %dma_start3A_1060] : memref<8x16x128xf32, #tpu.memory_space<vmem>> -> memref<1x16x128xf32, #tpu.memory_space<vmem>>
      %dma_start3A_1062 = tpu.memref_squeeze %dma_start3A_1061 : memref<1x16x128xf32, #tpu.memory_space<vmem>> -> memref<16x128xf32, #tpu.memory_space<vmem>>
      %dma_start3A_1063 = arith.constant 16 : i32
      %dma_start3A_1064 = tpu.memref_slice %arg4[%dma_start3A_1063, %multiple_of3A_1037] : memref<32x1000000xf32, #tpu.memory_space<hbm>> -> memref<16x128xf32, #tpu.memory_space<hbm>>
      %dma_start3A_1065 = arith.constant 0 : i32
      %dma_start3A_1066 = arith.constant 0 : i32
      %dma_start3A_1067 = tpu.memref_slice %arg11[%dma_start3A_1058, %dma_start3A_1065, %dma_start3A_1066] : memref<8x16x128xf32, #tpu.memory_space<vmem>> -> memref<1x16x128xf32, #tpu.memory_space<vmem>>
      %dma_start3A_1068 = tpu.memref_squeeze %dma_start3A_1067 : memref<1x16x128xf32, #tpu.memory_space<vmem>> -> memref<16x128xf32, #tpu.memory_space<vmem>>
      %dma_start3A_1069 = arith.constant 16 : i32
      %dma_start3A_1070 = tpu.memref_slice %arg4[%dma_start3A_1069, %multiple_of3A_1037] : memref<32x1000000xf32, #tpu.memory_space<hbm>> -> memref<16x128xf32, #tpu.memory_space<hbm>>
      tpu.enqueue_dma source(%dma_start3A_1070 : memref<16x128xf32, #tpu.memory_space<hbm>>) target(%dma_start3A_1068 : memref<16x128xf32, #tpu.memory_space<vmem>>) target_semaphore(%arg16 : memref<!tpu.dma_semaphore, #tpu.memory_space<semaphore_mem>>)
      %dma_start3A_1071 = arith.constant 2 : i32
      %dma_start3A_1072 = arith.constant 0 : i32
      %dma_start3A_1073 = arith.constant 0 : i32
      %dma_start3A_1074 = tpu.memref_slice %arg12[%dma_start3A_1071, %dma_start3A_1072, %dma_start3A_1073] : memref<8x16x128xf32, #tpu.memory_space<vmem>> -> memref<1x16x128xf32, #tpu.memory_space<vmem>>
      %dma_start3A_1075 = tpu.memref_squeeze %dma_start3A_1074 : memref<1x16x128xf32, #tpu.memory_space<vmem>> -> memref<16x128xf32, #tpu.memory_space<vmem>>
      %dma_start3A_1076 = arith.constant 0 : i32
      %dma_start3A_1077 = tpu.memref_slice %arg5[%dma_start3A_1076, %multiple_of3A_1044] : memref<32x1000000xf32, #tpu.memory_space<hbm>> -> memref<16x128xf32, #tpu.memory_space<hbm>>
      %dma_start3A_1078 = arith.constant 0 : i32
      %dma_start3A_1079 = arith.constant 0 : i32
      %dma_start3A_1080 = tpu.memref_slice %arg12[%dma_start3A_1071, %dma_start3A_1078, %dma_start3A_1079] : memref<8x16x128xf32, #tpu.memory_space<vmem>> -> memref<1x16x128xf32, #tpu.memory_space<vmem>>
      %dma_start3A_1081 = tpu.memref_squeeze %dma_start3A_1080 : memref<1x16x128xf32, #tpu.memory_space<vmem>> -> memref<16x128xf32, #tpu.memory_space<vmem>>
      %dma_start3A_1082 = arith.constant 0 : i32
      %dma_start3A_1083 = tpu.memref_slice %arg5[%dma_start3A_1082, %multiple_of3A_1044] : memref<32x1000000xf32, #tpu.memory_space<hbm>> -> memref<16x128xf32, #tpu.memory_space<hbm>>
      tpu.enqueue_dma source(%dma_start3A_1083 : memref<16x128xf32, #tpu.memory_space<hbm>>) target(%dma_start3A_1081 : memref<16x128xf32, #tpu.memory_space<vmem>>) target_semaphore(%arg17 : memref<!tpu.dma_semaphore, #tpu.memory_space<semaphore_mem>>)
      %dma_start3A_1084 = arith.constant 2 : i32
      %dma_start3A_1085 = arith.constant 0 : i32
      %dma_start3A_1086 = arith.constant 0 : i32
      %dma_start3A_1087 = tpu.memref_slice %arg13[%dma_start3A_1084, %dma_start3A_1085, %dma_start3A_1086] : memref<8x16x128xf32, #tpu.memory_space<vmem>> -> memref<1x16x128xf32, #tpu.memory_space<vmem>>
      %dma_start3A_1088 = tpu.memref_squeeze %dma_start3A_1087 : memref<1x16x128xf32, #tpu.memory_space<vmem>> -> memref<16x128xf32, #tpu.memory_space<vmem>>
      %dma_start3A_1089 = arith.constant 16 : i32
      %dma_start3A_1090 = tpu.memref_slice %arg5[%dma_start3A_1089, %multiple_of3A_1044] : memref<32x1000000xf32, #tpu.memory_space<hbm>> -> memref<16x128xf32, #tpu.memory_space<hbm>>
      %dma_start3A_1091 = arith.constant 0 : i32
      %dma_start3A_1092 = arith.constant 0 : i32
      %dma_start3A_1093 = tpu.memref_slice %arg13[%dma_start3A_1084, %dma_start3A_1091, %dma_start3A_1092] : memref<8x16x128xf32, #tpu.memory_space<vmem>> -> memref<1x16x128xf32, #tpu.memory_space<vmem>>
      %dma_start3A_1094 = tpu.memref_squeeze %dma_start3A_1093 : memref<1x16x128xf32, #tpu.memory_space<vmem>> -> memref<16x128xf32, #tpu.memory_space<vmem>>
      %dma_start3A_1095 = arith.constant 16 : i32
      %dma_start3A_1096 = tpu.memref_slice %arg5[%dma_start3A_1095, %multiple_of3A_1044] : memref<32x1000000xf32, #tpu.memory_space<hbm>> -> memref<16x128xf32, #tpu.memory_space<hbm>>
      tpu.enqueue_dma source(%dma_start3A_1096 : memref<16x128xf32, #tpu.memory_space<hbm>>) target(%dma_start3A_1094 : memref<16x128xf32, #tpu.memory_space<vmem>>) target_semaphore(%arg17 : memref<!tpu.dma_semaphore, #tpu.memory_space<semaphore_mem>>)
      %slice3A_1097 = vector.extract_strided_slice %get3A_12 {offsets = [11], sizes = [1], strides = [1]} : vector<16xi32> to vector<1xi32>
      %squeeze3A_1098 = vector.extract %slice3A_1097[0] : i32 from vector<1xi32>
      %shift_right_arithmetic3A_1099 = arith.constant 7 : i32
      %shift_right_arithmetic3A_1100 = arith.shrsi %squeeze3A_1098, %shift_right_arithmetic3A_1099 : i32
      %shift_left3A_1101 = arith.constant 7 : i32
      %shift_left3A_1102 = arith.shli %shift_right_arithmetic3A_1100, %shift_left3A_1101 : i32
      %multiple_of3A_1103 = tpu.assume_multiple %shift_left3A_1102, 128 : i32
      %slice3A_1104 = vector.extract_strided_slice %get3A_16 {offsets = [11], sizes = [1], strides = [1]} : vector<16xi32> to vector<1xi32>
      %squeeze3A_1105 = vector.extract %slice3A_1104[0] : i32 from vector<1xi32>
      %shift_right_arithmetic3A_1106 = arith.constant 7 : i32
      %shift_right_arithmetic3A_1107 = arith.shrsi %squeeze3A_1105, %shift_right_arithmetic3A_1106 : i32
      %shift_left3A_1108 = arith.constant 7 : i32
      %shift_left3A_1109 = arith.shli %shift_right_arithmetic3A_1107, %shift_left3A_1108 : i32
      %multiple_of3A_1110 = tpu.assume_multiple %shift_left3A_1109, 128 : i32
      %dma_start3A_1111 = arith.constant 3 : i32
      %dma_start3A_1112 = arith.constant 0 : i32
      %dma_start3A_1113 = arith.constant 0 : i32
      %dma_start3A_1114 = tpu.memref_slice %arg10[%dma_start3A_1111, %dma_start3A_1112, %dma_start3A_1113] : memref<8x16x128xf32, #tpu.memory_space<vmem>> -> memref<1x16x128xf32, #tpu.memory_space<vmem>>
      %dma_start3A_1115 = tpu.memref_squeeze %dma_start3A_1114 : memref<1x16x128xf32, #tpu.memory_space<vmem>> -> memref<16x128xf32, #tpu.memory_space<vmem>>
      %dma_start3A_1116 = arith.constant 0 : i32
      %dma_start3A_1117 = tpu.memref_slice %arg4[%dma_start3A_1116, %multiple_of3A_1103] : memref<32x1000000xf32, #tpu.memory_space<hbm>> -> memref<16x128xf32, #tpu.memory_space<hbm>>
      %dma_start3A_1118 = arith.constant 0 : i32
      %dma_start3A_1119 = arith.constant 0 : i32
      %dma_start3A_1120 = tpu.memref_slice %arg10[%dma_start3A_1111, %dma_start3A_1118, %dma_start3A_1119] : memref<8x16x128xf32, #tpu.memory_space<vmem>> -> memref<1x16x128xf32, #tpu.memory_space<vmem>>
      %dma_start3A_1121 = tpu.memref_squeeze %dma_start3A_1120 : memref<1x16x128xf32, #tpu.memory_space<vmem>> -> memref<16x128xf32, #tpu.memory_space<vmem>>
      %dma_start3A_1122 = arith.constant 0 : i32
      %dma_start3A_1123 = tpu.memref_slice %arg4[%dma_start3A_1122, %multiple_of3A_1103] : memref<32x1000000xf32, #tpu.memory_space<hbm>> -> memref<16x128xf32, #tpu.memory_space<hbm>>
      tpu.enqueue_dma source(%dma_start3A_1123 : memref<16x128xf32, #tpu.memory_space<hbm>>) target(%dma_start3A_1121 : memref<16x128xf32, #tpu.memory_space<vmem>>) target_semaphore(%arg16 : memref<!tpu.dma_semaphore, #tpu.memory_space<semaphore_mem>>)
      %dma_start3A_1124 = arith.constant 3 : i32
      %dma_start3A_1125 = arith.constant 0 : i32
      %dma_start3A_1126 = arith.constant 0 : i32
      %dma_start3A_1127 = tpu.memref_slice %arg11[%dma_start3A_1124, %dma_start3A_1125, %dma_start3A_1126] : memref<8x16x128xf32, #tpu.memory_space<vmem>> -> memref<1x16x128xf32, #tpu.memory_space<vmem>>
      %dma_start3A_1128 = tpu.memref_squeeze %dma_start3A_1127 : memref<1x16x128xf32, #tpu.memory_space<vmem>> -> memref<16x128xf32, #tpu.memory_space<vmem>>
      %dma_start3A_1129 = arith.constant 16 : i32
      %dma_start3A_1130 = tpu.memref_slice %arg4[%dma_start3A_1129, %multiple_of3A_1103] : memref<32x1000000xf32, #tpu.memory_space<hbm>> -> memref<16x128xf32, #tpu.memory_space<hbm>>
      %dma_start3A_1131 = arith.constant 0 : i32
      %dma_start3A_1132 = arith.constant 0 : i32
      %dma_start3A_1133 = tpu.memref_slice %arg11[%dma_start3A_1124, %dma_start3A_1131, %dma_start3A_1132] : memref<8x16x128xf32, #tpu.memory_space<vmem>> -> memref<1x16x128xf32, #tpu.memory_space<vmem>>
      %dma_start3A_1134 = tpu.memref_squeeze %dma_start3A_1133 : memref<1x16x128xf32, #tpu.memory_space<vmem>> -> memref<16x128xf32, #tpu.memory_space<vmem>>
      %dma_start3A_1135 = arith.constant 16 : i32
      %dma_start3A_1136 = tpu.memref_slice %arg4[%dma_start3A_1135, %multiple_of3A_1103] : memref<32x1000000xf32, #tpu.memory_space<hbm>> -> memref<16x128xf32, #tpu.memory_space<hbm>>
      tpu.enqueue_dma source(%dma_start3A_1136 : memref<16x128xf32, #tpu.memory_space<hbm>>) target(%dma_start3A_1134 : memref<16x128xf32, #tpu.memory_space<vmem>>) target_semaphore(%arg16 : memref<!tpu.dma_semaphore, #tpu.memory_space<semaphore_mem>>)
      %dma_start3A_1137 = arith.constant 3 : i32
      %dma_start3A_1138 = arith.constant 0 : i32
      %dma_start3A_1139 = arith.constant 0 : i32
      %dma_start3A_1140 = tpu.memref_slice %arg12[%dma_start3A_1137, %dma_start3A_1138, %dma_start3A_1139] : memref<8x16x128xf32, #tpu.memory_space<vmem>> -> memref<1x16x128xf32, #tpu.memory_space<vmem>>
      %dma_start3A_1141 = tpu.memref_squeeze %dma_start3A_1140 : memref<1x16x128xf32, #tpu.memory_space<vmem>> -> memref<16x128xf32, #tpu.memory_space<vmem>>
      %dma_start3A_1142 = arith.constant 0 : i32
      %dma_start3A_1143 = tpu.memref_slice %arg5[%dma_start3A_1142, %multiple_of3A_1110] : memref<32x1000000xf32, #tpu.memory_space<hbm>> -> memref<16x128xf32, #tpu.memory_space<hbm>>
      %dma_start3A_1144 = arith.constant 0 : i32
      %dma_start3A_1145 = arith.constant 0 : i32
      %dma_start3A_1146 = tpu.memref_slice %arg12[%dma_start3A_1137, %dma_start3A_1144, %dma_start3A_1145] : memref<8x16x128xf32, #tpu.memory_space<vmem>> -> memref<1x16x128xf32, #tpu.memory_space<vmem>>
      %dma_start3A_1147 = tpu.memref_squeeze %dma_start3A_1146 : memref<1x16x128xf32, #tpu.memory_space<vmem>> -> memref<16x128xf32, #tpu.memory_space<vmem>>
      %dma_start3A_1148 = arith.constant 0 : i32
      %dma_start3A_1149 = tpu.memref_slice %arg5[%dma_start3A_1148, %multiple_of3A_1110] : memref<32x1000000xf32, #tpu.memory_space<hbm>> -> memref<16x128xf32, #tpu.memory_space<hbm>>
      tpu.enqueue_dma source(%dma_start3A_1149 : memref<16x128xf32, #tpu.memory_space<hbm>>) target(%dma_start3A_1147 : memref<16x128xf32, #tpu.memory_space<vmem>>) target_semaphore(%arg17 : memref<!tpu.dma_semaphore, #tpu.memory_space<semaphore_mem>>)
      %dma_start3A_1150 = arith.constant 3 : i32
      %dma_start3A_1151 = arith.constant 0 : i32
      %dma_start3A_1152 = arith.constant 0 : i32
      %dma_start3A_1153 = tpu.memref_slice %arg13[%dma_start3A_1150, %dma_start3A_1151, %dma_start3A_1152] : memref<8x16x128xf32, #tpu.memory_space<vmem>> -> memref<1x16x128xf32, #tpu.memory_space<vmem>>
      %dma_start3A_1154 = tpu.memref_squeeze %dma_start3A_1153 : memref<1x16x128xf32, #tpu.memory_space<vmem>> -> memref<16x128xf32, #tpu.memory_space<vmem>>
      %dma_start3A_1155 = arith.constant 16 : i32
      %dma_start3A_1156 = tpu.memref_slice %arg5[%dma_start3A_1155, %multiple_of3A_1110] : memref<32x1000000xf32, #tpu.memory_space<hbm>> -> memref<16x128xf32, #tpu.memory_space<hbm>>
      %dma_start3A_1157 = arith.constant 0 : i32
      %dma_start3A_1158 = arith.constant 0 : i32
      %dma_start3A_1159 = tpu.memref_slice %arg13[%dma_start3A_1150, %dma_start3A_1157, %dma_start3A_1158] : memref<8x16x128xf32, #tpu.memory_space<vmem>> -> memref<1x16x128xf32, #tpu.memory_space<vmem>>
      %dma_start3A_1160 = tpu.memref_squeeze %dma_start3A_1159 : memref<1x16x128xf32, #tpu.memory_space<vmem>> -> memref<16x128xf32, #tpu.memory_space<vmem>>
      %dma_start3A_1161 = arith.constant 16 : i32
      %dma_start3A_1162 = tpu.memref_slice %arg5[%dma_start3A_1161, %multiple_of3A_1110] : memref<32x1000000xf32, #tpu.memory_space<hbm>> -> memref<16x128xf32, #tpu.memory_space<hbm>>
      tpu.enqueue_dma source(%dma_start3A_1162 : memref<16x128xf32, #tpu.memory_space<hbm>>) target(%dma_start3A_1160 : memref<16x128xf32, #tpu.memory_space<vmem>>) target_semaphore(%arg17 : memref<!tpu.dma_semaphore, #tpu.memory_space<semaphore_mem>>)
      %dma_wait3A_1163 = arith.constant 4 : i32
      %dma_wait3A_1164 = arith.constant 0 : i32
      %dma_wait3A_1165 = arith.constant 0 : i32
      %dma_wait3A_1166 = tpu.memref_slice %arg10[%dma_wait3A_1163, %dma_wait3A_1164, %dma_wait3A_1165] : memref<8x16x128xf32, #tpu.memory_space<vmem>> -> memref<1x16x128xf32, #tpu.memory_space<vmem>>
      %dma_wait3A_1167 = tpu.memref_squeeze %dma_wait3A_1166 : memref<1x16x128xf32, #tpu.memory_space<vmem>> -> memref<16x128xf32, #tpu.memory_space<vmem>>
      %dma_wait3A_1168 = arith.constant 0 : i32
      %dma_wait3A_1169 = tpu.memref_slice %arg4[%dma_wait3A_1168, %multiple_of3A_281] : memref<32x1000000xf32, #tpu.memory_space<hbm>> -> memref<16x128xf32, #tpu.memory_space<hbm>>
      %dma_wait3A_1170 = arith.constant 0 : i32
      %dma_wait3A_1171 = arith.constant 0 : i32
      %dma_wait3A_1172 = tpu.memref_slice %arg10[%dma_wait3A_1163, %dma_wait3A_1170, %dma_wait3A_1171] : memref<8x16x128xf32, #tpu.memory_space<vmem>> -> memref<1x16x128xf32, #tpu.memory_space<vmem>>
      %dma_wait3A_1173 = tpu.memref_squeeze %dma_wait3A_1172 : memref<1x16x128xf32, #tpu.memory_space<vmem>> -> memref<16x128xf32, #tpu.memory_space<vmem>>
      %dma_wait3A_1174 = arith.constant 0 : i32
      %dma_wait3A_1175 = tpu.memref_slice %arg4[%dma_wait3A_1174, %multiple_of3A_281] : memref<32x1000000xf32, #tpu.memory_space<hbm>> -> memref<16x128xf32, #tpu.memory_space<hbm>>
      tpu.wait_dma2 semaphore(%arg16 : memref<!tpu.dma_semaphore, #tpu.memory_space<semaphore_mem>>) src(%dma_wait3A_1175 : memref<16x128xf32, #tpu.memory_space<hbm>>) dst(%dma_wait3A_1173 : memref<16x128xf32, #tpu.memory_space<vmem>>)
      %dma_wait3A_1176 = arith.constant 4 : i32
      %dma_wait3A_1177 = arith.constant 0 : i32
      %dma_wait3A_1178 = arith.constant 0 : i32
      %dma_wait3A_1179 = tpu.memref_slice %arg11[%dma_wait3A_1176, %dma_wait3A_1177, %dma_wait3A_1178] : memref<8x16x128xf32, #tpu.memory_space<vmem>> -> memref<1x16x128xf32, #tpu.memory_space<vmem>>
      %dma_wait3A_1180 = tpu.memref_squeeze %dma_wait3A_1179 : memref<1x16x128xf32, #tpu.memory_space<vmem>> -> memref<16x128xf32, #tpu.memory_space<vmem>>
      %dma_wait3A_1181 = arith.constant 16 : i32
      %dma_wait3A_1182 = tpu.memref_slice %arg4[%dma_wait3A_1181, %multiple_of3A_281] : memref<32x1000000xf32, #tpu.memory_space<hbm>> -> memref<16x128xf32, #tpu.memory_space<hbm>>
      %dma_wait3A_1183 = arith.constant 0 : i32
      %dma_wait3A_1184 = arith.constant 0 : i32
      %dma_wait3A_1185 = tpu.memref_slice %arg11[%dma_wait3A_1176, %dma_wait3A_1183, %dma_wait3A_1184] : memref<8x16x128xf32, #tpu.memory_space<vmem>> -> memref<1x16x128xf32, #tpu.memory_space<vmem>>
      %dma_wait3A_1186 = tpu.memref_squeeze %dma_wait3A_1185 : memref<1x16x128xf32, #tpu.memory_space<vmem>> -> memref<16x128xf32, #tpu.memory_space<vmem>>
      %dma_wait3A_1187 = arith.constant 16 : i32
      %dma_wait3A_1188 = tpu.memref_slice %arg4[%dma_wait3A_1187, %multiple_of3A_281] : memref<32x1000000xf32, #tpu.memory_space<hbm>> -> memref<16x128xf32, #tpu.memory_space<hbm>>
      tpu.wait_dma2 semaphore(%arg16 : memref<!tpu.dma_semaphore, #tpu.memory_space<semaphore_mem>>) src(%dma_wait3A_1188 : memref<16x128xf32, #tpu.memory_space<hbm>>) dst(%dma_wait3A_1186 : memref<16x128xf32, #tpu.memory_space<vmem>>)
      %dma_wait3A_1189 = arith.constant 4 : i32
      %dma_wait3A_1190 = arith.constant 0 : i32
      %dma_wait3A_1191 = arith.constant 0 : i32
      %dma_wait3A_1192 = tpu.memref_slice %arg12[%dma_wait3A_1189, %dma_wait3A_1190, %dma_wait3A_1191] : memref<8x16x128xf32, #tpu.memory_space<vmem>> -> memref<1x16x128xf32, #tpu.memory_space<vmem>>
      %dma_wait3A_1193 = tpu.memref_squeeze %dma_wait3A_1192 : memref<1x16x128xf32, #tpu.memory_space<vmem>> -> memref<16x128xf32, #tpu.memory_space<vmem>>
      %dma_wait3A_1194 = arith.constant 0 : i32
      %dma_wait3A_1195 = tpu.memref_slice %arg5[%dma_wait3A_1194, %multiple_of3A_288] : memref<32x1000000xf32, #tpu.memory_space<hbm>> -> memref<16x128xf32, #tpu.memory_space<hbm>>
      %dma_wait3A_1196 = arith.constant 0 : i32
      %dma_wait3A_1197 = arith.constant 0 : i32
      %dma_wait3A_1198 = tpu.memref_slice %arg12[%dma_wait3A_1189, %dma_wait3A_1196, %dma_wait3A_1197] : memref<8x16x128xf32, #tpu.memory_space<vmem>> -> memref<1x16x128xf32, #tpu.memory_space<vmem>>
      %dma_wait3A_1199 = tpu.memref_squeeze %dma_wait3A_1198 : memref<1x16x128xf32, #tpu.memory_space<vmem>> -> memref<16x128xf32, #tpu.memory_space<vmem>>
      %dma_wait3A_1200 = arith.constant 0 : i32
      %dma_wait3A_1201 = tpu.memref_slice %arg5[%dma_wait3A_1200, %multiple_of3A_288] : memref<32x1000000xf32, #tpu.memory_space<hbm>> -> memref<16x128xf32, #tpu.memory_space<hbm>>
      tpu.wait_dma2 semaphore(%arg17 : memref<!tpu.dma_semaphore, #tpu.memory_space<semaphore_mem>>) src(%dma_wait3A_1201 : memref<16x128xf32, #tpu.memory_space<hbm>>) dst(%dma_wait3A_1199 : memref<16x128xf32, #tpu.memory_space<vmem>>)
      %dma_wait3A_1202 = arith.constant 4 : i32
      %dma_wait3A_1203 = arith.constant 0 : i32
      %dma_wait3A_1204 = arith.constant 0 : i32
      %dma_wait3A_1205 = tpu.memref_slice %arg13[%dma_wait3A_1202, %dma_wait3A_1203, %dma_wait3A_1204] : memref<8x16x128xf32, #tpu.memory_space<vmem>> -> memref<1x16x128xf32, #tpu.memory_space<vmem>>
      %dma_wait3A_1206 = tpu.memref_squeeze %dma_wait3A_1205 : memref<1x16x128xf32, #tpu.memory_space<vmem>> -> memref<16x128xf32, #tpu.memory_space<vmem>>
      %dma_wait3A_1207 = arith.constant 16 : i32
      %dma_wait3A_1208 = tpu.memref_slice %arg5[%dma_wait3A_1207, %multiple_of3A_288] : memref<32x1000000xf32, #tpu.memory_space<hbm>> -> memref<16x128xf32, #tpu.memory_space<hbm>>
      %dma_wait3A_1209 = arith.constant 0 : i32
      %dma_wait3A_1210 = arith.constant 0 : i32
      %dma_wait3A_1211 = tpu.memref_slice %arg13[%dma_wait3A_1202, %dma_wait3A_1209, %dma_wait3A_1210] : memref<8x16x128xf32, #tpu.memory_space<vmem>> -> memref<1x16x128xf32, #tpu.memory_space<vmem>>
      %dma_wait3A_1212 = tpu.memref_squeeze %dma_wait3A_1211 : memref<1x16x128xf32, #tpu.memory_space<vmem>> -> memref<16x128xf32, #tpu.memory_space<vmem>>
      %dma_wait3A_1213 = arith.constant 16 : i32
      %dma_wait3A_1214 = tpu.memref_slice %arg5[%dma_wait3A_1213, %multiple_of3A_288] : memref<32x1000000xf32, #tpu.memory_space<hbm>> -> memref<16x128xf32, #tpu.memory_space<hbm>>
      tpu.wait_dma2 semaphore(%arg17 : memref<!tpu.dma_semaphore, #tpu.memory_space<semaphore_mem>>) src(%dma_wait3A_1214 : memref<16x128xf32, #tpu.memory_space<hbm>>) dst(%dma_wait3A_1212 : memref<16x128xf32, #tpu.memory_space<vmem>>)
      %dma_wait3A_1215 = arith.constant 5 : i32
      %dma_wait3A_1216 = arith.constant 0 : i32
      %dma_wait3A_1217 = arith.constant 0 : i32
      %dma_wait3A_1218 = tpu.memref_slice %arg10[%dma_wait3A_1215, %dma_wait3A_1216, %dma_wait3A_1217] : memref<8x16x128xf32, #tpu.memory_space<vmem>> -> memref<1x16x128xf32, #tpu.memory_space<vmem>>
      %dma_wait3A_1219 = tpu.memref_squeeze %dma_wait3A_1218 : memref<1x16x128xf32, #tpu.memory_space<vmem>> -> memref<16x128xf32, #tpu.memory_space<vmem>>
      %dma_wait3A_1220 = arith.constant 0 : i32
      %dma_wait3A_1221 = tpu.memref_slice %arg4[%dma_wait3A_1220, %multiple_of3A_347] : memref<32x1000000xf32, #tpu.memory_space<hbm>> -> memref<16x128xf32, #tpu.memory_space<hbm>>
      %dma_wait3A_1222 = arith.constant 0 : i32
      %dma_wait3A_1223 = arith.constant 0 : i32
      %dma_wait3A_1224 = tpu.memref_slice %arg10[%dma_wait3A_1215, %dma_wait3A_1222, %dma_wait3A_1223] : memref<8x16x128xf32, #tpu.memory_space<vmem>> -> memref<1x16x128xf32, #tpu.memory_space<vmem>>
      %dma_wait3A_1225 = tpu.memref_squeeze %dma_wait3A_1224 : memref<1x16x128xf32, #tpu.memory_space<vmem>> -> memref<16x128xf32, #tpu.memory_space<vmem>>
      %dma_wait3A_1226 = arith.constant 0 : i32
      %dma_wait3A_1227 = tpu.memref_slice %arg4[%dma_wait3A_1226, %multiple_of3A_347] : memref<32x1000000xf32, #tpu.memory_space<hbm>> -> memref<16x128xf32, #tpu.memory_space<hbm>>
      tpu.wait_dma2 semaphore(%arg16 : memref<!tpu.dma_semaphore, #tpu.memory_space<semaphore_mem>>) src(%dma_wait3A_1227 : memref<16x128xf32, #tpu.memory_space<hbm>>) dst(%dma_wait3A_1225 : memref<16x128xf32, #tpu.memory_space<vmem>>)
      %dma_wait3A_1228 = arith.constant 5 : i32
      %dma_wait3A_1229 = arith.constant 0 : i32
      %dma_wait3A_1230 = arith.constant 0 : i32
      %dma_wait3A_1231 = tpu.memref_slice %arg11[%dma_wait3A_1228, %dma_wait3A_1229, %dma_wait3A_1230] : memref<8x16x128xf32, #tpu.memory_space<vmem>> -> memref<1x16x128xf32, #tpu.memory_space<vmem>>
      %dma_wait3A_1232 = tpu.memref_squeeze %dma_wait3A_1231 : memref<1x16x128xf32, #tpu.memory_space<vmem>> -> memref<16x128xf32, #tpu.memory_space<vmem>>
      %dma_wait3A_1233 = arith.constant 16 : i32
      %dma_wait3A_1234 = tpu.memref_slice %arg4[%dma_wait3A_1233, %multiple_of3A_347] : memref<32x1000000xf32, #tpu.memory_space<hbm>> -> memref<16x128xf32, #tpu.memory_space<hbm>>
      %dma_wait3A_1235 = arith.constant 0 : i32
      %dma_wait3A_1236 = arith.constant 0 : i32
      %dma_wait3A_1237 = tpu.memref_slice %arg11[%dma_wait3A_1228, %dma_wait3A_1235, %dma_wait3A_1236] : memref<8x16x128xf32, #tpu.memory_space<vmem>> -> memref<1x16x128xf32, #tpu.memory_space<vmem>>
      %dma_wait3A_1238 = tpu.memref_squeeze %dma_wait3A_1237 : memref<1x16x128xf32, #tpu.memory_space<vmem>> -> memref<16x128xf32, #tpu.memory_space<vmem>>
      %dma_wait3A_1239 = arith.constant 16 : i32
      %dma_wait3A_1240 = tpu.memref_slice %arg4[%dma_wait3A_1239, %multiple_of3A_347] : memref<32x1000000xf32, #tpu.memory_space<hbm>> -> memref<16x128xf32, #tpu.memory_space<hbm>>
      tpu.wait_dma2 semaphore(%arg16 : memref<!tpu.dma_semaphore, #tpu.memory_space<semaphore_mem>>) src(%dma_wait3A_1240 : memref<16x128xf32, #tpu.memory_space<hbm>>) dst(%dma_wait3A_1238 : memref<16x128xf32, #tpu.memory_space<vmem>>)
      %dma_wait3A_1241 = arith.constant 5 : i32
      %dma_wait3A_1242 = arith.constant 0 : i32
      %dma_wait3A_1243 = arith.constant 0 : i32
      %dma_wait3A_1244 = tpu.memref_slice %arg12[%dma_wait3A_1241, %dma_wait3A_1242, %dma_wait3A_1243] : memref<8x16x128xf32, #tpu.memory_space<vmem>> -> memref<1x16x128xf32, #tpu.memory_space<vmem>>
      %dma_wait3A_1245 = tpu.memref_squeeze %dma_wait3A_1244 : memref<1x16x128xf32, #tpu.memory_space<vmem>> -> memref<16x128xf32, #tpu.memory_space<vmem>>
      %dma_wait3A_1246 = arith.constant 0 : i32
      %dma_wait3A_1247 = tpu.memref_slice %arg5[%dma_wait3A_1246, %multiple_of3A_354] : memref<32x1000000xf32, #tpu.memory_space<hbm>> -> memref<16x128xf32, #tpu.memory_space<hbm>>
      %dma_wait3A_1248 = arith.constant 0 : i32
      %dma_wait3A_1249 = arith.constant 0 : i32
      %dma_wait3A_1250 = tpu.memref_slice %arg12[%dma_wait3A_1241, %dma_wait3A_1248, %dma_wait3A_1249] : memref<8x16x128xf32, #tpu.memory_space<vmem>> -> memref<1x16x128xf32, #tpu.memory_space<vmem>>
      %dma_wait3A_1251 = tpu.memref_squeeze %dma_wait3A_1250 : memref<1x16x128xf32, #tpu.memory_space<vmem>> -> memref<16x128xf32, #tpu.memory_space<vmem>>
      %dma_wait3A_1252 = arith.constant 0 : i32
      %dma_wait3A_1253 = tpu.memref_slice %arg5[%dma_wait3A_1252, %multiple_of3A_354] : memref<32x1000000xf32, #tpu.memory_space<hbm>> -> memref<16x128xf32, #tpu.memory_space<hbm>>
      tpu.wait_dma2 semaphore(%arg17 : memref<!tpu.dma_semaphore, #tpu.memory_space<semaphore_mem>>) src(%dma_wait3A_1253 : memref<16x128xf32, #tpu.memory_space<hbm>>) dst(%dma_wait3A_1251 : memref<16x128xf32, #tpu.memory_space<vmem>>)
      %dma_wait3A_1254 = arith.constant 5 : i32
      %dma_wait3A_1255 = arith.constant 0 : i32
      %dma_wait3A_1256 = arith.constant 0 : i32
      %dma_wait3A_1257 = tpu.memref_slice %arg13[%dma_wait3A_1254, %dma_wait3A_1255, %dma_wait3A_1256] : memref<8x16x128xf32, #tpu.memory_space<vmem>> -> memref<1x16x128xf32, #tpu.memory_space<vmem>>
      %dma_wait3A_1258 = tpu.memref_squeeze %dma_wait3A_1257 : memref<1x16x128xf32, #tpu.memory_space<vmem>> -> memref<16x128xf32, #tpu.memory_space<vmem>>
      %dma_wait3A_1259 = arith.constant 16 : i32
      %dma_wait3A_1260 = tpu.memref_slice %arg5[%dma_wait3A_1259, %multiple_of3A_354] : memref<32x1000000xf32, #tpu.memory_space<hbm>> -> memref<16x128xf32, #tpu.memory_space<hbm>>
      %dma_wait3A_1261 = arith.constant 0 : i32
      %dma_wait3A_1262 = arith.constant 0 : i32
      %dma_wait3A_1263 = tpu.memref_slice %arg13[%dma_wait3A_1254, %dma_wait3A_1261, %dma_wait3A_1262] : memref<8x16x128xf32, #tpu.memory_space<vmem>> -> memref<1x16x128xf32, #tpu.memory_space<vmem>>
      %dma_wait3A_1264 = tpu.memref_squeeze %dma_wait3A_1263 : memref<1x16x128xf32, #tpu.memory_space<vmem>> -> memref<16x128xf32, #tpu.memory_space<vmem>>
      %dma_wait3A_1265 = arith.constant 16 : i32
      %dma_wait3A_1266 = tpu.memref_slice %arg5[%dma_wait3A_1265, %multiple_of3A_354] : memref<32x1000000xf32, #tpu.memory_space<hbm>> -> memref<16x128xf32, #tpu.memory_space<hbm>>
      tpu.wait_dma2 semaphore(%arg17 : memref<!tpu.dma_semaphore, #tpu.memory_space<semaphore_mem>>) src(%dma_wait3A_1266 : memref<16x128xf32, #tpu.memory_space<hbm>>) dst(%dma_wait3A_1264 : memref<16x128xf32, #tpu.memory_space<vmem>>)
      %dma_wait3A_1267 = arith.constant 6 : i32
      %dma_wait3A_1268 = arith.constant 0 : i32
      %dma_wait3A_1269 = arith.constant 0 : i32
      %dma_wait3A_1270 = tpu.memref_slice %arg10[%dma_wait3A_1267, %dma_wait3A_1268, %dma_wait3A_1269] : memref<8x16x128xf32, #tpu.memory_space<vmem>> -> memref<1x16x128xf32, #tpu.memory_space<vmem>>
      %dma_wait3A_1271 = tpu.memref_squeeze %dma_wait3A_1270 : memref<1x16x128xf32, #tpu.memory_space<vmem>> -> memref<16x128xf32, #tpu.memory_space<vmem>>
      %dma_wait3A_1272 = arith.constant 0 : i32
      %dma_wait3A_1273 = tpu.memref_slice %arg4[%dma_wait3A_1272, %multiple_of3A_413] : memref<32x1000000xf32, #tpu.memory_space<hbm>> -> memref<16x128xf32, #tpu.memory_space<hbm>>
      %dma_wait3A_1274 = arith.constant 0 : i32
      %dma_wait3A_1275 = arith.constant 0 : i32
      %dma_wait3A_1276 = tpu.memref_slice %arg10[%dma_wait3A_1267, %dma_wait3A_1274, %dma_wait3A_1275] : memref<8x16x128xf32, #tpu.memory_space<vmem>> -> memref<1x16x128xf32, #tpu.memory_space<vmem>>
      %dma_wait3A_1277 = tpu.memref_squeeze %dma_wait3A_1276 : memref<1x16x128xf32, #tpu.memory_space<vmem>> -> memref<16x128xf32, #tpu.memory_space<vmem>>
      %dma_wait3A_1278 = arith.constant 0 : i32
      %dma_wait3A_1279 = tpu.memref_slice %arg4[%dma_wait3A_1278, %multiple_of3A_413] : memref<32x1000000xf32, #tpu.memory_space<hbm>> -> memref<16x128xf32, #tpu.memory_space<hbm>>
      tpu.wait_dma2 semaphore(%arg16 : memref<!tpu.dma_semaphore, #tpu.memory_space<semaphore_mem>>) src(%dma_wait3A_1279 : memref<16x128xf32, #tpu.memory_space<hbm>>) dst(%dma_wait3A_1277 : memref<16x128xf32, #tpu.memory_space<vmem>>)
      %dma_wait3A_1280 = arith.constant 6 : i32
      %dma_wait3A_1281 = arith.constant 0 : i32
      %dma_wait3A_1282 = arith.constant 0 : i32
      %dma_wait3A_1283 = tpu.memref_slice %arg11[%dma_wait3A_1280, %dma_wait3A_1281, %dma_wait3A_1282] : memref<8x16x128xf32, #tpu.memory_space<vmem>> -> memref<1x16x128xf32, #tpu.memory_space<vmem>>
      %dma_wait3A_1284 = tpu.memref_squeeze %dma_wait3A_1283 : memref<1x16x128xf32, #tpu.memory_space<vmem>> -> memref<16x128xf32, #tpu.memory_space<vmem>>
      %dma_wait3A_1285 = arith.constant 16 : i32
      %dma_wait3A_1286 = tpu.memref_slice %arg4[%dma_wait3A_1285, %multiple_of3A_413] : memref<32x1000000xf32, #tpu.memory_space<hbm>> -> memref<16x128xf32, #tpu.memory_space<hbm>>
      %dma_wait3A_1287 = arith.constant 0 : i32
      %dma_wait3A_1288 = arith.constant 0 : i32
      %dma_wait3A_1289 = tpu.memref_slice %arg11[%dma_wait3A_1280, %dma_wait3A_1287, %dma_wait3A_1288] : memref<8x16x128xf32, #tpu.memory_space<vmem>> -> memref<1x16x128xf32, #tpu.memory_space<vmem>>
      %dma_wait3A_1290 = tpu.memref_squeeze %dma_wait3A_1289 : memref<1x16x128xf32, #tpu.memory_space<vmem>> -> memref<16x128xf32, #tpu.memory_space<vmem>>
      %dma_wait3A_1291 = arith.constant 16 : i32
      %dma_wait3A_1292 = tpu.memref_slice %arg4[%dma_wait3A_1291, %multiple_of3A_413] : memref<32x1000000xf32, #tpu.memory_space<hbm>> -> memref<16x128xf32, #tpu.memory_space<hbm>>
      tpu.wait_dma2 semaphore(%arg16 : memref<!tpu.dma_semaphore, #tpu.memory_space<semaphore_mem>>) src(%dma_wait3A_1292 : memref<16x128xf32, #tpu.memory_space<hbm>>) dst(%dma_wait3A_1290 : memref<16x128xf32, #tpu.memory_space<vmem>>)
      %dma_wait3A_1293 = arith.constant 6 : i32
      %dma_wait3A_1294 = arith.constant 0 : i32
      %dma_wait3A_1295 = arith.constant 0 : i32
      %dma_wait3A_1296 = tpu.memref_slice %arg12[%dma_wait3A_1293, %dma_wait3A_1294, %dma_wait3A_1295] : memref<8x16x128xf32, #tpu.memory_space<vmem>> -> memref<1x16x128xf32, #tpu.memory_space<vmem>>
      %dma_wait3A_1297 = tpu.memref_squeeze %dma_wait3A_1296 : memref<1x16x128xf32, #tpu.memory_space<vmem>> -> memref<16x128xf32, #tpu.memory_space<vmem>>
      %dma_wait3A_1298 = arith.constant 0 : i32
      %dma_wait3A_1299 = tpu.memref_slice %arg5[%dma_wait3A_1298, %multiple_of3A_420] : memref<32x1000000xf32, #tpu.memory_space<hbm>> -> memref<16x128xf32, #tpu.memory_space<hbm>>
      %dma_wait3A_1300 = arith.constant 0 : i32
      %dma_wait3A_1301 = arith.constant 0 : i32
      %dma_wait3A_1302 = tpu.memref_slice %arg12[%dma_wait3A_1293, %dma_wait3A_1300, %dma_wait3A_1301] : memref<8x16x128xf32, #tpu.memory_space<vmem>> -> memref<1x16x128xf32, #tpu.memory_space<vmem>>
      %dma_wait3A_1303 = tpu.memref_squeeze %dma_wait3A_1302 : memref<1x16x128xf32, #tpu.memory_space<vmem>> -> memref<16x128xf32, #tpu.memory_space<vmem>>
      %dma_wait3A_1304 = arith.constant 0 : i32
      %dma_wait3A_1305 = tpu.memref_slice %arg5[%dma_wait3A_1304, %multiple_of3A_420] : memref<32x1000000xf32, #tpu.memory_space<hbm>> -> memref<16x128xf32, #tpu.memory_space<hbm>>
      tpu.wait_dma2 semaphore(%arg17 : memref<!tpu.dma_semaphore, #tpu.memory_space<semaphore_mem>>) src(%dma_wait3A_1305 : memref<16x128xf32, #tpu.memory_space<hbm>>) dst(%dma_wait3A_1303 : memref<16x128xf32, #tpu.memory_space<vmem>>)
      %dma_wait3A_1306 = arith.constant 6 : i32
      %dma_wait3A_1307 = arith.constant 0 : i32
      %dma_wait3A_1308 = arith.constant 0 : i32
      %dma_wait3A_1309 = tpu.memref_slice %arg13[%dma_wait3A_1306, %dma_wait3A_1307, %dma_wait3A_1308] : memref<8x16x128xf32, #tpu.memory_space<vmem>> -> memref<1x16x128xf32, #tpu.memory_space<vmem>>
      %dma_wait3A_1310 = tpu.memref_squeeze %dma_wait3A_1309 : memref<1x16x128xf32, #tpu.memory_space<vmem>> -> memref<16x128xf32, #tpu.memory_space<vmem>>
      %dma_wait3A_1311 = arith.constant 16 : i32
      %dma_wait3A_1312 = tpu.memref_slice %arg5[%dma_wait3A_1311, %multiple_of3A_420] : memref<32x1000000xf32, #tpu.memory_space<hbm>> -> memref<16x128xf32, #tpu.memory_space<hbm>>
      %dma_wait3A_1313 = arith.constant 0 : i32
      %dma_wait3A_1314 = arith.constant 0 : i32
      %dma_wait3A_1315 = tpu.memref_slice %arg13[%dma_wait3A_1306, %dma_wait3A_1313, %dma_wait3A_1314] : memref<8x16x128xf32, #tpu.memory_space<vmem>> -> memref<1x16x128xf32, #tpu.memory_space<vmem>>
      %dma_wait3A_1316 = tpu.memref_squeeze %dma_wait3A_1315 : memref<1x16x128xf32, #tpu.memory_space<vmem>> -> memref<16x128xf32, #tpu.memory_space<vmem>>
      %dma_wait3A_1317 = arith.constant 16 : i32
      %dma_wait3A_1318 = tpu.memref_slice %arg5[%dma_wait3A_1317, %multiple_of3A_420] : memref<32x1000000xf32, #tpu.memory_space<hbm>> -> memref<16x128xf32, #tpu.memory_space<hbm>>
      tpu.wait_dma2 semaphore(%arg17 : memref<!tpu.dma_semaphore, #tpu.memory_space<semaphore_mem>>) src(%dma_wait3A_1318 : memref<16x128xf32, #tpu.memory_space<hbm>>) dst(%dma_wait3A_1316 : memref<16x128xf32, #tpu.memory_space<vmem>>)
      %dma_wait3A_1319 = arith.constant 7 : i32
      %dma_wait3A_1320 = arith.constant 0 : i32
      %dma_wait3A_1321 = arith.constant 0 : i32
      %dma_wait3A_1322 = tpu.memref_slice %arg10[%dma_wait3A_1319, %dma_wait3A_1320, %dma_wait3A_1321] : memref<8x16x128xf32, #tpu.memory_space<vmem>> -> memref<1x16x128xf32, #tpu.memory_space<vmem>>
      %dma_wait3A_1323 = tpu.memref_squeeze %dma_wait3A_1322 : memref<1x16x128xf32, #tpu.memory_space<vmem>> -> memref<16x128xf32, #tpu.memory_space<vmem>>
      %dma_wait3A_1324 = arith.constant 0 : i32
      %dma_wait3A_1325 = tpu.memref_slice %arg4[%dma_wait3A_1324, %multiple_of3A_479] : memref<32x1000000xf32, #tpu.memory_space<hbm>> -> memref<16x128xf32, #tpu.memory_space<hbm>>
      %dma_wait3A_1326 = arith.constant 0 : i32
      %dma_wait3A_1327 = arith.constant 0 : i32
      %dma_wait3A_1328 = tpu.memref_slice %arg10[%dma_wait3A_1319, %dma_wait3A_1326, %dma_wait3A_1327] : memref<8x16x128xf32, #tpu.memory_space<vmem>> -> memref<1x16x128xf32, #tpu.memory_space<vmem>>
      %dma_wait3A_1329 = tpu.memref_squeeze %dma_wait3A_1328 : memref<1x16x128xf32, #tpu.memory_space<vmem>> -> memref<16x128xf32, #tpu.memory_space<vmem>>
      %dma_wait3A_1330 = arith.constant 0 : i32
      %dma_wait3A_1331 = tpu.memref_slice %arg4[%dma_wait3A_1330, %multiple_of3A_479] : memref<32x1000000xf32, #tpu.memory_space<hbm>> -> memref<16x128xf32, #tpu.memory_space<hbm>>
      tpu.wait_dma2 semaphore(%arg16 : memref<!tpu.dma_semaphore, #tpu.memory_space<semaphore_mem>>) src(%dma_wait3A_1331 : memref<16x128xf32, #tpu.memory_space<hbm>>) dst(%dma_wait3A_1329 : memref<16x128xf32, #tpu.memory_space<vmem>>)
      %dma_wait3A_1332 = arith.constant 7 : i32
      %dma_wait3A_1333 = arith.constant 0 : i32
      %dma_wait3A_1334 = arith.constant 0 : i32
      %dma_wait3A_1335 = tpu.memref_slice %arg11[%dma_wait3A_1332, %dma_wait3A_1333, %dma_wait3A_1334] : memref<8x16x128xf32, #tpu.memory_space<vmem>> -> memref<1x16x128xf32, #tpu.memory_space<vmem>>
      %dma_wait3A_1336 = tpu.memref_squeeze %dma_wait3A_1335 : memref<1x16x128xf32, #tpu.memory_space<vmem>> -> memref<16x128xf32, #tpu.memory_space<vmem>>
      %dma_wait3A_1337 = arith.constant 16 : i32
      %dma_wait3A_1338 = tpu.memref_slice %arg4[%dma_wait3A_1337, %multiple_of3A_479] : memref<32x1000000xf32, #tpu.memory_space<hbm>> -> memref<16x128xf32, #tpu.memory_space<hbm>>
      %dma_wait3A_1339 = arith.constant 0 : i32
      %dma_wait3A_1340 = arith.constant 0 : i32
      %dma_wait3A_1341 = tpu.memref_slice %arg11[%dma_wait3A_1332, %dma_wait3A_1339, %dma_wait3A_1340] : memref<8x16x128xf32, #tpu.memory_space<vmem>> -> memref<1x16x128xf32, #tpu.memory_space<vmem>>
      %dma_wait3A_1342 = tpu.memref_squeeze %dma_wait3A_1341 : memref<1x16x128xf32, #tpu.memory_space<vmem>> -> memref<16x128xf32, #tpu.memory_space<vmem>>
      %dma_wait3A_1343 = arith.constant 16 : i32
      %dma_wait3A_1344 = tpu.memref_slice %arg4[%dma_wait3A_1343, %multiple_of3A_479] : memref<32x1000000xf32, #tpu.memory_space<hbm>> -> memref<16x128xf32, #tpu.memory_space<hbm>>
      tpu.wait_dma2 semaphore(%arg16 : memref<!tpu.dma_semaphore, #tpu.memory_space<semaphore_mem>>) src(%dma_wait3A_1344 : memref<16x128xf32, #tpu.memory_space<hbm>>) dst(%dma_wait3A_1342 : memref<16x128xf32, #tpu.memory_space<vmem>>)
      %dma_wait3A_1345 = arith.constant 7 : i32
      %dma_wait3A_1346 = arith.constant 0 : i32
      %dma_wait3A_1347 = arith.constant 0 : i32
      %dma_wait3A_1348 = tpu.memref_slice %arg12[%dma_wait3A_1345, %dma_wait3A_1346, %dma_wait3A_1347] : memref<8x16x128xf32, #tpu.memory_space<vmem>> -> memref<1x16x128xf32, #tpu.memory_space<vmem>>
      %dma_wait3A_1349 = tpu.memref_squeeze %dma_wait3A_1348 : memref<1x16x128xf32, #tpu.memory_space<vmem>> -> memref<16x128xf32, #tpu.memory_space<vmem>>
      %dma_wait3A_1350 = arith.constant 0 : i32
      %dma_wait3A_1351 = tpu.memref_slice %arg5[%dma_wait3A_1350, %multiple_of3A_486] : memref<32x1000000xf32, #tpu.memory_space<hbm>> -> memref<16x128xf32, #tpu.memory_space<hbm>>
      %dma_wait3A_1352 = arith.constant 0 : i32
      %dma_wait3A_1353 = arith.constant 0 : i32
      %dma_wait3A_1354 = tpu.memref_slice %arg12[%dma_wait3A_1345, %dma_wait3A_1352, %dma_wait3A_1353] : memref<8x16x128xf32, #tpu.memory_space<vmem>> -> memref<1x16x128xf32, #tpu.memory_space<vmem>>
      %dma_wait3A_1355 = tpu.memref_squeeze %dma_wait3A_1354 : memref<1x16x128xf32, #tpu.memory_space<vmem>> -> memref<16x128xf32, #tpu.memory_space<vmem>>
      %dma_wait3A_1356 = arith.constant 0 : i32
      %dma_wait3A_1357 = tpu.memref_slice %arg5[%dma_wait3A_1356, %multiple_of3A_486] : memref<32x1000000xf32, #tpu.memory_space<hbm>> -> memref<16x128xf32, #tpu.memory_space<hbm>>
      tpu.wait_dma2 semaphore(%arg17 : memref<!tpu.dma_semaphore, #tpu.memory_space<semaphore_mem>>) src(%dma_wait3A_1357 : memref<16x128xf32, #tpu.memory_space<hbm>>) dst(%dma_wait3A_1355 : memref<16x128xf32, #tpu.memory_space<vmem>>)
      %dma_wait3A_1358 = arith.constant 7 : i32
      %dma_wait3A_1359 = arith.constant 0 : i32
      %dma_wait3A_1360 = arith.constant 0 : i32
      %dma_wait3A_1361 = tpu.memref_slice %arg13[%dma_wait3A_1358, %dma_wait3A_1359, %dma_wait3A_1360] : memref<8x16x128xf32, #tpu.memory_space<vmem>> -> memref<1x16x128xf32, #tpu.memory_space<vmem>>
      %dma_wait3A_1362 = tpu.memref_squeeze %dma_wait3A_1361 : memref<1x16x128xf32, #tpu.memory_space<vmem>> -> memref<16x128xf32, #tpu.memory_space<vmem>>
      %dma_wait3A_1363 = arith.constant 16 : i32
      %dma_wait3A_1364 = tpu.memref_slice %arg5[%dma_wait3A_1363, %multiple_of3A_486] : memref<32x1000000xf32, #tpu.memory_space<hbm>> -> memref<16x128xf32, #tpu.memory_space<hbm>>
      %dma_wait3A_1365 = arith.constant 0 : i32
      %dma_wait3A_1366 = arith.constant 0 : i32
      %dma_wait3A_1367 = tpu.memref_slice %arg13[%dma_wait3A_1358, %dma_wait3A_1365, %dma_wait3A_1366] : memref<8x16x128xf32, #tpu.memory_space<vmem>> -> memref<1x16x128xf32, #tpu.memory_space<vmem>>
      %dma_wait3A_1368 = tpu.memref_squeeze %dma_wait3A_1367 : memref<1x16x128xf32, #tpu.memory_space<vmem>> -> memref<16x128xf32, #tpu.memory_space<vmem>>
      %dma_wait3A_1369 = arith.constant 16 : i32
      %dma_wait3A_1370 = tpu.memref_slice %arg5[%dma_wait3A_1369, %multiple_of3A_486] : memref<32x1000000xf32, #tpu.memory_space<hbm>> -> memref<16x128xf32, #tpu.memory_space<hbm>>
      tpu.wait_dma2 semaphore(%arg17 : memref<!tpu.dma_semaphore, #tpu.memory_space<semaphore_mem>>) src(%dma_wait3A_1370 : memref<16x128xf32, #tpu.memory_space<hbm>>) dst(%dma_wait3A_1368 : memref<16x128xf32, #tpu.memory_space<vmem>>)
      %mul3A_1371 = arith.constant 16 : i32
      %mul3A_1372 = arith.muli %scan3A_9, %mul3A_1371 : i32
      %add3A_1373 = arith.constant 4 : i32
      %add3A_1374 = arith.addi %mul3A_1372, %add3A_1373 : i32
      %slice3A_1375 = vector.extract_strided_slice %get3A_12 {offsets = [4], sizes = [1], strides = [1]} : vector<16xi32> to vector<1xi32>
      %squeeze3A_1376 = vector.extract %slice3A_1375[0] : i32 from vector<1xi32>
      %and3A_1377 = arith.constant 127 : i32
      %and3A_1378 = arith.andi %squeeze3A_1376, %and3A_1377 : i32
      %broadcast_in_dim3A_1379 = vector.broadcast %and3A_1378 : i32 to vector<16xi32>
      %slice3A_1380 = vector.extract_strided_slice %get3A_16 {offsets = [4], sizes = [1], strides = [1]} : vector<16xi32> to vector<1xi32>
      %squeeze3A_1381 = vector.extract %slice3A_1380[0] : i32 from vector<1xi32>
      %and3A_1382 = arith.constant 127 : i32
      %and3A_1383 = arith.andi %squeeze3A_1381, %and3A_1382 : i32
      %broadcast_in_dim3A_1384 = vector.broadcast %and3A_1383 : i32 to vector<16xi32>
      %broadcast_in_dim3A_1385 = vector.broadcast %add3A_1374 : i32 to vector<16xi32>
      %gather3A_1386 = arith.constant 4 : i32
      %gather3A_1387 = arith.constant 0 : i32
      %gather3A_1388 = arith.constant 0 : i32
      %gather3A_1389 = tpu.memref_slice %arg10[%gather3A_1386, %gather3A_1387, %gather3A_1388] : memref<8x16x128xf32, #tpu.memory_space<vmem>> -> memref<1x16x128xf32, #tpu.memory_space<vmem>>
      %gather3A_1390 = tpu.memref_squeeze %gather3A_1389 : memref<1x16x128xf32, #tpu.memory_space<vmem>> -> memref<16x128xf32, #tpu.memory_space<vmem>>
      %gather3A_1391 = tpu.vector_load_idx %gather3A_1390[%iota3A, %broadcast_in_dim3A_1379] : memref<16x128xf32, #tpu.memory_space<vmem>>[vector<16xi32>, vector<16xi32>], vector<16xf32>,
      %gather3A_1392 = arith.constant 4 : i32
      %gather3A_1393 = arith.constant 0 : i32
      %gather3A_1394 = arith.constant 0 : i32
      %gather3A_1395 = tpu.memref_slice %arg11[%gather3A_1392, %gather3A_1393, %gather3A_1394] : memref<8x16x128xf32, #tpu.memory_space<vmem>> -> memref<1x16x128xf32, #tpu.memory_space<vmem>>
      %gather3A_1396 = tpu.memref_squeeze %gather3A_1395 : memref<1x16x128xf32, #tpu.memory_space<vmem>> -> memref<16x128xf32, #tpu.memory_space<vmem>>
      %gather3A_1397 = tpu.vector_load_idx %gather3A_1396[%iota3A, %broadcast_in_dim3A_1379] : memref<16x128xf32, #tpu.memory_space<vmem>>[vector<16xi32>, vector<16xi32>], vector<16xf32>,
      %gather3A_1398 = arith.constant 4 : i32
      %gather3A_1399 = arith.constant 0 : i32
      %gather3A_1400 = arith.constant 0 : i32
      %gather3A_1401 = tpu.memref_slice %arg12[%gather3A_1398, %gather3A_1399, %gather3A_1400] : memref<8x16x128xf32, #tpu.memory_space<vmem>> -> memref<1x16x128xf32, #tpu.memory_space<vmem>>
      %gather3A_1402 = tpu.memref_squeeze %gather3A_1401 : memref<1x16x128xf32, #tpu.memory_space<vmem>> -> memref<16x128xf32, #tpu.memory_space<vmem>>
      %gather3A_1403 = tpu.vector_load_idx %gather3A_1402[%iota3A, %broadcast_in_dim3A_1384] : memref<16x128xf32, #tpu.memory_space<vmem>>[vector<16xi32>, vector<16xi32>], vector<16xf32>,
      %gather3A_1404 = arith.constant 4 : i32
      %gather3A_1405 = arith.constant 0 : i32
      %gather3A_1406 = arith.constant 0 : i32
      %gather3A_1407 = tpu.memref_slice %arg13[%gather3A_1404, %gather3A_1405, %gather3A_1406] : memref<8x16x128xf32, #tpu.memory_space<vmem>> -> memref<1x16x128xf32, #tpu.memory_space<vmem>>
      %gather3A_1408 = tpu.memref_squeeze %gather3A_1407 : memref<1x16x128xf32, #tpu.memory_space<vmem>> -> memref<16x128xf32, #tpu.memory_space<vmem>>
      %gather3A_1409 = tpu.vector_load_idx %gather3A_1408[%iota3A, %broadcast_in_dim3A_1384] : memref<16x128xf32, #tpu.memory_space<vmem>>[vector<16xi32>, vector<16xi32>], vector<16xf32>,
      tpu.vector_store_idx %arg14[%iota3A, %broadcast_in_dim3A_1385], %gather3A_1391 : memref<32x512xf32, #tpu.memory_space<vmem>>[vector<16xi32>, vector<16xi32>], vector<16xf32>,
      tpu.vector_store_idx %arg14[%add3A_3, %broadcast_in_dim3A_1385], %gather3A_1397 : memref<32x512xf32, #tpu.memory_space<vmem>>[vector<16xi32>, vector<16xi32>], vector<16xf32>,
      tpu.vector_store_idx %arg15[%iota3A, %broadcast_in_dim3A_1385], %gather3A_1403 : memref<32x512xf32, #tpu.memory_space<vmem>>[vector<16xi32>, vector<16xi32>], vector<16xf32>,
      tpu.vector_store_idx %arg15[%add3A_3, %broadcast_in_dim3A_1385], %gather3A_1409 : memref<32x512xf32, #tpu.memory_space<vmem>>[vector<16xi32>, vector<16xi32>], vector<16xf32>,
      %mul3A_1410 = arith.constant 16 : i32
      %mul3A_1411 = arith.muli %scan3A_9, %mul3A_1410 : i32
      %add3A_1412 = arith.constant 5 : i32
      %add3A_1413 = arith.addi %mul3A_1411, %add3A_1412 : i32
      %slice3A_1414 = vector.extract_strided_slice %get3A_12 {offsets = [5], sizes = [1], strides = [1]} : vector<16xi32> to vector<1xi32>
      %squeeze3A_1415 = vector.extract %slice3A_1414[0] : i32 from vector<1xi32>
      %and3A_1416 = arith.constant 127 : i32
      %and3A_1417 = arith.andi %squeeze3A_1415, %and3A_1416 : i32
      %broadcast_in_dim3A_1418 = vector.broadcast %and3A_1417 : i32 to vector<16xi32>
      %slice3A_1419 = vector.extract_strided_slice %get3A_16 {offsets = [5], sizes = [1], strides = [1]} : vector<16xi32> to vector<1xi32>
      %squeeze3A_1420 = vector.extract %slice3A_1419[0] : i32 from vector<1xi32>
      %and3A_1421 = arith.constant 127 : i32
      %and3A_1422 = arith.andi %squeeze3A_1420, %and3A_1421 : i32
      %broadcast_in_dim3A_1423 = vector.broadcast %and3A_1422 : i32 to vector<16xi32>
      %broadcast_in_dim3A_1424 = vector.broadcast %add3A_1413 : i32 to vector<16xi32>
      %gather3A_1425 = arith.constant 5 : i32
      %gather3A_1426 = arith.constant 0 : i32
      %gather3A_1427 = arith.constant 0 : i32
      %gather3A_1428 = tpu.memref_slice %arg10[%gather3A_1425, %gather3A_1426, %gather3A_1427] : memref<8x16x128xf32, #tpu.memory_space<vmem>> -> memref<1x16x128xf32, #tpu.memory_space<vmem>>
      %gather3A_1429 = tpu.memref_squeeze %gather3A_1428 : memref<1x16x128xf32, #tpu.memory_space<vmem>> -> memref<16x128xf32, #tpu.memory_space<vmem>>
      %gather3A_1430 = tpu.vector_load_idx %gather3A_1429[%iota3A, %broadcast_in_dim3A_1418] : memref<16x128xf32, #tpu.memory_space<vmem>>[vector<16xi32>, vector<16xi32>], vector<16xf32>,
      %gather3A_1431 = arith.constant 5 : i32
      %gather3A_1432 = arith.constant 0 : i32
      %gather3A_1433 = arith.constant 0 : i32
      %gather3A_1434 = tpu.memref_slice %arg11[%gather3A_1431, %gather3A_1432, %gather3A_1433] : memref<8x16x128xf32, #tpu.memory_space<vmem>> -> memref<1x16x128xf32, #tpu.memory_space<vmem>>
      %gather3A_1435 = tpu.memref_squeeze %gather3A_1434 : memref<1x16x128xf32, #tpu.memory_space<vmem>> -> memref<16x128xf32, #tpu.memory_space<vmem>>
      %gather3A_1436 = tpu.vector_load_idx %gather3A_1435[%iota3A, %broadcast_in_dim3A_1418] : memref<16x128xf32, #tpu.memory_space<vmem>>[vector<16xi32>, vector<16xi32>], vector<16xf32>,
      %gather3A_1437 = arith.constant 5 : i32
      %gather3A_1438 = arith.constant 0 : i32
      %gather3A_1439 = arith.constant 0 : i32
      %gather3A_1440 = tpu.memref_slice %arg12[%gather3A_1437, %gather3A_1438, %gather3A_1439] : memref<8x16x128xf32, #tpu.memory_space<vmem>> -> memref<1x16x128xf32, #tpu.memory_space<vmem>>
      %gather3A_1441 = tpu.memref_squeeze %gather3A_1440 : memref<1x16x128xf32, #tpu.memory_space<vmem>> -> memref<16x128xf32, #tpu.memory_space<vmem>>
      %gather3A_1442 = tpu.vector_load_idx %gather3A_1441[%iota3A, %broadcast_in_dim3A_1423] : memref<16x128xf32, #tpu.memory_space<vmem>>[vector<16xi32>, vector<16xi32>], vector<16xf32>,
      %gather3A_1443 = arith.constant 5 : i32
      %gather3A_1444 = arith.constant 0 : i32
      %gather3A_1445 = arith.constant 0 : i32
      %gather3A_1446 = tpu.memref_slice %arg13[%gather3A_1443, %gather3A_1444, %gather3A_1445] : memref<8x16x128xf32, #tpu.memory_space<vmem>> -> memref<1x16x128xf32, #tpu.memory_space<vmem>>
      %gather3A_1447 = tpu.memref_squeeze %gather3A_1446 : memref<1x16x128xf32, #tpu.memory_space<vmem>> -> memref<16x128xf32, #tpu.memory_space<vmem>>
      %gather3A_1448 = tpu.vector_load_idx %gather3A_1447[%iota3A, %broadcast_in_dim3A_1423] : memref<16x128xf32, #tpu.memory_space<vmem>>[vector<16xi32>, vector<16xi32>], vector<16xf32>,
      tpu.vector_store_idx %arg14[%iota3A, %broadcast_in_dim3A_1424], %gather3A_1430 : memref<32x512xf32, #tpu.memory_space<vmem>>[vector<16xi32>, vector<16xi32>], vector<16xf32>,
      tpu.vector_store_idx %arg14[%add3A_3, %broadcast_in_dim3A_1424], %gather3A_1436 : memref<32x512xf32, #tpu.memory_space<vmem>>[vector<16xi32>, vector<16xi32>], vector<16xf32>,
      tpu.vector_store_idx %arg15[%iota3A, %broadcast_in_dim3A_1424], %gather3A_1442 : memref<32x512xf32, #tpu.memory_space<vmem>>[vector<16xi32>, vector<16xi32>], vector<16xf32>,
      tpu.vector_store_idx %arg15[%add3A_3, %broadcast_in_dim3A_1424], %gather3A_1448 : memref<32x512xf32, #tpu.memory_space<vmem>>[vector<16xi32>, vector<16xi32>], vector<16xf32>,
      %mul3A_1449 = arith.constant 16 : i32
      %mul3A_1450 = arith.muli %scan3A_9, %mul3A_1449 : i32
      %add3A_1451 = arith.constant 6 : i32
      %add3A_1452 = arith.addi %mul3A_1450, %add3A_1451 : i32
      %slice3A_1453 = vector.extract_strided_slice %get3A_12 {offsets = [6], sizes = [1], strides = [1]} : vector<16xi32> to vector<1xi32>
      %squeeze3A_1454 = vector.extract %slice3A_1453[0] : i32 from vector<1xi32>
      %and3A_1455 = arith.constant 127 : i32
      %and3A_1456 = arith.andi %squeeze3A_1454, %and3A_1455 : i32
      %broadcast_in_dim3A_1457 = vector.broadcast %and3A_1456 : i32 to vector<16xi32>
      %slice3A_1458 = vector.extract_strided_slice %get3A_16 {offsets = [6], sizes = [1], strides = [1]} : vector<16xi32> to vector<1xi32>
      %squeeze3A_1459 = vector.extract %slice3A_1458[0] : i32 from vector<1xi32>
      %and3A_1460 = arith.constant 127 : i32
      %and3A_1461 = arith.andi %squeeze3A_1459, %and3A_1460 : i32
      %broadcast_in_dim3A_1462 = vector.broadcast %and3A_1461 : i32 to vector<16xi32>
      %broadcast_in_dim3A_1463 = vector.broadcast %add3A_1452 : i32 to vector<16xi32>
      %gather3A_1464 = arith.constant 6 : i32
      %gather3A_1465 = arith.constant 0 : i32
      %gather3A_1466 = arith.constant 0 : i32
      %gather3A_1467 = tpu.memref_slice %arg10[%gather3A_1464, %gather3A_1465, %gather3A_1466] : memref<8x16x128xf32, #tpu.memory_space<vmem>> -> memref<1x16x128xf32, #tpu.memory_space<vmem>>
      %gather3A_1468 = tpu.memref_squeeze %gather3A_1467 : memref<1x16x128xf32, #tpu.memory_space<vmem>> -> memref<16x128xf32, #tpu.memory_space<vmem>>
      %gather3A_1469 = tpu.vector_load_idx %gather3A_1468[%iota3A, %broadcast_in_dim3A_1457] : memref<16x128xf32, #tpu.memory_space<vmem>>[vector<16xi32>, vector<16xi32>], vector<16xf32>,
      %gather3A_1470 = arith.constant 6 : i32
      %gather3A_1471 = arith.constant 0 : i32
      %gather3A_1472 = arith.constant 0 : i32
      %gather3A_1473 = tpu.memref_slice %arg11[%gather3A_1470, %gather3A_1471, %gather3A_1472] : memref<8x16x128xf32, #tpu.memory_space<vmem>> -> memref<1x16x128xf32, #tpu.memory_space<vmem>>
      %gather3A_1474 = tpu.memref_squeeze %gather3A_1473 : memref<1x16x128xf32, #tpu.memory_space<vmem>> -> memref<16x128xf32, #tpu.memory_space<vmem>>
      %gather3A_1475 = tpu.vector_load_idx %gather3A_1474[%iota3A, %broadcast_in_dim3A_1457] : memref<16x128xf32, #tpu.memory_space<vmem>>[vector<16xi32>, vector<16xi32>], vector<16xf32>,
      %gather3A_1476 = arith.constant 6 : i32
      %gather3A_1477 = arith.constant 0 : i32
      %gather3A_1478 = arith.constant 0 : i32
      %gather3A_1479 = tpu.memref_slice %arg12[%gather3A_1476, %gather3A_1477, %gather3A_1478] : memref<8x16x128xf32, #tpu.memory_space<vmem>> -> memref<1x16x128xf32, #tpu.memory_space<vmem>>
      %gather3A_1480 = tpu.memref_squeeze %gather3A_1479 : memref<1x16x128xf32, #tpu.memory_space<vmem>> -> memref<16x128xf32, #tpu.memory_space<vmem>>
      %gather3A_1481 = tpu.vector_load_idx %gather3A_1480[%iota3A, %broadcast_in_dim3A_1462] : memref<16x128xf32, #tpu.memory_space<vmem>>[vector<16xi32>, vector<16xi32>], vector<16xf32>,
      %gather3A_1482 = arith.constant 6 : i32
      %gather3A_1483 = arith.constant 0 : i32
      %gather3A_1484 = arith.constant 0 : i32
      %gather3A_1485 = tpu.memref_slice %arg13[%gather3A_1482, %gather3A_1483, %gather3A_1484] : memref<8x16x128xf32, #tpu.memory_space<vmem>> -> memref<1x16x128xf32, #tpu.memory_space<vmem>>
      %gather3A_1486 = tpu.memref_squeeze %gather3A_1485 : memref<1x16x128xf32, #tpu.memory_space<vmem>> -> memref<16x128xf32, #tpu.memory_space<vmem>>
      %gather3A_1487 = tpu.vector_load_idx %gather3A_1486[%iota3A, %broadcast_in_dim3A_1462] : memref<16x128xf32, #tpu.memory_space<vmem>>[vector<16xi32>, vector<16xi32>], vector<16xf32>,
      tpu.vector_store_idx %arg14[%iota3A, %broadcast_in_dim3A_1463], %gather3A_1469 : memref<32x512xf32, #tpu.memory_space<vmem>>[vector<16xi32>, vector<16xi32>], vector<16xf32>,
      tpu.vector_store_idx %arg14[%add3A_3, %broadcast_in_dim3A_1463], %gather3A_1475 : memref<32x512xf32, #tpu.memory_space<vmem>>[vector<16xi32>, vector<16xi32>], vector<16xf32>,
      tpu.vector_store_idx %arg15[%iota3A, %broadcast_in_dim3A_1463], %gather3A_1481 : memref<32x512xf32, #tpu.memory_space<vmem>>[vector<16xi32>, vector<16xi32>], vector<16xf32>,
      tpu.vector_store_idx %arg15[%add3A_3, %broadcast_in_dim3A_1463], %gather3A_1487 : memref<32x512xf32, #tpu.memory_space<vmem>>[vector<16xi32>, vector<16xi32>], vector<16xf32>,
      %mul3A_1488 = arith.constant 16 : i32
      %mul3A_1489 = arith.muli %scan3A_9, %mul3A_1488 : i32
      %add3A_1490 = arith.constant 7 : i32
      %add3A_1491 = arith.addi %mul3A_1489, %add3A_1490 : i32
      %slice3A_1492 = vector.extract_strided_slice %get3A_12 {offsets = [7], sizes = [1], strides = [1]} : vector<16xi32> to vector<1xi32>
      %squeeze3A_1493 = vector.extract %slice3A_1492[0] : i32 from vector<1xi32>
      %and3A_1494 = arith.constant 127 : i32
      %and3A_1495 = arith.andi %squeeze3A_1493, %and3A_1494 : i32
      %broadcast_in_dim3A_1496 = vector.broadcast %and3A_1495 : i32 to vector<16xi32>
      %slice3A_1497 = vector.extract_strided_slice %get3A_16 {offsets = [7], sizes = [1], strides = [1]} : vector<16xi32> to vector<1xi32>
      %squeeze3A_1498 = vector.extract %slice3A_1497[0] : i32 from vector<1xi32>
      %and3A_1499 = arith.constant 127 : i32
      %and3A_1500 = arith.andi %squeeze3A_1498, %and3A_1499 : i32
      %broadcast_in_dim3A_1501 = vector.broadcast %and3A_1500 : i32 to vector<16xi32>
      %broadcast_in_dim3A_1502 = vector.broadcast %add3A_1491 : i32 to vector<16xi32>
      %gather3A_1503 = arith.constant 7 : i32
      %gather3A_1504 = arith.constant 0 : i32
      %gather3A_1505 = arith.constant 0 : i32
      %gather3A_1506 = tpu.memref_slice %arg10[%gather3A_1503, %gather3A_1504, %gather3A_1505] : memref<8x16x128xf32, #tpu.memory_space<vmem>> -> memref<1x16x128xf32, #tpu.memory_space<vmem>>
      %gather3A_1507 = tpu.memref_squeeze %gather3A_1506 : memref<1x16x128xf32, #tpu.memory_space<vmem>> -> memref<16x128xf32, #tpu.memory_space<vmem>>
      %gather3A_1508 = tpu.vector_load_idx %gather3A_1507[%iota3A, %broadcast_in_dim3A_1496] : memref<16x128xf32, #tpu.memory_space<vmem>>[vector<16xi32>, vector<16xi32>], vector<16xf32>,
      %gather3A_1509 = arith.constant 7 : i32
      %gather3A_1510 = arith.constant 0 : i32
      %gather3A_1511 = arith.constant 0 : i32
      %gather3A_1512 = tpu.memref_slice %arg11[%gather3A_1509, %gather3A_1510, %gather3A_1511] : memref<8x16x128xf32, #tpu.memory_space<vmem>> -> memref<1x16x128xf32, #tpu.memory_space<vmem>>
      %gather3A_1513 = tpu.memref_squeeze %gather3A_1512 : memref<1x16x128xf32, #tpu.memory_space<vmem>> -> memref<16x128xf32, #tpu.memory_space<vmem>>
      %gather3A_1514 = tpu.vector_load_idx %gather3A_1513[%iota3A, %broadcast_in_dim3A_1496] : memref<16x128xf32, #tpu.memory_space<vmem>>[vector<16xi32>, vector<16xi32>], vector<16xf32>,
      %gather3A_1515 = arith.constant 7 : i32
      %gather3A_1516 = arith.constant 0 : i32
      %gather3A_1517 = arith.constant 0 : i32
      %gather3A_1518 = tpu.memref_slice %arg12[%gather3A_1515, %gather3A_1516, %gather3A_1517] : memref<8x16x128xf32, #tpu.memory_space<vmem>> -> memref<1x16x128xf32, #tpu.memory_space<vmem>>
      %gather3A_1519 = tpu.memref_squeeze %gather3A_1518 : memref<1x16x128xf32, #tpu.memory_space<vmem>> -> memref<16x128xf32, #tpu.memory_space<vmem>>
      %gather3A_1520 = tpu.vector_load_idx %gather3A_1519[%iota3A, %broadcast_in_dim3A_1501] : memref<16x128xf32, #tpu.memory_space<vmem>>[vector<16xi32>, vector<16xi32>], vector<16xf32>,
      %gather3A_1521 = arith.constant 7 : i32
      %gather3A_1522 = arith.constant 0 : i32
      %gather3A_1523 = arith.constant 0 : i32
      %gather3A_1524 = tpu.memref_slice %arg13[%gather3A_1521, %gather3A_1522, %gather3A_1523] : memref<8x16x128xf32, #tpu.memory_space<vmem>> -> memref<1x16x128xf32, #tpu.memory_space<vmem>>
      %gather3A_1525 = tpu.memref_squeeze %gather3A_1524 : memref<1x16x128xf32, #tpu.memory_space<vmem>> -> memref<16x128xf32, #tpu.memory_space<vmem>>
      %gather3A_1526 = tpu.vector_load_idx %gather3A_1525[%iota3A, %broadcast_in_dim3A_1501] : memref<16x128xf32, #tpu.memory_space<vmem>>[vector<16xi32>, vector<16xi32>], vector<16xf32>,
      tpu.vector_store_idx %arg14[%iota3A, %broadcast_in_dim3A_1502], %gather3A_1508 : memref<32x512xf32, #tpu.memory_space<vmem>>[vector<16xi32>, vector<16xi32>], vector<16xf32>,
      tpu.vector_store_idx %arg14[%add3A_3, %broadcast_in_dim3A_1502], %gather3A_1514 : memref<32x512xf32, #tpu.memory_space<vmem>>[vector<16xi32>, vector<16xi32>], vector<16xf32>,
      tpu.vector_store_idx %arg15[%iota3A, %broadcast_in_dim3A_1502], %gather3A_1520 : memref<32x512xf32, #tpu.memory_space<vmem>>[vector<16xi32>, vector<16xi32>], vector<16xf32>,
      tpu.vector_store_idx %arg15[%add3A_3, %broadcast_in_dim3A_1502], %gather3A_1526 : memref<32x512xf32, #tpu.memory_space<vmem>>[vector<16xi32>, vector<16xi32>], vector<16xf32>,
      %slice3A_1527 = vector.extract_strided_slice %get3A_12 {offsets = [12], sizes = [1], strides = [1]} : vector<16xi32> to vector<1xi32>
      %squeeze3A_1528 = vector.extract %slice3A_1527[0] : i32 from vector<1xi32>
      %shift_right_arithmetic3A_1529 = arith.constant 7 : i32
      %shift_right_arithmetic3A_1530 = arith.shrsi %squeeze3A_1528, %shift_right_arithmetic3A_1529 : i32
      %shift_left3A_1531 = arith.constant 7 : i32
      %shift_left3A_1532 = arith.shli %shift_right_arithmetic3A_1530, %shift_left3A_1531 : i32
      %multiple_of3A_1533 = tpu.assume_multiple %shift_left3A_1532, 128 : i32
      %slice3A_1534 = vector.extract_strided_slice %get3A_16 {offsets = [12], sizes = [1], strides = [1]} : vector<16xi32> to vector<1xi32>
      %squeeze3A_1535 = vector.extract %slice3A_1534[0] : i32 from vector<1xi32>
      %shift_right_arithmetic3A_1536 = arith.constant 7 : i32
      %shift_right_arithmetic3A_1537 = arith.shrsi %squeeze3A_1535, %shift_right_arithmetic3A_1536 : i32
      %shift_left3A_1538 = arith.constant 7 : i32
      %shift_left3A_1539 = arith.shli %shift_right_arithmetic3A_1537, %shift_left3A_1538 : i32
      %multiple_of3A_1540 = tpu.assume_multiple %shift_left3A_1539, 128 : i32
      %dma_start3A_1541 = arith.constant 4 : i32
      %dma_start3A_1542 = arith.constant 0 : i32
      %dma_start3A_1543 = arith.constant 0 : i32
      %dma_start3A_1544 = tpu.memref_slice %arg10[%dma_start3A_1541, %dma_start3A_1542, %dma_start3A_1543] : memref<8x16x128xf32, #tpu.memory_space<vmem>> -> memref<1x16x128xf32, #tpu.memory_space<vmem>>
      %dma_start3A_1545 = tpu.memref_squeeze %dma_start3A_1544 : memref<1x16x128xf32, #tpu.memory_space<vmem>> -> memref<16x128xf32, #tpu.memory_space<vmem>>
      %dma_start3A_1546 = arith.constant 0 : i32
      %dma_start3A_1547 = tpu.memref_slice %arg4[%dma_start3A_1546, %multiple_of3A_1533] : memref<32x1000000xf32, #tpu.memory_space<hbm>> -> memref<16x128xf32, #tpu.memory_space<hbm>>
      %dma_start3A_1548 = arith.constant 0 : i32
      %dma_start3A_1549 = arith.constant 0 : i32
      %dma_start3A_1550 = tpu.memref_slice %arg10[%dma_start3A_1541, %dma_start3A_1548, %dma_start3A_1549] : memref<8x16x128xf32, #tpu.memory_space<vmem>> -> memref<1x16x128xf32, #tpu.memory_space<vmem>>
      %dma_start3A_1551 = tpu.memref_squeeze %dma_start3A_1550 : memref<1x16x128xf32, #tpu.memory_space<vmem>> -> memref<16x128xf32, #tpu.memory_space<vmem>>
      %dma_start3A_1552 = arith.constant 0 : i32
      %dma_start3A_1553 = tpu.memref_slice %arg4[%dma_start3A_1552, %multiple_of3A_1533] : memref<32x1000000xf32, #tpu.memory_space<hbm>> -> memref<16x128xf32, #tpu.memory_space<hbm>>
      tpu.enqueue_dma source(%dma_start3A_1553 : memref<16x128xf32, #tpu.memory_space<hbm>>) target(%dma_start3A_1551 : memref<16x128xf32, #tpu.memory_space<vmem>>) target_semaphore(%arg16 : memref<!tpu.dma_semaphore, #tpu.memory_space<semaphore_mem>>)
      %dma_start3A_1554 = arith.constant 4 : i32
      %dma_start3A_1555 = arith.constant 0 : i32
      %dma_start3A_1556 = arith.constant 0 : i32
      %dma_start3A_1557 = tpu.memref_slice %arg11[%dma_start3A_1554, %dma_start3A_1555, %dma_start3A_1556] : memref<8x16x128xf32, #tpu.memory_space<vmem>> -> memref<1x16x128xf32, #tpu.memory_space<vmem>>
      %dma_start3A_1558 = tpu.memref_squeeze %dma_start3A_1557 : memref<1x16x128xf32, #tpu.memory_space<vmem>> -> memref<16x128xf32, #tpu.memory_space<vmem>>
      %dma_start3A_1559 = arith.constant 16 : i32
      %dma_start3A_1560 = tpu.memref_slice %arg4[%dma_start3A_1559, %multiple_of3A_1533] : memref<32x1000000xf32, #tpu.memory_space<hbm>> -> memref<16x128xf32, #tpu.memory_space<hbm>>
      %dma_start3A_1561 = arith.constant 0 : i32
      %dma_start3A_1562 = arith.constant 0 : i32
      %dma_start3A_1563 = tpu.memref_slice %arg11[%dma_start3A_1554, %dma_start3A_1561, %dma_start3A_1562] : memref<8x16x128xf32, #tpu.memory_space<vmem>> -> memref<1x16x128xf32, #tpu.memory_space<vmem>>
      %dma_start3A_1564 = tpu.memref_squeeze %dma_start3A_1563 : memref<1x16x128xf32, #tpu.memory_space<vmem>> -> memref<16x128xf32, #tpu.memory_space<vmem>>
      %dma_start3A_1565 = arith.constant 16 : i32
      %dma_start3A_1566 = tpu.memref_slice %arg4[%dma_start3A_1565, %multiple_of3A_1533] : memref<32x1000000xf32, #tpu.memory_space<hbm>> -> memref<16x128xf32, #tpu.memory_space<hbm>>
      tpu.enqueue_dma source(%dma_start3A_1566 : memref<16x128xf32, #tpu.memory_space<hbm>>) target(%dma_start3A_1564 : memref<16x128xf32, #tpu.memory_space<vmem>>) target_semaphore(%arg16 : memref<!tpu.dma_semaphore, #tpu.memory_space<semaphore_mem>>)
      %dma_start3A_1567 = arith.constant 4 : i32
      %dma_start3A_1568 = arith.constant 0 : i32
      %dma_start3A_1569 = arith.constant 0 : i32
      %dma_start3A_1570 = tpu.memref_slice %arg12[%dma_start3A_1567, %dma_start3A_1568, %dma_start3A_1569] : memref<8x16x128xf32, #tpu.memory_space<vmem>> -> memref<1x16x128xf32, #tpu.memory_space<vmem>>
      %dma_start3A_1571 = tpu.memref_squeeze %dma_start3A_1570 : memref<1x16x128xf32, #tpu.memory_space<vmem>> -> memref<16x128xf32, #tpu.memory_space<vmem>>
      %dma_start3A_1572 = arith.constant 0 : i32
      %dma_start3A_1573 = tpu.memref_slice %arg5[%dma_start3A_1572, %multiple_of3A_1540] : memref<32x1000000xf32, #tpu.memory_space<hbm>> -> memref<16x128xf32, #tpu.memory_space<hbm>>
      %dma_start3A_1574 = arith.constant 0 : i32
      %dma_start3A_1575 = arith.constant 0 : i32
      %dma_start3A_1576 = tpu.memref_slice %arg12[%dma_start3A_1567, %dma_start3A_1574, %dma_start3A_1575] : memref<8x16x128xf32, #tpu.memory_space<vmem>> -> memref<1x16x128xf32, #tpu.memory_space<vmem>>
      %dma_start3A_1577 = tpu.memref_squeeze %dma_start3A_1576 : memref<1x16x128xf32, #tpu.memory_space<vmem>> -> memref<16x128xf32, #tpu.memory_space<vmem>>
      %dma_start3A_1578 = arith.constant 0 : i32
      %dma_start3A_1579 = tpu.memref_slice %arg5[%dma_start3A_1578, %multiple_of3A_1540] : memref<32x1000000xf32, #tpu.memory_space<hbm>> -> memref<16x128xf32, #tpu.memory_space<hbm>>
      tpu.enqueue_dma source(%dma_start3A_1579 : memref<16x128xf32, #tpu.memory_space<hbm>>) target(%dma_start3A_1577 : memref<16x128xf32, #tpu.memory_space<vmem>>) target_semaphore(%arg17 : memref<!tpu.dma_semaphore, #tpu.memory_space<semaphore_mem>>)
      %dma_start3A_1580 = arith.constant 4 : i32
      %dma_start3A_1581 = arith.constant 0 : i32
      %dma_start3A_1582 = arith.constant 0 : i32
      %dma_start3A_1583 = tpu.memref_slice %arg13[%dma_start3A_1580, %dma_start3A_1581, %dma_start3A_1582] : memref<8x16x128xf32, #tpu.memory_space<vmem>> -> memref<1x16x128xf32, #tpu.memory_space<vmem>>
      %dma_start3A_1584 = tpu.memref_squeeze %dma_start3A_1583 : memref<1x16x128xf32, #tpu.memory_space<vmem>> -> memref<16x128xf32, #tpu.memory_space<vmem>>
      %dma_start3A_1585 = arith.constant 16 : i32
      %dma_start3A_1586 = tpu.memref_slice %arg5[%dma_start3A_1585, %multiple_of3A_1540] : memref<32x1000000xf32, #tpu.memory_space<hbm>> -> memref<16x128xf32, #tpu.memory_space<hbm>>
      %dma_start3A_1587 = arith.constant 0 : i32
      %dma_start3A_1588 = arith.constant 0 : i32
      %dma_start3A_1589 = tpu.memref_slice %arg13[%dma_start3A_1580, %dma_start3A_1587, %dma_start3A_1588] : memref<8x16x128xf32, #tpu.memory_space<vmem>> -> memref<1x16x128xf32, #tpu.memory_space<vmem>>
      %dma_start3A_1590 = tpu.memref_squeeze %dma_start3A_1589 : memref<1x16x128xf32, #tpu.memory_space<vmem>> -> memref<16x128xf32, #tpu.memory_space<vmem>>
      %dma_start3A_1591 = arith.constant 16 : i32
      %dma_start3A_1592 = tpu.memref_slice %arg5[%dma_start3A_1591, %multiple_of3A_1540] : memref<32x1000000xf32, #tpu.memory_space<hbm>> -> memref<16x128xf32, #tpu.memory_space<hbm>>
      tpu.enqueue_dma source(%dma_start3A_1592 : memref<16x128xf32, #tpu.memory_space<hbm>>) target(%dma_start3A_1590 : memref<16x128xf32, #tpu.memory_space<vmem>>) target_semaphore(%arg17 : memref<!tpu.dma_semaphore, #tpu.memory_space<semaphore_mem>>)
      %slice3A_1593 = vector.extract_strided_slice %get3A_12 {offsets = [13], sizes = [1], strides = [1]} : vector<16xi32> to vector<1xi32>
      %squeeze3A_1594 = vector.extract %slice3A_1593[0] : i32 from vector<1xi32>
      %shift_right_arithmetic3A_1595 = arith.constant 7 : i32
      %shift_right_arithmetic3A_1596 = arith.shrsi %squeeze3A_1594, %shift_right_arithmetic3A_1595 : i32
      %shift_left3A_1597 = arith.constant 7 : i32
      %shift_left3A_1598 = arith.shli %shift_right_arithmetic3A_1596, %shift_left3A_1597 : i32
      %multiple_of3A_1599 = tpu.assume_multiple %shift_left3A_1598, 128 : i32
      %slice3A_1600 = vector.extract_strided_slice %get3A_16 {offsets = [13], sizes = [1], strides = [1]} : vector<16xi32> to vector<1xi32>
      %squeeze3A_1601 = vector.extract %slice3A_1600[0] : i32 from vector<1xi32>
      %shift_right_arithmetic3A_1602 = arith.constant 7 : i32
      %shift_right_arithmetic3A_1603 = arith.shrsi %squeeze3A_1601, %shift_right_arithmetic3A_1602 : i32
      %shift_left3A_1604 = arith.constant 7 : i32
      %shift_left3A_1605 = arith.shli %shift_right_arithmetic3A_1603, %shift_left3A_1604 : i32
      %multiple_of3A_1606 = tpu.assume_multiple %shift_left3A_1605, 128 : i32
      %dma_start3A_1607 = arith.constant 5 : i32
      %dma_start3A_1608 = arith.constant 0 : i32
      %dma_start3A_1609 = arith.constant 0 : i32
      %dma_start3A_1610 = tpu.memref_slice %arg10[%dma_start3A_1607, %dma_start3A_1608, %dma_start3A_1609] : memref<8x16x128xf32, #tpu.memory_space<vmem>> -> memref<1x16x128xf32, #tpu.memory_space<vmem>>
      %dma_start3A_1611 = tpu.memref_squeeze %dma_start3A_1610 : memref<1x16x128xf32, #tpu.memory_space<vmem>> -> memref<16x128xf32, #tpu.memory_space<vmem>>
      %dma_start3A_1612 = arith.constant 0 : i32
      %dma_start3A_1613 = tpu.memref_slice %arg4[%dma_start3A_1612, %multiple_of3A_1599] : memref<32x1000000xf32, #tpu.memory_space<hbm>> -> memref<16x128xf32, #tpu.memory_space<hbm>>
      %dma_start3A_1614 = arith.constant 0 : i32
      %dma_start3A_1615 = arith.constant 0 : i32
      %dma_start3A_1616 = tpu.memref_slice %arg10[%dma_start3A_1607, %dma_start3A_1614, %dma_start3A_1615] : memref<8x16x128xf32, #tpu.memory_space<vmem>> -> memref<1x16x128xf32, #tpu.memory_space<vmem>>
      %dma_start3A_1617 = tpu.memref_squeeze %dma_start3A_1616 : memref<1x16x128xf32, #tpu.memory_space<vmem>> -> memref<16x128xf32, #tpu.memory_space<vmem>>
      %dma_start3A_1618 = arith.constant 0 : i32
      %dma_start3A_1619 = tpu.memref_slice %arg4[%dma_start3A_1618, %multiple_of3A_1599] : memref<32x1000000xf32, #tpu.memory_space<hbm>> -> memref<16x128xf32, #tpu.memory_space<hbm>>
      tpu.enqueue_dma source(%dma_start3A_1619 : memref<16x128xf32, #tpu.memory_space<hbm>>) target(%dma_start3A_1617 : memref<16x128xf32, #tpu.memory_space<vmem>>) target_semaphore(%arg16 : memref<!tpu.dma_semaphore, #tpu.memory_space<semaphore_mem>>)
      %dma_start3A_1620 = arith.constant 5 : i32
      %dma_start3A_1621 = arith.constant 0 : i32
      %dma_start3A_1622 = arith.constant 0 : i32
      %dma_start3A_1623 = tpu.memref_slice %arg11[%dma_start3A_1620, %dma_start3A_1621, %dma_start3A_1622] : memref<8x16x128xf32, #tpu.memory_space<vmem>> -> memref<1x16x128xf32, #tpu.memory_space<vmem>>
      %dma_start3A_1624 = tpu.memref_squeeze %dma_start3A_1623 : memref<1x16x128xf32, #tpu.memory_space<vmem>> -> memref<16x128xf32, #tpu.memory_space<vmem>>
      %dma_start3A_1625 = arith.constant 16 : i32
      %dma_start3A_1626 = tpu.memref_slice %arg4[%dma_start3A_1625, %multiple_of3A_1599] : memref<32x1000000xf32, #tpu.memory_space<hbm>> -> memref<16x128xf32, #tpu.memory_space<hbm>>
      %dma_start3A_1627 = arith.constant 0 : i32
      %dma_start3A_1628 = arith.constant 0 : i32
      %dma_start3A_1629 = tpu.memref_slice %arg11[%dma_start3A_1620, %dma_start3A_1627, %dma_start3A_1628] : memref<8x16x128xf32, #tpu.memory_space<vmem>> -> memref<1x16x128xf32, #tpu.memory_space<vmem>>
      %dma_start3A_1630 = tpu.memref_squeeze %dma_start3A_1629 : memref<1x16x128xf32, #tpu.memory_space<vmem>> -> memref<16x128xf32, #tpu.memory_space<vmem>>
      %dma_start3A_1631 = arith.constant 16 : i32
      %dma_start3A_1632 = tpu.memref_slice %arg4[%dma_start3A_1631, %multiple_of3A_1599] : memref<32x1000000xf32, #tpu.memory_space<hbm>> -> memref<16x128xf32, #tpu.memory_space<hbm>>
      tpu.enqueue_dma source(%dma_start3A_1632 : memref<16x128xf32, #tpu.memory_space<hbm>>) target(%dma_start3A_1630 : memref<16x128xf32, #tpu.memory_space<vmem>>) target_semaphore(%arg16 : memref<!tpu.dma_semaphore, #tpu.memory_space<semaphore_mem>>)
      %dma_start3A_1633 = arith.constant 5 : i32
      %dma_start3A_1634 = arith.constant 0 : i32
      %dma_start3A_1635 = arith.constant 0 : i32
      %dma_start3A_1636 = tpu.memref_slice %arg12[%dma_start3A_1633, %dma_start3A_1634, %dma_start3A_1635] : memref<8x16x128xf32, #tpu.memory_space<vmem>> -> memref<1x16x128xf32, #tpu.memory_space<vmem>>
      %dma_start3A_1637 = tpu.memref_squeeze %dma_start3A_1636 : memref<1x16x128xf32, #tpu.memory_space<vmem>> -> memref<16x128xf32, #tpu.memory_space<vmem>>
      %dma_start3A_1638 = arith.constant 0 : i32
      %dma_start3A_1639 = tpu.memref_slice %arg5[%dma_start3A_1638, %multiple_of3A_1606] : memref<32x1000000xf32, #tpu.memory_space<hbm>> -> memref<16x128xf32, #tpu.memory_space<hbm>>
      %dma_start3A_1640 = arith.constant 0 : i32
      %dma_start3A_1641 = arith.constant 0 : i32
      %dma_start3A_1642 = tpu.memref_slice %arg12[%dma_start3A_1633, %dma_start3A_1640, %dma_start3A_1641] : memref<8x16x128xf32, #tpu.memory_space<vmem>> -> memref<1x16x128xf32, #tpu.memory_space<vmem>>
      %dma_start3A_1643 = tpu.memref_squeeze %dma_start3A_1642 : memref<1x16x128xf32, #tpu.memory_space<vmem>> -> memref<16x128xf32, #tpu.memory_space<vmem>>
      %dma_start3A_1644 = arith.constant 0 : i32
      %dma_start3A_1645 = tpu.memref_slice %arg5[%dma_start3A_1644, %multiple_of3A_1606] : memref<32x1000000xf32, #tpu.memory_space<hbm>> -> memref<16x128xf32, #tpu.memory_space<hbm>>
      tpu.enqueue_dma source(%dma_start3A_1645 : memref<16x128xf32, #tpu.memory_space<hbm>>) target(%dma_start3A_1643 : memref<16x128xf32, #tpu.memory_space<vmem>>) target_semaphore(%arg17 : memref<!tpu.dma_semaphore, #tpu.memory_space<semaphore_mem>>)
      %dma_start3A_1646 = arith.constant 5 : i32
      %dma_start3A_1647 = arith.constant 0 : i32
      %dma_start3A_1648 = arith.constant 0 : i32
      %dma_start3A_1649 = tpu.memref_slice %arg13[%dma_start3A_1646, %dma_start3A_1647, %dma_start3A_1648] : memref<8x16x128xf32, #tpu.memory_space<vmem>> -> memref<1x16x128xf32, #tpu.memory_space<vmem>>
      %dma_start3A_1650 = tpu.memref_squeeze %dma_start3A_1649 : memref<1x16x128xf32, #tpu.memory_space<vmem>> -> memref<16x128xf32, #tpu.memory_space<vmem>>
      %dma_start3A_1651 = arith.constant 16 : i32
      %dma_start3A_1652 = tpu.memref_slice %arg5[%dma_start3A_1651, %multiple_of3A_1606] : memref<32x1000000xf32, #tpu.memory_space<hbm>> -> memref<16x128xf32, #tpu.memory_space<hbm>>
      %dma_start3A_1653 = arith.constant 0 : i32
      %dma_start3A_1654 = arith.constant 0 : i32
      %dma_start3A_1655 = tpu.memref_slice %arg13[%dma_start3A_1646, %dma_start3A_1653, %dma_start3A_1654] : memref<8x16x128xf32, #tpu.memory_space<vmem>> -> memref<1x16x128xf32, #tpu.memory_space<vmem>>
      %dma_start3A_1656 = tpu.memref_squeeze %dma_start3A_1655 : memref<1x16x128xf32, #tpu.memory_space<vmem>> -> memref<16x128xf32, #tpu.memory_space<vmem>>
      %dma_start3A_1657 = arith.constant 16 : i32
      %dma_start3A_1658 = tpu.memref_slice %arg5[%dma_start3A_1657, %multiple_of3A_1606] : memref<32x1000000xf32, #tpu.memory_space<hbm>> -> memref<16x128xf32, #tpu.memory_space<hbm>>
      tpu.enqueue_dma source(%dma_start3A_1658 : memref<16x128xf32, #tpu.memory_space<hbm>>) target(%dma_start3A_1656 : memref<16x128xf32, #tpu.memory_space<vmem>>) target_semaphore(%arg17 : memref<!tpu.dma_semaphore, #tpu.memory_space<semaphore_mem>>)
      %slice3A_1659 = vector.extract_strided_slice %get3A_12 {offsets = [14], sizes = [1], strides = [1]} : vector<16xi32> to vector<1xi32>
      %squeeze3A_1660 = vector.extract %slice3A_1659[0] : i32 from vector<1xi32>
      %shift_right_arithmetic3A_1661 = arith.constant 7 : i32
      %shift_right_arithmetic3A_1662 = arith.shrsi %squeeze3A_1660, %shift_right_arithmetic3A_1661 : i32
      %shift_left3A_1663 = arith.constant 7 : i32
      %shift_left3A_1664 = arith.shli %shift_right_arithmetic3A_1662, %shift_left3A_1663 : i32
      %multiple_of3A_1665 = tpu.assume_multiple %shift_left3A_1664, 128 : i32
      %slice3A_1666 = vector.extract_strided_slice %get3A_16 {offsets = [14], sizes = [1], strides = [1]} : vector<16xi32> to vector<1xi32>
      %squeeze3A_1667 = vector.extract %slice3A_1666[0] : i32 from vector<1xi32>
      %shift_right_arithmetic3A_1668 = arith.constant 7 : i32
      %shift_right_arithmetic3A_1669 = arith.shrsi %squeeze3A_1667, %shift_right_arithmetic3A_1668 : i32
      %shift_left3A_1670 = arith.constant 7 : i32
      %shift_left3A_1671 = arith.shli %shift_right_arithmetic3A_1669, %shift_left3A_1670 : i32
      %multiple_of3A_1672 = tpu.assume_multiple %shift_left3A_1671, 128 : i32
      %dma_start3A_1673 = arith.constant 6 : i32
      %dma_start3A_1674 = arith.constant 0 : i32
      %dma_start3A_1675 = arith.constant 0 : i32
      %dma_start3A_1676 = tpu.memref_slice %arg10[%dma_start3A_1673, %dma_start3A_1674, %dma_start3A_1675] : memref<8x16x128xf32, #tpu.memory_space<vmem>> -> memref<1x16x128xf32, #tpu.memory_space<vmem>>
      %dma_start3A_1677 = tpu.memref_squeeze %dma_start3A_1676 : memref<1x16x128xf32, #tpu.memory_space<vmem>> -> memref<16x128xf32, #tpu.memory_space<vmem>>
      %dma_start3A_1678 = arith.constant 0 : i32
      %dma_start3A_1679 = tpu.memref_slice %arg4[%dma_start3A_1678, %multiple_of3A_1665] : memref<32x1000000xf32, #tpu.memory_space<hbm>> -> memref<16x128xf32, #tpu.memory_space<hbm>>
      %dma_start3A_1680 = arith.constant 0 : i32
      %dma_start3A_1681 = arith.constant 0 : i32
      %dma_start3A_1682 = tpu.memref_slice %arg10[%dma_start3A_1673, %dma_start3A_1680, %dma_start3A_1681] : memref<8x16x128xf32, #tpu.memory_space<vmem>> -> memref<1x16x128xf32, #tpu.memory_space<vmem>>
      %dma_start3A_1683 = tpu.memref_squeeze %dma_start3A_1682 : memref<1x16x128xf32, #tpu.memory_space<vmem>> -> memref<16x128xf32, #tpu.memory_space<vmem>>
      %dma_start3A_1684 = arith.constant 0 : i32
      %dma_start3A_1685 = tpu.memref_slice %arg4[%dma_start3A_1684, %multiple_of3A_1665] : memref<32x1000000xf32, #tpu.memory_space<hbm>> -> memref<16x128xf32, #tpu.memory_space<hbm>>
      tpu.enqueue_dma source(%dma_start3A_1685 : memref<16x128xf32, #tpu.memory_space<hbm>>) target(%dma_start3A_1683 : memref<16x128xf32, #tpu.memory_space<vmem>>) target_semaphore(%arg16 : memref<!tpu.dma_semaphore, #tpu.memory_space<semaphore_mem>>)
      %dma_start3A_1686 = arith.constant 6 : i32
      %dma_start3A_1687 = arith.constant 0 : i32
      %dma_start3A_1688 = arith.constant 0 : i32
      %dma_start3A_1689 = tpu.memref_slice %arg11[%dma_start3A_1686, %dma_start3A_1687, %dma_start3A_1688] : memref<8x16x128xf32, #tpu.memory_space<vmem>> -> memref<1x16x128xf32, #tpu.memory_space<vmem>>
      %dma_start3A_1690 = tpu.memref_squeeze %dma_start3A_1689 : memref<1x16x128xf32, #tpu.memory_space<vmem>> -> memref<16x128xf32, #tpu.memory_space<vmem>>
      %dma_start3A_1691 = arith.constant 16 : i32
      %dma_start3A_1692 = tpu.memref_slice %arg4[%dma_start3A_1691, %multiple_of3A_1665] : memref<32x1000000xf32, #tpu.memory_space<hbm>> -> memref<16x128xf32, #tpu.memory_space<hbm>>
      %dma_start3A_1693 = arith.constant 0 : i32
      %dma_start3A_1694 = arith.constant 0 : i32
      %dma_start3A_1695 = tpu.memref_slice %arg11[%dma_start3A_1686, %dma_start3A_1693, %dma_start3A_1694] : memref<8x16x128xf32, #tpu.memory_space<vmem>> -> memref<1x16x128xf32, #tpu.memory_space<vmem>>
      %dma_start3A_1696 = tpu.memref_squeeze %dma_start3A_1695 : memref<1x16x128xf32, #tpu.memory_space<vmem>> -> memref<16x128xf32, #tpu.memory_space<vmem>>
      %dma_start3A_1697 = arith.constant 16 : i32
      %dma_start3A_1698 = tpu.memref_slice %arg4[%dma_start3A_1697, %multiple_of3A_1665] : memref<32x1000000xf32, #tpu.memory_space<hbm>> -> memref<16x128xf32, #tpu.memory_space<hbm>>
      tpu.enqueue_dma source(%dma_start3A_1698 : memref<16x128xf32, #tpu.memory_space<hbm>>) target(%dma_start3A_1696 : memref<16x128xf32, #tpu.memory_space<vmem>>) target_semaphore(%arg16 : memref<!tpu.dma_semaphore, #tpu.memory_space<semaphore_mem>>)
      %dma_start3A_1699 = arith.constant 6 : i32
      %dma_start3A_1700 = arith.constant 0 : i32
      %dma_start3A_1701 = arith.constant 0 : i32
      %dma_start3A_1702 = tpu.memref_slice %arg12[%dma_start3A_1699, %dma_start3A_1700, %dma_start3A_1701] : memref<8x16x128xf32, #tpu.memory_space<vmem>> -> memref<1x16x128xf32, #tpu.memory_space<vmem>>
      %dma_start3A_1703 = tpu.memref_squeeze %dma_start3A_1702 : memref<1x16x128xf32, #tpu.memory_space<vmem>> -> memref<16x128xf32, #tpu.memory_space<vmem>>
      %dma_start3A_1704 = arith.constant 0 : i32
      %dma_start3A_1705 = tpu.memref_slice %arg5[%dma_start3A_1704, %multiple_of3A_1672] : memref<32x1000000xf32, #tpu.memory_space<hbm>> -> memref<16x128xf32, #tpu.memory_space<hbm>>
      %dma_start3A_1706 = arith.constant 0 : i32
      %dma_start3A_1707 = arith.constant 0 : i32
      %dma_start3A_1708 = tpu.memref_slice %arg12[%dma_start3A_1699, %dma_start3A_1706, %dma_start3A_1707] : memref<8x16x128xf32, #tpu.memory_space<vmem>> -> memref<1x16x128xf32, #tpu.memory_space<vmem>>
      %dma_start3A_1709 = tpu.memref_squeeze %dma_start3A_1708 : memref<1x16x128xf32, #tpu.memory_space<vmem>> -> memref<16x128xf32, #tpu.memory_space<vmem>>
      %dma_start3A_1710 = arith.constant 0 : i32
      %dma_start3A_1711 = tpu.memref_slice %arg5[%dma_start3A_1710, %multiple_of3A_1672] : memref<32x1000000xf32, #tpu.memory_space<hbm>> -> memref<16x128xf32, #tpu.memory_space<hbm>>
      tpu.enqueue_dma source(%dma_start3A_1711 : memref<16x128xf32, #tpu.memory_space<hbm>>) target(%dma_start3A_1709 : memref<16x128xf32, #tpu.memory_space<vmem>>) target_semaphore(%arg17 : memref<!tpu.dma_semaphore, #tpu.memory_space<semaphore_mem>>)
      %dma_start3A_1712 = arith.constant 6 : i32
      %dma_start3A_1713 = arith.constant 0 : i32
      %dma_start3A_1714 = arith.constant 0 : i32
      %dma_start3A_1715 = tpu.memref_slice %arg13[%dma_start3A_1712, %dma_start3A_1713, %dma_start3A_1714] : memref<8x16x128xf32, #tpu.memory_space<vmem>> -> memref<1x16x128xf32, #tpu.memory_space<vmem>>
      %dma_start3A_1716 = tpu.memref_squeeze %dma_start3A_1715 : memref<1x16x128xf32, #tpu.memory_space<vmem>> -> memref<16x128xf32, #tpu.memory_space<vmem>>
      %dma_start3A_1717 = arith.constant 16 : i32
      %dma_start3A_1718 = tpu.memref_slice %arg5[%dma_start3A_1717, %multiple_of3A_1672] : memref<32x1000000xf32, #tpu.memory_space<hbm>> -> memref<16x128xf32, #tpu.memory_space<hbm>>
      %dma_start3A_1719 = arith.constant 0 : i32
      %dma_start3A_1720 = arith.constant 0 : i32
      %dma_start3A_1721 = tpu.memref_slice %arg13[%dma_start3A_1712, %dma_start3A_1719, %dma_start3A_1720] : memref<8x16x128xf32, #tpu.memory_space<vmem>> -> memref<1x16x128xf32, #tpu.memory_space<vmem>>
      %dma_start3A_1722 = tpu.memref_squeeze %dma_start3A_1721 : memref<1x16x128xf32, #tpu.memory_space<vmem>> -> memref<16x128xf32, #tpu.memory_space<vmem>>
      %dma_start3A_1723 = arith.constant 16 : i32
      %dma_start3A_1724 = tpu.memref_slice %arg5[%dma_start3A_1723, %multiple_of3A_1672] : memref<32x1000000xf32, #tpu.memory_space<hbm>> -> memref<16x128xf32, #tpu.memory_space<hbm>>
      tpu.enqueue_dma source(%dma_start3A_1724 : memref<16x128xf32, #tpu.memory_space<hbm>>) target(%dma_start3A_1722 : memref<16x128xf32, #tpu.memory_space<vmem>>) target_semaphore(%arg17 : memref<!tpu.dma_semaphore, #tpu.memory_space<semaphore_mem>>)
      %slice3A_1725 = vector.extract_strided_slice %get3A_12 {offsets = [15], sizes = [1], strides = [1]} : vector<16xi32> to vector<1xi32>
      %squeeze3A_1726 = vector.extract %slice3A_1725[0] : i32 from vector<1xi32>
      %shift_right_arithmetic3A_1727 = arith.constant 7 : i32
      %shift_right_arithmetic3A_1728 = arith.shrsi %squeeze3A_1726, %shift_right_arithmetic3A_1727 : i32
      %shift_left3A_1729 = arith.constant 7 : i32
      %shift_left3A_1730 = arith.shli %shift_right_arithmetic3A_1728, %shift_left3A_1729 : i32
      %multiple_of3A_1731 = tpu.assume_multiple %shift_left3A_1730, 128 : i32
      %slice3A_1732 = vector.extract_strided_slice %get3A_16 {offsets = [15], sizes = [1], strides = [1]} : vector<16xi32> to vector<1xi32>
      %squeeze3A_1733 = vector.extract %slice3A_1732[0] : i32 from vector<1xi32>
      %shift_right_arithmetic3A_1734 = arith.constant 7 : i32
      %shift_right_arithmetic3A_1735 = arith.shrsi %squeeze3A_1733, %shift_right_arithmetic3A_1734 : i32
      %shift_left3A_1736 = arith.constant 7 : i32
      %shift_left3A_1737 = arith.shli %shift_right_arithmetic3A_1735, %shift_left3A_1736 : i32
      %multiple_of3A_1738 = tpu.assume_multiple %shift_left3A_1737, 128 : i32
      %dma_start3A_1739 = arith.constant 7 : i32
      %dma_start3A_1740 = arith.constant 0 : i32
      %dma_start3A_1741 = arith.constant 0 : i32
      %dma_start3A_1742 = tpu.memref_slice %arg10[%dma_start3A_1739, %dma_start3A_1740, %dma_start3A_1741] : memref<8x16x128xf32, #tpu.memory_space<vmem>> -> memref<1x16x128xf32, #tpu.memory_space<vmem>>
      %dma_start3A_1743 = tpu.memref_squeeze %dma_start3A_1742 : memref<1x16x128xf32, #tpu.memory_space<vmem>> -> memref<16x128xf32, #tpu.memory_space<vmem>>
      %dma_start3A_1744 = arith.constant 0 : i32
      %dma_start3A_1745 = tpu.memref_slice %arg4[%dma_start3A_1744, %multiple_of3A_1731] : memref<32x1000000xf32, #tpu.memory_space<hbm>> -> memref<16x128xf32, #tpu.memory_space<hbm>>
      %dma_start3A_1746 = arith.constant 0 : i32
      %dma_start3A_1747 = arith.constant 0 : i32
      %dma_start3A_1748 = tpu.memref_slice %arg10[%dma_start3A_1739, %dma_start3A_1746, %dma_start3A_1747] : memref<8x16x128xf32, #tpu.memory_space<vmem>> -> memref<1x16x128xf32, #tpu.memory_space<vmem>>
      %dma_start3A_1749 = tpu.memref_squeeze %dma_start3A_1748 : memref<1x16x128xf32, #tpu.memory_space<vmem>> -> memref<16x128xf32, #tpu.memory_space<vmem>>
      %dma_start3A_1750 = arith.constant 0 : i32
      %dma_start3A_1751 = tpu.memref_slice %arg4[%dma_start3A_1750, %multiple_of3A_1731] : memref<32x1000000xf32, #tpu.memory_space<hbm>> -> memref<16x128xf32, #tpu.memory_space<hbm>>
      tpu.enqueue_dma source(%dma_start3A_1751 : memref<16x128xf32, #tpu.memory_space<hbm>>) target(%dma_start3A_1749 : memref<16x128xf32, #tpu.memory_space<vmem>>) target_semaphore(%arg16 : memref<!tpu.dma_semaphore, #tpu.memory_space<semaphore_mem>>)
      %dma_start3A_1752 = arith.constant 7 : i32
      %dma_start3A_1753 = arith.constant 0 : i32
      %dma_start3A_1754 = arith.constant 0 : i32
      %dma_start3A_1755 = tpu.memref_slice %arg11[%dma_start3A_1752, %dma_start3A_1753, %dma_start3A_1754] : memref<8x16x128xf32, #tpu.memory_space<vmem>> -> memref<1x16x128xf32, #tpu.memory_space<vmem>>
      %dma_start3A_1756 = tpu.memref_squeeze %dma_start3A_1755 : memref<1x16x128xf32, #tpu.memory_space<vmem>> -> memref<16x128xf32, #tpu.memory_space<vmem>>
      %dma_start3A_1757 = arith.constant 16 : i32
      %dma_start3A_1758 = tpu.memref_slice %arg4[%dma_start3A_1757, %multiple_of3A_1731] : memref<32x1000000xf32, #tpu.memory_space<hbm>> -> memref<16x128xf32, #tpu.memory_space<hbm>>
      %dma_start3A_1759 = arith.constant 0 : i32
      %dma_start3A_1760 = arith.constant 0 : i32
      %dma_start3A_1761 = tpu.memref_slice %arg11[%dma_start3A_1752, %dma_start3A_1759, %dma_start3A_1760] : memref<8x16x128xf32, #tpu.memory_space<vmem>> -> memref<1x16x128xf32, #tpu.memory_space<vmem>>
      %dma_start3A_1762 = tpu.memref_squeeze %dma_start3A_1761 : memref<1x16x128xf32, #tpu.memory_space<vmem>> -> memref<16x128xf32, #tpu.memory_space<vmem>>
      %dma_start3A_1763 = arith.constant 16 : i32
      %dma_start3A_1764 = tpu.memref_slice %arg4[%dma_start3A_1763, %multiple_of3A_1731] : memref<32x1000000xf32, #tpu.memory_space<hbm>> -> memref<16x128xf32, #tpu.memory_space<hbm>>
      tpu.enqueue_dma source(%dma_start3A_1764 : memref<16x128xf32, #tpu.memory_space<hbm>>) target(%dma_start3A_1762 : memref<16x128xf32, #tpu.memory_space<vmem>>) target_semaphore(%arg16 : memref<!tpu.dma_semaphore, #tpu.memory_space<semaphore_mem>>)
      %dma_start3A_1765 = arith.constant 7 : i32
      %dma_start3A_1766 = arith.constant 0 : i32
      %dma_start3A_1767 = arith.constant 0 : i32
      %dma_start3A_1768 = tpu.memref_slice %arg12[%dma_start3A_1765, %dma_start3A_1766, %dma_start3A_1767] : memref<8x16x128xf32, #tpu.memory_space<vmem>> -> memref<1x16x128xf32, #tpu.memory_space<vmem>>
      %dma_start3A_1769 = tpu.memref_squeeze %dma_start3A_1768 : memref<1x16x128xf32, #tpu.memory_space<vmem>> -> memref<16x128xf32, #tpu.memory_space<vmem>>
      %dma_start3A_1770 = arith.constant 0 : i32
      %dma_start3A_1771 = tpu.memref_slice %arg5[%dma_start3A_1770, %multiple_of3A_1738] : memref<32x1000000xf32, #tpu.memory_space<hbm>> -> memref<16x128xf32, #tpu.memory_space<hbm>>
      %dma_start3A_1772 = arith.constant 0 : i32
      %dma_start3A_1773 = arith.constant 0 : i32
      %dma_start3A_1774 = tpu.memref_slice %arg12[%dma_start3A_1765, %dma_start3A_1772, %dma_start3A_1773] : memref<8x16x128xf32, #tpu.memory_space<vmem>> -> memref<1x16x128xf32, #tpu.memory_space<vmem>>
      %dma_start3A_1775 = tpu.memref_squeeze %dma_start3A_1774 : memref<1x16x128xf32, #tpu.memory_space<vmem>> -> memref<16x128xf32, #tpu.memory_space<vmem>>
      %dma_start3A_1776 = arith.constant 0 : i32
      %dma_start3A_1777 = tpu.memref_slice %arg5[%dma_start3A_1776, %multiple_of3A_1738] : memref<32x1000000xf32, #tpu.memory_space<hbm>> -> memref<16x128xf32, #tpu.memory_space<hbm>>
      tpu.enqueue_dma source(%dma_start3A_1777 : memref<16x128xf32, #tpu.memory_space<hbm>>) target(%dma_start3A_1775 : memref<16x128xf32, #tpu.memory_space<vmem>>) target_semaphore(%arg17 : memref<!tpu.dma_semaphore, #tpu.memory_space<semaphore_mem>>)
      %dma_start3A_1778 = arith.constant 7 : i32
      %dma_start3A_1779 = arith.constant 0 : i32
      %dma_start3A_1780 = arith.constant 0 : i32
      %dma_start3A_1781 = tpu.memref_slice %arg13[%dma_start3A_1778, %dma_start3A_1779, %dma_start3A_1780] : memref<8x16x128xf32, #tpu.memory_space<vmem>> -> memref<1x16x128xf32, #tpu.memory_space<vmem>>
      %dma_start3A_1782 = tpu.memref_squeeze %dma_start3A_1781 : memref<1x16x128xf32, #tpu.memory_space<vmem>> -> memref<16x128xf32, #tpu.memory_space<vmem>>
      %dma_start3A_1783 = arith.constant 16 : i32
      %dma_start3A_1784 = tpu.memref_slice %arg5[%dma_start3A_1783, %multiple_of3A_1738] : memref<32x1000000xf32, #tpu.memory_space<hbm>> -> memref<16x128xf32, #tpu.memory_space<hbm>>
      %dma_start3A_1785 = arith.constant 0 : i32
      %dma_start3A_1786 = arith.constant 0 : i32
      %dma_start3A_1787 = tpu.memref_slice %arg13[%dma_start3A_1778, %dma_start3A_1785, %dma_start3A_1786] : memref<8x16x128xf32, #tpu.memory_space<vmem>> -> memref<1x16x128xf32, #tpu.memory_space<vmem>>
      %dma_start3A_1788 = tpu.memref_squeeze %dma_start3A_1787 : memref<1x16x128xf32, #tpu.memory_space<vmem>> -> memref<16x128xf32, #tpu.memory_space<vmem>>
      %dma_start3A_1789 = arith.constant 16 : i32
      %dma_start3A_1790 = tpu.memref_slice %arg5[%dma_start3A_1789, %multiple_of3A_1738] : memref<32x1000000xf32, #tpu.memory_space<hbm>> -> memref<16x128xf32, #tpu.memory_space<hbm>>
      tpu.enqueue_dma source(%dma_start3A_1790 : memref<16x128xf32, #tpu.memory_space<hbm>>) target(%dma_start3A_1788 : memref<16x128xf32, #tpu.memory_space<vmem>>) target_semaphore(%arg17 : memref<!tpu.dma_semaphore, #tpu.memory_space<semaphore_mem>>)
      %dma_wait3A_1791 = arith.constant 0 : i32
      %dma_wait3A_1792 = arith.constant 0 : i32
      %dma_wait3A_1793 = arith.constant 0 : i32
      %dma_wait3A_1794 = tpu.memref_slice %arg10[%dma_wait3A_1791, %dma_wait3A_1792, %dma_wait3A_1793] : memref<8x16x128xf32, #tpu.memory_space<vmem>> -> memref<1x16x128xf32, #tpu.memory_space<vmem>>
      %dma_wait3A_1795 = tpu.memref_squeeze %dma_wait3A_1794 : memref<1x16x128xf32, #tpu.memory_space<vmem>> -> memref<16x128xf32, #tpu.memory_space<vmem>>
      %dma_wait3A_1796 = arith.constant 0 : i32
      %dma_wait3A_1797 = tpu.memref_slice %arg4[%dma_wait3A_1796, %multiple_of3A_905] : memref<32x1000000xf32, #tpu.memory_space<hbm>> -> memref<16x128xf32, #tpu.memory_space<hbm>>
      %dma_wait3A_1798 = arith.constant 0 : i32
      %dma_wait3A_1799 = arith.constant 0 : i32
      %dma_wait3A_1800 = tpu.memref_slice %arg10[%dma_wait3A_1791, %dma_wait3A_1798, %dma_wait3A_1799] : memref<8x16x128xf32, #tpu.memory_space<vmem>> -> memref<1x16x128xf32, #tpu.memory_space<vmem>>
      %dma_wait3A_1801 = tpu.memref_squeeze %dma_wait3A_1800 : memref<1x16x128xf32, #tpu.memory_space<vmem>> -> memref<16x128xf32, #tpu.memory_space<vmem>>
      %dma_wait3A_1802 = arith.constant 0 : i32
      %dma_wait3A_1803 = tpu.memref_slice %arg4[%dma_wait3A_1802, %multiple_of3A_905] : memref<32x1000000xf32, #tpu.memory_space<hbm>> -> memref<16x128xf32, #tpu.memory_space<hbm>>
      tpu.wait_dma2 semaphore(%arg16 : memref<!tpu.dma_semaphore, #tpu.memory_space<semaphore_mem>>) src(%dma_wait3A_1803 : memref<16x128xf32, #tpu.memory_space<hbm>>) dst(%dma_wait3A_1801 : memref<16x128xf32, #tpu.memory_space<vmem>>)
      %dma_wait3A_1804 = arith.constant 0 : i32
      %dma_wait3A_1805 = arith.constant 0 : i32
      %dma_wait3A_1806 = arith.constant 0 : i32
      %dma_wait3A_1807 = tpu.memref_slice %arg11[%dma_wait3A_1804, %dma_wait3A_1805, %dma_wait3A_1806] : memref<8x16x128xf32, #tpu.memory_space<vmem>> -> memref<1x16x128xf32, #tpu.memory_space<vmem>>
      %dma_wait3A_1808 = tpu.memref_squeeze %dma_wait3A_1807 : memref<1x16x128xf32, #tpu.memory_space<vmem>> -> memref<16x128xf32, #tpu.memory_space<vmem>>
      %dma_wait3A_1809 = arith.constant 16 : i32
      %dma_wait3A_1810 = tpu.memref_slice %arg4[%dma_wait3A_1809, %multiple_of3A_905] : memref<32x1000000xf32, #tpu.memory_space<hbm>> -> memref<16x128xf32, #tpu.memory_space<hbm>>
      %dma_wait3A_1811 = arith.constant 0 : i32
      %dma_wait3A_1812 = arith.constant 0 : i32
      %dma_wait3A_1813 = tpu.memref_slice %arg11[%dma_wait3A_1804, %dma_wait3A_1811, %dma_wait3A_1812] : memref<8x16x128xf32, #tpu.memory_space<vmem>> -> memref<1x16x128xf32, #tpu.memory_space<vmem>>
      %dma_wait3A_1814 = tpu.memref_squeeze %dma_wait3A_1813 : memref<1x16x128xf32, #tpu.memory_space<vmem>> -> memref<16x128xf32, #tpu.memory_space<vmem>>
      %dma_wait3A_1815 = arith.constant 16 : i32
      %dma_wait3A_1816 = tpu.memref_slice %arg4[%dma_wait3A_1815, %multiple_of3A_905] : memref<32x1000000xf32, #tpu.memory_space<hbm>> -> memref<16x128xf32, #tpu.memory_space<hbm>>
      tpu.wait_dma2 semaphore(%arg16 : memref<!tpu.dma_semaphore, #tpu.memory_space<semaphore_mem>>) src(%dma_wait3A_1816 : memref<16x128xf32, #tpu.memory_space<hbm>>) dst(%dma_wait3A_1814 : memref<16x128xf32, #tpu.memory_space<vmem>>)
      %dma_wait3A_1817 = arith.constant 0 : i32
      %dma_wait3A_1818 = arith.constant 0 : i32
      %dma_wait3A_1819 = arith.constant 0 : i32
      %dma_wait3A_1820 = tpu.memref_slice %arg12[%dma_wait3A_1817, %dma_wait3A_1818, %dma_wait3A_1819] : memref<8x16x128xf32, #tpu.memory_space<vmem>> -> memref<1x16x128xf32, #tpu.memory_space<vmem>>
      %dma_wait3A_1821 = tpu.memref_squeeze %dma_wait3A_1820 : memref<1x16x128xf32, #tpu.memory_space<vmem>> -> memref<16x128xf32, #tpu.memory_space<vmem>>
      %dma_wait3A_1822 = arith.constant 0 : i32
      %dma_wait3A_1823 = tpu.memref_slice %arg5[%dma_wait3A_1822, %multiple_of3A_912] : memref<32x1000000xf32, #tpu.memory_space<hbm>> -> memref<16x128xf32, #tpu.memory_space<hbm>>
      %dma_wait3A_1824 = arith.constant 0 : i32
      %dma_wait3A_1825 = arith.constant 0 : i32
      %dma_wait3A_1826 = tpu.memref_slice %arg12[%dma_wait3A_1817, %dma_wait3A_1824, %dma_wait3A_1825] : memref<8x16x128xf32, #tpu.memory_space<vmem>> -> memref<1x16x128xf32, #tpu.memory_space<vmem>>
      %dma_wait3A_1827 = tpu.memref_squeeze %dma_wait3A_1826 : memref<1x16x128xf32, #tpu.memory_space<vmem>> -> memref<16x128xf32, #tpu.memory_space<vmem>>
      %dma_wait3A_1828 = arith.constant 0 : i32
      %dma_wait3A_1829 = tpu.memref_slice %arg5[%dma_wait3A_1828, %multiple_of3A_912] : memref<32x1000000xf32, #tpu.memory_space<hbm>> -> memref<16x128xf32, #tpu.memory_space<hbm>>
      tpu.wait_dma2 semaphore(%arg17 : memref<!tpu.dma_semaphore, #tpu.memory_space<semaphore_mem>>) src(%dma_wait3A_1829 : memref<16x128xf32, #tpu.memory_space<hbm>>) dst(%dma_wait3A_1827 : memref<16x128xf32, #tpu.memory_space<vmem>>)
      %dma_wait3A_1830 = arith.constant 0 : i32
      %dma_wait3A_1831 = arith.constant 0 : i32
      %dma_wait3A_1832 = arith.constant 0 : i32
      %dma_wait3A_1833 = tpu.memref_slice %arg13[%dma_wait3A_1830, %dma_wait3A_1831, %dma_wait3A_1832] : memref<8x16x128xf32, #tpu.memory_space<vmem>> -> memref<1x16x128xf32, #tpu.memory_space<vmem>>
      %dma_wait3A_1834 = tpu.memref_squeeze %dma_wait3A_1833 : memref<1x16x128xf32, #tpu.memory_space<vmem>> -> memref<16x128xf32, #tpu.memory_space<vmem>>
      %dma_wait3A_1835 = arith.constant 16 : i32
      %dma_wait3A_1836 = tpu.memref_slice %arg5[%dma_wait3A_1835, %multiple_of3A_912] : memref<32x1000000xf32, #tpu.memory_space<hbm>> -> memref<16x128xf32, #tpu.memory_space<hbm>>
      %dma_wait3A_1837 = arith.constant 0 : i32
      %dma_wait3A_1838 = arith.constant 0 : i32
      %dma_wait3A_1839 = tpu.memref_slice %arg13[%dma_wait3A_1830, %dma_wait3A_1837, %dma_wait3A_1838] : memref<8x16x128xf32, #tpu.memory_space<vmem>> -> memref<1x16x128xf32, #tpu.memory_space<vmem>>
      %dma_wait3A_1840 = tpu.memref_squeeze %dma_wait3A_1839 : memref<1x16x128xf32, #tpu.memory_space<vmem>> -> memref<16x128xf32, #tpu.memory_space<vmem>>
      %dma_wait3A_1841 = arith.constant 16 : i32
      %dma_wait3A_1842 = tpu.memref_slice %arg5[%dma_wait3A_1841, %multiple_of3A_912] : memref<32x1000000xf32, #tpu.memory_space<hbm>> -> memref<16x128xf32, #tpu.memory_space<hbm>>
      tpu.wait_dma2 semaphore(%arg17 : memref<!tpu.dma_semaphore, #tpu.memory_space<semaphore_mem>>) src(%dma_wait3A_1842 : memref<16x128xf32, #tpu.memory_space<hbm>>) dst(%dma_wait3A_1840 : memref<16x128xf32, #tpu.memory_space<vmem>>)
      %dma_wait3A_1843 = arith.constant 1 : i32
      %dma_wait3A_1844 = arith.constant 0 : i32
      %dma_wait3A_1845 = arith.constant 0 : i32
      %dma_wait3A_1846 = tpu.memref_slice %arg10[%dma_wait3A_1843, %dma_wait3A_1844, %dma_wait3A_1845] : memref<8x16x128xf32, #tpu.memory_space<vmem>> -> memref<1x16x128xf32, #tpu.memory_space<vmem>>
      %dma_wait3A_1847 = tpu.memref_squeeze %dma_wait3A_1846 : memref<1x16x128xf32, #tpu.memory_space<vmem>> -> memref<16x128xf32, #tpu.memory_space<vmem>>
      %dma_wait3A_1848 = arith.constant 0 : i32
      %dma_wait3A_1849 = tpu.memref_slice %arg4[%dma_wait3A_1848, %multiple_of3A_971] : memref<32x1000000xf32, #tpu.memory_space<hbm>> -> memref<16x128xf32, #tpu.memory_space<hbm>>
      %dma_wait3A_1850 = arith.constant 0 : i32
      %dma_wait3A_1851 = arith.constant 0 : i32
      %dma_wait3A_1852 = tpu.memref_slice %arg10[%dma_wait3A_1843, %dma_wait3A_1850, %dma_wait3A_1851] : memref<8x16x128xf32, #tpu.memory_space<vmem>> -> memref<1x16x128xf32, #tpu.memory_space<vmem>>
      %dma_wait3A_1853 = tpu.memref_squeeze %dma_wait3A_1852 : memref<1x16x128xf32, #tpu.memory_space<vmem>> -> memref<16x128xf32, #tpu.memory_space<vmem>>
      %dma_wait3A_1854 = arith.constant 0 : i32
      %dma_wait3A_1855 = tpu.memref_slice %arg4[%dma_wait3A_1854, %multiple_of3A_971] : memref<32x1000000xf32, #tpu.memory_space<hbm>> -> memref<16x128xf32, #tpu.memory_space<hbm>>
      tpu.wait_dma2 semaphore(%arg16 : memref<!tpu.dma_semaphore, #tpu.memory_space<semaphore_mem>>) src(%dma_wait3A_1855 : memref<16x128xf32, #tpu.memory_space<hbm>>) dst(%dma_wait3A_1853 : memref<16x128xf32, #tpu.memory_space<vmem>>)
      %dma_wait3A_1856 = arith.constant 1 : i32
      %dma_wait3A_1857 = arith.constant 0 : i32
      %dma_wait3A_1858 = arith.constant 0 : i32
      %dma_wait3A_1859 = tpu.memref_slice %arg11[%dma_wait3A_1856, %dma_wait3A_1857, %dma_wait3A_1858] : memref<8x16x128xf32, #tpu.memory_space<vmem>> -> memref<1x16x128xf32, #tpu.memory_space<vmem>>
      %dma_wait3A_1860 = tpu.memref_squeeze %dma_wait3A_1859 : memref<1x16x128xf32, #tpu.memory_space<vmem>> -> memref<16x128xf32, #tpu.memory_space<vmem>>
      %dma_wait3A_1861 = arith.constant 16 : i32
      %dma_wait3A_1862 = tpu.memref_slice %arg4[%dma_wait3A_1861, %multiple_of3A_971] : memref<32x1000000xf32, #tpu.memory_space<hbm>> -> memref<16x128xf32, #tpu.memory_space<hbm>>
      %dma_wait3A_1863 = arith.constant 0 : i32
      %dma_wait3A_1864 = arith.constant 0 : i32
      %dma_wait3A_1865 = tpu.memref_slice %arg11[%dma_wait3A_1856, %dma_wait3A_1863, %dma_wait3A_1864] : memref<8x16x128xf32, #tpu.memory_space<vmem>> -> memref<1x16x128xf32, #tpu.memory_space<vmem>>
      %dma_wait3A_1866 = tpu.memref_squeeze %dma_wait3A_1865 : memref<1x16x128xf32, #tpu.memory_space<vmem>> -> memref<16x128xf32, #tpu.memory_space<vmem>>
      %dma_wait3A_1867 = arith.constant 16 : i32
      %dma_wait3A_1868 = tpu.memref_slice %arg4[%dma_wait3A_1867, %multiple_of3A_971] : memref<32x1000000xf32, #tpu.memory_space<hbm>> -> memref<16x128xf32, #tpu.memory_space<hbm>>
      tpu.wait_dma2 semaphore(%arg16 : memref<!tpu.dma_semaphore, #tpu.memory_space<semaphore_mem>>) src(%dma_wait3A_1868 : memref<16x128xf32, #tpu.memory_space<hbm>>) dst(%dma_wait3A_1866 : memref<16x128xf32, #tpu.memory_space<vmem>>)
      %dma_wait3A_1869 = arith.constant 1 : i32
      %dma_wait3A_1870 = arith.constant 0 : i32
      %dma_wait3A_1871 = arith.constant 0 : i32
      %dma_wait3A_1872 = tpu.memref_slice %arg12[%dma_wait3A_1869, %dma_wait3A_1870, %dma_wait3A_1871] : memref<8x16x128xf32, #tpu.memory_space<vmem>> -> memref<1x16x128xf32, #tpu.memory_space<vmem>>
      %dma_wait3A_1873 = tpu.memref_squeeze %dma_wait3A_1872 : memref<1x16x128xf32, #tpu.memory_space<vmem>> -> memref<16x128xf32, #tpu.memory_space<vmem>>
      %dma_wait3A_1874 = arith.constant 0 : i32
      %dma_wait3A_1875 = tpu.memref_slice %arg5[%dma_wait3A_1874, %multiple_of3A_978] : memref<32x1000000xf32, #tpu.memory_space<hbm>> -> memref<16x128xf32, #tpu.memory_space<hbm>>
      %dma_wait3A_1876 = arith.constant 0 : i32
      %dma_wait3A_1877 = arith.constant 0 : i32
      %dma_wait3A_1878 = tpu.memref_slice %arg12[%dma_wait3A_1869, %dma_wait3A_1876, %dma_wait3A_1877] : memref<8x16x128xf32, #tpu.memory_space<vmem>> -> memref<1x16x128xf32, #tpu.memory_space<vmem>>
      %dma_wait3A_1879 = tpu.memref_squeeze %dma_wait3A_1878 : memref<1x16x128xf32, #tpu.memory_space<vmem>> -> memref<16x128xf32, #tpu.memory_space<vmem>>
      %dma_wait3A_1880 = arith.constant 0 : i32
      %dma_wait3A_1881 = tpu.memref_slice %arg5[%dma_wait3A_1880, %multiple_of3A_978] : memref<32x1000000xf32, #tpu.memory_space<hbm>> -> memref<16x128xf32, #tpu.memory_space<hbm>>
      tpu.wait_dma2 semaphore(%arg17 : memref<!tpu.dma_semaphore, #tpu.memory_space<semaphore_mem>>) src(%dma_wait3A_1881 : memref<16x128xf32, #tpu.memory_space<hbm>>) dst(%dma_wait3A_1879 : memref<16x128xf32, #tpu.memory_space<vmem>>)
      %dma_wait3A_1882 = arith.constant 1 : i32
      %dma_wait3A_1883 = arith.constant 0 : i32
      %dma_wait3A_1884 = arith.constant 0 : i32
      %dma_wait3A_1885 = tpu.memref_slice %arg13[%dma_wait3A_1882, %dma_wait3A_1883, %dma_wait3A_1884] : memref<8x16x128xf32, #tpu.memory_space<vmem>> -> memref<1x16x128xf32, #tpu.memory_space<vmem>>
      %dma_wait3A_1886 = tpu.memref_squeeze %dma_wait3A_1885 : memref<1x16x128xf32, #tpu.memory_space<vmem>> -> memref<16x128xf32, #tpu.memory_space<vmem>>
      %dma_wait3A_1887 = arith.constant 16 : i32
      %dma_wait3A_1888 = tpu.memref_slice %arg5[%dma_wait3A_1887, %multiple_of3A_978] : memref<32x1000000xf32, #tpu.memory_space<hbm>> -> memref<16x128xf32, #tpu.memory_space<hbm>>
      %dma_wait3A_1889 = arith.constant 0 : i32
      %dma_wait3A_1890 = arith.constant 0 : i32
      %dma_wait3A_1891 = tpu.memref_slice %arg13[%dma_wait3A_1882, %dma_wait3A_1889, %dma_wait3A_1890] : memref<8x16x128xf32, #tpu.memory_space<vmem>> -> memref<1x16x128xf32, #tpu.memory_space<vmem>>
      %dma_wait3A_1892 = tpu.memref_squeeze %dma_wait3A_1891 : memref<1x16x128xf32, #tpu.memory_space<vmem>> -> memref<16x128xf32, #tpu.memory_space<vmem>>
      %dma_wait3A_1893 = arith.constant 16 : i32
      %dma_wait3A_1894 = tpu.memref_slice %arg5[%dma_wait3A_1893, %multiple_of3A_978] : memref<32x1000000xf32, #tpu.memory_space<hbm>> -> memref<16x128xf32, #tpu.memory_space<hbm>>
      tpu.wait_dma2 semaphore(%arg17 : memref<!tpu.dma_semaphore, #tpu.memory_space<semaphore_mem>>) src(%dma_wait3A_1894 : memref<16x128xf32, #tpu.memory_space<hbm>>) dst(%dma_wait3A_1892 : memref<16x128xf32, #tpu.memory_space<vmem>>)
      %dma_wait3A_1895 = arith.constant 2 : i32
      %dma_wait3A_1896 = arith.constant 0 : i32
      %dma_wait3A_1897 = arith.constant 0 : i32
      %dma_wait3A_1898 = tpu.memref_slice %arg10[%dma_wait3A_1895, %dma_wait3A_1896, %dma_wait3A_1897] : memref<8x16x128xf32, #tpu.memory_space<vmem>> -> memref<1x16x128xf32, #tpu.memory_space<vmem>>
      %dma_wait3A_1899 = tpu.memref_squeeze %dma_wait3A_1898 : memref<1x16x128xf32, #tpu.memory_space<vmem>> -> memref<16x128xf32, #tpu.memory_space<vmem>>
      %dma_wait3A_1900 = arith.constant 0 : i32
      %dma_wait3A_1901 = tpu.memref_slice %arg4[%dma_wait3A_1900, %multiple_of3A_1037] : memref<32x1000000xf32, #tpu.memory_space<hbm>> -> memref<16x128xf32, #tpu.memory_space<hbm>>
      %dma_wait3A_1902 = arith.constant 0 : i32
      %dma_wait3A_1903 = arith.constant 0 : i32
      %dma_wait3A_1904 = tpu.memref_slice %arg10[%dma_wait3A_1895, %dma_wait3A_1902, %dma_wait3A_1903] : memref<8x16x128xf32, #tpu.memory_space<vmem>> -> memref<1x16x128xf32, #tpu.memory_space<vmem>>
      %dma_wait3A_1905 = tpu.memref_squeeze %dma_wait3A_1904 : memref<1x16x128xf32, #tpu.memory_space<vmem>> -> memref<16x128xf32, #tpu.memory_space<vmem>>
      %dma_wait3A_1906 = arith.constant 0 : i32
      %dma_wait3A_1907 = tpu.memref_slice %arg4[%dma_wait3A_1906, %multiple_of3A_1037] : memref<32x1000000xf32, #tpu.memory_space<hbm>> -> memref<16x128xf32, #tpu.memory_space<hbm>>
      tpu.wait_dma2 semaphore(%arg16 : memref<!tpu.dma_semaphore, #tpu.memory_space<semaphore_mem>>) src(%dma_wait3A_1907 : memref<16x128xf32, #tpu.memory_space<hbm>>) dst(%dma_wait3A_1905 : memref<16x128xf32, #tpu.memory_space<vmem>>)
      %dma_wait3A_1908 = arith.constant 2 : i32
      %dma_wait3A_1909 = arith.constant 0 : i32
      %dma_wait3A_1910 = arith.constant 0 : i32
      %dma_wait3A_1911 = tpu.memref_slice %arg11[%dma_wait3A_1908, %dma_wait3A_1909, %dma_wait3A_1910] : memref<8x16x128xf32, #tpu.memory_space<vmem>> -> memref<1x16x128xf32, #tpu.memory_space<vmem>>
      %dma_wait3A_1912 = tpu.memref_squeeze %dma_wait3A_1911 : memref<1x16x128xf32, #tpu.memory_space<vmem>> -> memref<16x128xf32, #tpu.memory_space<vmem>>
      %dma_wait3A_1913 = arith.constant 16 : i32
      %dma_wait3A_1914 = tpu.memref_slice %arg4[%dma_wait3A_1913, %multiple_of3A_1037] : memref<32x1000000xf32, #tpu.memory_space<hbm>> -> memref<16x128xf32, #tpu.memory_space<hbm>>
      %dma_wait3A_1915 = arith.constant 0 : i32
      %dma_wait3A_1916 = arith.constant 0 : i32
      %dma_wait3A_1917 = tpu.memref_slice %arg11[%dma_wait3A_1908, %dma_wait3A_1915, %dma_wait3A_1916] : memref<8x16x128xf32, #tpu.memory_space<vmem>> -> memref<1x16x128xf32, #tpu.memory_space<vmem>>
      %dma_wait3A_1918 = tpu.memref_squeeze %dma_wait3A_1917 : memref<1x16x128xf32, #tpu.memory_space<vmem>> -> memref<16x128xf32, #tpu.memory_space<vmem>>
      %dma_wait3A_1919 = arith.constant 16 : i32
      %dma_wait3A_1920 = tpu.memref_slice %arg4[%dma_wait3A_1919, %multiple_of3A_1037] : memref<32x1000000xf32, #tpu.memory_space<hbm>> -> memref<16x128xf32, #tpu.memory_space<hbm>>
      tpu.wait_dma2 semaphore(%arg16 : memref<!tpu.dma_semaphore, #tpu.memory_space<semaphore_mem>>) src(%dma_wait3A_1920 : memref<16x128xf32, #tpu.memory_space<hbm>>) dst(%dma_wait3A_1918 : memref<16x128xf32, #tpu.memory_space<vmem>>)
      %dma_wait3A_1921 = arith.constant 2 : i32
      %dma_wait3A_1922 = arith.constant 0 : i32
      %dma_wait3A_1923 = arith.constant 0 : i32
      %dma_wait3A_1924 = tpu.memref_slice %arg12[%dma_wait3A_1921, %dma_wait3A_1922, %dma_wait3A_1923] : memref<8x16x128xf32, #tpu.memory_space<vmem>> -> memref<1x16x128xf32, #tpu.memory_space<vmem>>
      %dma_wait3A_1925 = tpu.memref_squeeze %dma_wait3A_1924 : memref<1x16x128xf32, #tpu.memory_space<vmem>> -> memref<16x128xf32, #tpu.memory_space<vmem>>
      %dma_wait3A_1926 = arith.constant 0 : i32
      %dma_wait3A_1927 = tpu.memref_slice %arg5[%dma_wait3A_1926, %multiple_of3A_1044] : memref<32x1000000xf32, #tpu.memory_space<hbm>> -> memref<16x128xf32, #tpu.memory_space<hbm>>
      %dma_wait3A_1928 = arith.constant 0 : i32
      %dma_wait3A_1929 = arith.constant 0 : i32
      %dma_wait3A_1930 = tpu.memref_slice %arg12[%dma_wait3A_1921, %dma_wait3A_1928, %dma_wait3A_1929] : memref<8x16x128xf32, #tpu.memory_space<vmem>> -> memref<1x16x128xf32, #tpu.memory_space<vmem>>
      %dma_wait3A_1931 = tpu.memref_squeeze %dma_wait3A_1930 : memref<1x16x128xf32, #tpu.memory_space<vmem>> -> memref<16x128xf32, #tpu.memory_space<vmem>>
      %dma_wait3A_1932 = arith.constant 0 : i32
      %dma_wait3A_1933 = tpu.memref_slice %arg5[%dma_wait3A_1932, %multiple_of3A_1044] : memref<32x1000000xf32, #tpu.memory_space<hbm>> -> memref<16x128xf32, #tpu.memory_space<hbm>>
      tpu.wait_dma2 semaphore(%arg17 : memref<!tpu.dma_semaphore, #tpu.memory_space<semaphore_mem>>) src(%dma_wait3A_1933 : memref<16x128xf32, #tpu.memory_space<hbm>>) dst(%dma_wait3A_1931 : memref<16x128xf32, #tpu.memory_space<vmem>>)
      %dma_wait3A_1934 = arith.constant 2 : i32
      %dma_wait3A_1935 = arith.constant 0 : i32
      %dma_wait3A_1936 = arith.constant 0 : i32
      %dma_wait3A_1937 = tpu.memref_slice %arg13[%dma_wait3A_1934, %dma_wait3A_1935, %dma_wait3A_1936] : memref<8x16x128xf32, #tpu.memory_space<vmem>> -> memref<1x16x128xf32, #tpu.memory_space<vmem>>
      %dma_wait3A_1938 = tpu.memref_squeeze %dma_wait3A_1937 : memref<1x16x128xf32, #tpu.memory_space<vmem>> -> memref<16x128xf32, #tpu.memory_space<vmem>>
      %dma_wait3A_1939 = arith.constant 16 : i32
      %dma_wait3A_1940 = tpu.memref_slice %arg5[%dma_wait3A_1939, %multiple_of3A_1044] : memref<32x1000000xf32, #tpu.memory_space<hbm>> -> memref<16x128xf32, #tpu.memory_space<hbm>>
      %dma_wait3A_1941 = arith.constant 0 : i32
      %dma_wait3A_1942 = arith.constant 0 : i32
      %dma_wait3A_1943 = tpu.memref_slice %arg13[%dma_wait3A_1934, %dma_wait3A_1941, %dma_wait3A_1942] : memref<8x16x128xf32, #tpu.memory_space<vmem>> -> memref<1x16x128xf32, #tpu.memory_space<vmem>>
      %dma_wait3A_1944 = tpu.memref_squeeze %dma_wait3A_1943 : memref<1x16x128xf32, #tpu.memory_space<vmem>> -> memref<16x128xf32, #tpu.memory_space<vmem>>
      %dma_wait3A_1945 = arith.constant 16 : i32
      %dma_wait3A_1946 = tpu.memref_slice %arg5[%dma_wait3A_1945, %multiple_of3A_1044] : memref<32x1000000xf32, #tpu.memory_space<hbm>> -> memref<16x128xf32, #tpu.memory_space<hbm>>
      tpu.wait_dma2 semaphore(%arg17 : memref<!tpu.dma_semaphore, #tpu.memory_space<semaphore_mem>>) src(%dma_wait3A_1946 : memref<16x128xf32, #tpu.memory_space<hbm>>) dst(%dma_wait3A_1944 : memref<16x128xf32, #tpu.memory_space<vmem>>)
      %dma_wait3A_1947 = arith.constant 3 : i32
      %dma_wait3A_1948 = arith.constant 0 : i32
      %dma_wait3A_1949 = arith.constant 0 : i32
      %dma_wait3A_1950 = tpu.memref_slice %arg10[%dma_wait3A_1947, %dma_wait3A_1948, %dma_wait3A_1949] : memref<8x16x128xf32, #tpu.memory_space<vmem>> -> memref<1x16x128xf32, #tpu.memory_space<vmem>>
      %dma_wait3A_1951 = tpu.memref_squeeze %dma_wait3A_1950 : memref<1x16x128xf32, #tpu.memory_space<vmem>> -> memref<16x128xf32, #tpu.memory_space<vmem>>
      %dma_wait3A_1952 = arith.constant 0 : i32
      %dma_wait3A_1953 = tpu.memref_slice %arg4[%dma_wait3A_1952, %multiple_of3A_1103] : memref<32x1000000xf32, #tpu.memory_space<hbm>> -> memref<16x128xf32, #tpu.memory_space<hbm>>
      %dma_wait3A_1954 = arith.constant 0 : i32
      %dma_wait3A_1955 = arith.constant 0 : i32
      %dma_wait3A_1956 = tpu.memref_slice %arg10[%dma_wait3A_1947, %dma_wait3A_1954, %dma_wait3A_1955] : memref<8x16x128xf32, #tpu.memory_space<vmem>> -> memref<1x16x128xf32, #tpu.memory_space<vmem>>
      %dma_wait3A_1957 = tpu.memref_squeeze %dma_wait3A_1956 : memref<1x16x128xf32, #tpu.memory_space<vmem>> -> memref<16x128xf32, #tpu.memory_space<vmem>>
      %dma_wait3A_1958 = arith.constant 0 : i32
      %dma_wait3A_1959 = tpu.memref_slice %arg4[%dma_wait3A_1958, %multiple_of3A_1103] : memref<32x1000000xf32, #tpu.memory_space<hbm>> -> memref<16x128xf32, #tpu.memory_space<hbm>>
      tpu.wait_dma2 semaphore(%arg16 : memref<!tpu.dma_semaphore, #tpu.memory_space<semaphore_mem>>) src(%dma_wait3A_1959 : memref<16x128xf32, #tpu.memory_space<hbm>>) dst(%dma_wait3A_1957 : memref<16x128xf32, #tpu.memory_space<vmem>>)
      %dma_wait3A_1960 = arith.constant 3 : i32
      %dma_wait3A_1961 = arith.constant 0 : i32
      %dma_wait3A_1962 = arith.constant 0 : i32
      %dma_wait3A_1963 = tpu.memref_slice %arg11[%dma_wait3A_1960, %dma_wait3A_1961, %dma_wait3A_1962] : memref<8x16x128xf32, #tpu.memory_space<vmem>> -> memref<1x16x128xf32, #tpu.memory_space<vmem>>
      %dma_wait3A_1964 = tpu.memref_squeeze %dma_wait3A_1963 : memref<1x16x128xf32, #tpu.memory_space<vmem>> -> memref<16x128xf32, #tpu.memory_space<vmem>>
      %dma_wait3A_1965 = arith.constant 16 : i32
      %dma_wait3A_1966 = tpu.memref_slice %arg4[%dma_wait3A_1965, %multiple_of3A_1103] : memref<32x1000000xf32, #tpu.memory_space<hbm>> -> memref<16x128xf32, #tpu.memory_space<hbm>>
      %dma_wait3A_1967 = arith.constant 0 : i32
      %dma_wait3A_1968 = arith.constant 0 : i32
      %dma_wait3A_1969 = tpu.memref_slice %arg11[%dma_wait3A_1960, %dma_wait3A_1967, %dma_wait3A_1968] : memref<8x16x128xf32, #tpu.memory_space<vmem>> -> memref<1x16x128xf32, #tpu.memory_space<vmem>>
      %dma_wait3A_1970 = tpu.memref_squeeze %dma_wait3A_1969 : memref<1x16x128xf32, #tpu.memory_space<vmem>> -> memref<16x128xf32, #tpu.memory_space<vmem>>
      %dma_wait3A_1971 = arith.constant 16 : i32
      %dma_wait3A_1972 = tpu.memref_slice %arg4[%dma_wait3A_1971, %multiple_of3A_1103] : memref<32x1000000xf32, #tpu.memory_space<hbm>> -> memref<16x128xf32, #tpu.memory_space<hbm>>
      tpu.wait_dma2 semaphore(%arg16 : memref<!tpu.dma_semaphore, #tpu.memory_space<semaphore_mem>>) src(%dma_wait3A_1972 : memref<16x128xf32, #tpu.memory_space<hbm>>) dst(%dma_wait3A_1970 : memref<16x128xf32, #tpu.memory_space<vmem>>)
      %dma_wait3A_1973 = arith.constant 3 : i32
      %dma_wait3A_1974 = arith.constant 0 : i32
      %dma_wait3A_1975 = arith.constant 0 : i32
      %dma_wait3A_1976 = tpu.memref_slice %arg12[%dma_wait3A_1973, %dma_wait3A_1974, %dma_wait3A_1975] : memref<8x16x128xf32, #tpu.memory_space<vmem>> -> memref<1x16x128xf32, #tpu.memory_space<vmem>>
      %dma_wait3A_1977 = tpu.memref_squeeze %dma_wait3A_1976 : memref<1x16x128xf32, #tpu.memory_space<vmem>> -> memref<16x128xf32, #tpu.memory_space<vmem>>
      %dma_wait3A_1978 = arith.constant 0 : i32
      %dma_wait3A_1979 = tpu.memref_slice %arg5[%dma_wait3A_1978, %multiple_of3A_1110] : memref<32x1000000xf32, #tpu.memory_space<hbm>> -> memref<16x128xf32, #tpu.memory_space<hbm>>
      %dma_wait3A_1980 = arith.constant 0 : i32
      %dma_wait3A_1981 = arith.constant 0 : i32
      %dma_wait3A_1982 = tpu.memref_slice %arg12[%dma_wait3A_1973, %dma_wait3A_1980, %dma_wait3A_1981] : memref<8x16x128xf32, #tpu.memory_space<vmem>> -> memref<1x16x128xf32, #tpu.memory_space<vmem>>
      %dma_wait3A_1983 = tpu.memref_squeeze %dma_wait3A_1982 : memref<1x16x128xf32, #tpu.memory_space<vmem>> -> memref<16x128xf32, #tpu.memory_space<vmem>>
      %dma_wait3A_1984 = arith.constant 0 : i32
      %dma_wait3A_1985 = tpu.memref_slice %arg5[%dma_wait3A_1984, %multiple_of3A_1110] : memref<32x1000000xf32, #tpu.memory_space<hbm>> -> memref<16x128xf32, #tpu.memory_space<hbm>>
      tpu.wait_dma2 semaphore(%arg17 : memref<!tpu.dma_semaphore, #tpu.memory_space<semaphore_mem>>) src(%dma_wait3A_1985 : memref<16x128xf32, #tpu.memory_space<hbm>>) dst(%dma_wait3A_1983 : memref<16x128xf32, #tpu.memory_space<vmem>>)
      %dma_wait3A_1986 = arith.constant 3 : i32
      %dma_wait3A_1987 = arith.constant 0 : i32
      %dma_wait3A_1988 = arith.constant 0 : i32
      %dma_wait3A_1989 = tpu.memref_slice %arg13[%dma_wait3A_1986, %dma_wait3A_1987, %dma_wait3A_1988] : memref<8x16x128xf32, #tpu.memory_space<vmem>> -> memref<1x16x128xf32, #tpu.memory_space<vmem>>
      %dma_wait3A_1990 = tpu.memref_squeeze %dma_wait3A_1989 : memref<1x16x128xf32, #tpu.memory_space<vmem>> -> memref<16x128xf32, #tpu.memory_space<vmem>>
      %dma_wait3A_1991 = arith.constant 16 : i32
      %dma_wait3A_1992 = tpu.memref_slice %arg5[%dma_wait3A_1991, %multiple_of3A_1110] : memref<32x1000000xf32, #tpu.memory_space<hbm>> -> memref<16x128xf32, #tpu.memory_space<hbm>>
      %dma_wait3A_1993 = arith.constant 0 : i32
      %dma_wait3A_1994 = arith.constant 0 : i32
      %dma_wait3A_1995 = tpu.memref_slice %arg13[%dma_wait3A_1986, %dma_wait3A_1993, %dma_wait3A_1994] : memref<8x16x128xf32, #tpu.memory_space<vmem>> -> memref<1x16x128xf32, #tpu.memory_space<vmem>>
      %dma_wait3A_1996 = tpu.memref_squeeze %dma_wait3A_1995 : memref<1x16x128xf32, #tpu.memory_space<vmem>> -> memref<16x128xf32, #tpu.memory_space<vmem>>
      %dma_wait3A_1997 = arith.constant 16 : i32
      %dma_wait3A_1998 = tpu.memref_slice %arg5[%dma_wait3A_1997, %multiple_of3A_1110] : memref<32x1000000xf32, #tpu.memory_space<hbm>> -> memref<16x128xf32, #tpu.memory_space<hbm>>
      tpu.wait_dma2 semaphore(%arg17 : memref<!tpu.dma_semaphore, #tpu.memory_space<semaphore_mem>>) src(%dma_wait3A_1998 : memref<16x128xf32, #tpu.memory_space<hbm>>) dst(%dma_wait3A_1996 : memref<16x128xf32, #tpu.memory_space<vmem>>)
      %mul3A_1999 = arith.constant 16 : i32
      %mul3A_2000 = arith.muli %scan3A_9, %mul3A_1999 : i32
      %add3A_2001 = arith.constant 8 : i32
      %add3A_2002 = arith.addi %mul3A_2000, %add3A_2001 : i32
      %slice3A_2003 = vector.extract_strided_slice %get3A_12 {offsets = [8], sizes = [1], strides = [1]} : vector<16xi32> to vector<1xi32>
      %squeeze3A_2004 = vector.extract %slice3A_2003[0] : i32 from vector<1xi32>
      %and3A_2005 = arith.constant 127 : i32
      %and3A_2006 = arith.andi %squeeze3A_2004, %and3A_2005 : i32
      %broadcast_in_dim3A_2007 = vector.broadcast %and3A_2006 : i32 to vector<16xi32>
      %slice3A_2008 = vector.extract_strided_slice %get3A_16 {offsets = [8], sizes = [1], strides = [1]} : vector<16xi32> to vector<1xi32>
      %squeeze3A_2009 = vector.extract %slice3A_2008[0] : i32 from vector<1xi32>
      %and3A_2010 = arith.constant 127 : i32
      %and3A_2011 = arith.andi %squeeze3A_2009, %and3A_2010 : i32
      %broadcast_in_dim3A_2012 = vector.broadcast %and3A_2011 : i32 to vector<16xi32>
      %broadcast_in_dim3A_2013 = vector.broadcast %add3A_2002 : i32 to vector<16xi32>
      %gather3A_2014 = arith.constant 0 : i32
      %gather3A_2015 = arith.constant 0 : i32
      %gather3A_2016 = arith.constant 0 : i32
      %gather3A_2017 = tpu.memref_slice %arg10[%gather3A_2014, %gather3A_2015, %gather3A_2016] : memref<8x16x128xf32, #tpu.memory_space<vmem>> -> memref<1x16x128xf32, #tpu.memory_space<vmem>>
      %gather3A_2018 = tpu.memref_squeeze %gather3A_2017 : memref<1x16x128xf32, #tpu.memory_space<vmem>> -> memref<16x128xf32, #tpu.memory_space<vmem>>
      %gather3A_2019 = tpu.vector_load_idx %gather3A_2018[%iota3A, %broadcast_in_dim3A_2007] : memref<16x128xf32, #tpu.memory_space<vmem>>[vector<16xi32>, vector<16xi32>], vector<16xf32>,
      %gather3A_2020 = arith.constant 0 : i32
      %gather3A_2021 = arith.constant 0 : i32
      %gather3A_2022 = arith.constant 0 : i32
      %gather3A_2023 = tpu.memref_slice %arg11[%gather3A_2020, %gather3A_2021, %gather3A_2022] : memref<8x16x128xf32, #tpu.memory_space<vmem>> -> memref<1x16x128xf32, #tpu.memory_space<vmem>>
      %gather3A_2024 = tpu.memref_squeeze %gather3A_2023 : memref<1x16x128xf32, #tpu.memory_space<vmem>> -> memref<16x128xf32, #tpu.memory_space<vmem>>
      %gather3A_2025 = tpu.vector_load_idx %gather3A_2024[%iota3A, %broadcast_in_dim3A_2007] : memref<16x128xf32, #tpu.memory_space<vmem>>[vector<16xi32>, vector<16xi32>], vector<16xf32>,
      %gather3A_2026 = arith.constant 0 : i32
      %gather3A_2027 = arith.constant 0 : i32
      %gather3A_2028 = arith.constant 0 : i32
      %gather3A_2029 = tpu.memref_slice %arg12[%gather3A_2026, %gather3A_2027, %gather3A_2028] : memref<8x16x128xf32, #tpu.memory_space<vmem>> -> memref<1x16x128xf32, #tpu.memory_space<vmem>>
      %gather3A_2030 = tpu.memref_squeeze %gather3A_2029 : memref<1x16x128xf32, #tpu.memory_space<vmem>> -> memref<16x128xf32, #tpu.memory_space<vmem>>
      %gather3A_2031 = tpu.vector_load_idx %gather3A_2030[%iota3A, %broadcast_in_dim3A_2012] : memref<16x128xf32, #tpu.memory_space<vmem>>[vector<16xi32>, vector<16xi32>], vector<16xf32>,
      %gather3A_2032 = arith.constant 0 : i32
      %gather3A_2033 = arith.constant 0 : i32
      %gather3A_2034 = arith.constant 0 : i32
      %gather3A_2035 = tpu.memref_slice %arg13[%gather3A_2032, %gather3A_2033, %gather3A_2034] : memref<8x16x128xf32, #tpu.memory_space<vmem>> -> memref<1x16x128xf32, #tpu.memory_space<vmem>>
      %gather3A_2036 = tpu.memref_squeeze %gather3A_2035 : memref<1x16x128xf32, #tpu.memory_space<vmem>> -> memref<16x128xf32, #tpu.memory_space<vmem>>
      %gather3A_2037 = tpu.vector_load_idx %gather3A_2036[%iota3A, %broadcast_in_dim3A_2012] : memref<16x128xf32, #tpu.memory_space<vmem>>[vector<16xi32>, vector<16xi32>], vector<16xf32>,
      tpu.vector_store_idx %arg14[%iota3A, %broadcast_in_dim3A_2013], %gather3A_2019 : memref<32x512xf32, #tpu.memory_space<vmem>>[vector<16xi32>, vector<16xi32>], vector<16xf32>,
      tpu.vector_store_idx %arg14[%add3A_3, %broadcast_in_dim3A_2013], %gather3A_2025 : memref<32x512xf32, #tpu.memory_space<vmem>>[vector<16xi32>, vector<16xi32>], vector<16xf32>,
      tpu.vector_store_idx %arg15[%iota3A, %broadcast_in_dim3A_2013], %gather3A_2031 : memref<32x512xf32, #tpu.memory_space<vmem>>[vector<16xi32>, vector<16xi32>], vector<16xf32>,
      tpu.vector_store_idx %arg15[%add3A_3, %broadcast_in_dim3A_2013], %gather3A_2037 : memref<32x512xf32, #tpu.memory_space<vmem>>[vector<16xi32>, vector<16xi32>], vector<16xf32>,
      %mul3A_2038 = arith.constant 16 : i32
      %mul3A_2039 = arith.muli %scan3A_9, %mul3A_2038 : i32
      %add3A_2040 = arith.constant 9 : i32
      %add3A_2041 = arith.addi %mul3A_2039, %add3A_2040 : i32
      %slice3A_2042 = vector.extract_strided_slice %get3A_12 {offsets = [9], sizes = [1], strides = [1]} : vector<16xi32> to vector<1xi32>
      %squeeze3A_2043 = vector.extract %slice3A_2042[0] : i32 from vector<1xi32>
      %and3A_2044 = arith.constant 127 : i32
      %and3A_2045 = arith.andi %squeeze3A_2043, %and3A_2044 : i32
      %broadcast_in_dim3A_2046 = vector.broadcast %and3A_2045 : i32 to vector<16xi32>
      %slice3A_2047 = vector.extract_strided_slice %get3A_16 {offsets = [9], sizes = [1], strides = [1]} : vector<16xi32> to vector<1xi32>
      %squeeze3A_2048 = vector.extract %slice3A_2047[0] : i32 from vector<1xi32>
      %and3A_2049 = arith.constant 127 : i32
      %and3A_2050 = arith.andi %squeeze3A_2048, %and3A_2049 : i32
      %broadcast_in_dim3A_2051 = vector.broadcast %and3A_2050 : i32 to vector<16xi32>
      %broadcast_in_dim3A_2052 = vector.broadcast %add3A_2041 : i32 to vector<16xi32>
      %gather3A_2053 = arith.constant 1 : i32
      %gather3A_2054 = arith.constant 0 : i32
      %gather3A_2055 = arith.constant 0 : i32
      %gather3A_2056 = tpu.memref_slice %arg10[%gather3A_2053, %gather3A_2054, %gather3A_2055] : memref<8x16x128xf32, #tpu.memory_space<vmem>> -> memref<1x16x128xf32, #tpu.memory_space<vmem>>
      %gather3A_2057 = tpu.memref_squeeze %gather3A_2056 : memref<1x16x128xf32, #tpu.memory_space<vmem>> -> memref<16x128xf32, #tpu.memory_space<vmem>>
      %gather3A_2058 = tpu.vector_load_idx %gather3A_2057[%iota3A, %broadcast_in_dim3A_2046] : memref<16x128xf32, #tpu.memory_space<vmem>>[vector<16xi32>, vector<16xi32>], vector<16xf32>,
      %gather3A_2059 = arith.constant 1 : i32
      %gather3A_2060 = arith.constant 0 : i32
      %gather3A_2061 = arith.constant 0 : i32
      %gather3A_2062 = tpu.memref_slice %arg11[%gather3A_2059, %gather3A_2060, %gather3A_2061] : memref<8x16x128xf32, #tpu.memory_space<vmem>> -> memref<1x16x128xf32, #tpu.memory_space<vmem>>
      %gather3A_2063 = tpu.memref_squeeze %gather3A_2062 : memref<1x16x128xf32, #tpu.memory_space<vmem>> -> memref<16x128xf32, #tpu.memory_space<vmem>>
      %gather3A_2064 = tpu.vector_load_idx %gather3A_2063[%iota3A, %broadcast_in_dim3A_2046] : memref<16x128xf32, #tpu.memory_space<vmem>>[vector<16xi32>, vector<16xi32>], vector<16xf32>,
      %gather3A_2065 = arith.constant 1 : i32
      %gather3A_2066 = arith.constant 0 : i32
      %gather3A_2067 = arith.constant 0 : i32
      %gather3A_2068 = tpu.memref_slice %arg12[%gather3A_2065, %gather3A_2066, %gather3A_2067] : memref<8x16x128xf32, #tpu.memory_space<vmem>> -> memref<1x16x128xf32, #tpu.memory_space<vmem>>
      %gather3A_2069 = tpu.memref_squeeze %gather3A_2068 : memref<1x16x128xf32, #tpu.memory_space<vmem>> -> memref<16x128xf32, #tpu.memory_space<vmem>>
      %gather3A_2070 = tpu.vector_load_idx %gather3A_2069[%iota3A, %broadcast_in_dim3A_2051] : memref<16x128xf32, #tpu.memory_space<vmem>>[vector<16xi32>, vector<16xi32>], vector<16xf32>,
      %gather3A_2071 = arith.constant 1 : i32
      %gather3A_2072 = arith.constant 0 : i32
      %gather3A_2073 = arith.constant 0 : i32
      %gather3A_2074 = tpu.memref_slice %arg13[%gather3A_2071, %gather3A_2072, %gather3A_2073] : memref<8x16x128xf32, #tpu.memory_space<vmem>> -> memref<1x16x128xf32, #tpu.memory_space<vmem>>
      %gather3A_2075 = tpu.memref_squeeze %gather3A_2074 : memref<1x16x128xf32, #tpu.memory_space<vmem>> -> memref<16x128xf32, #tpu.memory_space<vmem>>
      %gather3A_2076 = tpu.vector_load_idx %gather3A_2075[%iota3A, %broadcast_in_dim3A_2051] : memref<16x128xf32, #tpu.memory_space<vmem>>[vector<16xi32>, vector<16xi32>], vector<16xf32>,
      tpu.vector_store_idx %arg14[%iota3A, %broadcast_in_dim3A_2052], %gather3A_2058 : memref<32x512xf32, #tpu.memory_space<vmem>>[vector<16xi32>, vector<16xi32>], vector<16xf32>,
      tpu.vector_store_idx %arg14[%add3A_3, %broadcast_in_dim3A_2052], %gather3A_2064 : memref<32x512xf32, #tpu.memory_space<vmem>>[vector<16xi32>, vector<16xi32>], vector<16xf32>,
      tpu.vector_store_idx %arg15[%iota3A, %broadcast_in_dim3A_2052], %gather3A_2070 : memref<32x512xf32, #tpu.memory_space<vmem>>[vector<16xi32>, vector<16xi32>], vector<16xf32>,
      tpu.vector_store_idx %arg15[%add3A_3, %broadcast_in_dim3A_2052], %gather3A_2076 : memref<32x512xf32, #tpu.memory_space<vmem>>[vector<16xi32>, vector<16xi32>], vector<16xf32>,
      %mul3A_2077 = arith.constant 16 : i32
      %mul3A_2078 = arith.muli %scan3A_9, %mul3A_2077 : i32
      %add3A_2079 = arith.constant 10 : i32
      %add3A_2080 = arith.addi %mul3A_2078, %add3A_2079 : i32
      %slice3A_2081 = vector.extract_strided_slice %get3A_12 {offsets = [10], sizes = [1], strides = [1]} : vector<16xi32> to vector<1xi32>
      %squeeze3A_2082 = vector.extract %slice3A_2081[0] : i32 from vector<1xi32>
      %and3A_2083 = arith.constant 127 : i32
      %and3A_2084 = arith.andi %squeeze3A_2082, %and3A_2083 : i32
      %broadcast_in_dim3A_2085 = vector.broadcast %and3A_2084 : i32 to vector<16xi32>
      %slice3A_2086 = vector.extract_strided_slice %get3A_16 {offsets = [10], sizes = [1], strides = [1]} : vector<16xi32> to vector<1xi32>
      %squeeze3A_2087 = vector.extract %slice3A_2086[0] : i32 from vector<1xi32>
      %and3A_2088 = arith.constant 127 : i32
      %and3A_2089 = arith.andi %squeeze3A_2087, %and3A_2088 : i32
      %broadcast_in_dim3A_2090 = vector.broadcast %and3A_2089 : i32 to vector<16xi32>
      %broadcast_in_dim3A_2091 = vector.broadcast %add3A_2080 : i32 to vector<16xi32>
      %gather3A_2092 = arith.constant 2 : i32
      %gather3A_2093 = arith.constant 0 : i32
      %gather3A_2094 = arith.constant 0 : i32
      %gather3A_2095 = tpu.memref_slice %arg10[%gather3A_2092, %gather3A_2093, %gather3A_2094] : memref<8x16x128xf32, #tpu.memory_space<vmem>> -> memref<1x16x128xf32, #tpu.memory_space<vmem>>
      %gather3A_2096 = tpu.memref_squeeze %gather3A_2095 : memref<1x16x128xf32, #tpu.memory_space<vmem>> -> memref<16x128xf32, #tpu.memory_space<vmem>>
      %gather3A_2097 = tpu.vector_load_idx %gather3A_2096[%iota3A, %broadcast_in_dim3A_2085] : memref<16x128xf32, #tpu.memory_space<vmem>>[vector<16xi32>, vector<16xi32>], vector<16xf32>,
      %gather3A_2098 = arith.constant 2 : i32
      %gather3A_2099 = arith.constant 0 : i32
      %gather3A_2100 = arith.constant 0 : i32
      %gather3A_2101 = tpu.memref_slice %arg11[%gather3A_2098, %gather3A_2099, %gather3A_2100] : memref<8x16x128xf32, #tpu.memory_space<vmem>> -> memref<1x16x128xf32, #tpu.memory_space<vmem>>
      %gather3A_2102 = tpu.memref_squeeze %gather3A_2101 : memref<1x16x128xf32, #tpu.memory_space<vmem>> -> memref<16x128xf32, #tpu.memory_space<vmem>>
      %gather3A_2103 = tpu.vector_load_idx %gather3A_2102[%iota3A, %broadcast_in_dim3A_2085] : memref<16x128xf32, #tpu.memory_space<vmem>>[vector<16xi32>, vector<16xi32>], vector<16xf32>,
      %gather3A_2104 = arith.constant 2 : i32
      %gather3A_2105 = arith.constant 0 : i32
      %gather3A_2106 = arith.constant 0 : i32
      %gather3A_2107 = tpu.memref_slice %arg12[%gather3A_2104, %gather3A_2105, %gather3A_2106] : memref<8x16x128xf32, #tpu.memory_space<vmem>> -> memref<1x16x128xf32, #tpu.memory_space<vmem>>
      %gather3A_2108 = tpu.memref_squeeze %gather3A_2107 : memref<1x16x128xf32, #tpu.memory_space<vmem>> -> memref<16x128xf32, #tpu.memory_space<vmem>>
      %gather3A_2109 = tpu.vector_load_idx %gather3A_2108[%iota3A, %broadcast_in_dim3A_2090] : memref<16x128xf32, #tpu.memory_space<vmem>>[vector<16xi32>, vector<16xi32>], vector<16xf32>,
      %gather3A_2110 = arith.constant 2 : i32
      %gather3A_2111 = arith.constant 0 : i32
      %gather3A_2112 = arith.constant 0 : i32
      %gather3A_2113 = tpu.memref_slice %arg13[%gather3A_2110, %gather3A_2111, %gather3A_2112] : memref<8x16x128xf32, #tpu.memory_space<vmem>> -> memref<1x16x128xf32, #tpu.memory_space<vmem>>
      %gather3A_2114 = tpu.memref_squeeze %gather3A_2113 : memref<1x16x128xf32, #tpu.memory_space<vmem>> -> memref<16x128xf32, #tpu.memory_space<vmem>>
      %gather3A_2115 = tpu.vector_load_idx %gather3A_2114[%iota3A, %broadcast_in_dim3A_2090] : memref<16x128xf32, #tpu.memory_space<vmem>>[vector<16xi32>, vector<16xi32>], vector<16xf32>,
      tpu.vector_store_idx %arg14[%iota3A, %broadcast_in_dim3A_2091], %gather3A_2097 : memref<32x512xf32, #tpu.memory_space<vmem>>[vector<16xi32>, vector<16xi32>], vector<16xf32>,
      tpu.vector_store_idx %arg14[%add3A_3, %broadcast_in_dim3A_2091], %gather3A_2103 : memref<32x512xf32, #tpu.memory_space<vmem>>[vector<16xi32>, vector<16xi32>], vector<16xf32>,
      tpu.vector_store_idx %arg15[%iota3A, %broadcast_in_dim3A_2091], %gather3A_2109 : memref<32x512xf32, #tpu.memory_space<vmem>>[vector<16xi32>, vector<16xi32>], vector<16xf32>,
      tpu.vector_store_idx %arg15[%add3A_3, %broadcast_in_dim3A_2091], %gather3A_2115 : memref<32x512xf32, #tpu.memory_space<vmem>>[vector<16xi32>, vector<16xi32>], vector<16xf32>,
      %mul3A_2116 = arith.constant 16 : i32
      %mul3A_2117 = arith.muli %scan3A_9, %mul3A_2116 : i32
      %add3A_2118 = arith.constant 11 : i32
      %add3A_2119 = arith.addi %mul3A_2117, %add3A_2118 : i32
      %slice3A_2120 = vector.extract_strided_slice %get3A_12 {offsets = [11], sizes = [1], strides = [1]} : vector<16xi32> to vector<1xi32>
      %squeeze3A_2121 = vector.extract %slice3A_2120[0] : i32 from vector<1xi32>
      %and3A_2122 = arith.constant 127 : i32
      %and3A_2123 = arith.andi %squeeze3A_2121, %and3A_2122 : i32
      %broadcast_in_dim3A_2124 = vector.broadcast %and3A_2123 : i32 to vector<16xi32>
      %slice3A_2125 = vector.extract_strided_slice %get3A_16 {offsets = [11], sizes = [1], strides = [1]} : vector<16xi32> to vector<1xi32>
      %squeeze3A_2126 = vector.extract %slice3A_2125[0] : i32 from vector<1xi32>
      %and3A_2127 = arith.constant 127 : i32
      %and3A_2128 = arith.andi %squeeze3A_2126, %and3A_2127 : i32
      %broadcast_in_dim3A_2129 = vector.broadcast %and3A_2128 : i32 to vector<16xi32>
      %broadcast_in_dim3A_2130 = vector.broadcast %add3A_2119 : i32 to vector<16xi32>
      %gather3A_2131 = arith.constant 3 : i32
      %gather3A_2132 = arith.constant 0 : i32
      %gather3A_2133 = arith.constant 0 : i32
      %gather3A_2134 = tpu.memref_slice %arg10[%gather3A_2131, %gather3A_2132, %gather3A_2133] : memref<8x16x128xf32, #tpu.memory_space<vmem>> -> memref<1x16x128xf32, #tpu.memory_space<vmem>>
      %gather3A_2135 = tpu.memref_squeeze %gather3A_2134 : memref<1x16x128xf32, #tpu.memory_space<vmem>> -> memref<16x128xf32, #tpu.memory_space<vmem>>
      %gather3A_2136 = tpu.vector_load_idx %gather3A_2135[%iota3A, %broadcast_in_dim3A_2124] : memref<16x128xf32, #tpu.memory_space<vmem>>[vector<16xi32>, vector<16xi32>], vector<16xf32>,
      %gather3A_2137 = arith.constant 3 : i32
      %gather3A_2138 = arith.constant 0 : i32
      %gather3A_2139 = arith.constant 0 : i32
      %gather3A_2140 = tpu.memref_slice %arg11[%gather3A_2137, %gather3A_2138, %gather3A_2139] : memref<8x16x128xf32, #tpu.memory_space<vmem>> -> memref<1x16x128xf32, #tpu.memory_space<vmem>>
      %gather3A_2141 = tpu.memref_squeeze %gather3A_2140 : memref<1x16x128xf32, #tpu.memory_space<vmem>> -> memref<16x128xf32, #tpu.memory_space<vmem>>
      %gather3A_2142 = tpu.vector_load_idx %gather3A_2141[%iota3A, %broadcast_in_dim3A_2124] : memref<16x128xf32, #tpu.memory_space<vmem>>[vector<16xi32>, vector<16xi32>], vector<16xf32>,
      %gather3A_2143 = arith.constant 3 : i32
      %gather3A_2144 = arith.constant 0 : i32
      %gather3A_2145 = arith.constant 0 : i32
      %gather3A_2146 = tpu.memref_slice %arg12[%gather3A_2143, %gather3A_2144, %gather3A_2145] : memref<8x16x128xf32, #tpu.memory_space<vmem>> -> memref<1x16x128xf32, #tpu.memory_space<vmem>>
      %gather3A_2147 = tpu.memref_squeeze %gather3A_2146 : memref<1x16x128xf32, #tpu.memory_space<vmem>> -> memref<16x128xf32, #tpu.memory_space<vmem>>
      %gather3A_2148 = tpu.vector_load_idx %gather3A_2147[%iota3A, %broadcast_in_dim3A_2129] : memref<16x128xf32, #tpu.memory_space<vmem>>[vector<16xi32>, vector<16xi32>], vector<16xf32>,
      %gather3A_2149 = arith.constant 3 : i32
      %gather3A_2150 = arith.constant 0 : i32
      %gather3A_2151 = arith.constant 0 : i32
      %gather3A_2152 = tpu.memref_slice %arg13[%gather3A_2149, %gather3A_2150, %gather3A_2151] : memref<8x16x128xf32, #tpu.memory_space<vmem>> -> memref<1x16x128xf32, #tpu.memory_space<vmem>>
      %gather3A_2153 = tpu.memref_squeeze %gather3A_2152 : memref<1x16x128xf32, #tpu.memory_space<vmem>> -> memref<16x128xf32, #tpu.memory_space<vmem>>
      %gather3A_2154 = tpu.vector_load_idx %gather3A_2153[%iota3A, %broadcast_in_dim3A_2129] : memref<16x128xf32, #tpu.memory_space<vmem>>[vector<16xi32>, vector<16xi32>], vector<16xf32>,
      tpu.vector_store_idx %arg14[%iota3A, %broadcast_in_dim3A_2130], %gather3A_2136 : memref<32x512xf32, #tpu.memory_space<vmem>>[vector<16xi32>, vector<16xi32>], vector<16xf32>,
      tpu.vector_store_idx %arg14[%add3A_3, %broadcast_in_dim3A_2130], %gather3A_2142 : memref<32x512xf32, #tpu.memory_space<vmem>>[vector<16xi32>, vector<16xi32>], vector<16xf32>,
      tpu.vector_store_idx %arg15[%iota3A, %broadcast_in_dim3A_2130], %gather3A_2148 : memref<32x512xf32, #tpu.memory_space<vmem>>[vector<16xi32>, vector<16xi32>], vector<16xf32>,
      tpu.vector_store_idx %arg15[%add3A_3, %broadcast_in_dim3A_2130], %gather3A_2154 : memref<32x512xf32, #tpu.memory_space<vmem>>[vector<16xi32>, vector<16xi32>], vector<16xf32>,
      %dma_wait3A_2155 = arith.constant 4 : i32
      %dma_wait3A_2156 = arith.constant 0 : i32
      %dma_wait3A_2157 = arith.constant 0 : i32
      %dma_wait3A_2158 = tpu.memref_slice %arg10[%dma_wait3A_2155, %dma_wait3A_2156, %dma_wait3A_2157] : memref<8x16x128xf32, #tpu.memory_space<vmem>> -> memref<1x16x128xf32, #tpu.memory_space<vmem>>
      %dma_wait3A_2159 = tpu.memref_squeeze %dma_wait3A_2158 : memref<1x16x128xf32, #tpu.memory_space<vmem>> -> memref<16x128xf32, #tpu.memory_space<vmem>>
      %dma_wait3A_2160 = arith.constant 0 : i32
      %dma_wait3A_2161 = tpu.memref_slice %arg4[%dma_wait3A_2160, %multiple_of3A_1533] : memref<32x1000000xf32, #tpu.memory_space<hbm>> -> memref<16x128xf32, #tpu.memory_space<hbm>>
      %dma_wait3A_2162 = arith.constant 0 : i32
      %dma_wait3A_2163 = arith.constant 0 : i32
      %dma_wait3A_2164 = tpu.memref_slice %arg10[%dma_wait3A_2155, %dma_wait3A_2162, %dma_wait3A_2163] : memref<8x16x128xf32, #tpu.memory_space<vmem>> -> memref<1x16x128xf32, #tpu.memory_space<vmem>>
      %dma_wait3A_2165 = tpu.memref_squeeze %dma_wait3A_2164 : memref<1x16x128xf32, #tpu.memory_space<vmem>> -> memref<16x128xf32, #tpu.memory_space<vmem>>
      %dma_wait3A_2166 = arith.constant 0 : i32
      %dma_wait3A_2167 = tpu.memref_slice %arg4[%dma_wait3A_2166, %multiple_of3A_1533] : memref<32x1000000xf32, #tpu.memory_space<hbm>> -> memref<16x128xf32, #tpu.memory_space<hbm>>
      tpu.wait_dma2 semaphore(%arg16 : memref<!tpu.dma_semaphore, #tpu.memory_space<semaphore_mem>>) src(%dma_wait3A_2167 : memref<16x128xf32, #tpu.memory_space<hbm>>) dst(%dma_wait3A_2165 : memref<16x128xf32, #tpu.memory_space<vmem>>)
      %dma_wait3A_2168 = arith.constant 4 : i32
      %dma_wait3A_2169 = arith.constant 0 : i32
      %dma_wait3A_2170 = arith.constant 0 : i32
      %dma_wait3A_2171 = tpu.memref_slice %arg11[%dma_wait3A_2168, %dma_wait3A_2169, %dma_wait3A_2170] : memref<8x16x128xf32, #tpu.memory_space<vmem>> -> memref<1x16x128xf32, #tpu.memory_space<vmem>>
      %dma_wait3A_2172 = tpu.memref_squeeze %dma_wait3A_2171 : memref<1x16x128xf32, #tpu.memory_space<vmem>> -> memref<16x128xf32, #tpu.memory_space<vmem>>
      %dma_wait3A_2173 = arith.constant 16 : i32
      %dma_wait3A_2174 = tpu.memref_slice %arg4[%dma_wait3A_2173, %multiple_of3A_1533] : memref<32x1000000xf32, #tpu.memory_space<hbm>> -> memref<16x128xf32, #tpu.memory_space<hbm>>
      %dma_wait3A_2175 = arith.constant 0 : i32
      %dma_wait3A_2176 = arith.constant 0 : i32
      %dma_wait3A_2177 = tpu.memref_slice %arg11[%dma_wait3A_2168, %dma_wait3A_2175, %dma_wait3A_2176] : memref<8x16x128xf32, #tpu.memory_space<vmem>> -> memref<1x16x128xf32, #tpu.memory_space<vmem>>
      %dma_wait3A_2178 = tpu.memref_squeeze %dma_wait3A_2177 : memref<1x16x128xf32, #tpu.memory_space<vmem>> -> memref<16x128xf32, #tpu.memory_space<vmem>>
      %dma_wait3A_2179 = arith.constant 16 : i32
      %dma_wait3A_2180 = tpu.memref_slice %arg4[%dma_wait3A_2179, %multiple_of3A_1533] : memref<32x1000000xf32, #tpu.memory_space<hbm>> -> memref<16x128xf32, #tpu.memory_space<hbm>>
      tpu.wait_dma2 semaphore(%arg16 : memref<!tpu.dma_semaphore, #tpu.memory_space<semaphore_mem>>) src(%dma_wait3A_2180 : memref<16x128xf32, #tpu.memory_space<hbm>>) dst(%dma_wait3A_2178 : memref<16x128xf32, #tpu.memory_space<vmem>>)
      %dma_wait3A_2181 = arith.constant 4 : i32
      %dma_wait3A_2182 = arith.constant 0 : i32
      %dma_wait3A_2183 = arith.constant 0 : i32
      %dma_wait3A_2184 = tpu.memref_slice %arg12[%dma_wait3A_2181, %dma_wait3A_2182, %dma_wait3A_2183] : memref<8x16x128xf32, #tpu.memory_space<vmem>> -> memref<1x16x128xf32, #tpu.memory_space<vmem>>
      %dma_wait3A_2185 = tpu.memref_squeeze %dma_wait3A_2184 : memref<1x16x128xf32, #tpu.memory_space<vmem>> -> memref<16x128xf32, #tpu.memory_space<vmem>>
      %dma_wait3A_2186 = arith.constant 0 : i32
      %dma_wait3A_2187 = tpu.memref_slice %arg5[%dma_wait3A_2186, %multiple_of3A_1540] : memref<32x1000000xf32, #tpu.memory_space<hbm>> -> memref<16x128xf32, #tpu.memory_space<hbm>>
      %dma_wait3A_2188 = arith.constant 0 : i32
      %dma_wait3A_2189 = arith.constant 0 : i32
      %dma_wait3A_2190 = tpu.memref_slice %arg12[%dma_wait3A_2181, %dma_wait3A_2188, %dma_wait3A_2189] : memref<8x16x128xf32, #tpu.memory_space<vmem>> -> memref<1x16x128xf32, #tpu.memory_space<vmem>>
      %dma_wait3A_2191 = tpu.memref_squeeze %dma_wait3A_2190 : memref<1x16x128xf32, #tpu.memory_space<vmem>> -> memref<16x128xf32, #tpu.memory_space<vmem>>
      %dma_wait3A_2192 = arith.constant 0 : i32
      %dma_wait3A_2193 = tpu.memref_slice %arg5[%dma_wait3A_2192, %multiple_of3A_1540] : memref<32x1000000xf32, #tpu.memory_space<hbm>> -> memref<16x128xf32, #tpu.memory_space<hbm>>
      tpu.wait_dma2 semaphore(%arg17 : memref<!tpu.dma_semaphore, #tpu.memory_space<semaphore_mem>>) src(%dma_wait3A_2193 : memref<16x128xf32, #tpu.memory_space<hbm>>) dst(%dma_wait3A_2191 : memref<16x128xf32, #tpu.memory_space<vmem>>)
      %dma_wait3A_2194 = arith.constant 4 : i32
      %dma_wait3A_2195 = arith.constant 0 : i32
      %dma_wait3A_2196 = arith.constant 0 : i32
      %dma_wait3A_2197 = tpu.memref_slice %arg13[%dma_wait3A_2194, %dma_wait3A_2195, %dma_wait3A_2196] : memref<8x16x128xf32, #tpu.memory_space<vmem>> -> memref<1x16x128xf32, #tpu.memory_space<vmem>>
      %dma_wait3A_2198 = tpu.memref_squeeze %dma_wait3A_2197 : memref<1x16x128xf32, #tpu.memory_space<vmem>> -> memref<16x128xf32, #tpu.memory_space<vmem>>
      %dma_wait3A_2199 = arith.constant 16 : i32
      %dma_wait3A_2200 = tpu.memref_slice %arg5[%dma_wait3A_2199, %multiple_of3A_1540] : memref<32x1000000xf32, #tpu.memory_space<hbm>> -> memref<16x128xf32, #tpu.memory_space<hbm>>
      %dma_wait3A_2201 = arith.constant 0 : i32
      %dma_wait3A_2202 = arith.constant 0 : i32
      %dma_wait3A_2203 = tpu.memref_slice %arg13[%dma_wait3A_2194, %dma_wait3A_2201, %dma_wait3A_2202] : memref<8x16x128xf32, #tpu.memory_space<vmem>> -> memref<1x16x128xf32, #tpu.memory_space<vmem>>
      %dma_wait3A_2204 = tpu.memref_squeeze %dma_wait3A_2203 : memref<1x16x128xf32, #tpu.memory_space<vmem>> -> memref<16x128xf32, #tpu.memory_space<vmem>>
      %dma_wait3A_2205 = arith.constant 16 : i32
      %dma_wait3A_2206 = tpu.memref_slice %arg5[%dma_wait3A_2205, %multiple_of3A_1540] : memref<32x1000000xf32, #tpu.memory_space<hbm>> -> memref<16x128xf32, #tpu.memory_space<hbm>>
      tpu.wait_dma2 semaphore(%arg17 : memref<!tpu.dma_semaphore, #tpu.memory_space<semaphore_mem>>) src(%dma_wait3A_2206 : memref<16x128xf32, #tpu.memory_space<hbm>>) dst(%dma_wait3A_2204 : memref<16x128xf32, #tpu.memory_space<vmem>>)
      %dma_wait3A_2207 = arith.constant 5 : i32
      %dma_wait3A_2208 = arith.constant 0 : i32
      %dma_wait3A_2209 = arith.constant 0 : i32
      %dma_wait3A_2210 = tpu.memref_slice %arg10[%dma_wait3A_2207, %dma_wait3A_2208, %dma_wait3A_2209] : memref<8x16x128xf32, #tpu.memory_space<vmem>> -> memref<1x16x128xf32, #tpu.memory_space<vmem>>
      %dma_wait3A_2211 = tpu.memref_squeeze %dma_wait3A_2210 : memref<1x16x128xf32, #tpu.memory_space<vmem>> -> memref<16x128xf32, #tpu.memory_space<vmem>>
      %dma_wait3A_2212 = arith.constant 0 : i32
      %dma_wait3A_2213 = tpu.memref_slice %arg4[%dma_wait3A_2212, %multiple_of3A_1599] : memref<32x1000000xf32, #tpu.memory_space<hbm>> -> memref<16x128xf32, #tpu.memory_space<hbm>>
      %dma_wait3A_2214 = arith.constant 0 : i32
      %dma_wait3A_2215 = arith.constant 0 : i32
      %dma_wait3A_2216 = tpu.memref_slice %arg10[%dma_wait3A_2207, %dma_wait3A_2214, %dma_wait3A_2215] : memref<8x16x128xf32, #tpu.memory_space<vmem>> -> memref<1x16x128xf32, #tpu.memory_space<vmem>>
      %dma_wait3A_2217 = tpu.memref_squeeze %dma_wait3A_2216 : memref<1x16x128xf32, #tpu.memory_space<vmem>> -> memref<16x128xf32, #tpu.memory_space<vmem>>
      %dma_wait3A_2218 = arith.constant 0 : i32
      %dma_wait3A_2219 = tpu.memref_slice %arg4[%dma_wait3A_2218, %multiple_of3A_1599] : memref<32x1000000xf32, #tpu.memory_space<hbm>> -> memref<16x128xf32, #tpu.memory_space<hbm>>
      tpu.wait_dma2 semaphore(%arg16 : memref<!tpu.dma_semaphore, #tpu.memory_space<semaphore_mem>>) src(%dma_wait3A_2219 : memref<16x128xf32, #tpu.memory_space<hbm>>) dst(%dma_wait3A_2217 : memref<16x128xf32, #tpu.memory_space<vmem>>)
      %dma_wait3A_2220 = arith.constant 5 : i32
      %dma_wait3A_2221 = arith.constant 0 : i32
      %dma_wait3A_2222 = arith.constant 0 : i32
      %dma_wait3A_2223 = tpu.memref_slice %arg11[%dma_wait3A_2220, %dma_wait3A_2221, %dma_wait3A_2222] : memref<8x16x128xf32, #tpu.memory_space<vmem>> -> memref<1x16x128xf32, #tpu.memory_space<vmem>>
      %dma_wait3A_2224 = tpu.memref_squeeze %dma_wait3A_2223 : memref<1x16x128xf32, #tpu.memory_space<vmem>> -> memref<16x128xf32, #tpu.memory_space<vmem>>
      %dma_wait3A_2225 = arith.constant 16 : i32
      %dma_wait3A_2226 = tpu.memref_slice %arg4[%dma_wait3A_2225, %multiple_of3A_1599] : memref<32x1000000xf32, #tpu.memory_space<hbm>> -> memref<16x128xf32, #tpu.memory_space<hbm>>
      %dma_wait3A_2227 = arith.constant 0 : i32
      %dma_wait3A_2228 = arith.constant 0 : i32
      %dma_wait3A_2229 = tpu.memref_slice %arg11[%dma_wait3A_2220, %dma_wait3A_2227, %dma_wait3A_2228] : memref<8x16x128xf32, #tpu.memory_space<vmem>> -> memref<1x16x128xf32, #tpu.memory_space<vmem>>
      %dma_wait3A_2230 = tpu.memref_squeeze %dma_wait3A_2229 : memref<1x16x128xf32, #tpu.memory_space<vmem>> -> memref<16x128xf32, #tpu.memory_space<vmem>>
      %dma_wait3A_2231 = arith.constant 16 : i32
      %dma_wait3A_2232 = tpu.memref_slice %arg4[%dma_wait3A_2231, %multiple_of3A_1599] : memref<32x1000000xf32, #tpu.memory_space<hbm>> -> memref<16x128xf32, #tpu.memory_space<hbm>>
      tpu.wait_dma2 semaphore(%arg16 : memref<!tpu.dma_semaphore, #tpu.memory_space<semaphore_mem>>) src(%dma_wait3A_2232 : memref<16x128xf32, #tpu.memory_space<hbm>>) dst(%dma_wait3A_2230 : memref<16x128xf32, #tpu.memory_space<vmem>>)
      %dma_wait3A_2233 = arith.constant 5 : i32
      %dma_wait3A_2234 = arith.constant 0 : i32
      %dma_wait3A_2235 = arith.constant 0 : i32
      %dma_wait3A_2236 = tpu.memref_slice %arg12[%dma_wait3A_2233, %dma_wait3A_2234, %dma_wait3A_2235] : memref<8x16x128xf32, #tpu.memory_space<vmem>> -> memref<1x16x128xf32, #tpu.memory_space<vmem>>
      %dma_wait3A_2237 = tpu.memref_squeeze %dma_wait3A_2236 : memref<1x16x128xf32, #tpu.memory_space<vmem>> -> memref<16x128xf32, #tpu.memory_space<vmem>>
      %dma_wait3A_2238 = arith.constant 0 : i32
      %dma_wait3A_2239 = tpu.memref_slice %arg5[%dma_wait3A_2238, %multiple_of3A_1606] : memref<32x1000000xf32, #tpu.memory_space<hbm>> -> memref<16x128xf32, #tpu.memory_space<hbm>>
      %dma_wait3A_2240 = arith.constant 0 : i32
      %dma_wait3A_2241 = arith.constant 0 : i32
      %dma_wait3A_2242 = tpu.memref_slice %arg12[%dma_wait3A_2233, %dma_wait3A_2240, %dma_wait3A_2241] : memref<8x16x128xf32, #tpu.memory_space<vmem>> -> memref<1x16x128xf32, #tpu.memory_space<vmem>>
      %dma_wait3A_2243 = tpu.memref_squeeze %dma_wait3A_2242 : memref<1x16x128xf32, #tpu.memory_space<vmem>> -> memref<16x128xf32, #tpu.memory_space<vmem>>
      %dma_wait3A_2244 = arith.constant 0 : i32
      %dma_wait3A_2245 = tpu.memref_slice %arg5[%dma_wait3A_2244, %multiple_of3A_1606] : memref<32x1000000xf32, #tpu.memory_space<hbm>> -> memref<16x128xf32, #tpu.memory_space<hbm>>
      tpu.wait_dma2 semaphore(%arg17 : memref<!tpu.dma_semaphore, #tpu.memory_space<semaphore_mem>>) src(%dma_wait3A_2245 : memref<16x128xf32, #tpu.memory_space<hbm>>) dst(%dma_wait3A_2243 : memref<16x128xf32, #tpu.memory_space<vmem>>)
      %dma_wait3A_2246 = arith.constant 5 : i32
      %dma_wait3A_2247 = arith.constant 0 : i32
      %dma_wait3A_2248 = arith.constant 0 : i32
      %dma_wait3A_2249 = tpu.memref_slice %arg13[%dma_wait3A_2246, %dma_wait3A_2247, %dma_wait3A_2248] : memref<8x16x128xf32, #tpu.memory_space<vmem>> -> memref<1x16x128xf32, #tpu.memory_space<vmem>>
      %dma_wait3A_2250 = tpu.memref_squeeze %dma_wait3A_2249 : memref<1x16x128xf32, #tpu.memory_space<vmem>> -> memref<16x128xf32, #tpu.memory_space<vmem>>
      %dma_wait3A_2251 = arith.constant 16 : i32
      %dma_wait3A_2252 = tpu.memref_slice %arg5[%dma_wait3A_2251, %multiple_of3A_1606] : memref<32x1000000xf32, #tpu.memory_space<hbm>> -> memref<16x128xf32, #tpu.memory_space<hbm>>
      %dma_wait3A_2253 = arith.constant 0 : i32
      %dma_wait3A_2254 = arith.constant 0 : i32
      %dma_wait3A_2255 = tpu.memref_slice %arg13[%dma_wait3A_2246, %dma_wait3A_2253, %dma_wait3A_2254] : memref<8x16x128xf32, #tpu.memory_space<vmem>> -> memref<1x16x128xf32, #tpu.memory_space<vmem>>
      %dma_wait3A_2256 = tpu.memref_squeeze %dma_wait3A_2255 : memref<1x16x128xf32, #tpu.memory_space<vmem>> -> memref<16x128xf32, #tpu.memory_space<vmem>>
      %dma_wait3A_2257 = arith.constant 16 : i32
      %dma_wait3A_2258 = tpu.memref_slice %arg5[%dma_wait3A_2257, %multiple_of3A_1606] : memref<32x1000000xf32, #tpu.memory_space<hbm>> -> memref<16x128xf32, #tpu.memory_space<hbm>>
      tpu.wait_dma2 semaphore(%arg17 : memref<!tpu.dma_semaphore, #tpu.memory_space<semaphore_mem>>) src(%dma_wait3A_2258 : memref<16x128xf32, #tpu.memory_space<hbm>>) dst(%dma_wait3A_2256 : memref<16x128xf32, #tpu.memory_space<vmem>>)
      %dma_wait3A_2259 = arith.constant 6 : i32
      %dma_wait3A_2260 = arith.constant 0 : i32
      %dma_wait3A_2261 = arith.constant 0 : i32
      %dma_wait3A_2262 = tpu.memref_slice %arg10[%dma_wait3A_2259, %dma_wait3A_2260, %dma_wait3A_2261] : memref<8x16x128xf32, #tpu.memory_space<vmem>> -> memref<1x16x128xf32, #tpu.memory_space<vmem>>
      %dma_wait3A_2263 = tpu.memref_squeeze %dma_wait3A_2262 : memref<1x16x128xf32, #tpu.memory_space<vmem>> -> memref<16x128xf32, #tpu.memory_space<vmem>>
      %dma_wait3A_2264 = arith.constant 0 : i32
      %dma_wait3A_2265 = tpu.memref_slice %arg4[%dma_wait3A_2264, %multiple_of3A_1665] : memref<32x1000000xf32, #tpu.memory_space<hbm>> -> memref<16x128xf32, #tpu.memory_space<hbm>>
      %dma_wait3A_2266 = arith.constant 0 : i32
      %dma_wait3A_2267 = arith.constant 0 : i32
      %dma_wait3A_2268 = tpu.memref_slice %arg10[%dma_wait3A_2259, %dma_wait3A_2266, %dma_wait3A_2267] : memref<8x16x128xf32, #tpu.memory_space<vmem>> -> memref<1x16x128xf32, #tpu.memory_space<vmem>>
      %dma_wait3A_2269 = tpu.memref_squeeze %dma_wait3A_2268 : memref<1x16x128xf32, #tpu.memory_space<vmem>> -> memref<16x128xf32, #tpu.memory_space<vmem>>
      %dma_wait3A_2270 = arith.constant 0 : i32
      %dma_wait3A_2271 = tpu.memref_slice %arg4[%dma_wait3A_2270, %multiple_of3A_1665] : memref<32x1000000xf32, #tpu.memory_space<hbm>> -> memref<16x128xf32, #tpu.memory_space<hbm>>
      tpu.wait_dma2 semaphore(%arg16 : memref<!tpu.dma_semaphore, #tpu.memory_space<semaphore_mem>>) src(%dma_wait3A_2271 : memref<16x128xf32, #tpu.memory_space<hbm>>) dst(%dma_wait3A_2269 : memref<16x128xf32, #tpu.memory_space<vmem>>)
      %dma_wait3A_2272 = arith.constant 6 : i32
      %dma_wait3A_2273 = arith.constant 0 : i32
      %dma_wait3A_2274 = arith.constant 0 : i32
      %dma_wait3A_2275 = tpu.memref_slice %arg11[%dma_wait3A_2272, %dma_wait3A_2273, %dma_wait3A_2274] : memref<8x16x128xf32, #tpu.memory_space<vmem>> -> memref<1x16x128xf32, #tpu.memory_space<vmem>>
      %dma_wait3A_2276 = tpu.memref_squeeze %dma_wait3A_2275 : memref<1x16x128xf32, #tpu.memory_space<vmem>> -> memref<16x128xf32, #tpu.memory_space<vmem>>
      %dma_wait3A_2277 = arith.constant 16 : i32
      %dma_wait3A_2278 = tpu.memref_slice %arg4[%dma_wait3A_2277, %multiple_of3A_1665] : memref<32x1000000xf32, #tpu.memory_space<hbm>> -> memref<16x128xf32, #tpu.memory_space<hbm>>
      %dma_wait3A_2279 = arith.constant 0 : i32
      %dma_wait3A_2280 = arith.constant 0 : i32
      %dma_wait3A_2281 = tpu.memref_slice %arg11[%dma_wait3A_2272, %dma_wait3A_2279, %dma_wait3A_2280] : memref<8x16x128xf32, #tpu.memory_space<vmem>> -> memref<1x16x128xf32, #tpu.memory_space<vmem>>
      %dma_wait3A_2282 = tpu.memref_squeeze %dma_wait3A_2281 : memref<1x16x128xf32, #tpu.memory_space<vmem>> -> memref<16x128xf32, #tpu.memory_space<vmem>>
      %dma_wait3A_2283 = arith.constant 16 : i32
      %dma_wait3A_2284 = tpu.memref_slice %arg4[%dma_wait3A_2283, %multiple_of3A_1665] : memref<32x1000000xf32, #tpu.memory_space<hbm>> -> memref<16x128xf32, #tpu.memory_space<hbm>>
      tpu.wait_dma2 semaphore(%arg16 : memref<!tpu.dma_semaphore, #tpu.memory_space<semaphore_mem>>) src(%dma_wait3A_2284 : memref<16x128xf32, #tpu.memory_space<hbm>>) dst(%dma_wait3A_2282 : memref<16x128xf32, #tpu.memory_space<vmem>>)
      %dma_wait3A_2285 = arith.constant 6 : i32
      %dma_wait3A_2286 = arith.constant 0 : i32
      %dma_wait3A_2287 = arith.constant 0 : i32
      %dma_wait3A_2288 = tpu.memref_slice %arg12[%dma_wait3A_2285, %dma_wait3A_2286, %dma_wait3A_2287] : memref<8x16x128xf32, #tpu.memory_space<vmem>> -> memref<1x16x128xf32, #tpu.memory_space<vmem>>
      %dma_wait3A_2289 = tpu.memref_squeeze %dma_wait3A_2288 : memref<1x16x128xf32, #tpu.memory_space<vmem>> -> memref<16x128xf32, #tpu.memory_space<vmem>>
      %dma_wait3A_2290 = arith.constant 0 : i32
      %dma_wait3A_2291 = tpu.memref_slice %arg5[%dma_wait3A_2290, %multiple_of3A_1672] : memref<32x1000000xf32, #tpu.memory_space<hbm>> -> memref<16x128xf32, #tpu.memory_space<hbm>>
      %dma_wait3A_2292 = arith.constant 0 : i32
      %dma_wait3A_2293 = arith.constant 0 : i32
      %dma_wait3A_2294 = tpu.memref_slice %arg12[%dma_wait3A_2285, %dma_wait3A_2292, %dma_wait3A_2293] : memref<8x16x128xf32, #tpu.memory_space<vmem>> -> memref<1x16x128xf32, #tpu.memory_space<vmem>>
      %dma_wait3A_2295 = tpu.memref_squeeze %dma_wait3A_2294 : memref<1x16x128xf32, #tpu.memory_space<vmem>> -> memref<16x128xf32, #tpu.memory_space<vmem>>
      %dma_wait3A_2296 = arith.constant 0 : i32
      %dma_wait3A_2297 = tpu.memref_slice %arg5[%dma_wait3A_2296, %multiple_of3A_1672] : memref<32x1000000xf32, #tpu.memory_space<hbm>> -> memref<16x128xf32, #tpu.memory_space<hbm>>
      tpu.wait_dma2 semaphore(%arg17 : memref<!tpu.dma_semaphore, #tpu.memory_space<semaphore_mem>>) src(%dma_wait3A_2297 : memref<16x128xf32, #tpu.memory_space<hbm>>) dst(%dma_wait3A_2295 : memref<16x128xf32, #tpu.memory_space<vmem>>)
      %dma_wait3A_2298 = arith.constant 6 : i32
      %dma_wait3A_2299 = arith.constant 0 : i32
      %dma_wait3A_2300 = arith.constant 0 : i32
      %dma_wait3A_2301 = tpu.memref_slice %arg13[%dma_wait3A_2298, %dma_wait3A_2299, %dma_wait3A_2300] : memref<8x16x128xf32, #tpu.memory_space<vmem>> -> memref<1x16x128xf32, #tpu.memory_space<vmem>>
      %dma_wait3A_2302 = tpu.memref_squeeze %dma_wait3A_2301 : memref<1x16x128xf32, #tpu.memory_space<vmem>> -> memref<16x128xf32, #tpu.memory_space<vmem>>
      %dma_wait3A_2303 = arith.constant 16 : i32
      %dma_wait3A_2304 = tpu.memref_slice %arg5[%dma_wait3A_2303, %multiple_of3A_1672] : memref<32x1000000xf32, #tpu.memory_space<hbm>> -> memref<16x128xf32, #tpu.memory_space<hbm>>
      %dma_wait3A_2305 = arith.constant 0 : i32
      %dma_wait3A_2306 = arith.constant 0 : i32
      %dma_wait3A_2307 = tpu.memref_slice %arg13[%dma_wait3A_2298, %dma_wait3A_2305, %dma_wait3A_2306] : memref<8x16x128xf32, #tpu.memory_space<vmem>> -> memref<1x16x128xf32, #tpu.memory_space<vmem>>
      %dma_wait3A_2308 = tpu.memref_squeeze %dma_wait3A_2307 : memref<1x16x128xf32, #tpu.memory_space<vmem>> -> memref<16x128xf32, #tpu.memory_space<vmem>>
      %dma_wait3A_2309 = arith.constant 16 : i32
      %dma_wait3A_2310 = tpu.memref_slice %arg5[%dma_wait3A_2309, %multiple_of3A_1672] : memref<32x1000000xf32, #tpu.memory_space<hbm>> -> memref<16x128xf32, #tpu.memory_space<hbm>>
      tpu.wait_dma2 semaphore(%arg17 : memref<!tpu.dma_semaphore, #tpu.memory_space<semaphore_mem>>) src(%dma_wait3A_2310 : memref<16x128xf32, #tpu.memory_space<hbm>>) dst(%dma_wait3A_2308 : memref<16x128xf32, #tpu.memory_space<vmem>>)
      %dma_wait3A_2311 = arith.constant 7 : i32
      %dma_wait3A_2312 = arith.constant 0 : i32
      %dma_wait3A_2313 = arith.constant 0 : i32
      %dma_wait3A_2314 = tpu.memref_slice %arg10[%dma_wait3A_2311, %dma_wait3A_2312, %dma_wait3A_2313] : memref<8x16x128xf32, #tpu.memory_space<vmem>> -> memref<1x16x128xf32, #tpu.memory_space<vmem>>
      %dma_wait3A_2315 = tpu.memref_squeeze %dma_wait3A_2314 : memref<1x16x128xf32, #tpu.memory_space<vmem>> -> memref<16x128xf32, #tpu.memory_space<vmem>>
      %dma_wait3A_2316 = arith.constant 0 : i32
      %dma_wait3A_2317 = tpu.memref_slice %arg4[%dma_wait3A_2316, %multiple_of3A_1731] : memref<32x1000000xf32, #tpu.memory_space<hbm>> -> memref<16x128xf32, #tpu.memory_space<hbm>>
      %dma_wait3A_2318 = arith.constant 0 : i32
      %dma_wait3A_2319 = arith.constant 0 : i32
      %dma_wait3A_2320 = tpu.memref_slice %arg10[%dma_wait3A_2311, %dma_wait3A_2318, %dma_wait3A_2319] : memref<8x16x128xf32, #tpu.memory_space<vmem>> -> memref<1x16x128xf32, #tpu.memory_space<vmem>>
      %dma_wait3A_2321 = tpu.memref_squeeze %dma_wait3A_2320 : memref<1x16x128xf32, #tpu.memory_space<vmem>> -> memref<16x128xf32, #tpu.memory_space<vmem>>
      %dma_wait3A_2322 = arith.constant 0 : i32
      %dma_wait3A_2323 = tpu.memref_slice %arg4[%dma_wait3A_2322, %multiple_of3A_1731] : memref<32x1000000xf32, #tpu.memory_space<hbm>> -> memref<16x128xf32, #tpu.memory_space<hbm>>
      tpu.wait_dma2 semaphore(%arg16 : memref<!tpu.dma_semaphore, #tpu.memory_space<semaphore_mem>>) src(%dma_wait3A_2323 : memref<16x128xf32, #tpu.memory_space<hbm>>) dst(%dma_wait3A_2321 : memref<16x128xf32, #tpu.memory_space<vmem>>)
      %dma_wait3A_2324 = arith.constant 7 : i32
      %dma_wait3A_2325 = arith.constant 0 : i32
      %dma_wait3A_2326 = arith.constant 0 : i32
      %dma_wait3A_2327 = tpu.memref_slice %arg11[%dma_wait3A_2324, %dma_wait3A_2325, %dma_wait3A_2326] : memref<8x16x128xf32, #tpu.memory_space<vmem>> -> memref<1x16x128xf32, #tpu.memory_space<vmem>>
      %dma_wait3A_2328 = tpu.memref_squeeze %dma_wait3A_2327 : memref<1x16x128xf32, #tpu.memory_space<vmem>> -> memref<16x128xf32, #tpu.memory_space<vmem>>
      %dma_wait3A_2329 = arith.constant 16 : i32
      %dma_wait3A_2330 = tpu.memref_slice %arg4[%dma_wait3A_2329, %multiple_of3A_1731] : memref<32x1000000xf32, #tpu.memory_space<hbm>> -> memref<16x128xf32, #tpu.memory_space<hbm>>
      %dma_wait3A_2331 = arith.constant 0 : i32
      %dma_wait3A_2332 = arith.constant 0 : i32
      %dma_wait3A_2333 = tpu.memref_slice %arg11[%dma_wait3A_2324, %dma_wait3A_2331, %dma_wait3A_2332] : memref<8x16x128xf32, #tpu.memory_space<vmem>> -> memref<1x16x128xf32, #tpu.memory_space<vmem>>
      %dma_wait3A_2334 = tpu.memref_squeeze %dma_wait3A_2333 : memref<1x16x128xf32, #tpu.memory_space<vmem>> -> memref<16x128xf32, #tpu.memory_space<vmem>>
      %dma_wait3A_2335 = arith.constant 16 : i32
      %dma_wait3A_2336 = tpu.memref_slice %arg4[%dma_wait3A_2335, %multiple_of3A_1731] : memref<32x1000000xf32, #tpu.memory_space<hbm>> -> memref<16x128xf32, #tpu.memory_space<hbm>>
      tpu.wait_dma2 semaphore(%arg16 : memref<!tpu.dma_semaphore, #tpu.memory_space<semaphore_mem>>) src(%dma_wait3A_2336 : memref<16x128xf32, #tpu.memory_space<hbm>>) dst(%dma_wait3A_2334 : memref<16x128xf32, #tpu.memory_space<vmem>>)
      %dma_wait3A_2337 = arith.constant 7 : i32
      %dma_wait3A_2338 = arith.constant 0 : i32
      %dma_wait3A_2339 = arith.constant 0 : i32
      %dma_wait3A_2340 = tpu.memref_slice %arg12[%dma_wait3A_2337, %dma_wait3A_2338, %dma_wait3A_2339] : memref<8x16x128xf32, #tpu.memory_space<vmem>> -> memref<1x16x128xf32, #tpu.memory_space<vmem>>
      %dma_wait3A_2341 = tpu.memref_squeeze %dma_wait3A_2340 : memref<1x16x128xf32, #tpu.memory_space<vmem>> -> memref<16x128xf32, #tpu.memory_space<vmem>>
      %dma_wait3A_2342 = arith.constant 0 : i32
      %dma_wait3A_2343 = tpu.memref_slice %arg5[%dma_wait3A_2342, %multiple_of3A_1738] : memref<32x1000000xf32, #tpu.memory_space<hbm>> -> memref<16x128xf32, #tpu.memory_space<hbm>>
      %dma_wait3A_2344 = arith.constant 0 : i32
      %dma_wait3A_2345 = arith.constant 0 : i32
      %dma_wait3A_2346 = tpu.memref_slice %arg12[%dma_wait3A_2337, %dma_wait3A_2344, %dma_wait3A_2345] : memref<8x16x128xf32, #tpu.memory_space<vmem>> -> memref<1x16x128xf32, #tpu.memory_space<vmem>>
      %dma_wait3A_2347 = tpu.memref_squeeze %dma_wait3A_2346 : memref<1x16x128xf32, #tpu.memory_space<vmem>> -> memref<16x128xf32, #tpu.memory_space<vmem>>
      %dma_wait3A_2348 = arith.constant 0 : i32
      %dma_wait3A_2349 = tpu.memref_slice %arg5[%dma_wait3A_2348, %multiple_of3A_1738] : memref<32x1000000xf32, #tpu.memory_space<hbm>> -> memref<16x128xf32, #tpu.memory_space<hbm>>
      tpu.wait_dma2 semaphore(%arg17 : memref<!tpu.dma_semaphore, #tpu.memory_space<semaphore_mem>>) src(%dma_wait3A_2349 : memref<16x128xf32, #tpu.memory_space<hbm>>) dst(%dma_wait3A_2347 : memref<16x128xf32, #tpu.memory_space<vmem>>)
      %dma_wait3A_2350 = arith.constant 7 : i32
      %dma_wait3A_2351 = arith.constant 0 : i32
      %dma_wait3A_2352 = arith.constant 0 : i32
      %dma_wait3A_2353 = tpu.memref_slice %arg13[%dma_wait3A_2350, %dma_wait3A_2351, %dma_wait3A_2352] : memref<8x16x128xf32, #tpu.memory_space<vmem>> -> memref<1x16x128xf32, #tpu.memory_space<vmem>>
      %dma_wait3A_2354 = tpu.memref_squeeze %dma_wait3A_2353 : memref<1x16x128xf32, #tpu.memory_space<vmem>> -> memref<16x128xf32, #tpu.memory_space<vmem>>
      %dma_wait3A_2355 = arith.constant 16 : i32
      %dma_wait3A_2356 = tpu.memref_slice %arg5[%dma_wait3A_2355, %multiple_of3A_1738] : memref<32x1000000xf32, #tpu.memory_space<hbm>> -> memref<16x128xf32, #tpu.memory_space<hbm>>
      %dma_wait3A_2357 = arith.constant 0 : i32
      %dma_wait3A_2358 = arith.constant 0 : i32
      %dma_wait3A_2359 = tpu.memref_slice %arg13[%dma_wait3A_2350, %dma_wait3A_2357, %dma_wait3A_2358] : memref<8x16x128xf32, #tpu.memory_space<vmem>> -> memref<1x16x128xf32, #tpu.memory_space<vmem>>
      %dma_wait3A_2360 = tpu.memref_squeeze %dma_wait3A_2359 : memref<1x16x128xf32, #tpu.memory_space<vmem>> -> memref<16x128xf32, #tpu.memory_space<vmem>>
      %dma_wait3A_2361 = arith.constant 16 : i32
      %dma_wait3A_2362 = tpu.memref_slice %arg5[%dma_wait3A_2361, %multiple_of3A_1738] : memref<32x1000000xf32, #tpu.memory_space<hbm>> -> memref<16x128xf32, #tpu.memory_space<hbm>>
      tpu.wait_dma2 semaphore(%arg17 : memref<!tpu.dma_semaphore, #tpu.memory_space<semaphore_mem>>) src(%dma_wait3A_2362 : memref<16x128xf32, #tpu.memory_space<hbm>>) dst(%dma_wait3A_2360 : memref<16x128xf32, #tpu.memory_space<vmem>>)
      %mul3A_2363 = arith.constant 16 : i32
      %mul3A_2364 = arith.muli %scan3A_9, %mul3A_2363 : i32
      %add3A_2365 = arith.constant 12 : i32
      %add3A_2366 = arith.addi %mul3A_2364, %add3A_2365 : i32
      %slice3A_2367 = vector.extract_strided_slice %get3A_12 {offsets = [12], sizes = [1], strides = [1]} : vector<16xi32> to vector<1xi32>
      %squeeze3A_2368 = vector.extract %slice3A_2367[0] : i32 from vector<1xi32>
      %and3A_2369 = arith.constant 127 : i32
      %and3A_2370 = arith.andi %squeeze3A_2368, %and3A_2369 : i32
      %broadcast_in_dim3A_2371 = vector.broadcast %and3A_2370 : i32 to vector<16xi32>
      %slice3A_2372 = vector.extract_strided_slice %get3A_16 {offsets = [12], sizes = [1], strides = [1]} : vector<16xi32> to vector<1xi32>
      %squeeze3A_2373 = vector.extract %slice3A_2372[0] : i32 from vector<1xi32>
      %and3A_2374 = arith.constant 127 : i32
      %and3A_2375 = arith.andi %squeeze3A_2373, %and3A_2374 : i32
      %broadcast_in_dim3A_2376 = vector.broadcast %and3A_2375 : i32 to vector<16xi32>
      %broadcast_in_dim3A_2377 = vector.broadcast %add3A_2366 : i32 to vector<16xi32>
      %gather3A_2378 = arith.constant 4 : i32
      %gather3A_2379 = arith.constant 0 : i32
      %gather3A_2380 = arith.constant 0 : i32
      %gather3A_2381 = tpu.memref_slice %arg10[%gather3A_2378, %gather3A_2379, %gather3A_2380] : memref<8x16x128xf32, #tpu.memory_space<vmem>> -> memref<1x16x128xf32, #tpu.memory_space<vmem>>
      %gather3A_2382 = tpu.memref_squeeze %gather3A_2381 : memref<1x16x128xf32, #tpu.memory_space<vmem>> -> memref<16x128xf32, #tpu.memory_space<vmem>>
      %gather3A_2383 = tpu.vector_load_idx %gather3A_2382[%iota3A, %broadcast_in_dim3A_2371] : memref<16x128xf32, #tpu.memory_space<vmem>>[vector<16xi32>, vector<16xi32>], vector<16xf32>,
      %gather3A_2384 = arith.constant 4 : i32
      %gather3A_2385 = arith.constant 0 : i32
      %gather3A_2386 = arith.constant 0 : i32
      %gather3A_2387 = tpu.memref_slice %arg11[%gather3A_2384, %gather3A_2385, %gather3A_2386] : memref<8x16x128xf32, #tpu.memory_space<vmem>> -> memref<1x16x128xf32, #tpu.memory_space<vmem>>
      %gather3A_2388 = tpu.memref_squeeze %gather3A_2387 : memref<1x16x128xf32, #tpu.memory_space<vmem>> -> memref<16x128xf32, #tpu.memory_space<vmem>>
      %gather3A_2389 = tpu.vector_load_idx %gather3A_2388[%iota3A, %broadcast_in_dim3A_2371] : memref<16x128xf32, #tpu.memory_space<vmem>>[vector<16xi32>, vector<16xi32>], vector<16xf32>,
      %gather3A_2390 = arith.constant 4 : i32
      %gather3A_2391 = arith.constant 0 : i32
      %gather3A_2392 = arith.constant 0 : i32
      %gather3A_2393 = tpu.memref_slice %arg12[%gather3A_2390, %gather3A_2391, %gather3A_2392] : memref<8x16x128xf32, #tpu.memory_space<vmem>> -> memref<1x16x128xf32, #tpu.memory_space<vmem>>
      %gather3A_2394 = tpu.memref_squeeze %gather3A_2393 : memref<1x16x128xf32, #tpu.memory_space<vmem>> -> memref<16x128xf32, #tpu.memory_space<vmem>>
      %gather3A_2395 = tpu.vector_load_idx %gather3A_2394[%iota3A, %broadcast_in_dim3A_2376] : memref<16x128xf32, #tpu.memory_space<vmem>>[vector<16xi32>, vector<16xi32>], vector<16xf32>,
      %gather3A_2396 = arith.constant 4 : i32
      %gather3A_2397 = arith.constant 0 : i32
      %gather3A_2398 = arith.constant 0 : i32
      %gather3A_2399 = tpu.memref_slice %arg13[%gather3A_2396, %gather3A_2397, %gather3A_2398] : memref<8x16x128xf32, #tpu.memory_space<vmem>> -> memref<1x16x128xf32, #tpu.memory_space<vmem>>
      %gather3A_2400 = tpu.memref_squeeze %gather3A_2399 : memref<1x16x128xf32, #tpu.memory_space<vmem>> -> memref<16x128xf32, #tpu.memory_space<vmem>>
      %gather3A_2401 = tpu.vector_load_idx %gather3A_2400[%iota3A, %broadcast_in_dim3A_2376] : memref<16x128xf32, #tpu.memory_space<vmem>>[vector<16xi32>, vector<16xi32>], vector<16xf32>,
      tpu.vector_store_idx %arg14[%iota3A, %broadcast_in_dim3A_2377], %gather3A_2383 : memref<32x512xf32, #tpu.memory_space<vmem>>[vector<16xi32>, vector<16xi32>], vector<16xf32>,
      tpu.vector_store_idx %arg14[%add3A_3, %broadcast_in_dim3A_2377], %gather3A_2389 : memref<32x512xf32, #tpu.memory_space<vmem>>[vector<16xi32>, vector<16xi32>], vector<16xf32>,
      tpu.vector_store_idx %arg15[%iota3A, %broadcast_in_dim3A_2377], %gather3A_2395 : memref<32x512xf32, #tpu.memory_space<vmem>>[vector<16xi32>, vector<16xi32>], vector<16xf32>,
      tpu.vector_store_idx %arg15[%add3A_3, %broadcast_in_dim3A_2377], %gather3A_2401 : memref<32x512xf32, #tpu.memory_space<vmem>>[vector<16xi32>, vector<16xi32>], vector<16xf32>,
      %mul3A_2402 = arith.constant 16 : i32
      %mul3A_2403 = arith.muli %scan3A_9, %mul3A_2402 : i32
      %add3A_2404 = arith.constant 13 : i32
      %add3A_2405 = arith.addi %mul3A_2403, %add3A_2404 : i32
      %slice3A_2406 = vector.extract_strided_slice %get3A_12 {offsets = [13], sizes = [1], strides = [1]} : vector<16xi32> to vector<1xi32>
      %squeeze3A_2407 = vector.extract %slice3A_2406[0] : i32 from vector<1xi32>
      %and3A_2408 = arith.constant 127 : i32
      %and3A_2409 = arith.andi %squeeze3A_2407, %and3A_2408 : i32
      %broadcast_in_dim3A_2410 = vector.broadcast %and3A_2409 : i32 to vector<16xi32>
      %slice3A_2411 = vector.extract_strided_slice %get3A_16 {offsets = [13], sizes = [1], strides = [1]} : vector<16xi32> to vector<1xi32>
      %squeeze3A_2412 = vector.extract %slice3A_2411[0] : i32 from vector<1xi32>
      %and3A_2413 = arith.constant 127 : i32
      %and3A_2414 = arith.andi %squeeze3A_2412, %and3A_2413 : i32
      %broadcast_in_dim3A_2415 = vector.broadcast %and3A_2414 : i32 to vector<16xi32>
      %broadcast_in_dim3A_2416 = vector.broadcast %add3A_2405 : i32 to vector<16xi32>
      %gather3A_2417 = arith.constant 5 : i32
      %gather3A_2418 = arith.constant 0 : i32
      %gather3A_2419 = arith.constant 0 : i32
      %gather3A_2420 = tpu.memref_slice %arg10[%gather3A_2417, %gather3A_2418, %gather3A_2419] : memref<8x16x128xf32, #tpu.memory_space<vmem>> -> memref<1x16x128xf32, #tpu.memory_space<vmem>>
      %gather3A_2421 = tpu.memref_squeeze %gather3A_2420 : memref<1x16x128xf32, #tpu.memory_space<vmem>> -> memref<16x128xf32, #tpu.memory_space<vmem>>
      %gather3A_2422 = tpu.vector_load_idx %gather3A_2421[%iota3A, %broadcast_in_dim3A_2410] : memref<16x128xf32, #tpu.memory_space<vmem>>[vector<16xi32>, vector<16xi32>], vector<16xf32>,
      %gather3A_2423 = arith.constant 5 : i32
      %gather3A_2424 = arith.constant 0 : i32
      %gather3A_2425 = arith.constant 0 : i32
      %gather3A_2426 = tpu.memref_slice %arg11[%gather3A_2423, %gather3A_2424, %gather3A_2425] : memref<8x16x128xf32, #tpu.memory_space<vmem>> -> memref<1x16x128xf32, #tpu.memory_space<vmem>>
      %gather3A_2427 = tpu.memref_squeeze %gather3A_2426 : memref<1x16x128xf32, #tpu.memory_space<vmem>> -> memref<16x128xf32, #tpu.memory_space<vmem>>
      %gather3A_2428 = tpu.vector_load_idx %gather3A_2427[%iota3A, %broadcast_in_dim3A_2410] : memref<16x128xf32, #tpu.memory_space<vmem>>[vector<16xi32>, vector<16xi32>], vector<16xf32>,
      %gather3A_2429 = arith.constant 5 : i32
      %gather3A_2430 = arith.constant 0 : i32
      %gather3A_2431 = arith.constant 0 : i32
      %gather3A_2432 = tpu.memref_slice %arg12[%gather3A_2429, %gather3A_2430, %gather3A_2431] : memref<8x16x128xf32, #tpu.memory_space<vmem>> -> memref<1x16x128xf32, #tpu.memory_space<vmem>>
      %gather3A_2433 = tpu.memref_squeeze %gather3A_2432 : memref<1x16x128xf32, #tpu.memory_space<vmem>> -> memref<16x128xf32, #tpu.memory_space<vmem>>
      %gather3A_2434 = tpu.vector_load_idx %gather3A_2433[%iota3A, %broadcast_in_dim3A_2415] : memref<16x128xf32, #tpu.memory_space<vmem>>[vector<16xi32>, vector<16xi32>], vector<16xf32>,
      %gather3A_2435 = arith.constant 5 : i32
      %gather3A_2436 = arith.constant 0 : i32
      %gather3A_2437 = arith.constant 0 : i32
      %gather3A_2438 = tpu.memref_slice %arg13[%gather3A_2435, %gather3A_2436, %gather3A_2437] : memref<8x16x128xf32, #tpu.memory_space<vmem>> -> memref<1x16x128xf32, #tpu.memory_space<vmem>>
      %gather3A_2439 = tpu.memref_squeeze %gather3A_2438 : memref<1x16x128xf32, #tpu.memory_space<vmem>> -> memref<16x128xf32, #tpu.memory_space<vmem>>
      %gather3A_2440 = tpu.vector_load_idx %gather3A_2439[%iota3A, %broadcast_in_dim3A_2415] : memref<16x128xf32, #tpu.memory_space<vmem>>[vector<16xi32>, vector<16xi32>], vector<16xf32>,
      tpu.vector_store_idx %arg14[%iota3A, %broadcast_in_dim3A_2416], %gather3A_2422 : memref<32x512xf32, #tpu.memory_space<vmem>>[vector<16xi32>, vector<16xi32>], vector<16xf32>,
      tpu.vector_store_idx %arg14[%add3A_3, %broadcast_in_dim3A_2416], %gather3A_2428 : memref<32x512xf32, #tpu.memory_space<vmem>>[vector<16xi32>, vector<16xi32>], vector<16xf32>,
      tpu.vector_store_idx %arg15[%iota3A, %broadcast_in_dim3A_2416], %gather3A_2434 : memref<32x512xf32, #tpu.memory_space<vmem>>[vector<16xi32>, vector<16xi32>], vector<16xf32>,
      tpu.vector_store_idx %arg15[%add3A_3, %broadcast_in_dim3A_2416], %gather3A_2440 : memref<32x512xf32, #tpu.memory_space<vmem>>[vector<16xi32>, vector<16xi32>], vector<16xf32>,
      %mul3A_2441 = arith.constant 16 : i32
      %mul3A_2442 = arith.muli %scan3A_9, %mul3A_2441 : i32
      %add3A_2443 = arith.constant 14 : i32
      %add3A_2444 = arith.addi %mul3A_2442, %add3A_2443 : i32
      %slice3A_2445 = vector.extract_strided_slice %get3A_12 {offsets = [14], sizes = [1], strides = [1]} : vector<16xi32> to vector<1xi32>
      %squeeze3A_2446 = vector.extract %slice3A_2445[0] : i32 from vector<1xi32>
      %and3A_2447 = arith.constant 127 : i32
      %and3A_2448 = arith.andi %squeeze3A_2446, %and3A_2447 : i32
      %broadcast_in_dim3A_2449 = vector.broadcast %and3A_2448 : i32 to vector<16xi32>
      %slice3A_2450 = vector.extract_strided_slice %get3A_16 {offsets = [14], sizes = [1], strides = [1]} : vector<16xi32> to vector<1xi32>
      %squeeze3A_2451 = vector.extract %slice3A_2450[0] : i32 from vector<1xi32>
      %and3A_2452 = arith.constant 127 : i32
      %and3A_2453 = arith.andi %squeeze3A_2451, %and3A_2452 : i32
      %broadcast_in_dim3A_2454 = vector.broadcast %and3A_2453 : i32 to vector<16xi32>
      %broadcast_in_dim3A_2455 = vector.broadcast %add3A_2444 : i32 to vector<16xi32>
      %gather3A_2456 = arith.constant 6 : i32
      %gather3A_2457 = arith.constant 0 : i32
      %gather3A_2458 = arith.constant 0 : i32
      %gather3A_2459 = tpu.memref_slice %arg10[%gather3A_2456, %gather3A_2457, %gather3A_2458] : memref<8x16x128xf32, #tpu.memory_space<vmem>> -> memref<1x16x128xf32, #tpu.memory_space<vmem>>
      %gather3A_2460 = tpu.memref_squeeze %gather3A_2459 : memref<1x16x128xf32, #tpu.memory_space<vmem>> -> memref<16x128xf32, #tpu.memory_space<vmem>>
      %gather3A_2461 = tpu.vector_load_idx %gather3A_2460[%iota3A, %broadcast_in_dim3A_2449] : memref<16x128xf32, #tpu.memory_space<vmem>>[vector<16xi32>, vector<16xi32>], vector<16xf32>,
      %gather3A_2462 = arith.constant 6 : i32
      %gather3A_2463 = arith.constant 0 : i32
      %gather3A_2464 = arith.constant 0 : i32
      %gather3A_2465 = tpu.memref_slice %arg11[%gather3A_2462, %gather3A_2463, %gather3A_2464] : memref<8x16x128xf32, #tpu.memory_space<vmem>> -> memref<1x16x128xf32, #tpu.memory_space<vmem>>
      %gather3A_2466 = tpu.memref_squeeze %gather3A_2465 : memref<1x16x128xf32, #tpu.memory_space<vmem>> -> memref<16x128xf32, #tpu.memory_space<vmem>>
      %gather3A_2467 = tpu.vector_load_idx %gather3A_2466[%iota3A, %broadcast_in_dim3A_2449] : memref<16x128xf32, #tpu.memory_space<vmem>>[vector<16xi32>, vector<16xi32>], vector<16xf32>,
      %gather3A_2468 = arith.constant 6 : i32
      %gather3A_2469 = arith.constant 0 : i32
      %gather3A_2470 = arith.constant 0 : i32
      %gather3A_2471 = tpu.memref_slice %arg12[%gather3A_2468, %gather3A_2469, %gather3A_2470] : memref<8x16x128xf32, #tpu.memory_space<vmem>> -> memref<1x16x128xf32, #tpu.memory_space<vmem>>
      %gather3A_2472 = tpu.memref_squeeze %gather3A_2471 : memref<1x16x128xf32, #tpu.memory_space<vmem>> -> memref<16x128xf32, #tpu.memory_space<vmem>>
      %gather3A_2473 = tpu.vector_load_idx %gather3A_2472[%iota3A, %broadcast_in_dim3A_2454] : memref<16x128xf32, #tpu.memory_space<vmem>>[vector<16xi32>, vector<16xi32>], vector<16xf32>,
      %gather3A_2474 = arith.constant 6 : i32
      %gather3A_2475 = arith.constant 0 : i32
      %gather3A_2476 = arith.constant 0 : i32
      %gather3A_2477 = tpu.memref_slice %arg13[%gather3A_2474, %gather3A_2475, %gather3A_2476] : memref<8x16x128xf32, #tpu.memory_space<vmem>> -> memref<1x16x128xf32, #tpu.memory_space<vmem>>
      %gather3A_2478 = tpu.memref_squeeze %gather3A_2477 : memref<1x16x128xf32, #tpu.memory_space<vmem>> -> memref<16x128xf32, #tpu.memory_space<vmem>>
      %gather3A_2479 = tpu.vector_load_idx %gather3A_2478[%iota3A, %broadcast_in_dim3A_2454] : memref<16x128xf32, #tpu.memory_space<vmem>>[vector<16xi32>, vector<16xi32>], vector<16xf32>,
      tpu.vector_store_idx %arg14[%iota3A, %broadcast_in_dim3A_2455], %gather3A_2461 : memref<32x512xf32, #tpu.memory_space<vmem>>[vector<16xi32>, vector<16xi32>], vector<16xf32>,
      tpu.vector_store_idx %arg14[%add3A_3, %broadcast_in_dim3A_2455], %gather3A_2467 : memref<32x512xf32, #tpu.memory_space<vmem>>[vector<16xi32>, vector<16xi32>], vector<16xf32>,
      tpu.vector_store_idx %arg15[%iota3A, %broadcast_in_dim3A_2455], %gather3A_2473 : memref<32x512xf32, #tpu.memory_space<vmem>>[vector<16xi32>, vector<16xi32>], vector<16xf32>,
      tpu.vector_store_idx %arg15[%add3A_3, %broadcast_in_dim3A_2455], %gather3A_2479 : memref<32x512xf32, #tpu.memory_space<vmem>>[vector<16xi32>, vector<16xi32>], vector<16xf32>,
      %mul3A_2480 = arith.constant 16 : i32
      %mul3A_2481 = arith.muli %scan3A_9, %mul3A_2480 : i32
      %add3A_2482 = arith.constant 15 : i32
      %add3A_2483 = arith.addi %mul3A_2481, %add3A_2482 : i32
      %slice3A_2484 = vector.extract_strided_slice %get3A_12 {offsets = [15], sizes = [1], strides = [1]} : vector<16xi32> to vector<1xi32>
      %squeeze3A_2485 = vector.extract %slice3A_2484[0] : i32 from vector<1xi32>
      %and3A_2486 = arith.constant 127 : i32
      %and3A_2487 = arith.andi %squeeze3A_2485, %and3A_2486 : i32
      %broadcast_in_dim3A_2488 = vector.broadcast %and3A_2487 : i32 to vector<16xi32>
      %slice3A_2489 = vector.extract_strided_slice %get3A_16 {offsets = [15], sizes = [1], strides = [1]} : vector<16xi32> to vector<1xi32>
      %squeeze3A_2490 = vector.extract %slice3A_2489[0] : i32 from vector<1xi32>
      %and3A_2491 = arith.constant 127 : i32
      %and3A_2492 = arith.andi %squeeze3A_2490, %and3A_2491 : i32
      %broadcast_in_dim3A_2493 = vector.broadcast %and3A_2492 : i32 to vector<16xi32>
      %broadcast_in_dim3A_2494 = vector.broadcast %add3A_2483 : i32 to vector<16xi32>
      %gather3A_2495 = arith.constant 7 : i32
      %gather3A_2496 = arith.constant 0 : i32
      %gather3A_2497 = arith.constant 0 : i32
      %gather3A_2498 = tpu.memref_slice %arg10[%gather3A_2495, %gather3A_2496, %gather3A_2497] : memref<8x16x128xf32, #tpu.memory_space<vmem>> -> memref<1x16x128xf32, #tpu.memory_space<vmem>>
      %gather3A_2499 = tpu.memref_squeeze %gather3A_2498 : memref<1x16x128xf32, #tpu.memory_space<vmem>> -> memref<16x128xf32, #tpu.memory_space<vmem>>
      %gather3A_2500 = tpu.vector_load_idx %gather3A_2499[%iota3A, %broadcast_in_dim3A_2488] : memref<16x128xf32, #tpu.memory_space<vmem>>[vector<16xi32>, vector<16xi32>], vector<16xf32>,
      %gather3A_2501 = arith.constant 7 : i32
      %gather3A_2502 = arith.constant 0 : i32
      %gather3A_2503 = arith.constant 0 : i32
      %gather3A_2504 = tpu.memref_slice %arg11[%gather3A_2501, %gather3A_2502, %gather3A_2503] : memref<8x16x128xf32, #tpu.memory_space<vmem>> -> memref<1x16x128xf32, #tpu.memory_space<vmem>>
      %gather3A_2505 = tpu.memref_squeeze %gather3A_2504 : memref<1x16x128xf32, #tpu.memory_space<vmem>> -> memref<16x128xf32, #tpu.memory_space<vmem>>
      %gather3A_2506 = tpu.vector_load_idx %gather3A_2505[%iota3A, %broadcast_in_dim3A_2488] : memref<16x128xf32, #tpu.memory_space<vmem>>[vector<16xi32>, vector<16xi32>], vector<16xf32>,
      %gather3A_2507 = arith.constant 7 : i32
      %gather3A_2508 = arith.constant 0 : i32
      %gather3A_2509 = arith.constant 0 : i32
      %gather3A_2510 = tpu.memref_slice %arg12[%gather3A_2507, %gather3A_2508, %gather3A_2509] : memref<8x16x128xf32, #tpu.memory_space<vmem>> -> memref<1x16x128xf32, #tpu.memory_space<vmem>>
      %gather3A_2511 = tpu.memref_squeeze %gather3A_2510 : memref<1x16x128xf32, #tpu.memory_space<vmem>> -> memref<16x128xf32, #tpu.memory_space<vmem>>
      %gather3A_2512 = tpu.vector_load_idx %gather3A_2511[%iota3A, %broadcast_in_dim3A_2493] : memref<16x128xf32, #tpu.memory_space<vmem>>[vector<16xi32>, vector<16xi32>], vector<16xf32>,
      %gather3A_2513 = arith.constant 7 : i32
      %gather3A_2514 = arith.constant 0 : i32
      %gather3A_2515 = arith.constant 0 : i32
      %gather3A_2516 = tpu.memref_slice %arg13[%gather3A_2513, %gather3A_2514, %gather3A_2515] : memref<8x16x128xf32, #tpu.memory_space<vmem>> -> memref<1x16x128xf32, #tpu.memory_space<vmem>>
      %gather3A_2517 = tpu.memref_squeeze %gather3A_2516 : memref<1x16x128xf32, #tpu.memory_space<vmem>> -> memref<16x128xf32, #tpu.memory_space<vmem>>
      %gather3A_2518 = tpu.vector_load_idx %gather3A_2517[%iota3A, %broadcast_in_dim3A_2493] : memref<16x128xf32, #tpu.memory_space<vmem>>[vector<16xi32>, vector<16xi32>], vector<16xf32>,
      tpu.vector_store_idx %arg14[%iota3A, %broadcast_in_dim3A_2494], %gather3A_2500 : memref<32x512xf32, #tpu.memory_space<vmem>>[vector<16xi32>, vector<16xi32>], vector<16xf32>,
      tpu.vector_store_idx %arg14[%add3A_3, %broadcast_in_dim3A_2494], %gather3A_2506 : memref<32x512xf32, #tpu.memory_space<vmem>>[vector<16xi32>, vector<16xi32>], vector<16xf32>,
      tpu.vector_store_idx %arg15[%iota3A, %broadcast_in_dim3A_2494], %gather3A_2512 : memref<32x512xf32, #tpu.memory_space<vmem>>[vector<16xi32>, vector<16xi32>], vector<16xf32>,
      tpu.vector_store_idx %arg15[%add3A_3, %broadcast_in_dim3A_2494], %gather3A_2518 : memref<32x512xf32, #tpu.memory_space<vmem>>[vector<16xi32>, vector<16xi32>], vector<16xf32>,
    }
    %scan3A_8 = arith.constant 32 : i32
    "tpu.region"() ({
      %run_scoped3A = tpu.sem_alloc : memref<!tpu.dma_semaphore, #tpu.memory_space<semaphore_mem>>
      %dma_start3A = arith.constant 0 : i32
      %dma_start3A_9 = arith.constant 0 : i32
      %dma_start3A_10 = tpu.memref_slice %arg6[%add3A, %dma_start3A, %dma_start3A_9] : memref<32x32x512xf32, #tpu.memory_space<hbm>> -> memref<1x32x512xf32, #tpu.memory_space<hbm>>
      %dma_start3A_11 = tpu.memref_squeeze %dma_start3A_10 : memref<1x32x512xf32, #tpu.memory_space<hbm>> -> memref<32x512xf32, #tpu.memory_space<hbm>>
      %dma_start3A_12 = arith.constant 0 : i32
      %dma_start3A_13 = arith.constant 0 : i32
      %dma_start3A_14 = tpu.memref_slice %arg6[%add3A, %dma_start3A_12, %dma_start3A_13] : memref<32x32x512xf32, #tpu.memory_space<hbm>> -> memref<1x32x512xf32, #tpu.memory_space<hbm>>
      %dma_start3A_15 = tpu.memref_squeeze %dma_start3A_14 : memref<1x32x512xf32, #tpu.memory_space<hbm>> -> memref<32x512xf32, #tpu.memory_space<hbm>>
      tpu.enqueue_dma source(%arg14 : memref<32x512xf32, #tpu.memory_space<vmem>>) target(%dma_start3A_15 : memref<32x512xf32, #tpu.memory_space<hbm>>) target_semaphore(%run_scoped3A : memref<!tpu.dma_semaphore, #tpu.memory_space<semaphore_mem>>)
      %dma_wait3A = arith.constant 0 : i32
      %dma_wait3A_16 = arith.constant 0 : i32
      %dma_wait3A_17 = tpu.memref_slice %arg6[%add3A, %dma_wait3A, %dma_wait3A_16] : memref<32x32x512xf32, #tpu.memory_space<hbm>> -> memref<1x32x512xf32, #tpu.memory_space<hbm>>
      %dma_wait3A_18 = tpu.memref_squeeze %dma_wait3A_17 : memref<1x32x512xf32, #tpu.memory_space<hbm>> -> memref<32x512xf32, #tpu.memory_space<hbm>>
      %dma_wait3A_19 = arith.constant 0 : i32
      %dma_wait3A_20 = arith.constant 0 : i32
      %dma_wait3A_21 = tpu.memref_slice %arg6[%add3A, %dma_wait3A_19, %dma_wait3A_20] : memref<32x32x512xf32, #tpu.memory_space<hbm>> -> memref<1x32x512xf32, #tpu.memory_space<hbm>>
      %dma_wait3A_22 = tpu.memref_squeeze %dma_wait3A_21 : memref<1x32x512xf32, #tpu.memory_space<hbm>> -> memref<32x512xf32, #tpu.memory_space<hbm>>
      tpu.wait_dma2 semaphore(%run_scoped3A : memref<!tpu.dma_semaphore, #tpu.memory_space<semaphore_mem>>) src(%arg14 : memref<32x512xf32, #tpu.memory_space<vmem>>) dst(%dma_wait3A_22 : memref<32x512xf32, #tpu.memory_space<hbm>>)
      tpu.yield
    }) : () -> ()
    "tpu.region"() ({
      %run_scoped3A = tpu.sem_alloc : memref<!tpu.dma_semaphore, #tpu.memory_space<semaphore_mem>>
      %dma_start3A = arith.constant 0 : i32
      %dma_start3A_9 = arith.constant 0 : i32
      %dma_start3A_10 = tpu.memref_slice %arg7[%add3A, %dma_start3A, %dma_start3A_9] : memref<32x32x512xf32, #tpu.memory_space<hbm>> -> memref<1x32x512xf32, #tpu.memory_space<hbm>>
      %dma_start3A_11 = tpu.memref_squeeze %dma_start3A_10 : memref<1x32x512xf32, #tpu.memory_space<hbm>> -> memref<32x512xf32, #tpu.memory_space<hbm>>
      %dma_start3A_12 = arith.constant 0 : i32
      %dma_start3A_13 = arith.constant 0 : i32
      %dma_start3A_14 = tpu.memref_slice %arg7[%add3A, %dma_start3A_12, %dma_start3A_13] : memref<32x32x512xf32, #tpu.memory_space<hbm>> -> memref<1x32x512xf32, #tpu.memory_space<hbm>>
      %dma_start3A_15 = tpu.memref_squeeze %dma_start3A_14 : memref<1x32x512xf32, #tpu.memory_space<hbm>> -> memref<32x512xf32, #tpu.memory_space<hbm>>
      tpu.enqueue_dma source(%arg15 : memref<32x512xf32, #tpu.memory_space<vmem>>) target(%dma_start3A_15 : memref<32x512xf32, #tpu.memory_space<hbm>>) target_semaphore(%run_scoped3A : memref<!tpu.dma_semaphore, #tpu.memory_space<semaphore_mem>>)
      %dma_wait3A = arith.constant 0 : i32
      %dma_wait3A_16 = arith.constant 0 : i32
      %dma_wait3A_17 = tpu.memref_slice %arg7[%add3A, %dma_wait3A, %dma_wait3A_16] : memref<32x32x512xf32, #tpu.memory_space<hbm>> -> memref<1x32x512xf32, #tpu.memory_space<hbm>>
      %dma_wait3A_18 = tpu.memref_squeeze %dma_wait3A_17 : memref<1x32x512xf32, #tpu.memory_space<hbm>> -> memref<32x512xf32, #tpu.memory_space<hbm>>
      %dma_wait3A_19 = arith.constant 0 : i32
      %dma_wait3A_20 = arith.constant 0 : i32
      %dma_wait3A_21 = tpu.memref_slice %arg7[%add3A, %dma_wait3A_19, %dma_wait3A_20] : memref<32x32x512xf32, #tpu.memory_space<hbm>> -> memref<1x32x512xf32, #tpu.memory_space<hbm>>
      %dma_wait3A_22 = tpu.memref_squeeze %dma_wait3A_21 : memref<1x32x512xf32, #tpu.memory_space<hbm>> -> memref<32x512xf32, #tpu.memory_space<hbm>>
      tpu.wait_dma2 semaphore(%run_scoped3A : memref<!tpu.dma_semaphore, #tpu.memory_space<semaphore_mem>>) src(%arg15 : memref<32x512xf32, #tpu.memory_space<vmem>>) dst(%dma_wait3A_22 : memref<32x512xf32, #tpu.memory_space<hbm>>)
      tpu.yield
    }) : () -> ()
    return
  }
}

module attributes {stable_mosaic.version = 14 : i64} {
  func.func @_mlp_body(%arg0: i32, %arg1: memref<8x32x512xf32, #tpu.memory_space<vmem>>, %arg2: memref<8x32x512xf32, #tpu.memory_space<vmem>>, %arg3: memref<96x64xf32, #tpu.memory_space<vmem>>, %arg4: memref<64x1xf32, #tpu.memory_space<vmem>>, %arg5: memref<64x1xf32, #tpu.memory_space<vmem>>, %arg6: memref<1x1xf32, #tpu.memory_space<vmem>>, %arg7: memref<8x512xf32, #tpu.memory_space<vmem>>, %arg8: memref<8x512xf32, #tpu.memory_space<vmem>>) attributes {dimension_semantics = [#tpu.dimension_semantics<arbitrary>], iteration_bounds = array<i64: 4>, scalar_prefetch = 0 : i64, scratch_operands = 0 : i64, tpu.core_type = #tpu.core_type<tc>, window_params = [{transform_indices = @transform_0, window_bounds = array<i64: 8, 32, 512>}, {transform_indices = @transform_1, window_bounds = array<i64: 8, 32, 512>}, {pipeline_mode = #tpu.pipeline_mode<synchronous>, transform_indices = @transform_2, window_bounds = array<i64: 96, 64>}, {pipeline_mode = #tpu.pipeline_mode<synchronous>, transform_indices = @transform_3, window_bounds = array<i64: 64, 1>}, {pipeline_mode = #tpu.pipeline_mode<synchronous>, transform_indices = @transform_4, window_bounds = array<i64: 64, 1>}, {pipeline_mode = #tpu.pipeline_mode<synchronous>, transform_indices = @transform_5, window_bounds = array<i64: 1, 1>}, {transform_indices = @transform_6, window_bounds = array<i64: 8, 512>}, {transform_indices = @transform_7, window_bounds = array<i64: 8, 512>}]} {
    %get3A = arith.constant 0 : index
    %get3A_0 = arith.constant 0 : index
    %get3A_1 = vector.load %arg3[%get3A, %get3A_0] : memref<96x64xf32, #tpu.memory_space<vmem>>, vector<96x64xf32>
    %slice3A = vector.extract_strided_slice %get3A_1 {offsets = [0, 0], sizes = [32, 64], strides = [1, 1]} : vector<96x64xf32> to vector<32x64xf32>
    %slice3A_2 = vector.extract_strided_slice %get3A_1 {offsets = [32, 0], sizes = [32, 64], strides = [1, 1]} : vector<96x64xf32> to vector<32x64xf32>
    %slice3A_3 = vector.extract_strided_slice %get3A_1 {offsets = [64, 0], sizes = [32, 64], strides = [1, 1]} : vector<96x64xf32> to vector<32x64xf32>
    %get3A_4 = arith.constant 0 : index
    %get3A_5 = arith.constant 0 : index
    %get3A_6 = vector.load %arg4[%get3A_4, %get3A_5] : memref<64x1xf32, #tpu.memory_space<vmem>>, vector<64x1xf32>
    %get3A_7 = arith.constant 0 : index
    %get3A_8 = arith.constant 0 : index
    %get3A_9 = vector.load %arg5[%get3A_7, %get3A_8] : memref<64x1xf32, #tpu.memory_space<vmem>>, vector<64x1xf32>
    %get3A_10 = arith.constant 0 : index
    %get3A_11 = arith.constant 0 : index
    %get3A_12 = vector.load %arg6[%get3A_10, %get3A_11] : memref<1x1xf32, #tpu.memory_space<vmem>>, vector<1x1xf32>
    %get3A_13 = vector.extract %get3A_12[0, 0] : f32 from vector<1x1xf32>
    %get3A_14 = arith.constant 0 : index
    %get3A_15 = arith.constant 0 : index
    %get3A_16 = arith.constant 0 : index
    %get3A_17 = vector.load %arg1[%get3A_14, %get3A_15, %get3A_16] : memref<8x32x512xf32, #tpu.memory_space<vmem>>, vector<1x32x512xf32>
    %get3A_18 = vector.shape_cast %get3A_17 : vector<1x32x512xf32> to vector<32x512xf32>
    %get3A_19 = arith.constant 0 : index
    %get3A_20 = arith.constant 0 : index
    %get3A_21 = arith.constant 0 : index
    %get3A_22 = vector.load %arg2[%get3A_19, %get3A_20, %get3A_21] : memref<8x32x512xf32, #tpu.memory_space<vmem>>, vector<1x32x512xf32>
    %get3A_23 = vector.shape_cast %get3A_22 : vector<1x32x512xf32> to vector<32x512xf32>
    %mul3A = arith.mulf %get3A_18, %get3A_23 : vector<32x512xf32>
    %reduce_sum3A = arith.constant dense<0.000000e+00> : vector<512xf32>
    %reduce_sum3A_24 = vector.multi_reduction <add>, %mul3A, %reduce_sum3A [0] : vector<32x512xf32> to vector<512xf32>
    %swap3A = arith.constant 0 : index
    %swap3A_25 = arith.constant 0 : index
    %swap3A_26 = vector.load %arg7[%swap3A, %swap3A_25] : memref<8x512xf32, #tpu.memory_space<vmem>>, vector<1x512xf32>
    %swap3A_27 = vector.shape_cast %swap3A_26 : vector<1x512xf32> to vector<512xf32>
    %swap3A_28 = vector.shape_cast %reduce_sum3A_24 : vector<512xf32> to vector<1x512xf32>
    tpu.vector_store %arg7[%swap3A, %swap3A_25], %swap3A_28 {strides = array<i32>} : memref<8x512xf32, #tpu.memory_space<vmem>>, vector<1x512xf32>,
    %dot_general3A = arith.constant dense<0.000000e+00> : vector<64x512xf32>
    %dot_general3A_29 = tpu.matmul %slice3A, %get3A_18, %dot_general3A {dimension_numbers = #tpu.dot_dimension_numbers<[0], [0], [1], [1], [0, 1, 1, 1], [], []>, transpose_lhs_hint = false} : vector<32x64xf32>, vector<32x512xf32>, vector<64x512xf32> -> vector<64x512xf32>
    %dot_general3A_30 = arith.constant dense<0.000000e+00> : vector<64x512xf32>
    %dot_general3A_31 = tpu.matmul %slice3A_2, %get3A_23, %dot_general3A_30 {dimension_numbers = #tpu.dot_dimension_numbers<[0], [0], [1], [1], [0, 1, 1, 1], [], []>, transpose_lhs_hint = false} : vector<32x64xf32>, vector<32x512xf32>, vector<64x512xf32> -> vector<64x512xf32>
    %add3A = arith.addf %dot_general3A_29, %dot_general3A_31 : vector<64x512xf32>
    %dot_general3A_32 = arith.constant dense<0.000000e+00> : vector<64x512xf32>
    %dot_general3A_33 = tpu.matmul %slice3A_3, %mul3A, %dot_general3A_32 {dimension_numbers = #tpu.dot_dimension_numbers<[0], [0], [1], [1], [0, 1, 1, 1], [], []>, transpose_lhs_hint = false} : vector<32x64xf32>, vector<32x512xf32>, vector<64x512xf32> -> vector<64x512xf32>
    %add3A_34 = arith.addf %add3A, %dot_general3A_33 : vector<64x512xf32>
    %add3A_35 = vector.broadcast %get3A_6 : vector<64x1xf32> to vector<64x512xf32>
    %add3A_36 = arith.addf %add3A_34, %add3A_35 : vector<64x512xf32>
    %max3A = arith.constant 0.000000e+00 : f32
    %max3A_37 = vector.broadcast %max3A : f32 to vector<64x512xf32>
    %max3A_38 = arith.maximumf %add3A_36, %max3A_37 : vector<64x512xf32>
    %mul3A_39 = vector.broadcast %get3A_9 : vector<64x1xf32> to vector<64x512xf32>
    %mul3A_40 = arith.mulf %max3A_38, %mul3A_39 : vector<64x512xf32>
    %reduce_sum3A_41 = arith.constant dense<0.000000e+00> : vector<512xf32>
    %reduce_sum3A_42 = vector.multi_reduction <add>, %mul3A_40, %reduce_sum3A_41 [0] : vector<64x512xf32> to vector<512xf32>
    %add3A_43 = vector.broadcast %get3A_13 : f32 to vector<512xf32>
    %add3A_44 = arith.addf %reduce_sum3A_42, %add3A_43 : vector<512xf32>
    %swap3A_45 = arith.constant 0 : index
    %swap3A_46 = arith.constant 0 : index
    %swap3A_47 = vector.load %arg8[%swap3A_45, %swap3A_46] : memref<8x512xf32, #tpu.memory_space<vmem>>, vector<1x512xf32>
    %swap3A_48 = vector.shape_cast %swap3A_47 : vector<1x512xf32> to vector<512xf32>
    %swap3A_49 = vector.shape_cast %add3A_44 : vector<512xf32> to vector<1x512xf32>
    tpu.vector_store %arg8[%swap3A_45, %swap3A_46], %swap3A_49 {strides = array<i32>} : memref<8x512xf32, #tpu.memory_space<vmem>>, vector<1x512xf32>,
    %get3A_50 = arith.constant 1 : index
    %get3A_51 = arith.constant 0 : index
    %get3A_52 = arith.constant 0 : index
    %get3A_53 = vector.load %arg1[%get3A_50, %get3A_51, %get3A_52] : memref<8x32x512xf32, #tpu.memory_space<vmem>>, vector<1x32x512xf32>
    %get3A_54 = vector.shape_cast %get3A_53 : vector<1x32x512xf32> to vector<32x512xf32>
    %get3A_55 = arith.constant 1 : index
    %get3A_56 = arith.constant 0 : index
    %get3A_57 = arith.constant 0 : index
    %get3A_58 = vector.load %arg2[%get3A_55, %get3A_56, %get3A_57] : memref<8x32x512xf32, #tpu.memory_space<vmem>>, vector<1x32x512xf32>
    %get3A_59 = vector.shape_cast %get3A_58 : vector<1x32x512xf32> to vector<32x512xf32>
    %mul3A_60 = arith.mulf %get3A_54, %get3A_59 : vector<32x512xf32>
    %reduce_sum3A_61 = arith.constant dense<0.000000e+00> : vector<512xf32>
    %reduce_sum3A_62 = vector.multi_reduction <add>, %mul3A_60, %reduce_sum3A_61 [0] : vector<32x512xf32> to vector<512xf32>
    %swap3A_63 = arith.constant 1 : index
    %swap3A_64 = arith.constant 0 : index
    %swap3A_65 = vector.load %arg7[%swap3A_63, %swap3A_64] : memref<8x512xf32, #tpu.memory_space<vmem>>, vector<1x512xf32>
    %swap3A_66 = vector.shape_cast %swap3A_65 : vector<1x512xf32> to vector<512xf32>
    %swap3A_67 = vector.shape_cast %reduce_sum3A_62 : vector<512xf32> to vector<1x512xf32>
    tpu.vector_store %arg7[%swap3A_63, %swap3A_64], %swap3A_67 {strides = array<i32>} : memref<8x512xf32, #tpu.memory_space<vmem>>, vector<1x512xf32>,
    %dot_general3A_68 = arith.constant dense<0.000000e+00> : vector<64x512xf32>
    %dot_general3A_69 = tpu.matmul %slice3A, %get3A_54, %dot_general3A_68 {dimension_numbers = #tpu.dot_dimension_numbers<[0], [0], [1], [1], [0, 1, 1, 1], [], []>, transpose_lhs_hint = false} : vector<32x64xf32>, vector<32x512xf32>, vector<64x512xf32> -> vector<64x512xf32>
    %dot_general3A_70 = arith.constant dense<0.000000e+00> : vector<64x512xf32>
    %dot_general3A_71 = tpu.matmul %slice3A_2, %get3A_59, %dot_general3A_70 {dimension_numbers = #tpu.dot_dimension_numbers<[0], [0], [1], [1], [0, 1, 1, 1], [], []>, transpose_lhs_hint = false} : vector<32x64xf32>, vector<32x512xf32>, vector<64x512xf32> -> vector<64x512xf32>
    %add3A_72 = arith.addf %dot_general3A_69, %dot_general3A_71 : vector<64x512xf32>
    %dot_general3A_73 = arith.constant dense<0.000000e+00> : vector<64x512xf32>
    %dot_general3A_74 = tpu.matmul %slice3A_3, %mul3A_60, %dot_general3A_73 {dimension_numbers = #tpu.dot_dimension_numbers<[0], [0], [1], [1], [0, 1, 1, 1], [], []>, transpose_lhs_hint = false} : vector<32x64xf32>, vector<32x512xf32>, vector<64x512xf32> -> vector<64x512xf32>
    %add3A_75 = arith.addf %add3A_72, %dot_general3A_74 : vector<64x512xf32>
    %add3A_76 = vector.broadcast %get3A_6 : vector<64x1xf32> to vector<64x512xf32>
    %add3A_77 = arith.addf %add3A_75, %add3A_76 : vector<64x512xf32>
    %max3A_78 = arith.constant 0.000000e+00 : f32
    %max3A_79 = vector.broadcast %max3A_78 : f32 to vector<64x512xf32>
    %max3A_80 = arith.maximumf %add3A_77, %max3A_79 : vector<64x512xf32>
    %mul3A_81 = vector.broadcast %get3A_9 : vector<64x1xf32> to vector<64x512xf32>
    %mul3A_82 = arith.mulf %max3A_80, %mul3A_81 : vector<64x512xf32>
    %reduce_sum3A_83 = arith.constant dense<0.000000e+00> : vector<512xf32>
    %reduce_sum3A_84 = vector.multi_reduction <add>, %mul3A_82, %reduce_sum3A_83 [0] : vector<64x512xf32> to vector<512xf32>
    %add3A_85 = vector.broadcast %get3A_13 : f32 to vector<512xf32>
    %add3A_86 = arith.addf %reduce_sum3A_84, %add3A_85 : vector<512xf32>
    %swap3A_87 = arith.constant 1 : index
    %swap3A_88 = arith.constant 0 : index
    %swap3A_89 = vector.load %arg8[%swap3A_87, %swap3A_88] : memref<8x512xf32, #tpu.memory_space<vmem>>, vector<1x512xf32>
    %swap3A_90 = vector.shape_cast %swap3A_89 : vector<1x512xf32> to vector<512xf32>
    %swap3A_91 = vector.shape_cast %add3A_86 : vector<512xf32> to vector<1x512xf32>
    tpu.vector_store %arg8[%swap3A_87, %swap3A_88], %swap3A_91 {strides = array<i32>} : memref<8x512xf32, #tpu.memory_space<vmem>>, vector<1x512xf32>,
    %get3A_92 = arith.constant 2 : index
    %get3A_93 = arith.constant 0 : index
    %get3A_94 = arith.constant 0 : index
    %get3A_95 = vector.load %arg1[%get3A_92, %get3A_93, %get3A_94] : memref<8x32x512xf32, #tpu.memory_space<vmem>>, vector<1x32x512xf32>
    %get3A_96 = vector.shape_cast %get3A_95 : vector<1x32x512xf32> to vector<32x512xf32>
    %get3A_97 = arith.constant 2 : index
    %get3A_98 = arith.constant 0 : index
    %get3A_99 = arith.constant 0 : index
    %get3A_100 = vector.load %arg2[%get3A_97, %get3A_98, %get3A_99] : memref<8x32x512xf32, #tpu.memory_space<vmem>>, vector<1x32x512xf32>
    %get3A_101 = vector.shape_cast %get3A_100 : vector<1x32x512xf32> to vector<32x512xf32>
    %mul3A_102 = arith.mulf %get3A_96, %get3A_101 : vector<32x512xf32>
    %reduce_sum3A_103 = arith.constant dense<0.000000e+00> : vector<512xf32>
    %reduce_sum3A_104 = vector.multi_reduction <add>, %mul3A_102, %reduce_sum3A_103 [0] : vector<32x512xf32> to vector<512xf32>
    %swap3A_105 = arith.constant 2 : index
    %swap3A_106 = arith.constant 0 : index
    %swap3A_107 = vector.load %arg7[%swap3A_105, %swap3A_106] : memref<8x512xf32, #tpu.memory_space<vmem>>, vector<1x512xf32>
    %swap3A_108 = vector.shape_cast %swap3A_107 : vector<1x512xf32> to vector<512xf32>
    %swap3A_109 = vector.shape_cast %reduce_sum3A_104 : vector<512xf32> to vector<1x512xf32>
    tpu.vector_store %arg7[%swap3A_105, %swap3A_106], %swap3A_109 {strides = array<i32>} : memref<8x512xf32, #tpu.memory_space<vmem>>, vector<1x512xf32>,
    %dot_general3A_110 = arith.constant dense<0.000000e+00> : vector<64x512xf32>
    %dot_general3A_111 = tpu.matmul %slice3A, %get3A_96, %dot_general3A_110 {dimension_numbers = #tpu.dot_dimension_numbers<[0], [0], [1], [1], [0, 1, 1, 1], [], []>, transpose_lhs_hint = false} : vector<32x64xf32>, vector<32x512xf32>, vector<64x512xf32> -> vector<64x512xf32>
    %dot_general3A_112 = arith.constant dense<0.000000e+00> : vector<64x512xf32>
    %dot_general3A_113 = tpu.matmul %slice3A_2, %get3A_101, %dot_general3A_112 {dimension_numbers = #tpu.dot_dimension_numbers<[0], [0], [1], [1], [0, 1, 1, 1], [], []>, transpose_lhs_hint = false} : vector<32x64xf32>, vector<32x512xf32>, vector<64x512xf32> -> vector<64x512xf32>
    %add3A_114 = arith.addf %dot_general3A_111, %dot_general3A_113 : vector<64x512xf32>
    %dot_general3A_115 = arith.constant dense<0.000000e+00> : vector<64x512xf32>
    %dot_general3A_116 = tpu.matmul %slice3A_3, %mul3A_102, %dot_general3A_115 {dimension_numbers = #tpu.dot_dimension_numbers<[0], [0], [1], [1], [0, 1, 1, 1], [], []>, transpose_lhs_hint = false} : vector<32x64xf32>, vector<32x512xf32>, vector<64x512xf32> -> vector<64x512xf32>
    %add3A_117 = arith.addf %add3A_114, %dot_general3A_116 : vector<64x512xf32>
    %add3A_118 = vector.broadcast %get3A_6 : vector<64x1xf32> to vector<64x512xf32>
    %add3A_119 = arith.addf %add3A_117, %add3A_118 : vector<64x512xf32>
    %max3A_120 = arith.constant 0.000000e+00 : f32
    %max3A_121 = vector.broadcast %max3A_120 : f32 to vector<64x512xf32>
    %max3A_122 = arith.maximumf %add3A_119, %max3A_121 : vector<64x512xf32>
    %mul3A_123 = vector.broadcast %get3A_9 : vector<64x1xf32> to vector<64x512xf32>
    %mul3A_124 = arith.mulf %max3A_122, %mul3A_123 : vector<64x512xf32>
    %reduce_sum3A_125 = arith.constant dense<0.000000e+00> : vector<512xf32>
    %reduce_sum3A_126 = vector.multi_reduction <add>, %mul3A_124, %reduce_sum3A_125 [0] : vector<64x512xf32> to vector<512xf32>
    %add3A_127 = vector.broadcast %get3A_13 : f32 to vector<512xf32>
    %add3A_128 = arith.addf %reduce_sum3A_126, %add3A_127 : vector<512xf32>
    %swap3A_129 = arith.constant 2 : index
    %swap3A_130 = arith.constant 0 : index
    %swap3A_131 = vector.load %arg8[%swap3A_129, %swap3A_130] : memref<8x512xf32, #tpu.memory_space<vmem>>, vector<1x512xf32>
    %swap3A_132 = vector.shape_cast %swap3A_131 : vector<1x512xf32> to vector<512xf32>
    %swap3A_133 = vector.shape_cast %add3A_128 : vector<512xf32> to vector<1x512xf32>
    tpu.vector_store %arg8[%swap3A_129, %swap3A_130], %swap3A_133 {strides = array<i32>} : memref<8x512xf32, #tpu.memory_space<vmem>>, vector<1x512xf32>,
    %get3A_134 = arith.constant 3 : index
    %get3A_135 = arith.constant 0 : index
    %get3A_136 = arith.constant 0 : index
    %get3A_137 = vector.load %arg1[%get3A_134, %get3A_135, %get3A_136] : memref<8x32x512xf32, #tpu.memory_space<vmem>>, vector<1x32x512xf32>
    %get3A_138 = vector.shape_cast %get3A_137 : vector<1x32x512xf32> to vector<32x512xf32>
    %get3A_139 = arith.constant 3 : index
    %get3A_140 = arith.constant 0 : index
    %get3A_141 = arith.constant 0 : index
    %get3A_142 = vector.load %arg2[%get3A_139, %get3A_140, %get3A_141] : memref<8x32x512xf32, #tpu.memory_space<vmem>>, vector<1x32x512xf32>
    %get3A_143 = vector.shape_cast %get3A_142 : vector<1x32x512xf32> to vector<32x512xf32>
    %mul3A_144 = arith.mulf %get3A_138, %get3A_143 : vector<32x512xf32>
    %reduce_sum3A_145 = arith.constant dense<0.000000e+00> : vector<512xf32>
    %reduce_sum3A_146 = vector.multi_reduction <add>, %mul3A_144, %reduce_sum3A_145 [0] : vector<32x512xf32> to vector<512xf32>
    %swap3A_147 = arith.constant 3 : index
    %swap3A_148 = arith.constant 0 : index
    %swap3A_149 = vector.load %arg7[%swap3A_147, %swap3A_148] : memref<8x512xf32, #tpu.memory_space<vmem>>, vector<1x512xf32>
    %swap3A_150 = vector.shape_cast %swap3A_149 : vector<1x512xf32> to vector<512xf32>
    %swap3A_151 = vector.shape_cast %reduce_sum3A_146 : vector<512xf32> to vector<1x512xf32>
    tpu.vector_store %arg7[%swap3A_147, %swap3A_148], %swap3A_151 {strides = array<i32>} : memref<8x512xf32, #tpu.memory_space<vmem>>, vector<1x512xf32>,
    %dot_general3A_152 = arith.constant dense<0.000000e+00> : vector<64x512xf32>
    %dot_general3A_153 = tpu.matmul %slice3A, %get3A_138, %dot_general3A_152 {dimension_numbers = #tpu.dot_dimension_numbers<[0], [0], [1], [1], [0, 1, 1, 1], [], []>, transpose_lhs_hint = false} : vector<32x64xf32>, vector<32x512xf32>, vector<64x512xf32> -> vector<64x512xf32>
    %dot_general3A_154 = arith.constant dense<0.000000e+00> : vector<64x512xf32>
    %dot_general3A_155 = tpu.matmul %slice3A_2, %get3A_143, %dot_general3A_154 {dimension_numbers = #tpu.dot_dimension_numbers<[0], [0], [1], [1], [0, 1, 1, 1], [], []>, transpose_lhs_hint = false} : vector<32x64xf32>, vector<32x512xf32>, vector<64x512xf32> -> vector<64x512xf32>
    %add3A_156 = arith.addf %dot_general3A_153, %dot_general3A_155 : vector<64x512xf32>
    %dot_general3A_157 = arith.constant dense<0.000000e+00> : vector<64x512xf32>
    %dot_general3A_158 = tpu.matmul %slice3A_3, %mul3A_144, %dot_general3A_157 {dimension_numbers = #tpu.dot_dimension_numbers<[0], [0], [1], [1], [0, 1, 1, 1], [], []>, transpose_lhs_hint = false} : vector<32x64xf32>, vector<32x512xf32>, vector<64x512xf32> -> vector<64x512xf32>
    %add3A_159 = arith.addf %add3A_156, %dot_general3A_158 : vector<64x512xf32>
    %add3A_160 = vector.broadcast %get3A_6 : vector<64x1xf32> to vector<64x512xf32>
    %add3A_161 = arith.addf %add3A_159, %add3A_160 : vector<64x512xf32>
    %max3A_162 = arith.constant 0.000000e+00 : f32
    %max3A_163 = vector.broadcast %max3A_162 : f32 to vector<64x512xf32>
    %max3A_164 = arith.maximumf %add3A_161, %max3A_163 : vector<64x512xf32>
    %mul3A_165 = vector.broadcast %get3A_9 : vector<64x1xf32> to vector<64x512xf32>
    %mul3A_166 = arith.mulf %max3A_164, %mul3A_165 : vector<64x512xf32>
    %reduce_sum3A_167 = arith.constant dense<0.000000e+00> : vector<512xf32>
    %reduce_sum3A_168 = vector.multi_reduction <add>, %mul3A_166, %reduce_sum3A_167 [0] : vector<64x512xf32> to vector<512xf32>
    %add3A_169 = vector.broadcast %get3A_13 : f32 to vector<512xf32>
    %add3A_170 = arith.addf %reduce_sum3A_168, %add3A_169 : vector<512xf32>
    %swap3A_171 = arith.constant 3 : index
    %swap3A_172 = arith.constant 0 : index
    %swap3A_173 = vector.load %arg8[%swap3A_171, %swap3A_172] : memref<8x512xf32, #tpu.memory_space<vmem>>, vector<1x512xf32>
    %swap3A_174 = vector.shape_cast %swap3A_173 : vector<1x512xf32> to vector<512xf32>
    %swap3A_175 = vector.shape_cast %add3A_170 : vector<512xf32> to vector<1x512xf32>
    tpu.vector_store %arg8[%swap3A_171, %swap3A_172], %swap3A_175 {strides = array<i32>} : memref<8x512xf32, #tpu.memory_space<vmem>>, vector<1x512xf32>,
    %get3A_176 = arith.constant 4 : index
    %get3A_177 = arith.constant 0 : index
    %get3A_178 = arith.constant 0 : index
    %get3A_179 = vector.load %arg1[%get3A_176, %get3A_177, %get3A_178] : memref<8x32x512xf32, #tpu.memory_space<vmem>>, vector<1x32x512xf32>
    %get3A_180 = vector.shape_cast %get3A_179 : vector<1x32x512xf32> to vector<32x512xf32>
    %get3A_181 = arith.constant 4 : index
    %get3A_182 = arith.constant 0 : index
    %get3A_183 = arith.constant 0 : index
    %get3A_184 = vector.load %arg2[%get3A_181, %get3A_182, %get3A_183] : memref<8x32x512xf32, #tpu.memory_space<vmem>>, vector<1x32x512xf32>
    %get3A_185 = vector.shape_cast %get3A_184 : vector<1x32x512xf32> to vector<32x512xf32>
    %mul3A_186 = arith.mulf %get3A_180, %get3A_185 : vector<32x512xf32>
    %reduce_sum3A_187 = arith.constant dense<0.000000e+00> : vector<512xf32>
    %reduce_sum3A_188 = vector.multi_reduction <add>, %mul3A_186, %reduce_sum3A_187 [0] : vector<32x512xf32> to vector<512xf32>
    %swap3A_189 = arith.constant 4 : index
    %swap3A_190 = arith.constant 0 : index
    %swap3A_191 = vector.load %arg7[%swap3A_189, %swap3A_190] : memref<8x512xf32, #tpu.memory_space<vmem>>, vector<1x512xf32>
    %swap3A_192 = vector.shape_cast %swap3A_191 : vector<1x512xf32> to vector<512xf32>
    %swap3A_193 = vector.shape_cast %reduce_sum3A_188 : vector<512xf32> to vector<1x512xf32>
    tpu.vector_store %arg7[%swap3A_189, %swap3A_190], %swap3A_193 {strides = array<i32>} : memref<8x512xf32, #tpu.memory_space<vmem>>, vector<1x512xf32>,
    %dot_general3A_194 = arith.constant dense<0.000000e+00> : vector<64x512xf32>
    %dot_general3A_195 = tpu.matmul %slice3A, %get3A_180, %dot_general3A_194 {dimension_numbers = #tpu.dot_dimension_numbers<[0], [0], [1], [1], [0, 1, 1, 1], [], []>, transpose_lhs_hint = false} : vector<32x64xf32>, vector<32x512xf32>, vector<64x512xf32> -> vector<64x512xf32>
    %dot_general3A_196 = arith.constant dense<0.000000e+00> : vector<64x512xf32>
    %dot_general3A_197 = tpu.matmul %slice3A_2, %get3A_185, %dot_general3A_196 {dimension_numbers = #tpu.dot_dimension_numbers<[0], [0], [1], [1], [0, 1, 1, 1], [], []>, transpose_lhs_hint = false} : vector<32x64xf32>, vector<32x512xf32>, vector<64x512xf32> -> vector<64x512xf32>
    %add3A_198 = arith.addf %dot_general3A_195, %dot_general3A_197 : vector<64x512xf32>
    %dot_general3A_199 = arith.constant dense<0.000000e+00> : vector<64x512xf32>
    %dot_general3A_200 = tpu.matmul %slice3A_3, %mul3A_186, %dot_general3A_199 {dimension_numbers = #tpu.dot_dimension_numbers<[0], [0], [1], [1], [0, 1, 1, 1], [], []>, transpose_lhs_hint = false} : vector<32x64xf32>, vector<32x512xf32>, vector<64x512xf32> -> vector<64x512xf32>
    %add3A_201 = arith.addf %add3A_198, %dot_general3A_200 : vector<64x512xf32>
    %add3A_202 = vector.broadcast %get3A_6 : vector<64x1xf32> to vector<64x512xf32>
    %add3A_203 = arith.addf %add3A_201, %add3A_202 : vector<64x512xf32>
    %max3A_204 = arith.constant 0.000000e+00 : f32
    %max3A_205 = vector.broadcast %max3A_204 : f32 to vector<64x512xf32>
    %max3A_206 = arith.maximumf %add3A_203, %max3A_205 : vector<64x512xf32>
    %mul3A_207 = vector.broadcast %get3A_9 : vector<64x1xf32> to vector<64x512xf32>
    %mul3A_208 = arith.mulf %max3A_206, %mul3A_207 : vector<64x512xf32>
    %reduce_sum3A_209 = arith.constant dense<0.000000e+00> : vector<512xf32>
    %reduce_sum3A_210 = vector.multi_reduction <add>, %mul3A_208, %reduce_sum3A_209 [0] : vector<64x512xf32> to vector<512xf32>
    %add3A_211 = vector.broadcast %get3A_13 : f32 to vector<512xf32>
    %add3A_212 = arith.addf %reduce_sum3A_210, %add3A_211 : vector<512xf32>
    %swap3A_213 = arith.constant 4 : index
    %swap3A_214 = arith.constant 0 : index
    %swap3A_215 = vector.load %arg8[%swap3A_213, %swap3A_214] : memref<8x512xf32, #tpu.memory_space<vmem>>, vector<1x512xf32>
    %swap3A_216 = vector.shape_cast %swap3A_215 : vector<1x512xf32> to vector<512xf32>
    %swap3A_217 = vector.shape_cast %add3A_212 : vector<512xf32> to vector<1x512xf32>
    tpu.vector_store %arg8[%swap3A_213, %swap3A_214], %swap3A_217 {strides = array<i32>} : memref<8x512xf32, #tpu.memory_space<vmem>>, vector<1x512xf32>,
    %get3A_218 = arith.constant 5 : index
    %get3A_219 = arith.constant 0 : index
    %get3A_220 = arith.constant 0 : index
    %get3A_221 = vector.load %arg1[%get3A_218, %get3A_219, %get3A_220] : memref<8x32x512xf32, #tpu.memory_space<vmem>>, vector<1x32x512xf32>
    %get3A_222 = vector.shape_cast %get3A_221 : vector<1x32x512xf32> to vector<32x512xf32>
    %get3A_223 = arith.constant 5 : index
    %get3A_224 = arith.constant 0 : index
    %get3A_225 = arith.constant 0 : index
    %get3A_226 = vector.load %arg2[%get3A_223, %get3A_224, %get3A_225] : memref<8x32x512xf32, #tpu.memory_space<vmem>>, vector<1x32x512xf32>
    %get3A_227 = vector.shape_cast %get3A_226 : vector<1x32x512xf32> to vector<32x512xf32>
    %mul3A_228 = arith.mulf %get3A_222, %get3A_227 : vector<32x512xf32>
    %reduce_sum3A_229 = arith.constant dense<0.000000e+00> : vector<512xf32>
    %reduce_sum3A_230 = vector.multi_reduction <add>, %mul3A_228, %reduce_sum3A_229 [0] : vector<32x512xf32> to vector<512xf32>
    %swap3A_231 = arith.constant 5 : index
    %swap3A_232 = arith.constant 0 : index
    %swap3A_233 = vector.load %arg7[%swap3A_231, %swap3A_232] : memref<8x512xf32, #tpu.memory_space<vmem>>, vector<1x512xf32>
    %swap3A_234 = vector.shape_cast %swap3A_233 : vector<1x512xf32> to vector<512xf32>
    %swap3A_235 = vector.shape_cast %reduce_sum3A_230 : vector<512xf32> to vector<1x512xf32>
    tpu.vector_store %arg7[%swap3A_231, %swap3A_232], %swap3A_235 {strides = array<i32>} : memref<8x512xf32, #tpu.memory_space<vmem>>, vector<1x512xf32>,
    %dot_general3A_236 = arith.constant dense<0.000000e+00> : vector<64x512xf32>
    %dot_general3A_237 = tpu.matmul %slice3A, %get3A_222, %dot_general3A_236 {dimension_numbers = #tpu.dot_dimension_numbers<[0], [0], [1], [1], [0, 1, 1, 1], [], []>, transpose_lhs_hint = false} : vector<32x64xf32>, vector<32x512xf32>, vector<64x512xf32> -> vector<64x512xf32>
    %dot_general3A_238 = arith.constant dense<0.000000e+00> : vector<64x512xf32>
    %dot_general3A_239 = tpu.matmul %slice3A_2, %get3A_227, %dot_general3A_238 {dimension_numbers = #tpu.dot_dimension_numbers<[0], [0], [1], [1], [0, 1, 1, 1], [], []>, transpose_lhs_hint = false} : vector<32x64xf32>, vector<32x512xf32>, vector<64x512xf32> -> vector<64x512xf32>
    %add3A_240 = arith.addf %dot_general3A_237, %dot_general3A_239 : vector<64x512xf32>
    %dot_general3A_241 = arith.constant dense<0.000000e+00> : vector<64x512xf32>
    %dot_general3A_242 = tpu.matmul %slice3A_3, %mul3A_228, %dot_general3A_241 {dimension_numbers = #tpu.dot_dimension_numbers<[0], [0], [1], [1], [0, 1, 1, 1], [], []>, transpose_lhs_hint = false} : vector<32x64xf32>, vector<32x512xf32>, vector<64x512xf32> -> vector<64x512xf32>
    %add3A_243 = arith.addf %add3A_240, %dot_general3A_242 : vector<64x512xf32>
    %add3A_244 = vector.broadcast %get3A_6 : vector<64x1xf32> to vector<64x512xf32>
    %add3A_245 = arith.addf %add3A_243, %add3A_244 : vector<64x512xf32>
    %max3A_246 = arith.constant 0.000000e+00 : f32
    %max3A_247 = vector.broadcast %max3A_246 : f32 to vector<64x512xf32>
    %max3A_248 = arith.maximumf %add3A_245, %max3A_247 : vector<64x512xf32>
    %mul3A_249 = vector.broadcast %get3A_9 : vector<64x1xf32> to vector<64x512xf32>
    %mul3A_250 = arith.mulf %max3A_248, %mul3A_249 : vector<64x512xf32>
    %reduce_sum3A_251 = arith.constant dense<0.000000e+00> : vector<512xf32>
    %reduce_sum3A_252 = vector.multi_reduction <add>, %mul3A_250, %reduce_sum3A_251 [0] : vector<64x512xf32> to vector<512xf32>
    %add3A_253 = vector.broadcast %get3A_13 : f32 to vector<512xf32>
    %add3A_254 = arith.addf %reduce_sum3A_252, %add3A_253 : vector<512xf32>
    %swap3A_255 = arith.constant 5 : index
    %swap3A_256 = arith.constant 0 : index
    %swap3A_257 = vector.load %arg8[%swap3A_255, %swap3A_256] : memref<8x512xf32, #tpu.memory_space<vmem>>, vector<1x512xf32>
    %swap3A_258 = vector.shape_cast %swap3A_257 : vector<1x512xf32> to vector<512xf32>
    %swap3A_259 = vector.shape_cast %add3A_254 : vector<512xf32> to vector<1x512xf32>
    tpu.vector_store %arg8[%swap3A_255, %swap3A_256], %swap3A_259 {strides = array<i32>} : memref<8x512xf32, #tpu.memory_space<vmem>>, vector<1x512xf32>,
    %get3A_260 = arith.constant 6 : index
    %get3A_261 = arith.constant 0 : index
    %get3A_262 = arith.constant 0 : index
    %get3A_263 = vector.load %arg1[%get3A_260, %get3A_261, %get3A_262] : memref<8x32x512xf32, #tpu.memory_space<vmem>>, vector<1x32x512xf32>
    %get3A_264 = vector.shape_cast %get3A_263 : vector<1x32x512xf32> to vector<32x512xf32>
    %get3A_265 = arith.constant 6 : index
    %get3A_266 = arith.constant 0 : index
    %get3A_267 = arith.constant 0 : index
    %get3A_268 = vector.load %arg2[%get3A_265, %get3A_266, %get3A_267] : memref<8x32x512xf32, #tpu.memory_space<vmem>>, vector<1x32x512xf32>
    %get3A_269 = vector.shape_cast %get3A_268 : vector<1x32x512xf32> to vector<32x512xf32>
    %mul3A_270 = arith.mulf %get3A_264, %get3A_269 : vector<32x512xf32>
    %reduce_sum3A_271 = arith.constant dense<0.000000e+00> : vector<512xf32>
    %reduce_sum3A_272 = vector.multi_reduction <add>, %mul3A_270, %reduce_sum3A_271 [0] : vector<32x512xf32> to vector<512xf32>
    %swap3A_273 = arith.constant 6 : index
    %swap3A_274 = arith.constant 0 : index
    %swap3A_275 = vector.load %arg7[%swap3A_273, %swap3A_274] : memref<8x512xf32, #tpu.memory_space<vmem>>, vector<1x512xf32>
    %swap3A_276 = vector.shape_cast %swap3A_275 : vector<1x512xf32> to vector<512xf32>
    %swap3A_277 = vector.shape_cast %reduce_sum3A_272 : vector<512xf32> to vector<1x512xf32>
    tpu.vector_store %arg7[%swap3A_273, %swap3A_274], %swap3A_277 {strides = array<i32>} : memref<8x512xf32, #tpu.memory_space<vmem>>, vector<1x512xf32>,
    %dot_general3A_278 = arith.constant dense<0.000000e+00> : vector<64x512xf32>
    %dot_general3A_279 = tpu.matmul %slice3A, %get3A_264, %dot_general3A_278 {dimension_numbers = #tpu.dot_dimension_numbers<[0], [0], [1], [1], [0, 1, 1, 1], [], []>, transpose_lhs_hint = false} : vector<32x64xf32>, vector<32x512xf32>, vector<64x512xf32> -> vector<64x512xf32>
    %dot_general3A_280 = arith.constant dense<0.000000e+00> : vector<64x512xf32>
    %dot_general3A_281 = tpu.matmul %slice3A_2, %get3A_269, %dot_general3A_280 {dimension_numbers = #tpu.dot_dimension_numbers<[0], [0], [1], [1], [0, 1, 1, 1], [], []>, transpose_lhs_hint = false} : vector<32x64xf32>, vector<32x512xf32>, vector<64x512xf32> -> vector<64x512xf32>
    %add3A_282 = arith.addf %dot_general3A_279, %dot_general3A_281 : vector<64x512xf32>
    %dot_general3A_283 = arith.constant dense<0.000000e+00> : vector<64x512xf32>
    %dot_general3A_284 = tpu.matmul %slice3A_3, %mul3A_270, %dot_general3A_283 {dimension_numbers = #tpu.dot_dimension_numbers<[0], [0], [1], [1], [0, 1, 1, 1], [], []>, transpose_lhs_hint = false} : vector<32x64xf32>, vector<32x512xf32>, vector<64x512xf32> -> vector<64x512xf32>
    %add3A_285 = arith.addf %add3A_282, %dot_general3A_284 : vector<64x512xf32>
    %add3A_286 = vector.broadcast %get3A_6 : vector<64x1xf32> to vector<64x512xf32>
    %add3A_287 = arith.addf %add3A_285, %add3A_286 : vector<64x512xf32>
    %max3A_288 = arith.constant 0.000000e+00 : f32
    %max3A_289 = vector.broadcast %max3A_288 : f32 to vector<64x512xf32>
    %max3A_290 = arith.maximumf %add3A_287, %max3A_289 : vector<64x512xf32>
    %mul3A_291 = vector.broadcast %get3A_9 : vector<64x1xf32> to vector<64x512xf32>
    %mul3A_292 = arith.mulf %max3A_290, %mul3A_291 : vector<64x512xf32>
    %reduce_sum3A_293 = arith.constant dense<0.000000e+00> : vector<512xf32>
    %reduce_sum3A_294 = vector.multi_reduction <add>, %mul3A_292, %reduce_sum3A_293 [0] : vector<64x512xf32> to vector<512xf32>
    %add3A_295 = vector.broadcast %get3A_13 : f32 to vector<512xf32>
    %add3A_296 = arith.addf %reduce_sum3A_294, %add3A_295 : vector<512xf32>
    %swap3A_297 = arith.constant 6 : index
    %swap3A_298 = arith.constant 0 : index
    %swap3A_299 = vector.load %arg8[%swap3A_297, %swap3A_298] : memref<8x512xf32, #tpu.memory_space<vmem>>, vector<1x512xf32>
    %swap3A_300 = vector.shape_cast %swap3A_299 : vector<1x512xf32> to vector<512xf32>
    %swap3A_301 = vector.shape_cast %add3A_296 : vector<512xf32> to vector<1x512xf32>
    tpu.vector_store %arg8[%swap3A_297, %swap3A_298], %swap3A_301 {strides = array<i32>} : memref<8x512xf32, #tpu.memory_space<vmem>>, vector<1x512xf32>,
    %get3A_302 = arith.constant 7 : index
    %get3A_303 = arith.constant 0 : index
    %get3A_304 = arith.constant 0 : index
    %get3A_305 = vector.load %arg1[%get3A_302, %get3A_303, %get3A_304] : memref<8x32x512xf32, #tpu.memory_space<vmem>>, vector<1x32x512xf32>
    %get3A_306 = vector.shape_cast %get3A_305 : vector<1x32x512xf32> to vector<32x512xf32>
    %get3A_307 = arith.constant 7 : index
    %get3A_308 = arith.constant 0 : index
    %get3A_309 = arith.constant 0 : index
    %get3A_310 = vector.load %arg2[%get3A_307, %get3A_308, %get3A_309] : memref<8x32x512xf32, #tpu.memory_space<vmem>>, vector<1x32x512xf32>
    %get3A_311 = vector.shape_cast %get3A_310 : vector<1x32x512xf32> to vector<32x512xf32>
    %mul3A_312 = arith.mulf %get3A_306, %get3A_311 : vector<32x512xf32>
    %reduce_sum3A_313 = arith.constant dense<0.000000e+00> : vector<512xf32>
    %reduce_sum3A_314 = vector.multi_reduction <add>, %mul3A_312, %reduce_sum3A_313 [0] : vector<32x512xf32> to vector<512xf32>
    %swap3A_315 = arith.constant 7 : index
    %swap3A_316 = arith.constant 0 : index
    %swap3A_317 = vector.load %arg7[%swap3A_315, %swap3A_316] : memref<8x512xf32, #tpu.memory_space<vmem>>, vector<1x512xf32>
    %swap3A_318 = vector.shape_cast %swap3A_317 : vector<1x512xf32> to vector<512xf32>
    %swap3A_319 = vector.shape_cast %reduce_sum3A_314 : vector<512xf32> to vector<1x512xf32>
    tpu.vector_store %arg7[%swap3A_315, %swap3A_316], %swap3A_319 {strides = array<i32>} : memref<8x512xf32, #tpu.memory_space<vmem>>, vector<1x512xf32>,
    %dot_general3A_320 = arith.constant dense<0.000000e+00> : vector<64x512xf32>
    %dot_general3A_321 = tpu.matmul %slice3A, %get3A_306, %dot_general3A_320 {dimension_numbers = #tpu.dot_dimension_numbers<[0], [0], [1], [1], [0, 1, 1, 1], [], []>, transpose_lhs_hint = false} : vector<32x64xf32>, vector<32x512xf32>, vector<64x512xf32> -> vector<64x512xf32>
    %dot_general3A_322 = arith.constant dense<0.000000e+00> : vector<64x512xf32>
    %dot_general3A_323 = tpu.matmul %slice3A_2, %get3A_311, %dot_general3A_322 {dimension_numbers = #tpu.dot_dimension_numbers<[0], [0], [1], [1], [0, 1, 1, 1], [], []>, transpose_lhs_hint = false} : vector<32x64xf32>, vector<32x512xf32>, vector<64x512xf32> -> vector<64x512xf32>
    %add3A_324 = arith.addf %dot_general3A_321, %dot_general3A_323 : vector<64x512xf32>
    %dot_general3A_325 = arith.constant dense<0.000000e+00> : vector<64x512xf32>
    %dot_general3A_326 = tpu.matmul %slice3A_3, %mul3A_312, %dot_general3A_325 {dimension_numbers = #tpu.dot_dimension_numbers<[0], [0], [1], [1], [0, 1, 1, 1], [], []>, transpose_lhs_hint = false} : vector<32x64xf32>, vector<32x512xf32>, vector<64x512xf32> -> vector<64x512xf32>
    %add3A_327 = arith.addf %add3A_324, %dot_general3A_326 : vector<64x512xf32>
    %add3A_328 = vector.broadcast %get3A_6 : vector<64x1xf32> to vector<64x512xf32>
    %add3A_329 = arith.addf %add3A_327, %add3A_328 : vector<64x512xf32>
    %max3A_330 = arith.constant 0.000000e+00 : f32
    %max3A_331 = vector.broadcast %max3A_330 : f32 to vector<64x512xf32>
    %max3A_332 = arith.maximumf %add3A_329, %max3A_331 : vector<64x512xf32>
    %mul3A_333 = vector.broadcast %get3A_9 : vector<64x1xf32> to vector<64x512xf32>
    %mul3A_334 = arith.mulf %max3A_332, %mul3A_333 : vector<64x512xf32>
    %reduce_sum3A_335 = arith.constant dense<0.000000e+00> : vector<512xf32>
    %reduce_sum3A_336 = vector.multi_reduction <add>, %mul3A_334, %reduce_sum3A_335 [0] : vector<64x512xf32> to vector<512xf32>
    %add3A_337 = vector.broadcast %get3A_13 : f32 to vector<512xf32>
    %add3A_338 = arith.addf %reduce_sum3A_336, %add3A_337 : vector<512xf32>
    %swap3A_339 = arith.constant 7 : index
    %swap3A_340 = arith.constant 0 : index
    %swap3A_341 = vector.load %arg8[%swap3A_339, %swap3A_340] : memref<8x512xf32, #tpu.memory_space<vmem>>, vector<1x512xf32>
    %swap3A_342 = vector.shape_cast %swap3A_341 : vector<1x512xf32> to vector<512xf32>
    %swap3A_343 = vector.shape_cast %add3A_338 : vector<512xf32> to vector<1x512xf32>
    tpu.vector_store %arg8[%swap3A_339, %swap3A_340], %swap3A_343 {strides = array<i32>} : memref<8x512xf32, #tpu.memory_space<vmem>>, vector<1x512xf32>,
    return
  }
  func.func @transform_0(%arg0: i32) -> (i32, i32, i32) {
    %c0_i32 = arith.constant 0 : i32
    %c0_i32_0 = arith.constant 0 : i32
    %c0_i32_1 = arith.constant 0 : i32
    return %arg0, %c0_i32, %c0_i32_0 : i32, i32, i32
  }
  func.func @transform_1(%arg0: i32) -> (i32, i32, i32) {
    %c0_i32 = arith.constant 0 : i32
    %c0_i32_0 = arith.constant 0 : i32
    %c0_i32_1 = arith.constant 0 : i32
    return %arg0, %c0_i32, %c0_i32_0 : i32, i32, i32
  }
  func.func @transform_2(%arg0: i32) -> (i32, i32) {
    %c0_i32 = arith.constant 0 : i32
    %c0_i32_0 = arith.constant 0 : i32
    %c0_i32_1 = arith.constant 0 : i32
    return %c0_i32, %c0_i32_0 : i32, i32
  }
  func.func @transform_3(%arg0: i32) -> (i32, i32) {
    %c0_i32 = arith.constant 0 : i32
    %c0_i32_0 = arith.constant 0 : i32
    %c0_i32_1 = arith.constant 0 : i32
    return %c0_i32, %c0_i32_0 : i32, i32
  }
  func.func @transform_4(%arg0: i32) -> (i32, i32) {
    %c0_i32 = arith.constant 0 : i32
    %c0_i32_0 = arith.constant 0 : i32
    %c0_i32_1 = arith.constant 0 : i32
    return %c0_i32, %c0_i32_0 : i32, i32
  }
  func.func @transform_5(%arg0: i32) -> (i32, i32) {
    %c0_i32 = arith.constant 0 : i32
    %c0_i32_0 = arith.constant 0 : i32
    %c0_i32_1 = arith.constant 0 : i32
    return %c0_i32, %c0_i32_0 : i32, i32
  }
  func.func @transform_6(%arg0: i32) -> (i32, i32) {
    %c0_i32 = arith.constant 0 : i32
    %c0_i32_0 = arith.constant 0 : i32
    return %arg0, %c0_i32 : i32, i32
  }
  func.func @transform_7(%arg0: i32) -> (i32, i32) {
    %c0_i32 = arith.constant 0 : i32
    %c0_i32_0 = arith.constant 0 : i32
    return %arg0, %c0_i32 : i32, i32
  }
}

</mosaic_0001>

<sc_bundles>
// kernel: kernel.4.cloned.1.call-start
scs
__scs_entry_jumppad:
0x0: {  	(pc) =	sbr.rel $0x88, $3  }
0x1: {  	(tag) =	ssettag $0x0;
	lr =	simm.s32 $0x1  }
0x2: {  	[smem:$0x3F99] =	sst lr;
	_ =	strace $0xD0000000  }
0x3: {  	_ = 	snop  }
0x4: {  	_ = 	snop  }
0x5: {  	_ = 	snop  }
0x6: {  	_ = 	snop  }
0x7: {  	_ = 	snop  }
__scs_overlays_trampoline_lowered:
0x8: {  	[smem:$0x3FA8] =	sst s0  }
0x9: {  	[smem:$0x3FA9] =	sst s1  }
0xa: {  	[smem:$0x3FAA] =	sst s2  }
0xb: {  	[smem:$0x3FAB] =	sst s3  }
0xc: {  	[smem:$0x3FAC] =	sst s4  }
0xd: {  	[smem:$0x3FAD] =	sst s5  }
0xe: {  	[smem:$0x3FAE] =	sst s6  }
0xf: {  	[smem:$0x3FAF] =	sst s7  }
0x10: {  	[smem:$0x3FB0] =	sst s8  }
0x11: {  	[smem:$0x3FB1] =	sst s9;
	s0 =	simm.s32 @!p0 $0x0  }
0x12: {  	s1 =	sld [smem:$0x3F97];
	s0 =	simm.s32 @p0 $0x1  }
0x13: {  	[smem:$0x3FB2] =	sst s0;
	s0 =	simm.s32 @!p1 $0x0  }
0x14: {  	s2 =	sld [smem:$0x3F96];
	s0 =	simm.s32 @p1 $0x1  }
0x15: {  	[smem:$0x3FB3] =	sst s0;
	s0 =	simm.s32 @!p2 $0x0  }
0x16: {  	s3 =	sld [smem:$0x3FDB];
	s0 =	simm.s32 @p2 $0x1  }
0x17: {  	s4 =	simm.s32 $0x1BF5;
	[smem:$0x3FB5] =	sst s0  }
0x18: {  	s0 =	sld [smem:$0x3F98];
	_ =	swait.ge [sflag:s4], $0x0  }
0x19: {  	s7 =	sld [smem:$0x3F99]  }
0x1a: {  	s8 =	sadd.s32 $0xFFFFE003, lr  }
0x1b: {  	s9 =	sadd.s32 $0xFFFFFEF7, lr;
	s5 =	simm.s32 $0xFFFFFFFF;
	p2 =	slt.u32 s8, $0xFFFFF086  }
0x1c: {  	p1 =	slt.u32 s9, $0xF7A;
	s5 =	simm.s32 @!p2 $0x0  }
0x1d: {  	s5 =	simm.s32 @p1 $0x1;
	p0 =	seq.s32 s7, s2  }
0x1e: {  	s7 =	smul.u32 @!p0 $0xF7A, s2;
	p2 =	seq.s32 @!p0 s5, $0x0  }
0x1f: {  	s9 =	smul.u32 $0xF7A, s1;
	s8 =	simm.s32 @!p0 $0x1BF5;
	p2 =	por !p2, p0  }
0x20: {  	[sflag:s8] =	ssyncset.s32 @!p0 $0xFFFFF086;
	s6 =	sadd.s32 @!p0 s3, s7;
	s7 =	simm.s32 @!p0 $0x108  }
0x21: {  	s3 =	sadd.s32 s3, s9;
	s6 =	sadd.s32 @!p0 $0x88, s6;
	s7 =	simm.s32 @p2 $0x1082  }
0x22: {  	[simem:s7], [sflag:s8] =	dma.local @!p0 [hbm:s6], $0xF7A  }
0x23: {  	s9 =	sor.u32 $0xD0000000, s2;
	s6 =	simm.s32 $0x108;
	_ =	swait.ge @!p0 [sflag:s8], $0x0  }
0x24: {  	s3 =	sadd.s32 $0x88, s3;
	s6 =	simm.s32 @!p1 $0x1082;
	[sflag:s4] =	ssyncset.s32 $0xFFFFF086  }
0x25: {  	[simem:s6], [sflag:s4] =	dma.local [hbm:s3], $0xF7A  }
0x26: {  	[smem:$0x3F99] =	sst s1;
	(tag) =	ssettag s2;
	_ =	strace s9  }
0x27: {  	s1 =	sld [smem:$0x3FA9]  }
0x28: {  	s2 =	sld [smem:$0x3FAA]  }
0x29: {  	s4 =	sld [smem:$0x3FAC]  }
0x2a: {  	p0 =	seq.s32 s5, $0x0;
	s5 =	sld [smem:$0x3FAD]  }
0x2b: {  	s6 =	sld [smem:$0x3FAE]  }
0x2c: {  	s7 =	sld [smem:$0x3FAF]  }
0x2d: {  	s3 =	simm.s32 $0x108;
	s8 =	sld [smem:$0x3FB0]  }
0x2e: {  	s3 =	simm.s32 @!p0 $0x1082;
	s9 =	sld [smem:$0x3FB1]  }
0x2f: {  	lr =	sadd.s32 s0, s3;
	s0 =	sld [smem:$0x3FA8]  }
0x30: {  	s3 =	sld [smem:$0x3FAB]  }
0x31: {  	[smem:$0x3FB4] =	sst s10  }
0x32: {  	s10 =	sld [smem:$0x3FB2];
	_ =	sdelay $0x3  }
0x33: {  	p0 =	seq.s32 s10, $0x1;
	s10 =	sld [smem:$0x3FB4];
	_ =	sdelay $0x3  }
0x34: {  	[smem:$0x3FB4] =	sst s10  }
0x35: {  	s10 =	sld [smem:$0x3FB3];
	_ =	sdelay $0x3  }
0x36: {  	p1 =	seq.s32 s10, $0x1;
	s10 =	sld [smem:$0x3FB4];
	_ =	sdelay $0x3  }
0x37: {  	[smem:$0x3FB4] =	sst s10  }
0x38: {  	s10 =	sld [smem:$0x3FB5]  }
0x39: {  	_ = 	snop;
	(pc) =	sbr.ind lr, $3  }
0x3a: {  	_ = 	snop  }
0x3b: {  	_ = 	snop  }
0x3c: {  	p2 =	seq.s32 s10, $0x1;
	s10 =	sld [smem:$0x3FB4]  }
0x3d: {  	_ =	shalt  }
0x3e: {  	_ =	shalt  }
0x3f: {  	_ =	shalt  }
0x40: {  	_ =	shalt  }
0x41: {  	_ =	shalt  }
0x42: {  	_ =	shalt  }
0x43: {  	_ =	shalt  }
0x44: {  	_ =	shalt  }
0x45: {  	_ =	shalt  }
0x46: {  	_ =	shalt  }
0x47: {  	_ =	shalt  }
0x48: {  	_ =	shalt  }
0x49: {  	_ =	shalt  }
0x4a: {  	_ =	shalt  }
0x4b: {  	_ =	shalt  }
0x4c: {  	_ =	shalt  }
0x4d: {  	_ =	shalt  }
0x4e: {  	_ =	shalt  }
0x4f: {  	_ =	shalt  }
0x50: {  	_ =	shalt  }
0x51: {  	_ =	shalt  }
0x52: {  	_ =	shalt  }
0x53: {  	_ =	shalt  }
0x54: {  	_ =	shalt  }
0x55: {  	_ =	shalt  }
0x56: {  	_ =	shalt  }
0x57: {  	_ =	shalt  }
0x58: {  	_ =	shalt  }
0x59: {  	_ =	shalt  }
0x5a: {  	_ =	shalt  }
0x5b: {  	_ =	shalt  }
0x5c: {  	_ =	shalt  }
0x5d: {  	_ =	shalt  }
0x5e: {  	_ =	shalt  }
0x5f: {  	_ =	shalt  }
0x60: {  	_ =	shalt  }
0x61: {  	_ =	shalt  }
0x62: {  	_ =	shalt  }
0x63: {  	_ =	shalt  }
0x64: {  	_ =	shalt  }
0x65: {  	_ =	shalt  }
0x66: {  	_ =	shalt  }
0x67: {  	_ =	shalt  }
0x68: {  	_ =	shalt  }
0x69: {  	_ =	shalt  }
0x6a: {  	_ =	shalt  }
0x6b: {  	_ =	shalt  }
0x6c: {  	_ =	shalt  }
0x6d: {  	_ =	shalt  }
0x6e: {  	_ =	shalt  }
0x6f: {  	_ =	shalt  }
0x70: {  	_ =	shalt  }
0x71: {  	_ =	shalt  }
0x72: {  	_ =	shalt  }
0x73: {  	_ =	shalt  }
0x74: {  	_ =	shalt  }
0x75: {  	_ =	shalt  }
0x76: {  	_ =	shalt  }
0x77: {  	_ =	shalt  }
0x78: {  	_ =	shalt  }
0x79: {  	_ =	shalt  }
0x7a: {  	_ =	shalt  }
0x7b: {  	_ =	shalt  }
0x7c: {  	_ =	shalt  }
0x7d: {  	_ =	shalt  }
0x7e: {  	_ =	shalt  }
0x7f: {  	_ =	shalt  }
0x80: {  	_ =	shalt  }
0x81: {  	_ =	shalt  }
0x82: {  	_ =	shalt  }
0x83: {  	_ =	shalt  }
0x84: {  	_ =	shalt  }
0x85: {  	_ =	shalt  }
0x86: {  	_ =	shalt  }
0x87: {  	_ =	shalt  }
.Lfunc_end0:
.L_simem_size_0:
called_computation_lowered:
.L_overlay_start_0:
0x88: {  	s2 =	sld [smem:$0x3FD9]  }
0x89: {  	s3 =	sld [smem:$0x3FFE];
	_ =	sdelay $0x1  }
0x8a: {  	s1 =	srdreg.scid  }
0x8b: {  	s0 =	sand.u32 $0x1, s1  }
0x8c: {  	s14 =	sshll.u32 s0, $0xA;
	s2 =	sadd.s32 s3, s2  }
0x8d: {  	s2 =	sadd.s32 s2, s14  }
0x8e: {  	[smem:$0x3FC0] =	sst s2  }
0x8f: {  	_ = 	snop  }
0x90: {  	s2 =	sld [smem:$0x3FD0];
	_ =	sdelay $0x1  }
0x91: {  	s15 =	sld [smem:$0x3FC7]  }
0x92: {  	s5 =	simm.s32 $0xA;
	s6 =	simm.s32 $0x10;
	s4 =	sld [smem:$0x3FC6]  }
0x93: {  	[smem:s6], [sflag:s5] =	dma.local [hbm:s2], $0x1  }
0x94: {  	_ =	swait.eq [sflag:s5], $0x1  }
0x95: {  	[sflag:s5] =	ssyncset.done $0x0  }
0x96: {  	s16 =	sld [smem:$0x10];
	[sflag:s5] =	ssyncadd.s32 $0xFFFFFFFF  }
0x97: {  	s17 =	sld [smem:$0x11];
	(tm) =	ssettm $0x1  }
0x98: {  	s18 =	sld [smem:$0x3FFB];
	_ =	sdelay $0x3  }
0x99: {  	_ =	strace s18  }
0x9a: {  	s6 =	sld [smem:$0x3FFC];
	_ =	sdelay $0x3  }
0x9b: {  	_ =	strace s6  }
0x9c: {  	s6 =	sld [smem:$0x3FFD];
	_ =	sdelay $0x3  }
0x9d: {  	_ =	strace s6  }
0x9e: {  	_ =	strace $0x8FFFFFFF  }
0x9f: {  	s19 =	sld [smem:$0x3FDB];
	_ =	sdelay $0x1  }
0xa0: {  	s7 =	simm.s32 $_scs_section_size  }
0xa1: {  	s8 =	simm.s32 $_size__tile_overlayer_lowered;
	s9 =	simm.s32 $_tile_overlayer_lowered  }
0xa2: {  	s22 =	simm.s32 $0x1BFF;
	s21 =	sshll.u32 s9, $0x1;
	s6 =	sadd.s32 s7, s19  }
0xa3: {  	s10 =	simm.s32 $0x0;
	s20 =	sshll.u32 s8, $0x1;
	s8 =	sadd.s32 s21, s6  }
0xa4: {  	[timem:s10], [sflag:s22] =	dma.local [hbm:s8], s20  }
0xa5: {  	_ =	swait.ge [sflag:s22], s20  }
0xa6: {  	s7 =	ssub.s32 $0x0, s20;
	[sflag:s22] =	ssyncset.done $0x0  }
0xa7: {  	[sflag:s22] =	ssyncadd.s32 s7;
	_ =	sdelay $0x1  }
0xa8: {  	s23 =	simm.s32 $0x1B8B  }
0xa9: {  	_ =	swait.ge [sflag:s23], $0x1  }
0xaa: {  	[sflag:s23] =	ssyncset.done $0x0  }
0xab: {  	s25 =	simm.s32 $0x1B8E;
	s24 =	sld [smem:$0x3FFE];
	[sflag:s23] =	ssyncadd.s32 $0xFFFFFFFF  }
0xac: {  	s26 =	simm.s32 $execute0_lowered;
	[smem:$0x3FD2] =	sst s25  }
0xad: {  	s8 =	sshll.u32 s26, $0x1;
	_ =	strace $0x80000046;
	[dreg:$0x1] =	wrdreg $0xFFFFFFFF  }
0xae: {  	s28 =	simm.s32 $_size_execute0_lowered;
	s6 =	sadd.s32 s6, s8;
	[dreg:$0x0] =	wrdreg $0x0  }
0xaf: {  	s8 =	sshll.u32 s28, $0x1;
	[dreg:$0x2] =	wrdreg s6  }
0xb0: {  	[dreg:$0x3] =	wrdreg s8  }
0xb1: {  	[dreg:$0x4] =	wrdreg $0xC0  }
0xb2: {  	_ =	task [dreg:s10], $0x5FFFF  }
0xb3: {  	[dreg:$0x1] =	wrdreg $0xFFFFFFFF  }
0xb4: {  	[dreg:$0x0] =	wrdreg $0x60  }
0xb5: {  	[dreg:$0x2] =	wrdreg s17  }
0xb6: {  	[dreg:$0x3] =	wrdreg s16  }
0xb7: {  	[dreg:$0x4] =	wrdreg s15  }
0xb8: {  	[dreg:$0x5] =	wrdreg s4  }
0xb9: {  	[dreg:$0x6] =	wrdreg s24  }
0xba: {  	[dreg:$0x7] =	wrdreg $0x9  }
0xbb: {  	_ =	task.clear_ibuf [dreg:s10], $0x8FFFF;
	_ =	strace $0x90000046  }
0xbc: {  	s29 =	simm.s32 $0x9;
	_ =	strace $0x80000048  }
0xbd: {  	_ =	swait.ge [sflag:s29], $0x1  }
0xbe: {  	[sflag:s29] =	ssyncadd.s32 $0xFFFFFFFF  }
0xbf: {  	_ =	strace $0x90000048  }
0xc0: {  	_ =	sfence  }
0xc1: {  	s30 =	sld [smem:$0x0];
	_ =	sdelay $0x2  }
0xc2: {  	s31 =	sshll.u32 s1, $0xD;
	s1 =	sshrl.u32 s1, $0x2  }
0xc3: {  	s3 =	sand.u32 $0x4000, s31;
	s1 =	sadd.s32 s1, s30  }
0xc4: {  	s0 =	sor.u32 s3, s0;
	s1 =	sshll.u32 s1, $0x11  }
0xc5: {  	s0 =	sor.u32 s1, s0  }
0xc6: {  	s0 =	sadd.s32 $0x8F2B, s0  }
0xc7: {  	[sflag:s0] =	ssyncadd.remote.s32 $0x1  }
0xc8: {  	_ =	sfence.sel $0xFFFF  }
0xc9: {  	[dreg:$0x0] =	wrdreg $0xFFFFFFFF;
	(pc) =	sbr.abs _section_cstart, $3  }
0xca: {  	[dreg:$0x1] =	wrdreg $0xFFFFFFFF  }
0xcb: {  	_ =	task.clear_ibuf [dreg:s10], $0x2FFFF;
	_ =	strace $0x9FFFFFFF  }
0xcc: {  	(tm) =	ssettm $0x7FFFFFFF  }
0xcd: {  	_ =	shalt  }
tec
execute0_lowered:
.L_overlay_start_1:
0x0: {  	(tag) =	ssettag $0x1  }
0x1: {  	s0 =	rddreg [dreg:$0x0]  }
0x2: {  	s3 =	rddreg [dreg:$0x1]  }
0x3: {  	s1 =	rddreg [dreg:$0x2]  }
0x4: {  	s2 =	rddreg [dreg:$0x3]  }
0x5: {  	s4 =	rddreg [dreg:$0x4];
	s10 =	simm.s32 $0x0;
	s5 =	srdreg.scid;
	v0 =	vlaneseq.u32  }
0x6: {  	s7 =	stileid.u32;
	v1 =	vimm.s32 $0x1380;
	vm0 =	vcmask $0x300;
	v2 =	vimm.s32 $0x3380;
	s11 =	simm.s32 $0x400;
	s13 =	simm.s32 $0x7A1400  }
0x7: {  	vm1 =	vcmask $0x704;
	s14 =	simm.s32 $0xC400;
	s15 =	simm.s32 $0x4C00;
	s16 =	simm.s32 $0x8C00;
	v1 =	vsel vm0, $0x0, v1;
	v2 =	vsel vm0, $0x2000, v2  }
0x8: {  	vm15 =	vcmask $0xB08;
	s17 =	simm.s32 $0xCC00;
	s12 =	simm.s32 $0x9400;
	s22 =	simm.s32 $0x9C00;
	v1 =	vsel vm1, $0x80, v1;
	v2 =	vsel vm1, $0x2080, v2  }
0x9: {  	vm4 =	vcmask $0xF0C;
	s24 =	simm.s32 $0xDC00;
	s30 =	simm.s32 $0x2400;
	s18 =	simm.s32 $0x1;
	v1 =	vsel vm15, $0x100, v1;
	v2 =	vsel vm15, $0x2100, v2  }
0xa: {  	vm5 =	vcmask $0x1310;
	s19 =	simm.s32 $0x2;
	s20 =	simm.s32 $0x10400;
	s21 =	simm.s32 $0x14400;
	v1 =	vsel vm4, $0x180, v1;
	v2 =	vsel vm4, $0x2180, v2  }
0xb: {  	vm6 =	vcmask $0x1714;
	[smem:$0x7FF] =	sst s10;
	s5 =	sand.u32 $0x1, s5;
	s6 =	sshll.u32 s7, $0x1;
	v1 =	vsel vm5, $0x200, v1;
	v2 =	vsel vm5, $0x2200, v2  }
0xc: {  	vm7 =	vcmask $0x1B18;
	s7 =	sshll.u32 s7, $0x7;
	_ =	strace $0x80000047;
	s6 =	sor.u32 s5, s6;
	v1 =	vsel vm6, $0x280, v1;
	v2 =	vsel vm6, $0x2280, v2  }
0xd: {  	vm8 =	vcmask $0x1F1C;
	s5 =	ssub.s32 $0x2, s5;
	s8 =	sshll.u32 s6, $0x4;
	s6 =	sshll.u32 s6, $0xB;
	v1 =	vsel vm7, $0x300, v1;
	v2 =	vsel vm7, $0x2300, v2  }
0xe: {  	vm9 =	vcmask $0x2320;
	s9 =	sshrl.u32 s5, $0x1;
	s7 =	sor.u32 s7, s8;
	s4 =	sadd.s32 s6, s4;
	v1 =	vsel vm8, $0x380, v1;
	v2 =	vsel vm8, $0x2380, v2  }
0xf: {  	vm10 =	vcmask $0x2724;
	s5 =	ssub.s32 s5, s9;
	s8 =	simm.s32 $0x4400;
	s9 =	simm.s32 $0x8400;
	v1 =	vsel vm9, $0x1000, v1;
	v2 =	vsel vm9, $0x3000, v2  }
0x10: {  	vm11 =	vcmask $0x2B28;
	s6 =	simm.s32 $0xC00;
	s25 =	sand.u32 $0x670, s7;
	s28 =	sadd.s32 $0x1400, s4;
	v1 =	vsel vm10, $0x1080, v1;
	v2 =	vsel vm10, $0x3080, v2  }
0x11: {  	vm12 =	vcmask $0x2F2C;
	s29 =	sadd.s32 $0x11400, s4;
	s31 =	smax.u32 s5, $0x1;
	[dreg:$0x8] =	wrdreg s28;
	v1 =	vsel vm11, $0x1100, v1;
	v2 =	vsel vm11, $0x3100, v2  }
0x12: {  	vm13 =	vcmask $0x3330;
	s4 =	simm.s32 $0x3;
	s5 =	simm.s32 $0x1400;
	[dreg:$0x9] =	wrdreg s29;
	v1 =	vsel vm12, $0x1180, v1;
	v2 =	vsel vm12, $0x3180, v2  }
0x13: {  	vm14 =	vcmask $0x3734;
	s7 =	simm.s32 $0x5400;
	s0 =	sadd.s32 s0, s25;
	[dreg:$0xa] =	wrdreg s31;
	v1 =	vsel vm13, $0x1200, v1;
	v2 =	vsel vm13, $0x3200, v2  }
0x14: {  	vm15 =	vcmask $0x3B38;
	s26 =	sadd.s32 s3, s25;
	s25 =	simm.s32 $0xD400;
	[dreg:$0x6] =	wrdreg s0;
	v1 =	vsel vm14, $0x1280, v1;
	v2 =	vsel vm14, $0x3280, v2  }
0x15: {  	v0 =	vmul.u32 $0x80, v0;
	s3 =	simm.s32 $0x0;
	[dreg:$0x7] =	wrdreg s26;
	s26 =	simm.s32 $0x1C00;
	v1 =	vsel vm15, $0x1300, v1;
	v2 =	vsel vm15, $0x3300, v2  }
.LBB2_1:
0x16: {  	[dreg:$0xb] =	wrdreg s3  }
0x17: {  	s0 =	rddreg [dreg:$0x6];
	s29 =	simm.s32 $0x80  }
0x18: {  	[tilespmem:s10], [sflag:$0x3] =	stream.strided.gather [hbm4b:s0+s29], $0x200, s11, s29, $0x38;
	[tilespmem:$0x18400] =	vst v63  }
0x19: {  	_ =	swait.ge [sflag:s4], $0x200  }
0x1a: {  	[sflag:s4] =	ssyncset.done $0x0  }
0x1b: {  	s10 =	simm.s32 $0x200;
	s31 =	rddreg [dreg:$0x7];
	[sflag:s4] =	ssyncadd.s32 $0xFFFFFE00  }
0x1c: {  	[tilespmem:s10], [sflag:$0x3] =	stream.strided.gather [hbm4b:s31+s29], $0x200, s11, s29, $0x38;
	[tilespmem:$0x18400] =	vst v63  }
0x1d: {  	_ =	swait.ge [sflag:s4], $0x200  }
0x1e: {  	[sflag:s4] =	ssyncset.done $0x0  }
0x1f: {  	s23 =	simm.s32 $0xF;
	s0 =	simm.s32 $0x0;
	[sflag:s4] =	ssyncadd.s32 $0xFFFFFE00  }
.LBB2_2:
0x20: {  	v4 =	vld [tilespmem:s0+$0x0];
	_ =	sdelay $0x1  }
0x21: {  	v3 =	vld [tilespmem:s10+$0x0];
	_ =	sdelay $0x2  }
0x22: {  	(v2sf) =	vpush v4, $0x0;
	_ =	sdelay $0x1  }
0x23: {  	(v2sf) =	vpush v3, $0x0;
	_ =	sdelay $0x5  }
0x24: {  	(v2sf) =	vpush v4, $0x1;
	_ =	sdelay $0x4  }
0x25: {  	(v2sf) =	vpush v3, $0x1;
	_ =	sdelay $0x1  }
0x26: {  	s29 =	spop (v2sf)  }
0x27: {  	s4 =	sand.u32 $0xFFFFF80, s29  }
0x28: {  	[dreg:$0xd] =	wrdreg s0;
	s31 =	spop (v2sf);
	s0 =	sadd.s32 s1, s4  }
0x29: {  	(v2sf) =	vpush v4, $0x2;
	[tilespmem:s11], [sflag:$0x1] =	stream.strided.gather [hbm4b:s0+s11], $0x800, s13, s11, $0x38;
	[tilespmem:$0x18400] =	vst v63  }
0x2a: {  	[dreg:$0xc] =	wrdreg s10;
	s10 =	sand.u32 $0xFFFFF80, s31;
	s0 =	sadd.s32 $0x1E8500, s0  }
0x2b: {  	[tilespmem:s8], [sflag:$0x1] =	stream.strided.gather [hbm4b:s0+s11], $0x800, s13, s11, $0x38;
	[tilespmem:$0x18400] =	vst v63  }
0x2c: {  	s0 =	sadd.s32 s2, s10  }
0x2d: {  	[tilespmem:s9], [sflag:$0x2] =	stream.strided.gather [hbm4b:s0+s11], $0x800, s13, s11, $0x38;
	[tilespmem:$0x18400] =	vst v63  }
0x2e: {  	s0 =	sadd.s32 $0x1E8500, s0;
	s9 =	spop (v2sf)  }
0x2f: {  	[tilespmem:s14], [sflag:$0x2] =	stream.strided.gather [hbm4b:s0+s11], $0x800, s13, s11, $0x38;
	[tilespmem:$0x18400] =	vst v63  }
0x30: {  	(v2sf) =	vpush v3, $0x2;
	s14 =	sand.u32 $0xFFFFF80, s9  }
0x31: {  	s0 =	sadd.s32 s1, s14  }
0x32: {  	[tilespmem:s6], [sflag:$0x1] =	stream.strided.gather [hbm4b:s0+s11], $0x800, s13, s11, $0x38;
	[tilespmem:$0x18400] =	vst v63  }
0x33: {  	s28 =	spop (v2sf);
	s0 =	sadd.s32 $0x1E8500, s0  }
0x34: {  	[tilespmem:s15], [sflag:$0x1] =	stream.strided.gather [hbm4b:s0+s11], $0x800, s13, s11, $0x38;
	[tilespmem:$0x18400] =	vst v63  }
0x35: {  	s15 =	sand.u32 $0xFFFFF80, s28  }
0x36: {  	(v2sf) =	vpush v4, $0x3;
	s0 =	sadd.s32 s2, s15  }
0x37: {  	[tilespmem:s16], [sflag:$0x2] =	stream.strided.gather [hbm4b:s0+s11], $0x800, s13, s11, $0x38;
	[tilespmem:$0x18400] =	vst v63  }
0x38: {  	s0 =	sadd.s32 $0x1E8500, s0;
	s6 =	spop (v2sf)  }
0x39: {  	[tilespmem:s17], [sflag:$0x2] =	stream.strided.gather [hbm4b:s0+s11], $0x800, s13, s11, $0x38;
	[tilespmem:$0x18400] =	vst v63  }
0x3a: {  	(v2sf) =	vpush v3, $0x3;
	s17 =	sand.u32 $0xFFFFF80, s6  }
0x3b: {  	s0 =	sadd.s32 s1, s17  }
0x3c: {  	[tilespmem:s5], [sflag:$0x1] =	stream.strided.gather [hbm4b:s0+s11], $0x800, s13, s11, $0x38;
	[tilespmem:$0x18400] =	vst v63  }
0x3d: {  	s0 =	sadd.s32 $0x1E8500, s0  }
0x3e: {  	[tilespmem:s7], [sflag:$0x1] =	stream.strided.gather [hbm4b:s0+s11], $0x800, s13, s11, $0x38;
	[tilespmem:$0x18400] =	vst v63  }
0x3f: {  	s8 =	spop (v2sf)  }
0x40: {  	s3 =	sand.u32 $0xFFFFF80, s8  }
0x41: {  	(v2sf) =	vpush v4, $0x4;
	s0 =	sadd.s32 s2, s3  }
0x42: {  	[tilespmem:s12], [sflag:$0x2] =	stream.strided.gather [hbm4b:s0+s11], $0x800, s13, s11, $0x38;
	[tilespmem:$0x18400] =	vst v63  }
0x43: {  	s0 =	sadd.s32 $0x1E8500, s0  }
0x44: {  	[tilespmem:s25], [sflag:$0x2] =	stream.strided.gather [hbm4b:s0+s11], $0x800, s13, s11, $0x38;
	[tilespmem:$0x18400] =	vst v63  }
0x45: {  	s0 =	spop (v2sf);
	(v2sf) =	vpush v3, $0x4  }
0x46: {  	s3 =	sand.u32 $0xFFFFF80, s0  }
0x47: {  	s3 =	sadd.s32 s1, s3  }
0x48: {  	[tilespmem:s26], [sflag:$0x1] =	stream.strided.gather [hbm4b:s3+s11], $0x800, s13, s11, $0x38;
	[tilespmem:$0x18400] =	vst v63  }
0x49: {  	s4 =	simm.s32 $0x5C00;
	s3 =	sadd.s32 $0x1E8500, s3;
	s5 =	spop (v2sf)  }
0x4a: {  	(v2sf) =	vpush v4, $0x5;
	[tilespmem:s4], [sflag:$0x1] =	stream.strided.gather [hbm4b:s3+s11], $0x800, s13, s11, $0x38;
	[tilespmem:$0x18400] =	vst v63  }
0x4b: {  	s4 =	sand.u32 $0xFFFFF80, s5  }
0x4c: {  	s3 =	sadd.s32 s2, s4  }
0x4d: {  	[tilespmem:s22], [sflag:$0x2] =	stream.strided.gather [hbm4b:s3+s11], $0x800, s13, s11, $0x38;
	[tilespmem:$0x18400] =	vst v63  }
0x4e: {  	s3 =	sadd.s32 $0x1E8500, s3  }
0x4f: {  	[tilespmem:s24], [sflag:$0x2] =	stream.strided.gather [hbm4b:s3+s11], $0x800, s13, s11, $0x38;
	[tilespmem:$0x18400] =	vst v63  }
0x50: {  	s4 =	spop (v2sf)  }
0x51: {  	(v2sf) =	vpush v3, $0x5;
	s7 =	sand.u32 $0xFFFFF80, s4  }
0x52: {  	s3 =	sadd.s32 s1, s7  }
0x53: {  	[tilespmem:s30], [sflag:$0x1] =	stream.strided.gather [hbm4b:s3+s11], $0x800, s13, s11, $0x38;
	[tilespmem:$0x18400] =	vst v63  }
0x54: {  	s10 =	simm.s32 $0x6400;
	s3 =	sadd.s32 $0x1E8500, s3;
	s12 =	spop (v2sf)  }
0x55: {  	[tilespmem:s10], [sflag:$0x1] =	stream.strided.gather [hbm4b:s3+s11], $0x800, s13, s11, $0x38;
	[tilespmem:$0x18400] =	vst v63  }
0x56: {  	s14 =	sand.u32 $0xFFFFF80, s12  }
0x57: {  	s15 =	simm.s32 $0xA400;
	(v2sf) =	vpush v4, $0x6;
	s3 =	sadd.s32 s2, s14  }
0x58: {  	[tilespmem:s15], [sflag:$0x2] =	stream.strided.gather [hbm4b:s3+s11], $0x800, s13, s11, $0x38;
	[tilespmem:$0x18400] =	vst v63  }
0x59: {  	s16 =	simm.s32 $0xE400;
	s3 =	sadd.s32 $0x1E8500, s3;
	s10 =	spop (v2sf)  }
0x5a: {  	[tilespmem:s16], [sflag:$0x2] =	stream.strided.gather [hbm4b:s3+s11], $0x800, s13, s11, $0x38;
	[tilespmem:$0x18400] =	vst v63  }
0x5b: {  	(v2sf) =	vpush v3, $0x6;
	s17 =	sand.u32 $0xFFFFF80, s10  }
0x5c: {  	s25 =	simm.s32 $0x2C00;
	s3 =	sadd.s32 s1, s17  }
0x5d: {  	[tilespmem:s25], [sflag:$0x1] =	stream.strided.gather [hbm4b:s3+s11], $0x800, s13, s11, $0x38;
	[tilespmem:$0x18400] =	vst v63  }
0x5e: {  	s26 =	simm.s32 $0x6C00;
	s3 =	sadd.s32 $0x1E8500, s3  }
0x5f: {  	[tilespmem:s26], [sflag:$0x1] =	stream.strided.gather [hbm4b:s3+s11], $0x800, s13, s11, $0x38;
	[tilespmem:$0x18400] =	vst v63  }
0x60: {  	s7 =	spop (v2sf)  }
0x61: {  	s15 =	sand.u32 $0xFFFFF80, s7  }
0x62: {  	s16 =	simm.s32 $0xAC00;
	(v2sf) =	vpush v4, $0x7;
	s3 =	sadd.s32 s2, s15  }
0x63: {  	[tilespmem:s16], [sflag:$0x2] =	stream.strided.gather [hbm4b:s3+s11], $0x800, s13, s11, $0x38;
	[tilespmem:$0x18400] =	vst v63  }
0x64: {  	s17 =	simm.s32 $0xEC00;
	s3 =	sadd.s32 $0x1E8500, s3  }
0x65: {  	[tilespmem:s17], [sflag:$0x2] =	stream.strided.gather [hbm4b:s3+s11], $0x800, s13, s11, $0x38;
	[tilespmem:$0x18400] =	vst v63  }
0x66: {  	s30 =	spop (v2sf);
	(v2sf) =	vpush v3, $0x7  }
0x67: {  	s25 =	sand.u32 $0xFFFFF80, s30  }
0x68: {  	s14 =	simm.s32 $0x3400;
	s26 =	sadd.s32 s1, s25  }
0x69: {  	[tilespmem:s14], [sflag:$0x1] =	stream.strided.gather [hbm4b:s26+s11], $0x800, s13, s11, $0x38;
	[tilespmem:$0x18400] =	vst v63  }
0x6a: {  	s15 =	simm.s32 $0x7400;
	s25 =	sadd.s32 $0x1E8500, s26;
	s3 =	spop (v2sf)  }
0x6b: {  	[tilespmem:s15], [sflag:$0x1] =	stream.strided.gather [hbm4b:s25+s11], $0x800, s13, s11, $0x38;
	[tilespmem:$0x18400] =	vst v63  }
0x6c: {  	s16 =	sand.u32 $0xFFFFF80, s3  }
0x6d: {  	s17 =	simm.s32 $0xB400;
	s25 =	sadd.s32 s2, s16  }
0x6e: {  	[tilespmem:s17], [sflag:$0x2] =	stream.strided.gather [hbm4b:s25+s11], $0x800, s13, s11, $0x38;
	[tilespmem:$0x18400] =	vst v63  }
0x6f: {  	s26 =	simm.s32 $0xF400;
	s25 =	sadd.s32 $0x1E8500, s25  }
0x70: {  	[tilespmem:s26], [sflag:$0x2] =	stream.strided.gather [hbm4b:s25+s11], $0x800, s13, s11, $0x38;
	[tilespmem:$0x18400] =	vst v63  }
0x71: {  	s26 =	spop (v2sf)  }
0x72: {  	s14 =	sand.u32 $0xFFFFF80, s26  }
0x73: {  	s16 =	simm.s32 $0x3C00;
	s14 =	sadd.s32 s1, s14  }
0x74: {  	[tilespmem:s16], [sflag:$0x1] =	stream.strided.gather [hbm4b:s14+s11], $0x800, s13, s11, $0x38;
	[tilespmem:$0x18400] =	vst v63  }
0x75: {  	s14 =	sadd.s32 $0x1E8500, s14;
	s16 =	simm.s32 $0x7C00;
	s25 =	spop (v2sf)  }
0x76: {  	[tilespmem:s16], [sflag:$0x1] =	stream.strided.gather [hbm4b:s14+s11], $0x800, s13, s11, $0x38;
	[tilespmem:$0x18400] =	vst v63  }
0x77: {  	s16 =	sand.u32 $0xFFFFF80, s25  }
0x78: {  	s14 =	sadd.s32 s2, s16;
	s16 =	simm.s32 $0xBC00  }
0x79: {  	[tilespmem:s16], [sflag:$0x2] =	stream.strided.gather [hbm4b:s14+s11], $0x800, s13, s11, $0x38;
	[tilespmem:$0x18400] =	vst v63  }
0x7a: {  	s14 =	sadd.s32 $0x1E8500, s14;
	s16 =	simm.s32 $0xFC00  }
0x7b: {  	[tilespmem:s16], [sflag:$0x2] =	stream.strided.gather [hbm4b:s14+s11], $0x800, s13, s11, $0x38;
	[tilespmem:$0x18400] =	vst v63  }
0x7c: {  	_ =	swait.ge [sflag:s18], $0x800  }
0x7d: {  	[sflag:s18] =	ssyncset.done $0x0  }
0x7e: {  	[sflag:s18] =	ssyncadd.s32 $0xFFFFF800  }
0x7f: {  	_ =	swait.ge [sflag:s18], $0x800  }
0x80: {  	[sflag:s18] =	ssyncset.done $0x0  }
0x81: {  	[sflag:s18] =	ssyncadd.s32 $0xFFFFF800  }
0x82: {  	_ =	swait.ge [sflag:s19], $0x800  }
0x83: {  	[sflag:s19] =	ssyncset.done $0x0  }
0x84: {  	[sflag:s19] =	ssyncadd.s32 $0xFFFFF800  }
0x85: {  	_ =	swait.ge [sflag:s19], $0x800  }
0x86: {  	[sflag:s19] =	ssyncset.done $0x0  }
0x87: {  	[sflag:s19] =	ssyncadd.s32 $0xFFFFF800  }
0x88: {  	_ =	swait.ge [sflag:s18], $0x800  }
0x89: {  	[sflag:s18] =	ssyncset.done $0x0  }
0x8a: {  	[sflag:s18] =	ssyncadd.s32 $0xFFFFF800  }
0x8b: {  	_ =	swait.ge [sflag:s18], $0x800  }
0x8c: {  	[sflag:s18] =	ssyncset.done $0x0  }
0x8d: {  	[sflag:s18] =	ssyncadd.s32 $0xFFFFF800  }
0x8e: {  	_ =	swait.ge [sflag:s19], $0x800  }
0x8f: {  	[sflag:s19] =	ssyncset.done $0x0  }
0x90: {  	[sflag:s19] =	ssyncadd.s32 $0xFFFFF800  }
0x91: {  	_ =	swait.ge [sflag:s19], $0x800  }
0x92: {  	[sflag:s19] =	ssyncset.done $0x0  }
0x93: {  	[sflag:s19] =	ssyncadd.s32 $0xFFFFF800  }
0x94: {  	_ =	swait.ge [sflag:s18], $0x800  }
0x95: {  	[sflag:s18] =	ssyncset.done $0x0  }
0x96: {  	[sflag:s18] =	ssyncadd.s32 $0xFFFFF800  }
0x97: {  	_ =	swait.ge [sflag:s18], $0x800  }
0x98: {  	[sflag:s18] =	ssyncset.done $0x0  }
0x99: {  	[sflag:s18] =	ssyncadd.s32 $0xFFFFF800  }
0x9a: {  	_ =	swait.ge [sflag:s19], $0x800  }
0x9b: {  	[sflag:s19] =	ssyncset.done $0x0  }
0x9c: {  	[sflag:s19] =	ssyncadd.s32 $0xFFFFF800  }
0x9d: {  	_ =	swait.ge [sflag:s19], $0x800  }
0x9e: {  	[sflag:s19] =	ssyncset.done $0x0  }
0x9f: {  	[sflag:s19] =	ssyncadd.s32 $0xFFFFF800  }
0xa0: {  	_ =	swait.ge [sflag:s18], $0x800  }
0xa1: {  	[sflag:s18] =	ssyncset.done $0x0  }
0xa2: {  	[sflag:s18] =	ssyncadd.s32 $0xFFFFF800  }
0xa3: {  	_ =	swait.ge [sflag:s18], $0x800  }
0xa4: {  	[sflag:s18] =	ssyncset.done $0x0  }
0xa5: {  	[sflag:s18] =	ssyncadd.s32 $0xFFFFF800  }
0xa6: {  	s14 =	sand.u32 $0x7F, s29;
	_ =	swait.ge [sflag:s19], $0x800  }
0xa7: {  	s16 =	sadd.s32 $0xFFFFFFF1, s23;
	v5 =	vor.u32 s14, v0;
	[sflag:s19] =	ssyncset.done $0x0  }
0xa8: {  	s31 =	sand.u32 $0x7F, s31;
	v6 =	vmov s16;
	[sflag:s19] =	ssyncadd.s32 $0xFFFFF800  }
0xa9: {  	v7 =	vor.u32 s31, v0;
	v8 =	vshll.u32 v6, $0x3;
	_ =	swait.ge [sflag:s19], $0x800  }
0xaa: {  	v6 =	vand.u32 $0x70, v6;
	v8 =	vand.u32 $0xC00, v8;
	[sflag:s19] =	ssyncset.done $0x0  }
0xab: {  	v6 =	vor.u32 v6, v8;
	[sflag:s19] =	ssyncadd.s32 $0xFFFFF800  }
0xac: {  	s16 =	simm.s32 $0x4400;
	v9 =	vor.u32 v1, v6;
	v16 =	vld.idx.msk [tilespmem:v5+s11+$0x0], $0xffff  }
0xad: {  	s29 =	simm.s32 $0x8400;
	v6 =	vor.u32 v2, v6;
	v5 =	vld.idx.msk [tilespmem:v5+s16+$0x0], $0xffff  }
0xae: {  	s17 =	simm.s32 $0xC400;
	v10 =	vld.idx.msk [tilespmem:v7+s29+$0x0], $0xffff  }
0xaf: {  	s9 =	sand.u32 $0x7F, s9;
	v7 =	vld.idx.msk [tilespmem:v7+s17+$0x0], $0xffff  }
0xb0: {  	s31 =	sadd.s32 $0xFFFFFFF2, s23;
	v11 =	vor.u32 s9, v0  }
0xb1: {  	v17 =	vmov s31;
	s16 =	sand.u32 $0x7F, s28;
	[tilespmem:v9+s20+$0x0] =	vst.idx.msk $0xffff, v16  }
0xb2: {  	v12 =	vshll.u32 v17, $0x3;
	v18 =	vor.u32 s16, v0;
	[tilespmem:v6+s20+$0x0] =	vst.idx.msk $0xffff, v5  }
0xb3: {  	v19 =	vand.u32 $0xC00, v12;
	v8 =	vand.u32 $0x71, v17;
	[tilespmem:v9+s21+$0x0] =	vst.idx.msk $0xffff, v10  }
0xb4: {  	v20 =	vor.u32 v8, v19;
	s28 =	simm.s32 $0xC00;
	[tilespmem:v6+s21+$0x0] =	vst.idx.msk $0xffff, v7  }
0xb5: {  	v8 =	vor.u32 v1, v20;
	s29 =	simm.s32 $0x4C00;
	v7 =	vld.idx.msk [tilespmem:v11+s28+$0x0], $0xffff  }
0xb6: {  	s31 =	simm.s32 $0x8C00;
	v6 =	vor.u32 v2, v20;
	v21 =	vld.idx.msk [tilespmem:v11+s29+$0x0], $0xffff  }
0xb7: {  	s15 =	simm.s32 $0xCC00;
	v10 =	vld.idx.msk [tilespmem:v18+s31+$0x0], $0xffff  }
0xb8: {  	s6 =	sand.u32 $0x7F, s6;
	v5 =	vld.idx.msk [tilespmem:v18+s15+$0x0], $0xffff  }
0xb9: {  	v22 =	vor.u32 s6, v0;
	s14 =	sadd.s32 $0xFFFFFFF3, s23  }
0xba: {  	v23 =	vmov s14;
	(v2sf) =	vpush v4, $0x8;
	s15 =	sand.u32 $0x7F, s8;
	[tilespmem:v8+s20+$0x0] =	vst.idx.msk $0xffff, v7  }
0xbb: {  	v25 =	vshll.u32 v23, $0x3;
	(v2sf) =	vpush v3, $0x8;
	v24 =	vor.u32 s15, v0;
	[tilespmem:v6+s20+$0x0] =	vst.idx.msk $0xffff, v21  }
0xbc: {  	v26 =	vand.u32 $0xC00, v25;
	v7 =	vand.u32 $0x72, v23;
	[tilespmem:v8+s21+$0x0] =	vst.idx.msk $0xffff, v10  }
0xbd: {  	s16 =	simm.s32 $0x1400;
	v27 =	vor.u32 v7, v26;
	[tilespmem:v6+s21+$0x0] =	vst.idx.msk $0xffff, v5  }
0xbe: {  	s28 =	simm.s32 $0x5400;
	v7 =	vor.u32 v1, v27;
	v6 =	vld.idx.msk [tilespmem:v22+s16+$0x0], $0xffff  }
0xbf: {  	s29 =	simm.s32 $0x9400;
	v5 =	vor.u32 v2, v27;
	v28 =	vld.idx.msk [tilespmem:v22+s28+$0x0], $0xffff  }
0xc0: {  	(v2sf) =	vpush v4, $0x9;
	s31 =	simm.s32 $0xD400;
	v10 =	vld.idx.msk [tilespmem:v24+s29+$0x0], $0xffff  }
0xc1: {  	s0 =	sand.u32 $0x7F, s0;
	v9 =	vld.idx.msk [tilespmem:v24+s31+$0x0], $0xffff  }
0xc2: {  	v29 =	vor.u32 s0, v0;
	s8 =	sadd.s32 $0xFFFFFFF4, s23  }
0xc3: {  	s9 =	sand.u32 $0x7F, s5;
	v30 =	vmov s8;
	[tilespmem:v7+s20+$0x0] =	vst.idx.msk $0xffff, v6  }
0xc4: {  	v31 =	vor.u32 s9, v0;
	v32 =	vshll.u32 v30, $0x3;
	[tilespmem:v5+s20+$0x0] =	vst.idx.msk $0xffff, v28  }
0xc5: {  	v33 =	vand.u32 $0xC00, v32;
	v6 =	vand.u32 $0x73, v30;
	[tilespmem:v7+s21+$0x0] =	vst.idx.msk $0xffff, v10  }
0xc6: {  	s14 =	simm.s32 $0x1C00;
	(v2sf) =	vpush v3, $0x9;
	v34 =	vor.u32 v6, v33;
	[tilespmem:v5+s21+$0x0] =	vst.idx.msk $0xffff, v9  }
0xc7: {  	s15 =	simm.s32 $0x5C00;
	v7 =	vor.u32 v1, v34;
	v35 =	vld.idx.msk [tilespmem:v29+s14+$0x0], $0xffff  }
0xc8: {  	v5 =	vor.u32 v2, v34;
	v9 =	vld.idx.msk [tilespmem:v29+s15+$0x0], $0xffff  }
0xc9: {  	s8 =	spop (v2sf);
	v10 =	vld.idx.msk [tilespmem:v31+s22+$0x0], $0xffff  }
0xca: {  	s9 =	spop (v2sf);
	(v2sf) =	vpush v4, $0xA;
	v8 =	vld.idx.msk [tilespmem:v31+s24+$0x0], $0xffff;
	_ =	sdelay $0x1  }
0xcb: {  	[tilespmem:v7+s20+$0x0] =	vst.idx.msk $0xffff, v35  }
0xcc: {  	[tilespmem:v5+s20+$0x0] =	vst.idx.msk $0xffff, v9  }
0xcd: {  	s16 =	sand.u32 $0xFFFFF80, s8;
	[tilespmem:v7+s21+$0x0] =	vst.idx.msk $0xffff, v10  }
0xce: {  	s5 =	spop (v2sf);
	s0 =	sadd.s32 s1, s16;
	s22 =	simm.s32 $0x4400;
	[tilespmem:v5+s21+$0x0] =	vst.idx.msk $0xffff, v8  }
0xcf: {  	(v2sf) =	vpush v3, $0xA;
	[tilespmem:s11], [sflag:$0x1] =	stream.strided.gather [hbm4b:s0+s11], $0x800, s13, s11, $0x38;
	[tilespmem:$0x18400] =	vst v63  }
0xd0: {  	s24 =	sand.u32 $0xFFFFF80, s9;
	s0 =	sadd.s32 $0x1E8500, s0  }
0xd1: {  	[tilespmem:s22], [sflag:$0x1] =	stream.strided.gather [hbm4b:s0+s11], $0x800, s13, s11, $0x38;
	[tilespmem:$0x18400] =	vst v63  }
0xd2: {  	s28 =	simm.s32 $0x8400;
	s29 =	sand.u32 $0xFFFFF80, s5;
	s0 =	sadd.s32 s2, s24  }
0xd3: {  	[tilespmem:s28], [sflag:$0x2] =	stream.strided.gather [hbm4b:s0+s11], $0x800, s13, s11, $0x38;
	[tilespmem:$0x18400] =	vst v63  }
0xd4: {  	s6 =	spop (v2sf);
	s31 =	simm.s32 $0xC00;
	s0 =	sadd.s32 $0x1E8500, s0  }
0xd5: {  	[tilespmem:s17], [sflag:$0x2] =	stream.strided.gather [hbm4b:s0+s11], $0x800, s13, s11, $0x38;
	[tilespmem:$0x18400] =	vst v63  }
0xd6: {  	s16 =	simm.s32 $0x8C00;
	s15 =	simm.s32 $0x4C00;
	s0 =	sadd.s32 s1, s29  }
0xd7: {  	(v2sf) =	vpush v4, $0xB;
	[tilespmem:s31], [sflag:$0x1] =	stream.strided.gather [hbm4b:s0+s11], $0x800, s13, s11, $0x38;
	[tilespmem:$0x18400] =	vst v63  }
0xd8: {  	s14 =	sand.u32 $0xFFFFF80, s6;
	s0 =	sadd.s32 $0x1E8500, s0;
	s31 =	spop (v2sf)  }
0xd9: {  	(v2sf) =	vpush v3, $0xB;
	[tilespmem:s15], [sflag:$0x1] =	stream.strided.gather [hbm4b:s0+s11], $0x800, s13, s11, $0x38;
	[tilespmem:$0x18400] =	vst v63  }
0xda: {  	s28 =	simm.s32 $0x1400;
	s17 =	simm.s32 $0xCC00;
	s0 =	sadd.s32 s2, s14  }
0xdb: {  	[tilespmem:s16], [sflag:$0x2] =	stream.strided.gather [hbm4b:s0+s11], $0x800, s13, s11, $0x38;
	[tilespmem:$0x18400] =	vst v63  }
0xdc: {  	s22 =	sand.u32 $0xFFFFF80, s31;
	s0 =	sadd.s32 $0x1E8500, s0  }
0xdd: {  	[tilespmem:s17], [sflag:$0x2] =	stream.strided.gather [hbm4b:s0+s11], $0x800, s13, s11, $0x38;
	[tilespmem:$0x18400] =	vst v63  }
0xde: {  	s29 =	simm.s32 $0x5400;
	s24 =	sadd.s32 s1, s22;
	s0 =	spop (v2sf)  }
0xdf: {  	[tilespmem:s28], [sflag:$0x1] =	stream.strided.gather [hbm4b:s24+s11], $0x800, s13, s11, $0x38;
	[tilespmem:$0x18400] =	vst v63  }
0xe0: {  	s14 =	sadd.s32 $0x1E8500, s24;
	s22 =	sand.u32 $0xFFFFF80, s0  }
0xe1: {  	[tilespmem:s29], [sflag:$0x1] =	stream.strided.gather [hbm4b:s14+s11], $0x800, s13, s11, $0x38;
	[tilespmem:$0x18400] =	vst v63  }
0xe2: {  	s24 =	simm.s32 $0x9400;
	s14 =	sadd.s32 s2, s22  }
0xe3: {  	[tilespmem:s24], [sflag:$0x2] =	stream.strided.gather [hbm4b:s14+s11], $0x800, s13, s11, $0x38;
	[tilespmem:$0x18400] =	vst v63  }
0xe4: {  	s29 =	simm.s32 $0xD400;
	s14 =	sadd.s32 $0x1E8500, s14  }
0xe5: {  	[tilespmem:s29], [sflag:$0x2] =	stream.strided.gather [hbm4b:s14+s11], $0x800, s13, s11, $0x38;
	[tilespmem:$0x18400] =	vst v63  }
0xe6: {  	s29 =	spop (v2sf)  }
0xe7: {  	s22 =	sand.u32 $0xFFFFF80, s29  }
0xe8: {  	s24 =	simm.s32 $0x1C00;
	s28 =	spop (v2sf);
	s14 =	sadd.s32 s1, s22  }
0xe9: {  	[tilespmem:s24], [sflag:$0x1] =	stream.strided.gather [hbm4b:s14+s11], $0x800, s13, s11, $0x38;
	[tilespmem:$0x18400] =	vst v63  }
0xea: {  	s22 =	smov.u32 s1;
	s1 =	simm.s32 $0x5C00;
	s14 =	sadd.s32 $0x1E8500, s14  }
0xeb: {  	[tilespmem:s1], [sflag:$0x1] =	stream.strided.gather [hbm4b:s14+s11], $0x800, s13, s11, $0x38;
	[tilespmem:$0x18400] =	vst v63  }
0xec: {  	s1 =	sand.u32 $0xFFFFF80, s28  }
0xed: {  	s24 =	simm.s32 $0x9C00;
	s14 =	sadd.s32 s2, s1  }
0xee: {  	[tilespmem:s24], [sflag:$0x2] =	stream.strided.gather [hbm4b:s14+s11], $0x800, s13, s11, $0x38;
	[tilespmem:$0x18400] =	vst v63  }
0xef: {  	s24 =	simm.s32 $0xDC00;
	s14 =	sadd.s32 $0x1E8500, s14  }
0xf0: {  	[tilespmem:s24], [sflag:$0x2] =	stream.strided.gather [hbm4b:s14+s11], $0x800, s13, s11, $0x38;
	[tilespmem:$0x18400] =	vst v63  }
0xf1: {  	_ =	swait.ge [sflag:s18], $0x800  }
0xf2: {  	[sflag:s18] =	ssyncset.done $0x0  }
0xf3: {  	[sflag:s18] =	ssyncadd.s32 $0xFFFFF800  }
0xf4: {  	_ =	swait.ge [sflag:s18], $0x800  }
0xf5: {  	[sflag:s18] =	ssyncset.done $0x0  }
0xf6: {  	[sflag:s18] =	ssyncadd.s32 $0xFFFFF800  }
0xf7: {  	_ =	swait.ge [sflag:s19], $0x800  }
0xf8: {  	[sflag:s19] =	ssyncset.done $0x0  }
0xf9: {  	[sflag:s19] =	ssyncadd.s32 $0xFFFFF800  }
0xfa: {  	_ =	swait.ge [sflag:s19], $0x800  }
0xfb: {  	[sflag:s19] =	ssyncset.done $0x0  }
0xfc: {  	[sflag:s19] =	ssyncadd.s32 $0xFFFFF800  }
0xfd: {  	_ =	swait.ge [sflag:s18], $0x800  }
0xfe: {  	[sflag:s18] =	ssyncset.done $0x0  }
0xff: {  	[sflag:s18] =	ssyncadd.s32 $0xFFFFF800  }
0x100: {  	_ =	swait.ge [sflag:s18], $0x800  }
0x101: {  	[sflag:s18] =	ssyncset.done $0x0  }
0x102: {  	[sflag:s18] =	ssyncadd.s32 $0xFFFFF800  }
0x103: {  	_ =	swait.ge [sflag:s19], $0x800  }
0x104: {  	[sflag:s19] =	ssyncset.done $0x0  }
0x105: {  	[sflag:s19] =	ssyncadd.s32 $0xFFFFF800  }
0x106: {  	_ =	swait.ge [sflag:s19], $0x800  }
0x107: {  	[sflag:s19] =	ssyncset.done $0x0  }
0x108: {  	[sflag:s19] =	ssyncadd.s32 $0xFFFFF800  }
0x109: {  	_ =	swait.ge [sflag:s18], $0x800  }
0x10a: {  	[sflag:s18] =	ssyncset.done $0x0  }
0x10b: {  	[sflag:s18] =	ssyncadd.s32 $0xFFFFF800  }
0x10c: {  	_ =	swait.ge [sflag:s18], $0x800  }
0x10d: {  	[sflag:s18] =	ssyncset.done $0x0  }
0x10e: {  	[sflag:s18] =	ssyncadd.s32 $0xFFFFF800  }
0x10f: {  	_ =	swait.ge [sflag:s19], $0x800  }
0x110: {  	[sflag:s19] =	ssyncset.done $0x0  }
0x111: {  	[sflag:s19] =	ssyncadd.s32 $0xFFFFF800  }
0x112: {  	_ =	swait.ge [sflag:s19], $0x800  }
0x113: {  	[sflag:s19] =	ssyncset.done $0x0  }
0x114: {  	[sflag:s19] =	ssyncadd.s32 $0xFFFFF800  }
0x115: {  	_ =	swait.ge [sflag:s18], $0x800  }
0x116: {  	[sflag:s18] =	ssyncset.done $0x0  }
0x117: {  	[sflag:s18] =	ssyncadd.s32 $0xFFFFF800  }
0x118: {  	_ =	swait.ge [sflag:s18], $0x800  }
0x119: {  	[sflag:s18] =	ssyncset.done $0x0  }
0x11a: {  	[sflag:s18] =	ssyncadd.s32 $0xFFFFF800  }
0x11b: {  	s4 =	sand.u32 $0x7F, s4;
	_ =	swait.ge [sflag:s19], $0x800  }
0x11c: {  	v36 =	vor.u32 s4, v0;
	s14 =	sadd.s32 $0xFFFFFFF5, s23;
	[sflag:s19] =	ssyncset.done $0x0  }
0x11d: {  	s1 =	sand.u32 $0x7F, s12;
	v37 =	vmov s14;
	[sflag:s19] =	ssyncadd.s32 $0xFFFFF800  }
0x11e: {  	v38 =	vor.u32 s1, v0;
	v39 =	vshll.u32 v37, $0x3;
	_ =	swait.ge [sflag:s19], $0x800  }
0x11f: {  	v6 =	vand.u32 $0x74, v37;
	v8 =	vand.u32 $0xC00, v39;
	[sflag:s19] =	ssyncset.done $0x0  }
0x120: {  	s4 =	simm.s32 $0x2400;
	v6 =	vor.u32 v6, v8;
	[sflag:s19] =	ssyncadd.s32 $0xFFFFF800  }
0x121: {  	s12 =	simm.s32 $0x6400;
	v41 =	vor.u32 v1, v6;
	v40 =	vld.idx.msk [tilespmem:v36+s4+$0x0], $0xffff  }
0x122: {  	s14 =	simm.s32 $0xA400;
	v6 =	vor.u32 v2, v6;
	v5 =	vld.idx.msk [tilespmem:v36+s12+$0x0], $0xffff  }
0x123: {  	v42 =	vld.idx.msk [tilespmem:v38+s14+$0x0], $0xffff;
	s4 =	simm.s32 $0xE400  }
0x124: {  	s12 =	sand.u32 $0x7F, s10;
	v7 =	vld.idx.msk [tilespmem:v38+s4+$0x0], $0xffff  }
0x125: {  	s14 =	sadd.s32 $0xFFFFFFF6, s23;
	v43 =	vor.u32 s12, v0  }
0x126: {  	s1 =	sand.u32 $0x7F, s7;
	v44 =	vmov s14;
	[tilespmem:v41+s20+$0x0] =	vst.idx.msk $0xffff, v40  }
0x127: {  	v45 =	vor.u32 s1, v0;
	v46 =	vshll.u32 v44, $0x3;
	[tilespmem:v6+s20+$0x0] =	vst.idx.msk $0xffff, v5  }
0x128: {  	v8 =	vand.u32 $0x75, v44;
	v47 =	vand.u32 $0xC00, v46;
	[tilespmem:v41+s21+$0x0] =	vst.idx.msk $0xffff, v42  }
0x129: {  	s4 =	simm.s32 $0x2C00;
	v48 =	vor.u32 v8, v47;
	[tilespmem:v6+s21+$0x0] =	vst.idx.msk $0xffff, v7  }
0x12a: {  	s7 =	simm.s32 $0x6C00;
	v8 =	vor.u32 v1, v48;
	v7 =	vld.idx.msk [tilespmem:v43+s4+$0x0], $0xffff  }
0x12b: {  	s10 =	simm.s32 $0xAC00;
	v6 =	vor.u32 v2, v48;
	v49 =	vld.idx.msk [tilespmem:v43+s7+$0x0], $0xffff  }
0x12c: {  	s12 =	simm.s32 $0xEC00;
	v10 =	vld.idx.msk [tilespmem:v45+s10+$0x0], $0xffff  }
0x12d: {  	s14 =	sand.u32 $0x7F, s30;
	v5 =	vld.idx.msk [tilespmem:v45+s12+$0x0], $0xffff  }
0x12e: {  	s1 =	sadd.s32 $0xFFFFFFF7, s23;
	v50 =	vor.u32 s14, v0  }
0x12f: {  	s3 =	sand.u32 $0x7F, s3;
	v51 =	vmov s1;
	[tilespmem:v8+s20+$0x0] =	vst.idx.msk $0xffff, v7  }
0x130: {  	v52 =	vor.u32 s3, v0;
	v53 =	vshll.u32 v51, $0x3;
	[tilespmem:v6+s20+$0x0] =	vst.idx.msk $0xffff, v49  }
0x131: {  	v54 =	vand.u32 $0xC00, v53;
	v7 =	vand.u32 $0x76, v51;
	[tilespmem:v8+s21+$0x0] =	vst.idx.msk $0xffff, v10  }
0x132: {  	s4 =	simm.s32 $0x3400;
	v55 =	vor.u32 v7, v54;
	[tilespmem:v6+s21+$0x0] =	vst.idx.msk $0xffff, v5  }
0x133: {  	(v2sf) =	vpush v4, $0xC;
	s7 =	simm.s32 $0x7400;
	v7 =	vor.u32 v1, v55;
	v6 =	vld.idx.msk [tilespmem:v50+s4+$0x0], $0xffff  }
0x134: {  	(v2sf) =	vpush v3, $0xC;
	s10 =	simm.s32 $0xB400;
	v5 =	vor.u32 v2, v55;
	v56 =	vld.idx.msk [tilespmem:v50+s7+$0x0], $0xffff  }
0x135: {  	s12 =	simm.s32 $0xF400;
	v10 =	vld.idx.msk [tilespmem:v52+s10+$0x0], $0xffff  }
0x136: {  	s14 =	sand.u32 $0x7F, s26;
	v9 =	vld.idx.msk [tilespmem:v52+s12+$0x0], $0xffff  }
0x137: {  	s26 =	sadd.s32 $0xFFFFFFF8, s23;
	v57 =	vor.u32 s14, v0  }
0x138: {  	s1 =	sand.u32 $0x7F, s25;
	v58 =	vmov s26;
	[tilespmem:v7+s20+$0x0] =	vst.idx.msk $0xffff, v6  }
0x139: {  	v59 =	vor.u32 s1, v0;
	(v2sf) =	vpush v4, $0xD;
	v60 =	vshll.u32 v58, $0x3;
	[tilespmem:v5+s20+$0x0] =	vst.idx.msk $0xffff, v56  }
0x13a: {  	v61 =	vand.u32 $0xC00, v60;
	v6 =	vand.u32 $0x77, v58;
	[tilespmem:v7+s21+$0x0] =	vst.idx.msk $0xffff, v10  }
0x13b: {  	s3 =	simm.s32 $0x3C00;
	v62 =	vor.u32 v6, v61;
	[tilespmem:v5+s21+$0x0] =	vst.idx.msk $0xffff, v9  }
0x13c: {  	s4 =	simm.s32 $0x7C00;
	v7 =	vor.u32 v1, v62;
	v63 =	vld.idx.msk [tilespmem:v57+s3+$0x0], $0xffff  }
0x13d: {  	s7 =	simm.s32 $0xBC00;
	v5 =	vor.u32 v2, v62;
	v9 =	vld.idx.msk [tilespmem:v57+s4+$0x0], $0xffff  }
0x13e: {  	s10 =	simm.s32 $0xFC00;
	v10 =	vld.idx.msk [tilespmem:v59+s7+$0x0], $0xffff  }
0x13f: {  	(v2sf) =	vpush v3, $0xD;
	v8 =	vld.idx.msk [tilespmem:v59+s10+$0x0], $0xffff;
	_ =	sdelay $0x1  }
0x140: {  	[tilespmem:v7+s20+$0x0] =	vst.idx.msk $0xffff, v63  }
0x141: {  	s26 =	spop (v2sf);
	(v2sf) =	vpush v4, $0xE;
	[tilespmem:v5+s20+$0x0] =	vst.idx.msk $0xffff, v9  }
0x142: {  	s30 =	spop (v2sf);
	s12 =	sand.u32 $0xFFFFF80, s26;
	[tilespmem:v7+s21+$0x0] =	vst.idx.msk $0xffff, v10  }
0x143: {  	s14 =	simm.s32 $0x2400;
	s3 =	sadd.s32 s22, s12;
	s4 =	sand.u32 $0xFFFFF80, s30;
	[tilespmem:v5+s21+$0x0] =	vst.idx.msk $0xffff, v8  }
0x144: {  	[tilespmem:s14], [sflag:$0x1] =	stream.strided.gather [hbm4b:s3+s11], $0x800, s13, s11, $0x38;
	[tilespmem:$0x18400] =	vst v63  }
0x145: {  	s25 =	simm.s32 $0x6400;
	s7 =	simm.s32 $0xA400;
	s3 =	sadd.s32 $0x1E8500, s3  }
0x146: {  	[tilespmem:s25], [sflag:$0x1] =	stream.strided.gather [hbm4b:s3+s11], $0x800, s13, s11, $0x38;
	[tilespmem:$0x18400] =	vst v63  }
0x147: {  	(v2sf) =	vpush v3, $0xE;
	s12 =	spop (v2sf);
	s10 =	simm.s32 $0xE400;
	s3 =	sadd.s32 s2, s4  }
0x148: {  	[tilespmem:s7], [sflag:$0x2] =	stream.strided.gather [hbm4b:s3+s11], $0x800, s13, s11, $0x38;
	[tilespmem:$0x18400] =	vst v63  }
0x149: {  	s14 =	sand.u32 $0xFFFFF80, s12;
	s3 =	sadd.s32 $0x1E8500, s3  }
0x14a: {  	[tilespmem:s10], [sflag:$0x2] =	stream.strided.gather [hbm4b:s3+s11], $0x800, s13, s11, $0x38;
	[tilespmem:$0x18400] =	vst v63  }
0x14b: {  	s25 =	simm.s32 $0x2C00;
	s3 =	sadd.s32 s22, s14  }
0x14c: {  	(v2sf) =	vpush v4, $0xF;
	[tilespmem:s25], [sflag:$0x1] =	stream.strided.gather [hbm4b:s3+s11], $0x800, s13, s11, $0x38;
	[tilespmem:$0x18400] =	vst v63  }
0x14d: {  	s4 =	simm.s32 $0x6C00;
	s10 =	simm.s32 $0xAC00;
	s25 =	spop (v2sf)  }
0x14e: {  	s3 =	sadd.s32 $0x1E8500, s3;
	s7 =	sand.u32 $0xFFFFF80, s25  }
0x14f: {  	[tilespmem:s4], [sflag:$0x1] =	stream.strided.gather [hbm4b:s3+s11], $0x800, s13, s11, $0x38;
	[tilespmem:$0x18400] =	vst v63  }
0x150: {  	s14 =	simm.s32 $0xEC00;
	s3 =	sadd.s32 s2, s7;
	s7 =	spop (v2sf)  }
0x151: {  	(v2sf) =	vpush v3, $0xF;
	[tilespmem:s10], [sflag:$0x2] =	stream.strided.gather [hbm4b:s3+s11], $0x800, s13, s11, $0x38;
	[tilespmem:$0x18400] =	vst v63  }
0x152: {  	s4 =	sand.u32 $0xFFFFF80, s7;
	s3 =	sadd.s32 $0x1E8500, s3  }
0x153: {  	[tilespmem:s14], [sflag:$0x2] =	stream.strided.gather [hbm4b:s3+s11], $0x800, s13, s11, $0x38;
	[tilespmem:$0x18400] =	vst v63  }
0x154: {  	s10 =	simm.s32 $0x3400;
	s3 =	sadd.s32 s22, s4  }
0x155: {  	[tilespmem:s10], [sflag:$0x1] =	stream.strided.gather [hbm4b:s3+s11], $0x800, s13, s11, $0x38;
	[tilespmem:$0x18400] =	vst v63  }
0x156: {  	s14 =	simm.s32 $0x7400;
	s10 =	spop (v2sf)  }
0x157: {  	s3 =	sadd.s32 $0x1E8500, s3;
	s4 =	sand.u32 $0xFFFFF80, s10  }
0x158: {  	[tilespmem:s14], [sflag:$0x1] =	stream.strided.gather [hbm4b:s3+s11], $0x800, s13, s11, $0x38;
	[tilespmem:$0x18400] =	vst v63  }
0x159: {  	s14 =	sadd.s32 s2, s4;
	s3 =	simm.s32 $0xB400  }
0x15a: {  	[tilespmem:s3], [sflag:$0x2] =	stream.strided.gather [hbm4b:s14+s11], $0x800, s13, s11, $0x38;
	[tilespmem:$0x18400] =	vst v63  }
0x15b: {  	s4 =	sadd.s32 $0x1E8500, s14;
	s3 =	spop (v2sf)  }
0x15c: {  	s14 =	simm.s32 $0xF400;
	s1 =	sand.u32 $0xFFFFF80, s3  }
0x15d: {  	[tilespmem:s14], [sflag:$0x2] =	stream.strided.gather [hbm4b:s4+s11], $0x800, s13, s11, $0x38;
	[tilespmem:$0x18400] =	vst v63  }
0x15e: {  	s14 =	sadd.s32 s22, s1;
	s4 =	simm.s32 $0x3C00  }
0x15f: {  	[tilespmem:s4], [sflag:$0x1] =	stream.strided.gather [hbm4b:s14+s11], $0x800, s13, s11, $0x38;
	[tilespmem:$0x18400] =	vst v63  }
0x160: {  	s1 =	simm.s32 $0x7C00;
	s14 =	sadd.s32 $0x1E8500, s14;
	s4 =	spop (v2sf)  }
0x161: {  	[tilespmem:s1], [sflag:$0x1] =	stream.strided.gather [hbm4b:s14+s11], $0x800, s13, s11, $0x38;
	[tilespmem:$0x18400] =	vst v63  }
0x162: {  	s1 =	sand.u32 $0xFFFFF80, s4  }
0x163: {  	s14 =	sadd.s32 s2, s1;
	s1 =	simm.s32 $0xBC00  }
0x164: {  	[tilespmem:s1], [sflag:$0x2] =	stream.strided.gather [hbm4b:s14+s11], $0x800, s13, s11, $0x38;
	[tilespmem:$0x18400] =	vst v63  }
0x165: {  	s14 =	sadd.s32 $0x1E8500, s14;
	s1 =	simm.s32 $0xFC00  }
0x166: {  	[tilespmem:s1], [sflag:$0x2] =	stream.strided.gather [hbm4b:s14+s11], $0x800, s13, s11, $0x38;
	[tilespmem:$0x18400] =	vst v63  }
0x167: {  	_ =	swait.ge [sflag:s18], $0x800  }
0x168: {  	[sflag:s18] =	ssyncset.done $0x0  }
0x169: {  	[sflag:s18] =	ssyncadd.s32 $0xFFFFF800  }
0x16a: {  	_ =	swait.ge [sflag:s18], $0x800  }
0x16b: {  	[sflag:s18] =	ssyncset.done $0x0  }
0x16c: {  	[sflag:s18] =	ssyncadd.s32 $0xFFFFF800  }
0x16d: {  	_ =	swait.ge [sflag:s19], $0x800  }
0x16e: {  	[sflag:s19] =	ssyncset.done $0x0  }
0x16f: {  	[sflag:s19] =	ssyncadd.s32 $0xFFFFF800  }
0x170: {  	_ =	swait.ge [sflag:s19], $0x800  }
0x171: {  	[sflag:s19] =	ssyncset.done $0x0  }
0x172: {  	[sflag:s19] =	ssyncadd.s32 $0xFFFFF800  }
0x173: {  	_ =	swait.ge [sflag:s18], $0x800  }
0x174: {  	[sflag:s18] =	ssyncset.done $0x0  }
0x175: {  	[sflag:s18] =	ssyncadd.s32 $0xFFFFF800  }
0x176: {  	_ =	swait.ge [sflag:s18], $0x800  }
0x177: {  	[sflag:s18] =	ssyncset.done $0x0  }
0x178: {  	[sflag:s18] =	ssyncadd.s32 $0xFFFFF800  }
0x179: {  	_ =	swait.ge [sflag:s19], $0x800  }
0x17a: {  	[sflag:s19] =	ssyncset.done $0x0  }
0x17b: {  	[sflag:s19] =	ssyncadd.s32 $0xFFFFF800  }
0x17c: {  	_ =	swait.ge [sflag:s19], $0x800  }
0x17d: {  	[sflag:s19] =	ssyncset.done $0x0  }
0x17e: {  	[sflag:s19] =	ssyncadd.s32 $0xFFFFF800  }
0x17f: {  	_ =	swait.ge [sflag:s18], $0x800  }
0x180: {  	[sflag:s18] =	ssyncset.done $0x0  }
0x181: {  	[sflag:s18] =	ssyncadd.s32 $0xFFFFF800  }
0x182: {  	_ =	swait.ge [sflag:s18], $0x800  }
0x183: {  	[sflag:s18] =	ssyncset.done $0x0  }
0x184: {  	[sflag:s18] =	ssyncadd.s32 $0xFFFFF800  }
0x185: {  	_ =	swait.ge [sflag:s19], $0x800  }
0x186: {  	[sflag:s19] =	ssyncset.done $0x0  }
0x187: {  	[sflag:s19] =	ssyncadd.s32 $0xFFFFF800  }
0x188: {  	_ =	swait.ge [sflag:s19], $0x800  }
0x189: {  	[sflag:s19] =	ssyncset.done $0x0  }
0x18a: {  	[sflag:s19] =	ssyncadd.s32 $0xFFFFF800  }
0x18b: {  	_ =	swait.ge [sflag:s18], $0x800  }
0x18c: {  	[sflag:s18] =	ssyncset.done $0x0  }
0x18d: {  	[sflag:s18] =	ssyncadd.s32 $0xFFFFF800  }
0x18e: {  	_ =	swait.ge [sflag:s18], $0x800  }
0x18f: {  	[sflag:s18] =	ssyncset.done $0x0  }
0x190: {  	[sflag:s18] =	ssyncadd.s32 $0xFFFFF800  }
0x191: {  	s8 =	sand.u32 $0x7F, s8;
	_ =	swait.ge [sflag:s19], $0x800  }
0x192: {  	v3 =	vor.u32 s8, v0;
	s1 =	sadd.s32 $0xFFFFFFF9, s23;
	[sflag:s19] =	ssyncset.done $0x0  }
0x193: {  	v11 =	vmov s1;
	s1 =	sand.u32 $0x7F, s9;
	[sflag:s19] =	ssyncadd.s32 $0xFFFFF800  }
0x194: {  	v12 =	vor.u32 s1, v0;
	v13 =	vshll.u32 v11, $0x3;
	_ =	swait.ge [sflag:s19], $0x800  }
0x195: {  	v4 =	vand.u32 $0x78, v11;
	v6 =	vand.u32 $0xC00, v13;
	[sflag:s19] =	ssyncset.done $0x0  }
0x196: {  	v4 =	vor.u32 v4, v6;
	[sflag:s19] =	ssyncadd.s32 $0xFFFFF800  }
0x197: {  	s8 =	simm.s32 $0x4400;
	v15 =	vor.u32 v1, v4;
	v14 =	vld.idx.msk [tilespmem:v3+s11+$0x0], $0xffff  }
0x198: {  	s9 =	simm.s32 $0x8400;
	v4 =	vor.u32 v2, v4;
	v3 =	vld.idx.msk [tilespmem:v3+s8+$0x0], $0xffff  }
0x199: {  	s14 =	simm.s32 $0xC400;
	v16 =	vld.idx.msk [tilespmem:v12+s9+$0x0], $0xffff  }
0x19a: {  	s5 =	sand.u32 $0x7F, s5;
	v5 =	vld.idx.msk [tilespmem:v12+s14+$0x0], $0xffff  }
0x19b: {  	v17 =	vor.u32 s5, v0;
	s1 =	sadd.s32 $0xFFFFFFFA, s23  }
0x19c: {  	v18 =	vmov s1;
	s1 =	sand.u32 $0x7F, s6;
	[tilespmem:v15+s20+$0x0] =	vst.idx.msk $0xffff, v14  }
0x19d: {  	v19 =	vor.u32 s1, v0;
	[tilespmem:v4+s20+$0x0] =	vst.idx.msk $0xffff, v3;
	v3 =	vshll.u32 v18, $0x3  }
0x19e: {  	v20 =	vand.u32 $0x79, v18;
	[tilespmem:v15+s21+$0x0] =	vst.idx.msk $0xffff, v16;
	v3 =	vand.u32 $0xC00, v3  }
0x19f: {  	s6 =	simm.s32 $0xC00;
	[tilespmem:v4+s21+$0x0] =	vst.idx.msk $0xffff, v5;
	v3 =	vor.u32 v20, v3  }
0x1a0: {  	v4 =	vld.idx.msk [tilespmem:v17+s6+$0x0], $0xffff;
	v21 =	vor.u32 v1, v3  }
0x1a1: {  	v22 =	vld.idx.msk [tilespmem:v17+s15+$0x0], $0xffff;
	v3 =	vor.u32 v2, v3  }
0x1a2: {  	v8 =	vld.idx.msk [tilespmem:v19+s16+$0x0], $0xffff  }
0x1a3: {  	s1 =	sand.u32 $0x7F, s31;
	v6 =	vld.idx.msk [tilespmem:v19+s17+$0x0], $0xffff  }
0x1a4: {  	s31 =	sadd.s32 $0xFFFFFFFB, s23;
	v23 =	vor.u32 s1, v0  }
0x1a5: {  	s0 =	sand.u32 $0x7F, s0;
	v24 =	vmov s31;
	[tilespmem:v21+s20+$0x0] =	vst.idx.msk $0xffff, v4  }
0x1a6: {  	v25 =	vor.u32 s0, v0;
	v26 =	vshll.u32 v24, $0x3;
	[tilespmem:v3+s20+$0x0] =	vst.idx.msk $0xffff, v22  }
0x1a7: {  	v27 =	vand.u32 $0x7A, v24;
	v7 =	vand.u32 $0xC00, v26;
	[tilespmem:v21+s21+$0x0] =	vst.idx.msk $0xffff, v8  }
0x1a8: {  	s5 =	simm.s32 $0x1400;
	[tilespmem:v3+s21+$0x0] =	vst.idx.msk $0xffff, v6;
	v3 =	vor.u32 v27, v7  }
0x1a9: {  	s1 =	simm.s32 $0x5400;
	v28 =	vld.idx.msk [tilespmem:v23+s5+$0x0], $0xffff;
	v29 =	vor.u32 v1, v3  }
0x1aa: {  	s31 =	simm.s32 $0x9400;
	v30 =	vld.idx.msk [tilespmem:v23+s1+$0x0], $0xffff;
	v3 =	vor.u32 v2, v3  }
0x1ab: {  	v8 =	vld.idx.msk [tilespmem:v25+s31+$0x0], $0xffff;
	s1 =	simm.s32 $0xD400  }
0x1ac: {  	s31 =	sand.u32 $0x7F, s29;
	v4 =	vld.idx.msk [tilespmem:v25+s1+$0x0], $0xffff  }
0x1ad: {  	v31 =	vor.u32 s31, v0;
	s1 =	sadd.s32 $0xFFFFFFFC, s23  }
0x1ae: {  	s29 =	sand.u32 $0x7F, s28;
	v32 =	vmov s1;
	[tilespmem:v29+s20+$0x0] =	vst.idx.msk $0xffff, v28  }
0x1af: {  	v33 =	vor.u32 s29, v0;
	v34 =	vshll.u32 v32, $0x3;
	[tilespmem:v3+s20+$0x0] =	vst.idx.msk $0xffff, v30  }
0x1b0: {  	v35 =	vand.u32 $0x7B, v32;
	v7 =	vand.u32 $0xC00, v34;
	[tilespmem:v29+s21+$0x0] =	vst.idx.msk $0xffff, v8  }
0x1b1: {  	s29 =	simm.s32 $0x1C00;
	[tilespmem:v3+s21+$0x0] =	vst.idx.msk $0xffff, v4;
	v3 =	vor.u32 v35, v7  }
0x1b2: {  	s31 =	simm.s32 $0x5C00;
	v4 =	vld.idx.msk [tilespmem:v31+s29+$0x0], $0xffff;
	v6 =	vor.u32 v1, v3  }
0x1b3: {  	s1 =	smov.u32 s22;
	s22 =	simm.s32 $0x9C00;
	v36 =	vld.idx.msk [tilespmem:v31+s31+$0x0], $0xffff;
	v3 =	vor.u32 v2, v3  }
0x1b4: {  	v8 =	vld.idx.msk [tilespmem:v33+s22+$0x0], $0xffff  }
0x1b5: {  	v5 =	vld.idx.msk [tilespmem:v33+s24+$0x0], $0xffff;
	_ =	sdelay $0x1  }
0x1b6: {  	[tilespmem:v6+s20+$0x0] =	vst.idx.msk $0xffff, v4  }
0x1b7: {  	[tilespmem:v3+s20+$0x0] =	vst.idx.msk $0xffff, v36  }
0x1b8: {  	[tilespmem:v6+s21+$0x0] =	vst.idx.msk $0xffff, v8  }
0x1b9: {  	[tilespmem:v3+s21+$0x0] =	vst.idx.msk $0xffff, v5  }
0x1ba: {  	_ =	swait.ge [sflag:s18], $0x800  }
0x1bb: {  	[sflag:s18] =	ssyncset.done $0x0  }
0x1bc: {  	[sflag:s18] =	ssyncadd.s32 $0xFFFFF800  }
0x1bd: {  	_ =	swait.ge [sflag:s18], $0x800  }
0x1be: {  	[sflag:s18] =	ssyncset.done $0x0  }
0x1bf: {  	[sflag:s18] =	ssyncadd.s32 $0xFFFFF800  }
0x1c0: {  	_ =	swait.ge [sflag:s19], $0x800  }
0x1c1: {  	[sflag:s19] =	ssyncset.done $0x0  }
0x1c2: {  	[sflag:s19] =	ssyncadd.s32 $0xFFFFF800  }
0x1c3: {  	_ =	swait.ge [sflag:s19], $0x800  }
0x1c4: {  	[sflag:s19] =	ssyncset.done $0x0  }
0x1c5: {  	[sflag:s19] =	ssyncadd.s32 $0xFFFFF800  }
0x1c6: {  	_ =	swait.ge [sflag:s18], $0x800  }
0x1c7: {  	[sflag:s18] =	ssyncset.done $0x0  }
0x1c8: {  	[sflag:s18] =	ssyncadd.s32 $0xFFFFF800  }
0x1c9: {  	_ =	swait.ge [sflag:s18], $0x800  }
0x1ca: {  	[sflag:s18] =	ssyncset.done $0x0  }
0x1cb: {  	[sflag:s18] =	ssyncadd.s32 $0xFFFFF800  }
0x1cc: {  	_ =	swait.ge [sflag:s19], $0x800  }
0x1cd: {  	[sflag:s19] =	ssyncset.done $0x0  }
0x1ce: {  	[sflag:s19] =	ssyncadd.s32 $0xFFFFF800  }
0x1cf: {  	_ =	swait.ge [sflag:s19], $0x800  }
0x1d0: {  	[sflag:s19] =	ssyncset.done $0x0  }
0x1d1: {  	[sflag:s19] =	ssyncadd.s32 $0xFFFFF800  }
0x1d2: {  	_ =	swait.ge [sflag:s18], $0x800  }
0x1d3: {  	[sflag:s18] =	ssyncset.done $0x0  }
0x1d4: {  	[sflag:s18] =	ssyncadd.s32 $0xFFFFF800  }
0x1d5: {  	_ =	swait.ge [sflag:s18], $0x800  }
0x1d6: {  	[sflag:s18] =	ssyncset.done $0x0  }
0x1d7: {  	[sflag:s18] =	ssyncadd.s32 $0xFFFFF800  }
0x1d8: {  	_ =	swait.ge [sflag:s19], $0x800  }
0x1d9: {  	[sflag:s19] =	ssyncset.done $0x0  }
0x1da: {  	[sflag:s19] =	ssyncadd.s32 $0xFFFFF800  }
0x1db: {  	_ =	swait.ge [sflag:s19], $0x800  }
0x1dc: {  	[sflag:s19] =	ssyncset.done $0x0  }
0x1dd: {  	[sflag:s19] =	ssyncadd.s32 $0xFFFFF800  }
0x1de: {  	_ =	swait.ge [sflag:s18], $0x800  }
0x1df: {  	[sflag:s18] =	ssyncset.done $0x0  }
0x1e0: {  	[sflag:s18] =	ssyncadd.s32 $0xFFFFF800  }
0x1e1: {  	_ =	swait.ge [sflag:s18], $0x800  }
0x1e2: {  	[sflag:s18] =	ssyncset.done $0x0  }
0x1e3: {  	[sflag:s18] =	ssyncadd.s32 $0xFFFFF800  }
0x1e4: {  	s31 =	sand.u32 $0x7F, s26;
	_ =	swait.ge [sflag:s19], $0x800  }
0x1e5: {  	s29 =	sadd.s32 $0xFFFFFFFD, s23;
	v3 =	vor.u32 s31, v0;
	[sflag:s19] =	ssyncset.done $0x0  }
0x1e6: {  	v37 =	vmov s29;
	s31 =	sand.u32 $0x7F, s30;
	[sflag:s19] =	ssyncadd.s32 $0xFFFFF800  }
0x1e7: {  	v39 =	vshll.u32 v37, $0x3;
	v38 =	vor.u32 s31, v0;
	_ =	swait.ge [sflag:s19], $0x800  }
0x1e8: {  	v4 =	vand.u32 $0x7C, v37;
	v6 =	vand.u32 $0xC00, v39;
	[sflag:s19] =	ssyncset.done $0x0  }
0x1e9: {  	s30 =	simm.s32 $0x2400;
	v4 =	vor.u32 v4, v6;
	[sflag:s19] =	ssyncadd.s32 $0xFFFFF800  }
0x1ea: {  	s28 =	simm.s32 $0x6400;
	v41 =	vor.u32 v1, v4;
	v40 =	vld.idx.msk [tilespmem:v3+s30+$0x0], $0xffff  }
0x1eb: {  	s31 =	simm.s32 $0xA400;
	v4 =	vor.u32 v2, v4;
	v3 =	vld.idx.msk [tilespmem:v3+s28+$0x0], $0xffff  }
0x1ec: {  	s29 =	simm.s32 $0xE400;
	v42 =	vld.idx.msk [tilespmem:v38+s31+$0x0], $0xffff  }
0x1ed: {  	v5 =	vld.idx.msk [tilespmem:v38+s29+$0x0], $0xffff;
	s29 =	sand.u32 $0x7F, s12  }
0x1ee: {  	s31 =	sadd.s32 $0xFFFFFFFE, s23;
	v43 =	vor.u32 s29, v0  }
0x1ef: {  	v44 =	vmov s31;
	s29 =	sand.u32 $0x7F, s25;
	[tilespmem:v41+s20+$0x0] =	vst.idx.msk $0xffff, v40  }
0x1f0: {  	v45 =	vor.u32 s29, v0;
	[tilespmem:v4+s20+$0x0] =	vst.idx.msk $0xffff, v3;
	v3 =	vshll.u32 v44, $0x3  }
0x1f1: {  	v46 =	vand.u32 $0x7D, v44;
	[tilespmem:v41+s21+$0x0] =	vst.idx.msk $0xffff, v42;
	v3 =	vand.u32 $0xC00, v3  }
0x1f2: {  	s28 =	simm.s32 $0x2C00;
	[tilespmem:v4+s21+$0x0] =	vst.idx.msk $0xffff, v5;
	v3 =	vor.u32 v46, v3  }
0x1f3: {  	s29 =	simm.s32 $0x6C00;
	v4 =	vld.idx.msk [tilespmem:v43+s28+$0x0], $0xffff;
	v47 =	vor.u32 v1, v3  }
0x1f4: {  	s31 =	simm.s32 $0xAC00;
	v48 =	vld.idx.msk [tilespmem:v43+s29+$0x0], $0xffff;
	v3 =	vor.u32 v2, v3  }
0x1f5: {  	v8 =	vld.idx.msk [tilespmem:v45+s31+$0x0], $0xffff;
	s31 =	simm.s32 $0xEC00  }
0x1f6: {  	s29 =	sand.u32 $0x7F, s7;
	v6 =	vld.idx.msk [tilespmem:v45+s31+$0x0], $0xffff  }
0x1f7: {  	v49 =	vor.u32 s29, v0;
	s31 =	sadd.s32 $0xFFFFFFFF, s23  }
0x1f8: {  	s10 =	sand.u32 $0x7F, s10;
	v50 =	vmov s31;
	[tilespmem:v47+s20+$0x0] =	vst.idx.msk $0xffff, v4  }
0x1f9: {  	v51 =	vor.u32 s10, v0;
	v52 =	vshll.u32 v50, $0x3;
	[tilespmem:v3+s20+$0x0] =	vst.idx.msk $0xffff, v48  }
0x1fa: {  	v53 =	vand.u32 $0x7E, v50;
	v7 =	vand.u32 $0xC00, v52;
	[tilespmem:v47+s21+$0x0] =	vst.idx.msk $0xffff, v8  }
0x1fb: {  	s28 =	simm.s32 $0x3400;
	[tilespmem:v3+s21+$0x0] =	vst.idx.msk $0xffff, v6;
	v3 =	vor.u32 v53, v7  }
0x1fc: {  	s31 =	simm.s32 $0x7400;
	v54 =	vld.idx.msk [tilespmem:v49+s28+$0x0], $0xffff;
	v55 =	vor.u32 v1, v3  }
0x1fd: {  	s29 =	simm.s32 $0xB400;
	v56 =	vld.idx.msk [tilespmem:v49+s31+$0x0], $0xffff;
	v3 =	vor.u32 v2, v3  }
0x1fe: {  	s28 =	simm.s32 $0xF400;
	v8 =	vld.idx.msk [tilespmem:v51+s29+$0x0], $0xffff  }
0x1ff: {  	s31 =	sand.u32 $0x7F, s3;
	v4 =	vld.idx.msk [tilespmem:v51+s28+$0x0], $0xffff  }
0x200: {  	v57 =	vor.u32 s31, v0  }
0x201: {  	v58 =	vmov s23;
	s3 =	sand.u32 $0x7F, s4;
	[tilespmem:v55+s20+$0x0] =	vst.idx.msk $0xffff, v54  }
0x202: {  	v60 =	vshll.u32 v58, $0x3;
	v59 =	vor.u32 s3, v0;
	[tilespmem:v3+s20+$0x0] =	vst.idx.msk $0xffff, v56  }
0x203: {  	v61 =	vand.u32 $0xC00, v60;
	v5 =	vand.u32 $0x7F, v58;
	[tilespmem:v55+s21+$0x0] =	vst.idx.msk $0xffff, v8  }
0x204: {  	s29 =	simm.s32 $0x3C00;
	[tilespmem:v3+s21+$0x0] =	vst.idx.msk $0xffff, v4;
	v3 =	vor.u32 v5, v61  }
0x205: {  	s28 =	simm.s32 $0x7C00;
	v4 =	vld.idx.msk [tilespmem:v57+s29+$0x0], $0xffff;
	v5 =	vor.u32 v1, v3  }
0x206: {  	v62 =	vld.idx.msk [tilespmem:v57+s28+$0x0], $0xffff;
	s29 =	simm.s32 $0xBC00;
	v3 =	vor.u32 v2, v3  }
0x207: {  	s28 =	simm.s32 $0xFC00;
	v63 =	vld.idx.msk [tilespmem:v59+s29+$0x0], $0xffff  }
0x208: {  	p0 =	sne.s32 s23, $0x1FF;
	v8 =	vld.idx.msk [tilespmem:v59+s28+$0x0], $0xffff  }
.Ltmp0:
0x209: {  	_ = 	snop;
	(pc) =	sbr.rel @p0 .LBB2_2-.Ltmp0, $4  }
0x20a: {  	[tilespmem:v5+s20+$0x0] =	vst.idx.msk $0xffff, v4  }
0x20b: {  	s26 =	simm.s32 $0x1C00;
	s12 =	simm.s32 $0x9400;
	s4 =	rddreg [dreg:$0xc];
	[tilespmem:v3+s20+$0x0] =	vst.idx.msk $0xffff, v62  }
0x20c: {  	s25 =	simm.s32 $0xD400;
	s7 =	simm.s32 $0x5400;
	s31 =	rddreg [dreg:$0xd];
	[tilespmem:v5+s21+$0x0] =	vst.idx.msk $0xffff, v63  }
0x20d: {  	s23 =	sadd.s32 $0x10, s23;
	s10 =	sadd.s32 $0x10, s4;
	s0 =	sadd.s32 $0x10, s31;
	[tilespmem:v3+s21+$0x0] =	vst.idx.msk $0xffff, v8  }
0x20e: {  	s10 =	simm.s32 $0x0;
	s0 =	rddreg [dreg:$0x8];
	s4 =	simm.s32 $0x3  }
0x20f: {  	[hbm4b:s0+s10] =	stream.linear.scatter [tilespmem:s20], [sflag:$0x3], $0x4000, $0x38;
	[tilespmem:$0x18400] =	vst v63  }
0x210: {  	_ =	swait.ge [sflag:s4], $0x4000  }
0x211: {  	[sflag:s4] =	ssyncset.done $0x0  }
0x212: {  	s29 =	rddreg [dreg:$0x9];
	[sflag:s4] =	ssyncadd.s32 $0xFFFFC000  }
0x213: {  	[hbm4b:s29+s10] =	stream.linear.scatter [tilespmem:s21], [sflag:$0x3], $0x4000, $0x38;
	[tilespmem:$0x18400] =	vst v63  }
0x214: {  	_ =	swait.ge [sflag:s4], $0x4000  }
0x215: {  	s3 =	rddreg [dreg:$0xb]  }
0x216: {  	s31 =	rddreg [dreg:$0xa];
	s3 =	sadd.s32 $0x1, s3  }
0x217: {  	p0 =	sne.s32 s3, s31  }
.Ltmp1:
0x218: {  	_ = 	snop;
	(pc) =	sbr.rel @p0 .LBB2_1-.Ltmp1, $3  }
0x219: {  	_ =	sdelay $0x1  }
0x21a: {  	[sflag:s4] =	ssyncset.done $0x0  }
0x21b: {  	[sflag:s4] =	ssyncadd.s32 $0xFFFFC000  }
0x21c: {  	_ =	sfence.sel $0x180000  }
0x21d: {  	[bflag:$0x0] =	sbarrier.arrive $0xFFFF  }
0x21e: {  	_ =	strace $0x90000047  }
0x21f: {  	s0 =	stileid.u32;
	[bflag:$0x2] =	sbarrier.arrive $0xFFFF  }
0x220: {  	p0 =	sne.s32 s0, $0x0;
	s0 =	rddreg [dreg:$0x5]  }
0x221: {  	s0 =	sadd.s32 @!p0 $0x100000, s0  }
0x222: {  	[sflag:s0] =	ssyncadd.tile.s32 @!p0 $0x1;
	_ =	shalt  }
.Lfunc_end2:
_tile_overlayer_lowered:
.L_overlay_start_2:
0x223: {  	(tag) =	ssettag $0x2  }
0x224: {  	s0 =	rddreg [dreg:$0x0];
	s2 =	stileid.u32  }
0x225: {  	s1 =	rddreg [dreg:$0x1];
	p0 =	sne.s32 s2, $0x0  }
0x226: {  	s3 =	rddreg [dreg:$0x2];
	[bflag:$0x3] =	sbarrier.arrive $0xFFFF;
	s2 =	simm.s32 @!p0 $0x1C03  }
0x227: {  	[timem:s3], [sflag:s2] =	dma.local @!p0 [hbm:s0], s1  }
0x228: {  	s0 =	simm.s32 @!p0 $0x3  }
0x229: {  	_ =	swait.ge @!p0 [sflag:s0], s1  }
0x22a: {  	s1 =	ssub.s32 @!p0 $0x0, s1;
	[sflag:s0] =	ssyncset.done @!p0 $0x0  }
0x22b: {  	[sflag:s0] =	ssyncadd.s32 @!p0 s1  }
0x22c: {  	[bflag:$0x3] =	sbarrier.arrive $0xFFFF  }
0x22d: {  	_ =	shalt  }

</sc_bundles>
